<compile_context>
chip_gen: v7x
topology: tpu7x:2x2x1
jax: 0.10.2.dev20260603
libtpu: 0.0.44.dev20260713+nightly
codegen_flags: <defaults>
</compile_context>

<pallas_src>
import functools

import jax
import jax.numpy as jnp
from jax import lax
from jax.experimental import pallas as pl
from jax.experimental.pallas import tpu as pltpu
from jax.experimental.pallas import tpu_sc as plsc

L = 16
NT = 16
NEG = -1e30


def _tc_a(x, W0, W1s, b1s, W1d, b1d):
    N, D_IN = x.shape
    D = W0.shape[1]
    BLK = 1000

    def body(x_ref, w0_ref, w1s_ref, b1s_ref, w1d_ref, b1d_ref, hs_ref, hd_ref):
        h = jnp.dot(x_ref[...], w0_ref[...], preferred_element_type=jnp.float32)
        hs_ref[...] = jnp.dot(h, w1s_ref[...], preferred_element_type=jnp.float32) + b1s_ref[...]
        hd_ref[...] = jnp.dot(h, w1d_ref[...], preferred_element_type=jnp.float32) + b1d_ref[...]

    return pl.pallas_call(
        body,
        grid=(N // BLK,),
        in_specs=[
            pl.BlockSpec((BLK, D_IN), lambda i: (i, 0)),
            pl.BlockSpec((D_IN, D), lambda i: (0, 0)),
            pl.BlockSpec((D, D), lambda i: (0, 0)),
            pl.BlockSpec((1, D), lambda i: (0, 0)),
            pl.BlockSpec((D, D), lambda i: (0, 0)),
            pl.BlockSpec((1, D), lambda i: (0, 0)),
        ],
        out_specs=[
            pl.BlockSpec((BLK, D), lambda i: (i, 0)),
            pl.BlockSpec((BLK, D), lambda i: (i, 0)),
        ],
        out_shape=[
            jax.ShapeDtypeStruct((N, D), jnp.float32),
            jax.ShapeDtypeStruct((N, D), jnp.float32),
        ],
    )(x, W0, W1s, b1s.reshape(1, D), W1d, b1d.reshape(1, D))


def _tc_b(out1, c1, W2s, b2s, W2d, b2d):
    N, D = out1.shape
    BLK = 1000

    def body(o_ref, c1_ref, w2s_ref, b2s_ref, w2d_ref, b2d_ref, hs_ref, hd_ref):
        h1 = jax.nn.gelu(o_ref[...] + c1_ref[...])
        hs_ref[...] = jnp.dot(h1, w2s_ref[...], preferred_element_type=jnp.float32) + b2s_ref[...]
        hd_ref[...] = jnp.dot(h1, w2d_ref[...], preferred_element_type=jnp.float32) + b2d_ref[...]

    return pl.pallas_call(
        body,
        grid=(N // BLK,),
        in_specs=[
            pl.BlockSpec((BLK, D), lambda i: (i, 0)),
            pl.BlockSpec((1, D), lambda i: (0, 0)),
            pl.BlockSpec((D, D), lambda i: (0, 0)),
            pl.BlockSpec((1, D), lambda i: (0, 0)),
            pl.BlockSpec((D, D), lambda i: (0, 0)),
            pl.BlockSpec((1, D), lambda i: (0, 0)),
        ],
        out_specs=[
            pl.BlockSpec((BLK, D), lambda i: (i, 0)),
            pl.BlockSpec((BLK, D), lambda i: (i, 0)),
        ],
        out_shape=[
            jax.ShapeDtypeStruct((N, D), jnp.float32),
            jax.ShapeDtypeStruct((N, D), jnp.float32),
        ],
    )(out1, c1.reshape(1, D), W2s, b2s.reshape(1, D), W2d, b2d.reshape(1, D))


def _lrelu(t):
    return jnp.maximum(t, 0.2 * t)


def _vsum(v):
    s = v[0]
    for k in range(1, L):
        s = s + v[k]
    return s


def _mesh():
    return plsc.VectorSubcoreMesh(core_axis_name="c", subcore_axis_name="s",
                                  num_cores=2, num_subcores=16)


def _make_sc_a(N, E, D):
    UM = 12288
    DUMP = N
    EW = E // NT
    CH = 2000
    SCH = 64
    STG = 2048
    IDS_W = EW + STG
    RPT = (N + L) // NT

    scratch = [
        pltpu.VMEM_SHARED((N + L, D), jnp.float32),
        pltpu.VMEM_SHARED((UM,), jnp.int32),
        pltpu.VMEM_SHARED((UM,), jnp.float32),
        pltpu.VMEM_SHARED((NT * L,), jnp.float32),
        pltpu.HBM((NT * IDS_W,), jnp.float32),
        pltpu.VMEM((CH,), jnp.int32),
        pltpu.VMEM((CH,), jnp.int32),
        pltpu.VMEM((10240,), jnp.int32),
        pltpu.VMEM((STG + L,), jnp.int32),
        pltpu.VMEM((L,), jnp.int32),
        pltpu.VMEM((L,), jnp.int32),
        pltpu.VMEM((SCH,), jnp.int32),
        pltpu.VMEM((SCH,), jnp.int32),
        pltpu.VMEM((SCH,), jnp.int32),
        pltpu.VMEM((SCH,), jnp.int32),
        pltpu.VMEM((SCH,), jnp.float32),
        pltpu.VMEM((SCH, D), jnp.float32),
        pltpu.VMEM((SCH, D), jnp.float32),
        pltpu.VMEM((L, D), jnp.float32),
        pltpu.VMEM((SCH,), jnp.float32),
        pltpu.VMEM((SCH,), jnp.float32),
        pltpu.VMEM((L,), jnp.int32),
        pltpu.VMEM((D,), jnp.float32),
        pltpu.VMEM((L,), jnp.int32),
        pltpu.VMEM((L,), jnp.float32),
        pltpu.VMEM((STG,), jnp.float32),
        pltpu.VMEM((NT * L,), jnp.float32),
        pltpu.VMEM((CH,), jnp.int32),
        pltpu.VMEM((CH // L + 3,), jnp.int32),
        pltpu.VMEM((CH,), jnp.int32),
        pltpu.SemaphoreType.DMA,
        pltpu.SemaphoreType.DMA,
    ]

    @functools.partial(
        pl.kernel,
        out_type=(
            jax.ShapeDtypeStruct((N, D), jnp.float32),
            jax.ShapeDtypeStruct((NT * IDS_W,), jnp.int32),
            jax.ShapeDtypeStruct((NT * L,), jnp.int32),
        ),
        mesh=_mesh(),
        scratch_types=scratch,
        compiler_params=pltpu.CompilerParams(needs_layout_passes=False),
    )
    def sc_a(src_hbm, dst_hbm, nidx_hbm, hs1_hbm, hd1_hbm, a1_hbm,
             out1_hbm, ids_hbm, nfo_hbm,
             out1_sh, umask_sh, denom_sh, m1_sh, ebuf_hb,
             dstc, srcc, umask, stage, stg16, onesv,
             idsc, sv, dv, dvw, denc, rows_s, rows_d, rows16,
             echunk, alphac, nidxv, a1c, cntst, m1st, zstagef, m1all, cbuf, cntb,
             dstc2, semA, semB):
        cid = lax.axis_index("c")
        w = lax.axis_index("s")

        def popcnt(m):
            return plsc.all_reduce_population_count(m)[0]

        @pl.when(cid == 0)
        def _main():
            iot = lax.iota(jnp.int32, L)
            zi = jnp.zeros((L,), jnp.int32)
            zf = jnp.zeros((L,), jnp.float32)
            onei = jnp.ones((L,), jnp.int32)
            ebase = w * EW

            pltpu.sync_copy(nidx_hbm, nidxv)
            pltpu.sync_copy(a1_hbm, a1c)
            nvec = nidxv[:]
            onesv[:] = onei

            def stg_body(j, _):
                stage[pl.ds(j * L, L)] = zi
                return 0
            lax.fori_loop(0, (STG + L) // L, stg_body, 0)

            def stgf_body(j, _):
                zstagef[pl.ds(j * L, L)] = zf
                return 0
            lax.fori_loop(0, STG // L, stgf_body, 0)

            def zrow_body(j, _):
                def zcol(k, _2):
                    rows16[j, pl.ds(k * L, L)] = zf
                    return 0
                lax.fori_loop(0, D // L, zcol, 0)
                return 0
            lax.fori_loop(0, L, zrow_body, 0)

            @pl.when(w == 0)
            def _zero_shared():
                def zs(j, _):
                    pltpu.sync_copy(stage.at[pl.ds(0, STG)],
                                    umask_sh.at[pl.ds(j * STG, STG)])
                    return 0
                lax.fori_loop(0, UM // STG, zs, 0)

                def zd(j, _):
                    pltpu.sync_copy(zstagef.at[pl.ds(0, STG)],
                                    denom_sh.at[pl.ds(j * STG, STG)])
                    return 0
                lax.fori_loop(0, UM // STG, zd, 0)

            @pl.when(w == 0)
            def _zero_dump():
                pltpu.sync_copy(rows16, out1_sh.at[pl.ds(N, L)])

            plsc.subcore_barrier()

            fvec = jnp.zeros((L,), jnp.bool_)
            NCH = EW // CH

            def p1_proc(t, dref):
                off = pl.multiple_of(ebase + t * CH, 8)

                def p1_scan(j, macc):
                    return macc | (dref[pl.ds(j * L, L)] == nvec)
                macc = lax.fori_loop(0, CH // L, p1_scan, fvec)

                @pl.when(popcnt(macc) > 0)
                def _rescan():
                    pltpu.sync_copy(src_hbm.at[pl.ds(off, CH)], srcc)

                    def p1_inner(j, _2):
                        d16 = dref[pl.ds(j * L, L)]
                        m = d16 == nvec

                        @pl.when(popcnt(m) > 0)
                        def _mark():
                            s16 = srcc[pl.ds(j * L, L)]
                            idxw = jnp.where(m, s16, DUMP)
                            pltpu.sync_copy(onesv, umask_sh.at[idxw])
                        return 0
                    lax.fori_loop(0, CH // L, p1_inner, 0)

            def p1_start(t, dref, sem):
                off = pl.multiple_of(ebase + (t % NCH) * CH, 8)
                return pltpu.async_copy(dst_hbm.at[pl.ds(off, CH)], dref, sem)

            p1_start(0, dstc, semA)

            def p1_pair(p, _):
                pltpu.make_async_copy(dst_hbm.at[pl.ds(0, CH)], dstc, semA).wait()
                p1_start(2 * p + 1, dstc2, semB)
                p1_proc(2 * p, dstc)
                pltpu.make_async_copy(dst_hbm.at[pl.ds(0, CH)], dstc2, semB).wait()
                p1_start(2 * p + 2, dstc, semA)
                p1_proc(2 * p + 1, dstc2)
                return 0
            lax.fori_loop(0, NCH // 2, p1_pair, 0)
            pltpu.make_async_copy(dst_hbm.at[pl.ds(0, CH)], dstc, semA).wait()

            plsc.subcore_barrier()

            pltpu.sync_copy(umask_sh.at[pl.ds(0, 10240)], umask)
            plsc.store_scatter(umask, [nvec], onei)

            UG = 10240 // (L * NT)
            def zu_body(g, _):
                gg = w * UG + g
                um16 = umask[pl.ds(gg * L, L)]
                m = um16 > 0

                @pl.when(popcnt(m) > 0)
                def _z():
                    idxw = jnp.where(m, gg * L + iot, DUMP)
                    pltpu.sync_copy(rows16, out1_sh.at[idxw])
                return 0
            lax.fori_loop(0, UG, zu_body, 0)
            plsc.subcore_barrier()

            def p2_outer(t, carry, dref):
                def p2_stageA(j, _2):
                    d16 = dref[pl.ds(j * L, L)]
                    um = plsc.load_gather(umask, [d16])
                    m = um > 0
                    eid = ebase + t * CH + j * L + iot
                    plsc.store_compressed(cbuf.at[pl.ds(j * L, L)], eid, mask=m)
                    cs = plsc.all_reduce_population_count(m)
                    plsc.store_scatter(cntb, [jnp.full((L,), j, jnp.int32)],
                                       cs, mask=iot == 0)
                    return 0
                lax.fori_loop(0, CH // L, p2_stageA, 0)

                def p2_stageB(j, carry2):
                    cnt2, off2, fb2 = carry2
                    c = plsc.load_gather(cntb, [jnp.full((L,), j, jnp.int32)])[0]
                    stage[pl.ds(off2, L)] = cbuf[pl.ds(j * L, L)]
                    off3 = off2 + c

                    @pl.when(off3 >= STG)
                    def _flush():
                        pltpu.sync_copy(
                            stage.at[pl.ds(0, STG)],
                            ids_hbm.at[pl.ds(pl.multiple_of(w * IDS_W + fb2, 8), STG)])
                        stage[pl.ds(0, L)] = stage[pl.ds(STG, L)]

                    wrapped = off3 >= STG
                    off4 = jnp.where(wrapped, off3 - STG, off3)
                    fb3 = jnp.where(wrapped, fb2 + STG, fb2)
                    return (cnt2 + c, off4, fb3)
                return lax.fori_loop(0, CH // L, p2_stageB, carry)

            p1_start(0, dstc, semA)

            def p2_pair(p, carry):
                pltpu.make_async_copy(dst_hbm.at[pl.ds(0, CH)], dstc, semA).wait()
                p1_start(2 * p + 1, dstc2, semB)
                carry = p2_outer(2 * p, carry, dstc)
                pltpu.make_async_copy(dst_hbm.at[pl.ds(0, CH)], dstc2, semB).wait()
                p1_start(2 * p + 2, dstc, semA)
                carry = p2_outer(2 * p + 1, carry, dstc2)
                return carry
            n1, offr, fbr = lax.fori_loop(0, NCH // 2, p2_pair,
                                          (jnp.int32(0), jnp.int32(0), jnp.int32(0)))
            pltpu.make_async_copy(dst_hbm.at[pl.ds(0, CH)], dstc, semA).wait()
            pltpu.sync_copy(stage.at[pl.ds(0, STG)],
                            ids_hbm.at[pl.ds(pl.multiple_of(w * IDS_W + fbr, 8), STG)])

            cntst[:] = jnp.full((L,), n1, jnp.int32)

            ntrip = (n1 + SCH - 1) // SCH

            def p3_outer(t, m1v):
                base = pl.multiple_of(t * SCH, 8)
                pltpu.sync_copy(ids_hbm.at[pl.ds(pl.multiple_of(w * IDS_W + base, 8), SCH)], idsc)

                def _cl(g, _0):
                    v = idsc[pl.ds(g * L, L)]
                    idsc[pl.ds(g * L, L)] = jnp.clip(v, 0, E - 1)
                    return 0
                lax.fori_loop(0, SCH // L, _cl, 0)
                pltpu.sync_copy(src_hbm.at[idsc], sv)
                pltpu.sync_copy(dst_hbm.at[idsc], dv)
                pltpu.sync_copy(hs1_hbm.at[sv], rows_s)
                pltpu.sync_copy(hd1_hbm.at[dv], rows_d)

                def p3_edge(i, m1i):
                    acc = zf
                    for jj in range(D // L):
                        t1 = rows_s[i, pl.ds(jj * L, L)] + rows_d[i, pl.ds(jj * L, L)]
                        acc = acc + _lrelu(t1) * a1c[pl.ds(jj * L, L)]
                    e = _vsum(acc)
                    plsc.store_scatter(echunk, [jnp.full((L,), i, jnp.int32)],
                                       jnp.full((L,), e, jnp.float32), mask=iot == 0)
                    valid = (base + i) < n1
                    ev = jnp.full((L,), jnp.where(valid, e, NEG), jnp.float32)
                    return jnp.maximum(m1i, ev)
                m1v = lax.fori_loop(0, SCH, p3_edge, m1v)
                pltpu.sync_copy(echunk, ebuf_hb.at[pl.ds(pl.multiple_of(w * IDS_W + base, 8), SCH)])
                return m1v
            m1v = lax.fori_loop(0, ntrip, p3_outer,
                                jnp.full((L,), NEG, jnp.float32))
            m1st[:] = m1v
            pltpu.sync_copy(m1st, m1_sh.at[pl.ds(pl.multiple_of(w * L, 8), L)])
            plsc.subcore_barrier()
            pltpu.sync_copy(m1_sh, m1all)
            m1g = jnp.full((L,), NEG, jnp.float32)
            for r in range(NT):
                m1g = jnp.maximum(m1g, m1all[pl.ds(r * L, L)])

            def p4_outer(t, _):
                base = pl.multiple_of(t * SCH, 8)
                pltpu.sync_copy(ids_hbm.at[pl.ds(pl.multiple_of(w * IDS_W + base, 8), SCH)], idsc)

                def _cl(g, _0):
                    v = idsc[pl.ds(g * L, L)]
                    idsc[pl.ds(g * L, L)] = jnp.clip(v, 0, E - 1)
                    return 0
                lax.fori_loop(0, SCH // L, _cl, 0)
                pltpu.sync_copy(dst_hbm.at[idsc], dv)
                pltpu.sync_copy(ebuf_hb.at[pl.ds(pl.multiple_of(w * IDS_W + base, 8), SCH)], echunk)

                def p4_grp(j, _2):
                    e16 = echunk[pl.ds(j * L, L)]
                    d16 = dv[pl.ds(j * L, L)]
                    vmask = (base + j * L + iot) < n1
                    p = jnp.where(vmask, jnp.exp(e16 - m1g), 0.0)
                    echunk[pl.ds(j * L, L)] = p
                    dvw[pl.ds(j * L, L)] = jnp.where(vmask, d16, DUMP)
                    return 0
                lax.fori_loop(0, SCH // L, p4_grp, 0)
                pltpu.sync_copy(echunk, ebuf_hb.at[pl.ds(pl.multiple_of(w * IDS_W + base, 8), SCH)])
                pltpu.sync_copy(echunk, denom_sh.at[dvw], add=True)
                return 0
            lax.fori_loop(0, ntrip, p4_outer, 0)
            plsc.subcore_barrier()

            def p5_outer(t, _):
                base = pl.multiple_of(t * SCH, 8)
                pltpu.sync_copy(ids_hbm.at[pl.ds(pl.multiple_of(w * IDS_W + base, 8), SCH)], idsc)

                def _cl(g, _0):
                    v = idsc[pl.ds(g * L, L)]
                    idsc[pl.ds(g * L, L)] = jnp.clip(v, 0, E - 1)
                    return 0
                lax.fori_loop(0, SCH // L, _cl, 0)
                pltpu.sync_copy(src_hbm.at[idsc], sv)
                pltpu.sync_copy(dst_hbm.at[idsc], dv)
                pltpu.sync_copy(ebuf_hb.at[pl.ds(pl.multiple_of(w * IDS_W + base, 8), SCH)], echunk)
                pltpu.sync_copy(hs1_hbm.at[sv], rows_s)

                def p5_grp(j, _2):
                    d16 = dv[pl.ds(j * L, L)]
                    vmask = (base + j * L + iot) < n1
                    dvw[pl.ds(j * L, L)] = jnp.where(vmask, d16, DUMP)
                    return 0
                lax.fori_loop(0, SCH // L, p5_grp, 0)
                pltpu.sync_copy(denom_sh.at[dvw], denc)

                def p5_alpha(j, _2):
                    p16 = echunk[pl.ds(j * L, L)]
                    den = denc[pl.ds(j * L, L)]
                    vmask = (base + j * L + iot) < n1
                    al = jnp.where(vmask, p16 / (den + 1e-9), 0.0)
                    alphac[pl.ds(j * L, L)] = al
                    return 0
                lax.fori_loop(0, SCH // L, p5_alpha, 0)

                def p5_edge(i, _2):
                    asp = plsc.load_gather(alphac, [jnp.full((L,), i, jnp.int32)])
                    for jj in range(D // L):
                        rows_d[i, pl.ds(jj * L, L)] = rows_s[i, pl.ds(jj * L, L)] * asp
                    return 0
                lax.fori_loop(0, SCH, p5_edge, 0)
                pltpu.sync_copy(rows_d, out1_sh.at[dvw], add=True)
                return 0
            lax.fori_loop(0, ntrip, p5_outer, 0)
            plsc.subcore_barrier()

            NR = (N // NT) // 8 * 8
            pltpu.sync_copy(out1_sh.at[pl.ds(pl.multiple_of(w * NR, 8), NR)],
                            out1_hbm.at[pl.ds(pl.multiple_of(w * NR, 8), NR)])

            @pl.when(w == 0)
            def _tail():
                pltpu.sync_copy(out1_sh.at[pl.ds(NT * NR, N - NT * NR)],
                                out1_hbm.at[pl.ds(NT * NR, N - NT * NR)])
            pltpu.sync_copy(cntst, nfo_hbm.at[pl.ds(pl.multiple_of(w * L, 8), L)])

    return sc_a


def _make_sc_c(N, E, D):
    EW = E // NT
    SCH = 64
    STG = 2048
    IDS_W = EW + STG

    scratch = [
        pltpu.VMEM_SHARED((NT * D,), jnp.float32),
        pltpu.VMEM_SHARED((NT * L,), jnp.float32),
        pltpu.VMEM_SHARED((NT * L,), jnp.float32),
        pltpu.HBM((NT * IDS_W,), jnp.float32),
        pltpu.VMEM((SCH,), jnp.int32),
        pltpu.VMEM((SCH,), jnp.int32),
        pltpu.VMEM((SCH,), jnp.int32),
        pltpu.VMEM((SCH, D), jnp.float32),
        pltpu.VMEM((SCH,), jnp.float32),
        pltpu.VMEM((L,), jnp.int32),
        pltpu.VMEM((L,), jnp.int32),
        pltpu.VMEM((L,), jnp.float32),
        pltpu.VMEM((D,), jnp.float32),
        pltpu.VMEM((D,), jnp.float32),
        pltpu.VMEM((D,), jnp.float32),
        pltpu.VMEM((D,), jnp.float32),
        pltpu.VMEM((L, D), jnp.float32),
        pltpu.VMEM((NT * L,), jnp.float32),
        pltpu.VMEM((NT * D,), jnp.float32),
    ]

    @functools.partial(
        pl.kernel,
        out_type=jax.ShapeDtypeStruct((D,), jnp.float32),
        mesh=_mesh(),
        scratch_types=scratch,
        compiler_params=pltpu.CompilerParams(needs_layout_passes=False),
    )
    def sc_c(src_hbm, dst_hbm, nidx_hbm, nfo_hbm, ids_hbm, hs2_hbm, hd2_hbm,
             a2_hbm, c2_hbm, out_hbm,
             osh, d2sh, m2sh, ebuf_hb, idsc, sv, dv, rows_s, echunk,
             nidxv, cntv, fst, a2c, c2c, hd2, outv, rstage, mall, oall):
        cid = lax.axis_index("c")
        w = lax.axis_index("s")

        @pl.when(cid == 0)
        def _main():
            iot = lax.iota(jnp.int32, L)
            zf = jnp.zeros((L,), jnp.float32)

            pltpu.sync_copy(nidx_hbm, nidxv)
            pltpu.sync_copy(nfo_hbm.at[pl.ds(pl.multiple_of(w * L, 8), L)], cntv)
            pltpu.sync_copy(a2_hbm, a2c)
            pltpu.sync_copy(c2_hbm, c2c)
            nvec = nidxv[:]
            nsc = nvec[0]
            n1 = cntv[:][0]

            pltpu.sync_copy(hd2_hbm.at[nvec], rstage)

            def cphd(jj, _):
                hd2[pl.ds(jj * L, L)] = rstage[0, pl.ds(jj * L, L)]
                return 0
            lax.fori_loop(0, D // L, cphd, 0)

            def zacc(jj, _):
                outv[pl.ds(jj * L, L)] = zf
                return 0
            lax.fori_loop(0, D // L, zacc, 0)

            ntrip = (n1 + SCH - 1) // SCH

            def c1_outer(t, m2v):
                base = pl.multiple_of(t * SCH, 8)
                pltpu.sync_copy(ids_hbm.at[pl.ds(pl.multiple_of(w * IDS_W + base, 8), SCH)], idsc)

                def _cl(g, _0):
                    v = idsc[pl.ds(g * L, L)]
                    idsc[pl.ds(g * L, L)] = jnp.clip(v, 0, E - 1)
                    return 0
                lax.fori_loop(0, SCH // L, _cl, 0)
                pltpu.sync_copy(src_hbm.at[idsc], sv)
                pltpu.sync_copy(dst_hbm.at[idsc], dv)
                pltpu.sync_copy(hs2_hbm.at[sv], rows_s)

                def c1_edge(i, m2i):
                    acc = zf
                    for jj in range(D // L):
                        t1 = rows_s[i, pl.ds(jj * L, L)] + hd2[pl.ds(jj * L, L)]
                        acc = acc + _lrelu(t1) * a2c[pl.ds(jj * L, L)]
                    e2 = _vsum(acc)
                    dsp = plsc.load_gather(dv, [jnp.full((L,), i, jnp.int32)])
                    is_l2 = (dsp[0] == nsc) & ((base + i) < n1)
                    e2w = jnp.where(is_l2, e2, NEG)
                    plsc.store_scatter(echunk, [jnp.full((L,), i, jnp.int32)],
                                       jnp.full((L,), e2w, jnp.float32),
                                       mask=iot == 0)
                    return jnp.maximum(m2i, jnp.full((L,), e2w, jnp.float32))
                m2v = lax.fori_loop(0, SCH, c1_edge, m2v)
                pltpu.sync_copy(echunk, ebuf_hb.at[pl.ds(pl.multiple_of(w * IDS_W + base, 8), SCH)])
                return m2v
            m2v = lax.fori_loop(0, ntrip, c1_outer,
                                jnp.full((L,), NEG, jnp.float32))
            fst[:] = m2v
            pltpu.sync_copy(fst, m2sh.at[pl.ds(pl.multiple_of(w * L, 8), L)])
            plsc.subcore_barrier()
            pltpu.sync_copy(m2sh, mall)
            m2g = jnp.full((L,), NEG, jnp.float32)
            for r in range(NT):
                m2g = jnp.maximum(m2g, mall[pl.ds(r * L, L)])

            def c2_outer(t, d2v):
                base = pl.multiple_of(t * SCH, 8)
                pltpu.sync_copy(ids_hbm.at[pl.ds(pl.multiple_of(w * IDS_W + base, 8), SCH)], idsc)

                def _cl(g, _0):
                    v = idsc[pl.ds(g * L, L)]
                    idsc[pl.ds(g * L, L)] = jnp.clip(v, 0, E - 1)
                    return 0
                lax.fori_loop(0, SCH // L, _cl, 0)
                pltpu.sync_copy(src_hbm.at[idsc], sv)
                pltpu.sync_copy(ebuf_hb.at[pl.ds(pl.multiple_of(w * IDS_W + base, 8), SCH)], echunk)
                pltpu.sync_copy(hs2_hbm.at[sv], rows_s)

                def c2_edge(i, d2i):
                    e2sp = plsc.load_gather(echunk, [jnp.full((L,), i, jnp.int32)])
                    is_l2 = e2sp[0] > (0.5 * NEG)

                    def do_edge(d2j):
                        p2v = jnp.exp(e2sp - m2g)
                        for jj in range(D // L):
                            outv[pl.ds(jj * L, L)] = (outv[pl.ds(jj * L, L)]
                                                      + p2v * rows_s[i, pl.ds(jj * L, L)])
                        return d2j + p2v
                    return lax.cond(is_l2, do_edge, lambda d: d, d2i)
                return lax.fori_loop(0, SCH, c2_edge, d2v)
            d2v = lax.fori_loop(0, ntrip, c2_outer, zf)

            pltpu.sync_copy(outv, osh.at[pl.ds(pl.multiple_of(w * D, 8), D)])
            fst[:] = d2v
            pltpu.sync_copy(fst, d2sh.at[pl.ds(pl.multiple_of(w * L, 8), L)])
            plsc.subcore_barrier()

            @pl.when(w == 0)
            def _merge():
                pltpu.sync_copy(d2sh, mall)
                pltpu.sync_copy(osh, oall)
                d2g = zf
                for r in range(NT):
                    d2g = d2g + mall[pl.ds(r * L, L)]
                inv = 1.0 / (d2g + 1e-9)

                def fin(jj, _):
                    acc = zf
                    for r in range(NT):
                        acc = acc + oall[pl.ds(r * D + jj * L, L)]
                    outv[pl.ds(jj * L, L)] = acc * inv + c2c[pl.ds(jj * L, L)]
                    return 0
                lax.fori_loop(0, D // L, fin, 0)
                pltpu.sync_copy(outv, out_hbm)

    return sc_c


def kernel(x, edge_index, node_index, W0, W1s, b1s, W1d, b1d, a1, c1,
           W2s, b2s, W2d, b2d, a2, c2):
    N, _ = x.shape
    D = W0.shape[1]
    E = edge_index.shape[1]
    src = edge_index[0]
    dst = edge_index[1]
    nidx16 = jnp.full((L,), node_index, dtype=jnp.int32)
    hs1, hd1 = _tc_a(x, W0, W1s, b1s, W1d, b1d)
    out1, ids, nfo = _make_sc_a(N, E, D)(src, dst, nidx16, hs1, hd1, a1)
    hs2, hd2 = _tc_b(out1, c1, W2s, b2s, W2d, b2d)
    return _make_sc_c(N, E, D)(src, dst, nidx16, nfo, ids, hs2, hd2, a2, c2)

# --- scband reference (transcript-rebuilt; emitter-appended) ---
"""Pipeline reference for scband-gatv2-model-57337813402035 (READ-ONLY COPY).

The authoritative reference and input builder live on the scoring server;
editing this copy changes nothing except your own understanding.
"""

import jax, jax.numpy as jnp
import numpy as np

N = 10000
E = 320000
D_IN = 128
D = 128


def _gatv2_layer(h, src, dst, W_src, b_src, W_dst, b_dst, attn, out_bias):
    # DGL-style GATv2Conv with num_heads=1 (head dim flattened)
    h_src = h @ W_src + b_src          # [N, D]
    h_dst = h @ W_dst + b_dst          # [N, D]
    m = h_src[src] + h_dst[dst]        # [E, D] edge-wise gather
    e = jax.nn.leaky_relu(m, negative_slope=0.2) @ attn   # [E]
    # edge softmax over destination nodes
    e_max = jax.lax.stop_gradient(jax.ops.segment_max(e, dst, num_segments=N))
    e_exp = jnp.exp(e - e_max[dst])
    denom = jax.ops.segment_sum(e_exp, dst, num_segments=N)
    alpha = e_exp / (denom[dst] + 1e-9)
    out = jax.ops.segment_sum(alpha[:, None] * h_src[src], dst, num_segments=N)
    return out + out_bias


def setup_inputs(seed: int = 0) -> dict:
    key = jax.random.key(seed)
    ks = jax.random.split(key, 16)
    s = 1.0 / np.sqrt(D)
    inp = {}
    inp["x"] = jax.random.normal(ks[0], (N, D_IN), dtype=jnp.float32)
    inp["edge_index"] = jax.random.randint(ks[1], (2, E), 0, N, dtype=jnp.int32)
    inp["node_index"] = 0
    # init_transform (bias=False)
    inp["W0"] = jax.random.normal(ks[2], (D_IN, D), dtype=jnp.float32) * s
    # GATv2 layer 1
    inp["W1s"] = jax.random.normal(ks[3], (D, D), dtype=jnp.float32) * s
    inp["b1s"] = jnp.zeros((D,), dtype=jnp.float32)
    inp["W1d"] = jax.random.normal(ks[4], (D, D), dtype=jnp.float32) * s
    inp["b1d"] = jnp.zeros((D,), dtype=jnp.float32)
    inp["a1"] = jax.random.normal(ks[5], (D,), dtype=jnp.float32) * s
    inp["c1"] = jnp.zeros((D,), dtype=jnp.float32)
    # GATv2 layer 2
    inp["W2s"] = jax.random.normal(ks[6], (D, D), dtype=jnp.float32) * s
    inp["b2s"] = jnp.zeros((D,), dtype=jnp.float32)
    inp["W2d"] = jax.random.normal(ks[7], (D, D), dtype=jnp.float32) * s
    inp["b2d"] = jnp.zeros((D,), dtype=jnp.float32)
    inp["a2"] = jax.random.normal(ks[8], (D,), dtype=jnp.float32) * s
    inp["c2"] = jnp.zeros((D,), dtype=jnp.float32)
    return inp


def reference(x, edge_index, node_index, W0, W1s, b1s, W1d, b1d, a1, c1, W2s, b2s, W2d, b2d, a2, c2):
    src = edge_index[0]
    dst = edge_index[1]
    h = x @ W0
    h1 = _gatv2_layer(h, src, dst, W1s, b1s, W1d, b1d, a1, c1)
    h1 = jax.nn.gelu(h1)
    h2 = _gatv2_layer(h1, src, dst, W2s, b2s, W2d, b2d, a2, c2)
    # node_feats2[node_index].squeeze(0) with num_heads=1 -> [D]
    return h2[node_index]

if __name__ == "__main__":
    import jax
    _d = setup_inputs()
    print(jax.jit(kernel)(*tuple(_d.values())))

</pallas_src>

<mosaic_0001>
#map = affine_map<(d0, d1) -> (0)>
#map1 = affine_map<(d0, d1) -> (0, 0)>
module attributes {stable_mosaic.version = 14 : i64} {
  func.func @sc_c(%arg0: i32, %arg1: i32, %arg2: memref<320000xi32, #tpu.memory_space<hbm>>, %arg3: memref<320000xi32, #tpu.memory_space<hbm>>, %arg4: memref<16xi32, #tpu.memory_space<hbm>>, %arg5: memref<256xi32, #tpu.memory_space<hbm>>, %arg6: memref<352768xi32, #tpu.memory_space<hbm>>, %arg7: memref<10000x128xf32, #tpu.memory_space<hbm>>, %arg8: memref<10000x128xf32, #tpu.memory_space<hbm>>, %arg9: memref<128xf32, #tpu.memory_space<hbm>>, %arg10: memref<128xf32, #tpu.memory_space<hbm>>, %arg11: memref<128xf32, #tpu.memory_space<hbm>>, %arg12: memref<2048xf32, #tpu.memory_space<vmem_shared>>, %arg13: memref<256xf32, #tpu.memory_space<vmem_shared>>, %arg14: memref<256xf32, #tpu.memory_space<vmem_shared>>, %arg15: memref<352768xf32, #tpu.memory_space<hbm>>, %arg16: memref<64xi32, #tpu.memory_space<vmem>>, %arg17: memref<64xi32, #tpu.memory_space<vmem>>, %arg18: memref<64xi32, #tpu.memory_space<vmem>>, %arg19: memref<64x128xf32, #tpu.memory_space<vmem>>, %arg20: memref<64xf32, #tpu.memory_space<vmem>>, %arg21: memref<16xi32, #tpu.memory_space<vmem>>, %arg22: memref<16xi32, #tpu.memory_space<vmem>>, %arg23: memref<16xf32, #tpu.memory_space<vmem>>, %arg24: memref<128xf32, #tpu.memory_space<vmem>>, %arg25: memref<128xf32, #tpu.memory_space<vmem>>, %arg26: memref<128xf32, #tpu.memory_space<vmem>>, %arg27: memref<128xf32, #tpu.memory_space<vmem>>, %arg28: memref<16x128xf32, #tpu.memory_space<vmem>>, %arg29: memref<256xf32, #tpu.memory_space<vmem>>, %arg30: memref<2048xf32, #tpu.memory_space<vmem>>) attributes {dimension_semantics = [#tpu.dimension_semantics<core_parallel>, #tpu.dimension_semantics<subcore_parallel>], iteration_bounds = array<i64: 2, 16>, scalar_prefetch = 0 : i64, scratch_operands = 19 : i64, tpu.core_type = #tpu.core_type<sc_vector_subcore>, window_params = [{transform_indices = #map}, {transform_indices = #map}, {transform_indices = #map}, {transform_indices = #map}, {transform_indices = #map}, {transform_indices = #map1}, {transform_indices = #map1}, {transform_indices = #map}, {transform_indices = #map}, {transform_indices = #map}]} {
    %eq3A = arith.constant 0 : i32
    %eq3A_0 = arith.cmpi eq, %arg0, %eq3A : i32
    %convert_element_type3A = arith.extui %eq3A_0 : i1 to i32
    %cond3A = arith.constant 0 : i32
    %cond3A_1 = arith.cmpi ne, %convert_element_type3A, %cond3A : i32
    scf.if %cond3A_1 {
      %iota3A = tpu.iota {dimensions = array<i32: 0>} : vector<16xi32>
      %broadcast_in_dim3A = arith.constant 0.000000e+00 : f32
      %broadcast_in_dim3A_2 = vector.broadcast %broadcast_in_dim3A : f32 to vector<16xf32>
      "tpu.region"() ({
        %run_scoped3A = tpu.sem_alloc : memref<!tpu.dma_semaphore, #tpu.memory_space<semaphore_mem>>
        tpu.enqueue_dma source(%arg4 : memref<16xi32, #tpu.memory_space<hbm>>) target(%arg21 : memref<16xi32, #tpu.memory_space<vmem>>) target_semaphore(%run_scoped3A : memref<!tpu.dma_semaphore, #tpu.memory_space<semaphore_mem>>)
        tpu.wait_dma2 semaphore(%run_scoped3A : memref<!tpu.dma_semaphore, #tpu.memory_space<semaphore_mem>>) src(%arg4 : memref<16xi32, #tpu.memory_space<hbm>>) dst(%arg21 : memref<16xi32, #tpu.memory_space<vmem>>)
        tpu.yield
      }) : () -> ()
      %mul3A = arith.constant 16 : i32
      %mul3A_3 = arith.muli %arg1, %mul3A : i32
      %multiple_of3A = tpu.assume_multiple %mul3A_3, 8 : i32
      "tpu.region"() ({
        %run_scoped3A = tpu.sem_alloc : memref<!tpu.dma_semaphore, #tpu.memory_space<semaphore_mem>>
        %dma_start3A = tpu.memref_slice %arg5[%multiple_of3A] : memref<256xi32, #tpu.memory_space<hbm>> -> memref<16xi32, #tpu.memory_space<hbm>>
        %dma_start3A_131 = tpu.memref_slice %arg5[%multiple_of3A] : memref<256xi32, #tpu.memory_space<hbm>> -> memref<16xi32, #tpu.memory_space<hbm>>
        tpu.enqueue_dma source(%dma_start3A_131 : memref<16xi32, #tpu.memory_space<hbm>>) target(%arg22 : memref<16xi32, #tpu.memory_space<vmem>>) target_semaphore(%run_scoped3A : memref<!tpu.dma_semaphore, #tpu.memory_space<semaphore_mem>>)
        %dma_wait3A = tpu.memref_slice %arg5[%multiple_of3A] : memref<256xi32, #tpu.memory_space<hbm>> -> memref<16xi32, #tpu.memory_space<hbm>>
        %dma_wait3A_132 = tpu.memref_slice %arg5[%multiple_of3A] : memref<256xi32, #tpu.memory_space<hbm>> -> memref<16xi32, #tpu.memory_space<hbm>>
        tpu.wait_dma2 semaphore(%run_scoped3A : memref<!tpu.dma_semaphore, #tpu.memory_space<semaphore_mem>>) src(%dma_wait3A_132 : memref<16xi32, #tpu.memory_space<hbm>>) dst(%arg22 : memref<16xi32, #tpu.memory_space<vmem>>)
        tpu.yield
      }) : () -> ()
      "tpu.region"() ({
        %run_scoped3A = tpu.sem_alloc : memref<!tpu.dma_semaphore, #tpu.memory_space<semaphore_mem>>
        tpu.enqueue_dma source(%arg9 : memref<128xf32, #tpu.memory_space<hbm>>) target(%arg24 : memref<128xf32, #tpu.memory_space<vmem>>) target_semaphore(%run_scoped3A : memref<!tpu.dma_semaphore, #tpu.memory_space<semaphore_mem>>)
        tpu.wait_dma2 semaphore(%run_scoped3A : memref<!tpu.dma_semaphore, #tpu.memory_space<semaphore_mem>>) src(%arg9 : memref<128xf32, #tpu.memory_space<hbm>>) dst(%arg24 : memref<128xf32, #tpu.memory_space<vmem>>)
        tpu.yield
      }) : () -> ()
      "tpu.region"() ({
        %run_scoped3A = tpu.sem_alloc : memref<!tpu.dma_semaphore, #tpu.memory_space<semaphore_mem>>
        tpu.enqueue_dma source(%arg10 : memref<128xf32, #tpu.memory_space<hbm>>) target(%arg25 : memref<128xf32, #tpu.memory_space<vmem>>) target_semaphore(%run_scoped3A : memref<!tpu.dma_semaphore, #tpu.memory_space<semaphore_mem>>)
        tpu.wait_dma2 semaphore(%run_scoped3A : memref<!tpu.dma_semaphore, #tpu.memory_space<semaphore_mem>>) src(%arg10 : memref<128xf32, #tpu.memory_space<hbm>>) dst(%arg25 : memref<128xf32, #tpu.memory_space<vmem>>)
        tpu.yield
      }) : () -> ()
      %get3A = arith.constant 0 : index
      %get3A_4 = tpu.vector_load %arg21[%get3A] {strides = array<i32>} : memref<16xi32, #tpu.memory_space<vmem>>, vector<16xi32>,
      %slice3A = vector.extract_strided_slice %get3A_4 {offsets = [0], sizes = [1], strides = [1]} : vector<16xi32> to vector<1xi32>
      %squeeze3A = vector.extract %slice3A[0] : i32 from vector<1xi32>
      %get3A_5 = arith.constant 0 : index
      %get3A_6 = tpu.vector_load %arg22[%get3A_5] {strides = array<i32>} : memref<16xi32, #tpu.memory_space<vmem>>, vector<16xi32>,
      %slice3A_7 = vector.extract_strided_slice %get3A_6 {offsets = [0], sizes = [1], strides = [1]} : vector<16xi32> to vector<1xi32>
      %squeeze3A_8 = vector.extract %slice3A_7[0] : i32 from vector<1xi32>
      "tpu.region"() ({
        %run_scoped3A = tpu.sem_alloc : memref<!tpu.dma_semaphore, #tpu.memory_space<semaphore_mem>>
        %dma_start3A = arith.constant 0 : i32
        %dma_start3A_131 = arith.constant 0 : i32
        %dma_start3A_132 = tpu.memref_slice %arg8[%dma_start3A, %dma_start3A_131] : memref<10000x128xf32, #tpu.memory_space<hbm>> -> memref<10000x128xf32, #tpu.memory_space<hbm>>
        tpu.enqueue_indirect_dma source(%dma_start3A_132 : memref<10000x128xf32, #tpu.memory_space<hbm>>) target(%arg28 : memref<16x128xf32, #tpu.memory_space<vmem>>) offsets(%get3A_4 : vector<16xi32>) semaphore(%run_scoped3A : memref<!tpu.dma_semaphore, #tpu.memory_space<semaphore_mem>>)
        %dma_wait3A = arith.constant 0 : i32
        %dma_wait3A_133 = arith.constant 0 : i32
        %dma_wait3A_134 = tpu.memref_slice %arg8[%dma_wait3A, %dma_wait3A_133] : memref<10000x128xf32, #tpu.memory_space<hbm>> -> memref<10000x128xf32, #tpu.memory_space<hbm>>
        tpu.wait_indirect_dma semaphore(%run_scoped3A : memref<!tpu.dma_semaphore, #tpu.memory_space<semaphore_mem>>) src(%dma_wait3A_134 : memref<10000x128xf32, #tpu.memory_space<hbm>>) dst(%arg28 : memref<16x128xf32, #tpu.memory_space<vmem>>)
        tpu.yield
      }) : () -> ()
      %scan3A = arith.constant 0 : i32
      %scan3A_9 = arith.constant 0 : i32
      %scan3A_10 = arith.constant 8 : i32
      %scan3A_11 = arith.addi %scan3A_9, %scan3A_10 : i32
      %scan3A_12 = arith.constant 1 : i32
      %scan3A_13 = scf.for %scan3A_131 = %scan3A_9 to %scan3A_11 step %scan3A_12 iter_args(%scan3A_132 = %scan3A) -> (i32)  : i32 {
        %mul3A_133 = arith.constant 16 : i32
        %mul3A_134 = arith.muli %scan3A_131, %mul3A_133 : i32
        %get3A_135 = arith.constant 0 : i32
        %get3A_136 = arith.index_cast %get3A_135 : i32 to index
        %get3A_137 = arith.index_cast %mul3A_134 : i32 to index
        %get3A_138 = tpu.vector_load %arg28[%get3A_136, %get3A_137] {strides = array<i32>} : memref<16x128xf32, #tpu.memory_space<vmem>>, vector<16xf32>,
        %mul3A_139 = arith.constant 16 : i32
        %mul3A_140 = arith.muli %scan3A_131, %mul3A_139 : i32
        %swap3A_141 = arith.index_cast %mul3A_140 : i32 to index
        %swap3A_142 = tpu.vector_load %arg26[%swap3A_141] {strides = array<i32>} : memref<128xf32, #tpu.memory_space<vmem>>, vector<16xf32>,
        tpu.vector_store %arg26[%swap3A_141], %get3A_138 {strides = array<i32>} : memref<128xf32, #tpu.memory_space<vmem>>, vector<16xf32>,
        %scan3A_143 = arith.constant 0 : i32
        scf.yield %scan3A_143 : i32
      }
      %scan3A_14 = arith.constant 8 : i32
      %scan3A_15 = arith.constant 0 : i32
      %scan3A_16 = arith.constant 0 : i32
      %scan3A_17 = arith.constant 8 : i32
      %scan3A_18 = arith.addi %scan3A_16, %scan3A_17 : i32
      %scan3A_19 = arith.constant 1 : i32
      %scan3A_20 = scf.for %scan3A_131 = %scan3A_16 to %scan3A_18 step %scan3A_19 iter_args(%scan3A_132 = %scan3A_15) -> (i32)  : i32 {
        %mul3A_133 = arith.constant 16 : i32
        %mul3A_134 = arith.muli %scan3A_131, %mul3A_133 : i32
        %swap3A_135 = arith.index_cast %mul3A_134 : i32 to index
        %swap3A_136 = tpu.vector_load %arg27[%swap3A_135] {strides = array<i32>} : memref<128xf32, #tpu.memory_space<vmem>>, vector<16xf32>,
        tpu.vector_store %arg27[%swap3A_135], %broadcast_in_dim3A_2 {strides = array<i32>} : memref<128xf32, #tpu.memory_space<vmem>>, vector<16xf32>,
        %scan3A_137 = arith.constant 0 : i32
        scf.yield %scan3A_137 : i32
      }
      %scan3A_21 = arith.constant 8 : i32
      %add3A = arith.constant 64 : i32
      %add3A_22 = arith.addi %squeeze3A_8, %add3A : i32
      %sub3A = arith.constant 1 : i32
      %sub3A_23 = arith.subi %add3A_22, %sub3A : i32
      %jit3A = arith.constant 64 : i32
      %div3A = arith.divsi %sub3A_23, %jit3A : i32
      %sign3A = arith.constant 0 : i32
      %sign3A_24 = arith.cmpi sgt, %sub3A_23, %sign3A : i32
      %sign3A_25 = arith.extui %sign3A_24 : i1 to i32
      %sign3A_26 = arith.constant 0 : i32
      %sign3A_27 = arith.cmpi slt, %sub3A_23, %sign3A_26 : i32
      %sign3A_28 = arith.extui %sign3A_27 : i1 to i32
      %sign3A_29 = arith.subi %sign3A_25, %sign3A_28 : i32
      %sign3A_30 = arith.constant 0 : i32
      %sign3A_31 = arith.cmpi sgt, %jit3A, %sign3A_30 : i32
      %sign3A_32 = arith.extui %sign3A_31 : i1 to i32
      %sign3A_33 = arith.constant 0 : i32
      %sign3A_34 = arith.cmpi slt, %jit3A, %sign3A_33 : i32
      %sign3A_35 = arith.extui %sign3A_34 : i1 to i32
      %sign3A_36 = arith.subi %sign3A_32, %sign3A_35 : i32
      %ne3A = arith.cmpi ne, %sign3A_29, %sign3A_36 : i32
      %rem3A = arith.remsi %sub3A_23, %jit3A : i32
      %ne3A_37 = arith.constant 0 : i32
      %ne3A_38 = arith.cmpi ne, %rem3A, %ne3A_37 : i32
      %and3A = arith.andi %ne3A, %ne3A_38 : i1
      %sub3A_39 = arith.constant 1 : i32
      %sub3A_40 = arith.subi %div3A, %sub3A_39 : i32
      %select_n3A = arith.select %and3A, %sub3A_40, %div3A : i32
      %broadcast_in_dim3A_41 = arith.constant -1.000000e+30 : f32
      %broadcast_in_dim3A_42 = vector.broadcast %broadcast_in_dim3A_41 : f32 to vector<16xf32>
      %while3A = arith.constant 0 : i32
      %while3A_43 = arith.subi %select_n3A, %while3A : i32
      %while3A_44 = arith.addi %while3A, %while3A_43 : i32
      %while3A_45 = arith.constant 1 : i32
      %while3A_46 = arith.divsi %while3A_43, %while3A_45 : i32
      %while3A_47 = arith.muli %while3A_46, %while3A_45 : i32
      %while3A_48 = arith.addi %while3A, %while3A_47 : i32
      %while3A_49 = arith.constant 1 : i32
      %while3A_50 = scf.for %while3A_131 = %while3A to %while3A_48 step %while3A_49 iter_args(%while3A_132 = %broadcast_in_dim3A_42) -> (vector<16xf32>)  : i32 {
        %mul3A_133 = arith.constant 64 : i32
        %mul3A_134 = arith.muli %while3A_131, %mul3A_133 : i32
        %multiple_of3A_135 = tpu.assume_multiple %mul3A_134, 8 : i32
        %mul3A_136 = arith.constant 22048 : i32
        %mul3A_137 = arith.muli %arg1, %mul3A_136 : i32
        %add3A_138 = arith.addi %mul3A_137, %multiple_of3A_135 : i32
        %multiple_of3A_139 = tpu.assume_multiple %add3A_138, 8 : i32
        "tpu.region"() ({
          %run_scoped3A = tpu.sem_alloc : memref<!tpu.dma_semaphore, #tpu.memory_space<semaphore_mem>>
          %dma_start3A = tpu.memref_slice %arg6[%multiple_of3A_139] : memref<352768xi32, #tpu.memory_space<hbm>> -> memref<64xi32, #tpu.memory_space<hbm>>
          %dma_start3A_157 = tpu.memref_slice %arg6[%multiple_of3A_139] : memref<352768xi32, #tpu.memory_space<hbm>> -> memref<64xi32, #tpu.memory_space<hbm>>
          tpu.enqueue_dma source(%dma_start3A_157 : memref<64xi32, #tpu.memory_space<hbm>>) target(%arg16 : memref<64xi32, #tpu.memory_space<vmem>>) target_semaphore(%run_scoped3A : memref<!tpu.dma_semaphore, #tpu.memory_space<semaphore_mem>>)
          %dma_wait3A = tpu.memref_slice %arg6[%multiple_of3A_139] : memref<352768xi32, #tpu.memory_space<hbm>> -> memref<64xi32, #tpu.memory_space<hbm>>
          %dma_wait3A_158 = tpu.memref_slice %arg6[%multiple_of3A_139] : memref<352768xi32, #tpu.memory_space<hbm>> -> memref<64xi32, #tpu.memory_space<hbm>>
          tpu.wait_dma2 semaphore(%run_scoped3A : memref<!tpu.dma_semaphore, #tpu.memory_space<semaphore_mem>>) src(%dma_wait3A_158 : memref<64xi32, #tpu.memory_space<hbm>>) dst(%arg16 : memref<64xi32, #tpu.memory_space<vmem>>)
          tpu.yield
        }) : () -> ()
        %scan3A_140 = arith.constant 0 : i32
        %scan3A_141 = arith.constant 0 : i32
        %scan3A_142 = arith.constant 4 : i32
        %scan3A_143 = arith.addi %scan3A_141, %scan3A_142 : i32
        %scan3A_144 = arith.constant 1 : i32
        %scan3A_145 = scf.for %scan3A_157 = %scan3A_141 to %scan3A_143 step %scan3A_144 iter_args(%scan3A_158 = %scan3A_140) -> (i32)  : i32 {
          %mul3A_159 = arith.constant 16 : i32
          %mul3A_160 = arith.muli %scan3A_157, %mul3A_159 : i32
          %get3A_161 = arith.index_cast %mul3A_160 : i32 to index
          %get3A_162 = tpu.vector_load %arg16[%get3A_161] {strides = array<i32>} : memref<64xi32, #tpu.memory_space<vmem>>, vector<16xi32>,
          %jit3A_163 = arith.constant 0 : i32
          %jit3A_164 = arith.constant 319999 : i32
          %max3A_165 = vector.broadcast %jit3A_163 : i32 to vector<16xi32>
          %max3A_166 = arith.maxsi %max3A_165, %get3A_162 : vector<16xi32>
          %min3A = vector.broadcast %jit3A_164 : i32 to vector<16xi32>
          %min3A_167 = arith.minsi %min3A, %max3A_166 : vector<16xi32>
          %mul3A_168 = arith.constant 16 : i32
          %mul3A_169 = arith.muli %scan3A_157, %mul3A_168 : i32
          %swap3A_170 = arith.index_cast %mul3A_169 : i32 to index
          %swap3A_171 = tpu.vector_load %arg16[%swap3A_170] {strides = array<i32>} : memref<64xi32, #tpu.memory_space<vmem>>, vector<16xi32>,
          tpu.vector_store %arg16[%swap3A_170], %min3A_167 {strides = array<i32>} : memref<64xi32, #tpu.memory_space<vmem>>, vector<16xi32>,
          %scan3A_172 = arith.constant 0 : i32
          scf.yield %scan3A_172 : i32
        }
        %scan3A_146 = arith.constant 4 : i32
        "tpu.region"() ({
          %run_scoped3A = tpu.sem_alloc : memref<!tpu.dma_semaphore, #tpu.memory_space<semaphore_mem>>
          %dma_start3A = arith.constant 0 : i32
          %dma_start3A_157 = tpu.memref_slice %arg2[%dma_start3A] : memref<320000xi32, #tpu.memory_space<hbm>> -> memref<320000xi32, #tpu.memory_space<hbm>>
          tpu.enqueue_indirect_dma source(%dma_start3A_157 : memref<320000xi32, #tpu.memory_space<hbm>>) target(%arg17 : memref<64xi32, #tpu.memory_space<vmem>>) offsets(%arg16 : memref<64xi32, #tpu.memory_space<vmem>>) semaphore(%run_scoped3A : memref<!tpu.dma_semaphore, #tpu.memory_space<semaphore_mem>>)
          %dma_wait3A = arith.constant 0 : i32
          %dma_wait3A_158 = tpu.memref_slice %arg2[%dma_wait3A] : memref<320000xi32, #tpu.memory_space<hbm>> -> memref<320000xi32, #tpu.memory_space<hbm>>
          tpu.wait_indirect_dma semaphore(%run_scoped3A : memref<!tpu.dma_semaphore, #tpu.memory_space<semaphore_mem>>) src(%dma_wait3A_158 : memref<320000xi32, #tpu.memory_space<hbm>>) dst(%arg17 : memref<64xi32, #tpu.memory_space<vmem>>)
          tpu.yield
        }) : () -> ()
        "tpu.region"() ({
          %run_scoped3A = tpu.sem_alloc : memref<!tpu.dma_semaphore, #tpu.memory_space<semaphore_mem>>
          %dma_start3A = arith.constant 0 : i32
          %dma_start3A_157 = tpu.memref_slice %arg3[%dma_start3A] : memref<320000xi32, #tpu.memory_space<hbm>> -> memref<320000xi32, #tpu.memory_space<hbm>>
          tpu.enqueue_indirect_dma source(%dma_start3A_157 : memref<320000xi32, #tpu.memory_space<hbm>>) target(%arg18 : memref<64xi32, #tpu.memory_space<vmem>>) offsets(%arg16 : memref<64xi32, #tpu.memory_space<vmem>>) semaphore(%run_scoped3A : memref<!tpu.dma_semaphore, #tpu.memory_space<semaphore_mem>>)
          %dma_wait3A = arith.constant 0 : i32
          %dma_wait3A_158 = tpu.memref_slice %arg3[%dma_wait3A] : memref<320000xi32, #tpu.memory_space<hbm>> -> memref<320000xi32, #tpu.memory_space<hbm>>
          tpu.wait_indirect_dma semaphore(%run_scoped3A : memref<!tpu.dma_semaphore, #tpu.memory_space<semaphore_mem>>) src(%dma_wait3A_158 : memref<320000xi32, #tpu.memory_space<hbm>>) dst(%arg18 : memref<64xi32, #tpu.memory_space<vmem>>)
          tpu.yield
        }) : () -> ()
        "tpu.region"() ({
          %run_scoped3A = tpu.sem_alloc : memref<!tpu.dma_semaphore, #tpu.memory_space<semaphore_mem>>
          %dma_start3A = arith.constant 0 : i32
          %dma_start3A_157 = arith.constant 0 : i32
          %dma_start3A_158 = tpu.memref_slice %arg7[%dma_start3A, %dma_start3A_157] : memref<10000x128xf32, #tpu.memory_space<hbm>> -> memref<10000x128xf32, #tpu.memory_space<hbm>>
          tpu.enqueue_indirect_dma source(%dma_start3A_158 : memref<10000x128xf32, #tpu.memory_space<hbm>>) target(%arg19 : memref<64x128xf32, #tpu.memory_space<vmem>>) offsets(%arg17 : memref<64xi32, #tpu.memory_space<vmem>>) semaphore(%run_scoped3A : memref<!tpu.dma_semaphore, #tpu.memory_space<semaphore_mem>>)
          %dma_wait3A = arith.constant 0 : i32
          %dma_wait3A_159 = arith.constant 0 : i32
          %dma_wait3A_160 = tpu.memref_slice %arg7[%dma_wait3A, %dma_wait3A_159] : memref<10000x128xf32, #tpu.memory_space<hbm>> -> memref<10000x128xf32, #tpu.memory_space<hbm>>
          tpu.wait_indirect_dma semaphore(%run_scoped3A : memref<!tpu.dma_semaphore, #tpu.memory_space<semaphore_mem>>) src(%dma_wait3A_160 : memref<10000x128xf32, #tpu.memory_space<hbm>>) dst(%arg19 : memref<64x128xf32, #tpu.memory_space<vmem>>)
          tpu.yield
        }) : () -> ()
        %scan3A_147 = arith.constant 0 : i32
        %scan3A_148 = arith.constant 64 : i32
        %scan3A_149 = arith.addi %scan3A_147, %scan3A_148 : i32
        %scan3A_150 = arith.constant 1 : i32
        %scan3A_151 = scf.for %scan3A_157 = %scan3A_147 to %scan3A_149 step %scan3A_150 iter_args(%scan3A_158 = %while3A_132) -> (vector<16xf32>)  : i32 {
          %get3A_159 = arith.index_cast %scan3A_157 : i32 to index
          %get3A_160 = arith.constant 0 : index
          %get3A_161 = tpu.vector_load %arg19[%get3A_159, %get3A_160] {strides = array<i32>} : memref<64x128xf32, #tpu.memory_space<vmem>>, vector<16xf32>,
          %get3A_162 = arith.constant 0 : index
          %get3A_163 = tpu.vector_load %arg26[%get3A_162] {strides = array<i32>} : memref<128xf32, #tpu.memory_space<vmem>>, vector<16xf32>,
          %add3A_164 = arith.addf %get3A_161, %get3A_163 : vector<16xf32>
          %mul3A_165 = arith.constant 2.000000e-01 : f32
          %mul3A_166 = vector.broadcast %mul3A_165 : f32 to vector<16xf32>
          %mul3A_167 = arith.mulf %mul3A_166, %add3A_164 : vector<16xf32>
          %max3A_168 = arith.maximumf %add3A_164, %mul3A_167 : vector<16xf32>
          %get3A_169 = arith.constant 0 : index
          %get3A_170 = tpu.vector_load %arg24[%get3A_169] {strides = array<i32>} : memref<128xf32, #tpu.memory_space<vmem>>, vector<16xf32>,
          %mul3A_171 = arith.mulf %max3A_168, %get3A_170 : vector<16xf32>
          %add3A_172 = arith.addf %broadcast_in_dim3A_2, %mul3A_171 : vector<16xf32>
          %get3A_173 = arith.index_cast %scan3A_157 : i32 to index
          %get3A_174 = arith.constant 16 : index
          %get3A_175 = tpu.vector_load %arg19[%get3A_173, %get3A_174] {strides = array<i32>} : memref<64x128xf32, #tpu.memory_space<vmem>>, vector<16xf32>,
          %get3A_176 = arith.constant 16 : index
          %get3A_177 = tpu.vector_load %arg26[%get3A_176] {strides = array<i32>} : memref<128xf32, #tpu.memory_space<vmem>>, vector<16xf32>,
          %add3A_178 = arith.addf %get3A_175, %get3A_177 : vector<16xf32>
          %mul3A_179 = arith.constant 2.000000e-01 : f32
          %mul3A_180 = vector.broadcast %mul3A_179 : f32 to vector<16xf32>
          %mul3A_181 = arith.mulf %mul3A_180, %add3A_178 : vector<16xf32>
          %max3A_182 = arith.maximumf %add3A_178, %mul3A_181 : vector<16xf32>
          %get3A_183 = arith.constant 16 : index
          %get3A_184 = tpu.vector_load %arg24[%get3A_183] {strides = array<i32>} : memref<128xf32, #tpu.memory_space<vmem>>, vector<16xf32>,
          %mul3A_185 = arith.mulf %max3A_182, %get3A_184 : vector<16xf32>
          %add3A_186 = arith.addf %add3A_172, %mul3A_185 : vector<16xf32>
          %get3A_187 = arith.index_cast %scan3A_157 : i32 to index
          %get3A_188 = arith.constant 32 : index
          %get3A_189 = tpu.vector_load %arg19[%get3A_187, %get3A_188] {strides = array<i32>} : memref<64x128xf32, #tpu.memory_space<vmem>>, vector<16xf32>,
          %get3A_190 = arith.constant 32 : index
          %get3A_191 = tpu.vector_load %arg26[%get3A_190] {strides = array<i32>} : memref<128xf32, #tpu.memory_space<vmem>>, vector<16xf32>,
          %add3A_192 = arith.addf %get3A_189, %get3A_191 : vector<16xf32>
          %mul3A_193 = arith.constant 2.000000e-01 : f32
          %mul3A_194 = vector.broadcast %mul3A_193 : f32 to vector<16xf32>
          %mul3A_195 = arith.mulf %mul3A_194, %add3A_192 : vector<16xf32>
          %max3A_196 = arith.maximumf %add3A_192, %mul3A_195 : vector<16xf32>
          %get3A_197 = arith.constant 32 : index
          %get3A_198 = tpu.vector_load %arg24[%get3A_197] {strides = array<i32>} : memref<128xf32, #tpu.memory_space<vmem>>, vector<16xf32>,
          %mul3A_199 = arith.mulf %max3A_196, %get3A_198 : vector<16xf32>
          %add3A_200 = arith.addf %add3A_186, %mul3A_199 : vector<16xf32>
          %get3A_201 = arith.index_cast %scan3A_157 : i32 to index
          %get3A_202 = arith.constant 48 : index
          %get3A_203 = tpu.vector_load %arg19[%get3A_201, %get3A_202] {strides = array<i32>} : memref<64x128xf32, #tpu.memory_space<vmem>>, vector<16xf32>,
          %get3A_204 = arith.constant 48 : index
          %get3A_205 = tpu.vector_load %arg26[%get3A_204] {strides = array<i32>} : memref<128xf32, #tpu.memory_space<vmem>>, vector<16xf32>,
          %add3A_206 = arith.addf %get3A_203, %get3A_205 : vector<16xf32>
          %mul3A_207 = arith.constant 2.000000e-01 : f32
          %mul3A_208 = vector.broadcast %mul3A_207 : f32 to vector<16xf32>
          %mul3A_209 = arith.mulf %mul3A_208, %add3A_206 : vector<16xf32>
          %max3A_210 = arith.maximumf %add3A_206, %mul3A_209 : vector<16xf32>
          %get3A_211 = arith.constant 48 : index
          %get3A_212 = tpu.vector_load %arg24[%get3A_211] {strides = array<i32>} : memref<128xf32, #tpu.memory_space<vmem>>, vector<16xf32>,
          %mul3A_213 = arith.mulf %max3A_210, %get3A_212 : vector<16xf32>
          %add3A_214 = arith.addf %add3A_200, %mul3A_213 : vector<16xf32>
          %get3A_215 = arith.index_cast %scan3A_157 : i32 to index
          %get3A_216 = arith.constant 64 : index
          %get3A_217 = tpu.vector_load %arg19[%get3A_215, %get3A_216] {strides = array<i32>} : memref<64x128xf32, #tpu.memory_space<vmem>>, vector<16xf32>,
          %get3A_218 = arith.constant 64 : index
          %get3A_219 = tpu.vector_load %arg26[%get3A_218] {strides = array<i32>} : memref<128xf32, #tpu.memory_space<vmem>>, vector<16xf32>,
          %add3A_220 = arith.addf %get3A_217, %get3A_219 : vector<16xf32>
          %mul3A_221 = arith.constant 2.000000e-01 : f32
          %mul3A_222 = vector.broadcast %mul3A_221 : f32 to vector<16xf32>
          %mul3A_223 = arith.mulf %mul3A_222, %add3A_220 : vector<16xf32>
          %max3A_224 = arith.maximumf %add3A_220, %mul3A_223 : vector<16xf32>
          %get3A_225 = arith.constant 64 : index
          %get3A_226 = tpu.vector_load %arg24[%get3A_225] {strides = array<i32>} : memref<128xf32, #tpu.memory_space<vmem>>, vector<16xf32>,
          %mul3A_227 = arith.mulf %max3A_224, %get3A_226 : vector<16xf32>
          %add3A_228 = arith.addf %add3A_214, %mul3A_227 : vector<16xf32>
          %get3A_229 = arith.index_cast %scan3A_157 : i32 to index
          %get3A_230 = arith.constant 80 : index
          %get3A_231 = tpu.vector_load %arg19[%get3A_229, %get3A_230] {strides = array<i32>} : memref<64x128xf32, #tpu.memory_space<vmem>>, vector<16xf32>,
          %get3A_232 = arith.constant 80 : index
          %get3A_233 = tpu.vector_load %arg26[%get3A_232] {strides = array<i32>} : memref<128xf32, #tpu.memory_space<vmem>>, vector<16xf32>,
          %add3A_234 = arith.addf %get3A_231, %get3A_233 : vector<16xf32>
          %mul3A_235 = arith.constant 2.000000e-01 : f32
          %mul3A_236 = vector.broadcast %mul3A_235 : f32 to vector<16xf32>
          %mul3A_237 = arith.mulf %mul3A_236, %add3A_234 : vector<16xf32>
          %max3A_238 = arith.maximumf %add3A_234, %mul3A_237 : vector<16xf32>
          %get3A_239 = arith.constant 80 : index
          %get3A_240 = tpu.vector_load %arg24[%get3A_239] {strides = array<i32>} : memref<128xf32, #tpu.memory_space<vmem>>, vector<16xf32>,
          %mul3A_241 = arith.mulf %max3A_238, %get3A_240 : vector<16xf32>
          %add3A_242 = arith.addf %add3A_228, %mul3A_241 : vector<16xf32>
          %get3A_243 = arith.index_cast %scan3A_157 : i32 to index
          %get3A_244 = arith.constant 96 : index
          %get3A_245 = tpu.vector_load %arg19[%get3A_243, %get3A_244] {strides = array<i32>} : memref<64x128xf32, #tpu.memory_space<vmem>>, vector<16xf32>,
          %get3A_246 = arith.constant 96 : index
          %get3A_247 = tpu.vector_load %arg26[%get3A_246] {strides = array<i32>} : memref<128xf32, #tpu.memory_space<vmem>>, vector<16xf32>,
          %add3A_248 = arith.addf %get3A_245, %get3A_247 : vector<16xf32>
          %mul3A_249 = arith.constant 2.000000e-01 : f32
          %mul3A_250 = vector.broadcast %mul3A_249 : f32 to vector<16xf32>
          %mul3A_251 = arith.mulf %mul3A_250, %add3A_248 : vector<16xf32>
          %max3A_252 = arith.maximumf %add3A_248, %mul3A_251 : vector<16xf32>
          %get3A_253 = arith.constant 96 : index
          %get3A_254 = tpu.vector_load %arg24[%get3A_253] {strides = array<i32>} : memref<128xf32, #tpu.memory_space<vmem>>, vector<16xf32>,
          %mul3A_255 = arith.mulf %max3A_252, %get3A_254 : vector<16xf32>
          %add3A_256 = arith.addf %add3A_242, %mul3A_255 : vector<16xf32>
          %get3A_257 = arith.index_cast %scan3A_157 : i32 to index
          %get3A_258 = arith.constant 112 : index
          %get3A_259 = tpu.vector_load %arg19[%get3A_257, %get3A_258] {strides = array<i32>} : memref<64x128xf32, #tpu.memory_space<vmem>>, vector<16xf32>,
          %get3A_260 = arith.constant 112 : index
          %get3A_261 = tpu.vector_load %arg26[%get3A_260] {strides = array<i32>} : memref<128xf32, #tpu.memory_space<vmem>>, vector<16xf32>,
          %add3A_262 = arith.addf %get3A_259, %get3A_261 : vector<16xf32>
          %mul3A_263 = arith.constant 2.000000e-01 : f32
          %mul3A_264 = vector.broadcast %mul3A_263 : f32 to vector<16xf32>
          %mul3A_265 = arith.mulf %mul3A_264, %add3A_262 : vector<16xf32>
          %max3A_266 = arith.maximumf %add3A_262, %mul3A_265 : vector<16xf32>
          %get3A_267 = arith.constant 112 : index
          %get3A_268 = tpu.vector_load %arg24[%get3A_267] {strides = array<i32>} : memref<128xf32, #tpu.memory_space<vmem>>, vector<16xf32>,
          %mul3A_269 = arith.mulf %max3A_266, %get3A_268 : vector<16xf32>
          %add3A_270 = arith.addf %add3A_256, %mul3A_269 : vector<16xf32>
          %slice3A_271 = vector.extract_strided_slice %add3A_270 {offsets = [0], sizes = [1], strides = [1]} : vector<16xf32> to vector<1xf32>
          %squeeze3A_272 = vector.extract %slice3A_271[0] : f32 from vector<1xf32>
          %slice3A_273 = vector.extract_strided_slice %add3A_270 {offsets = [1], sizes = [1], strides = [1]} : vector<16xf32> to vector<1xf32>
          %squeeze3A_274 = vector.extract %slice3A_273[0] : f32 from vector<1xf32>
          %add3A_275 = arith.addf %squeeze3A_272, %squeeze3A_274 : f32
          %slice3A_276 = vector.extract_strided_slice %add3A_270 {offsets = [2], sizes = [1], strides = [1]} : vector<16xf32> to vector<1xf32>
          %squeeze3A_277 = vector.extract %slice3A_276[0] : f32 from vector<1xf32>
          %add3A_278 = arith.addf %add3A_275, %squeeze3A_277 : f32
          %slice3A_279 = vector.extract_strided_slice %add3A_270 {offsets = [3], sizes = [1], strides = [1]} : vector<16xf32> to vector<1xf32>
          %squeeze3A_280 = vector.extract %slice3A_279[0] : f32 from vector<1xf32>
          %add3A_281 = arith.addf %add3A_278, %squeeze3A_280 : f32
          %slice3A_282 = vector.extract_strided_slice %add3A_270 {offsets = [4], sizes = [1], strides = [1]} : vector<16xf32> to vector<1xf32>
          %squeeze3A_283 = vector.extract %slice3A_282[0] : f32 from vector<1xf32>
          %add3A_284 = arith.addf %add3A_281, %squeeze3A_283 : f32
          %slice3A_285 = vector.extract_strided_slice %add3A_270 {offsets = [5], sizes = [1], strides = [1]} : vector<16xf32> to vector<1xf32>
          %squeeze3A_286 = vector.extract %slice3A_285[0] : f32 from vector<1xf32>
          %add3A_287 = arith.addf %add3A_284, %squeeze3A_286 : f32
          %slice3A_288 = vector.extract_strided_slice %add3A_270 {offsets = [6], sizes = [1], strides = [1]} : vector<16xf32> to vector<1xf32>
          %squeeze3A_289 = vector.extract %slice3A_288[0] : f32 from vector<1xf32>
          %add3A_290 = arith.addf %add3A_287, %squeeze3A_289 : f32
          %slice3A_291 = vector.extract_strided_slice %add3A_270 {offsets = [7], sizes = [1], strides = [1]} : vector<16xf32> to vector<1xf32>
          %squeeze3A_292 = vector.extract %slice3A_291[0] : f32 from vector<1xf32>
          %add3A_293 = arith.addf %add3A_290, %squeeze3A_292 : f32
          %slice3A_294 = vector.extract_strided_slice %add3A_270 {offsets = [8], sizes = [1], strides = [1]} : vector<16xf32> to vector<1xf32>
          %squeeze3A_295 = vector.extract %slice3A_294[0] : f32 from vector<1xf32>
          %add3A_296 = arith.addf %add3A_293, %squeeze3A_295 : f32
          %slice3A_297 = vector.extract_strided_slice %add3A_270 {offsets = [9], sizes = [1], strides = [1]} : vector<16xf32> to vector<1xf32>
          %squeeze3A_298 = vector.extract %slice3A_297[0] : f32 from vector<1xf32>
          %add3A_299 = arith.addf %add3A_296, %squeeze3A_298 : f32
          %slice3A_300 = vector.extract_strided_slice %add3A_270 {offsets = [10], sizes = [1], strides = [1]} : vector<16xf32> to vector<1xf32>
          %squeeze3A_301 = vector.extract %slice3A_300[0] : f32 from vector<1xf32>
          %add3A_302 = arith.addf %add3A_299, %squeeze3A_301 : f32
          %slice3A_303 = vector.extract_strided_slice %add3A_270 {offsets = [11], sizes = [1], strides = [1]} : vector<16xf32> to vector<1xf32>
          %squeeze3A_304 = vector.extract %slice3A_303[0] : f32 from vector<1xf32>
          %add3A_305 = arith.addf %add3A_302, %squeeze3A_304 : f32
          %slice3A_306 = vector.extract_strided_slice %add3A_270 {offsets = [12], sizes = [1], strides = [1]} : vector<16xf32> to vector<1xf32>
          %squeeze3A_307 = vector.extract %slice3A_306[0] : f32 from vector<1xf32>
          %add3A_308 = arith.addf %add3A_305, %squeeze3A_307 : f32
          %slice3A_309 = vector.extract_strided_slice %add3A_270 {offsets = [13], sizes = [1], strides = [1]} : vector<16xf32> to vector<1xf32>
          %squeeze3A_310 = vector.extract %slice3A_309[0] : f32 from vector<1xf32>
          %add3A_311 = arith.addf %add3A_308, %squeeze3A_310 : f32
          %slice3A_312 = vector.extract_strided_slice %add3A_270 {offsets = [14], sizes = [1], strides = [1]} : vector<16xf32> to vector<1xf32>
          %squeeze3A_313 = vector.extract %slice3A_312[0] : f32 from vector<1xf32>
          %add3A_314 = arith.addf %add3A_311, %squeeze3A_313 : f32
          %slice3A_315 = vector.extract_strided_slice %add3A_270 {offsets = [15], sizes = [1], strides = [1]} : vector<16xf32> to vector<1xf32>
          %squeeze3A_316 = vector.extract %slice3A_315[0] : f32 from vector<1xf32>
          %add3A_317 = arith.addf %add3A_314, %squeeze3A_316 : f32
          %broadcast_in_dim3A_318 = vector.broadcast %scan3A_157 : i32 to vector<16xi32>
          %gather3A = tpu.vector_load_idx %arg18[%broadcast_in_dim3A_318] : memref<64xi32, #tpu.memory_space<vmem>>[vector<16xi32>], vector<16xi32>,
          %slice3A_319 = vector.extract_strided_slice %gather3A {offsets = [0], sizes = [1], strides = [1]} : vector<16xi32> to vector<1xi32>
          %squeeze3A_320 = vector.extract %slice3A_319[0] : i32 from vector<1xi32>
          %eq3A_321 = arith.cmpi eq, %squeeze3A_320, %squeeze3A : i32
          %add3A_322 = arith.addi %multiple_of3A_135, %scan3A_157 : i32
          %lt3A = arith.cmpi slt, %add3A_322, %squeeze3A_8 : i32
          %and3A_323 = arith.andi %eq3A_321, %lt3A : i1
          %jit3A_324 = arith.constant -1.000000e+30 : f32
          %select_n3A_325 = arith.select %and3A_323, %add3A_317, %jit3A_324 : f32
          %broadcast_in_dim3A_326 = vector.broadcast %scan3A_157 : i32 to vector<16xi32>
          %broadcast_in_dim3A_327 = vector.broadcast %select_n3A_325 : f32 to vector<16xf32>
          %eq3A_328 = arith.constant 0 : i32
          %eq3A_329 = vector.broadcast %eq3A_328 : i32 to vector<16xi32>
          %eq3A_330 = arith.cmpi eq, %iota3A, %eq3A_329 : vector<16xi32>
          tpu.vector_store_idx %arg20[%broadcast_in_dim3A_326], %broadcast_in_dim3A_327 masked %eq3A_330 : memref<64xf32, #tpu.memory_space<vmem>>[vector<16xi32>], vector<16xf32>, vector<16xi1>
          %broadcast_in_dim3A_331 = vector.broadcast %select_n3A_325 : f32 to vector<16xf32>
          %max3A_332 = arith.maximumf %scan3A_158, %broadcast_in_dim3A_331 : vector<16xf32>
          scf.yield %max3A_332 : vector<16xf32>
        }
        %scan3A_152 = arith.constant 64 : i32
        %mul3A_153 = arith.constant 22048 : i32
        %mul3A_154 = arith.muli %arg1, %mul3A_153 : i32
        %add3A_155 = arith.addi %mul3A_154, %multiple_of3A_135 : i32
        %multiple_of3A_156 = tpu.assume_multiple %add3A_155, 8 : i32
        "tpu.region"() ({
          %run_scoped3A = tpu.sem_alloc : memref<!tpu.dma_semaphore, #tpu.memory_space<semaphore_mem>>
          %dma_start3A = tpu.memref_slice %arg15[%multiple_of3A_156] : memref<352768xf32, #tpu.memory_space<hbm>> -> memref<64xf32, #tpu.memory_space<hbm>>
          %dma_start3A_157 = tpu.memref_slice %arg15[%multiple_of3A_156] : memref<352768xf32, #tpu.memory_space<hbm>> -> memref<64xf32, #tpu.memory_space<hbm>>
          tpu.enqueue_dma source(%arg20 : memref<64xf32, #tpu.memory_space<vmem>>) target(%dma_start3A_157 : memref<64xf32, #tpu.memory_space<hbm>>) target_semaphore(%run_scoped3A : memref<!tpu.dma_semaphore, #tpu.memory_space<semaphore_mem>>)
          %dma_wait3A = tpu.memref_slice %arg15[%multiple_of3A_156] : memref<352768xf32, #tpu.memory_space<hbm>> -> memref<64xf32, #tpu.memory_space<hbm>>
          %dma_wait3A_158 = tpu.memref_slice %arg15[%multiple_of3A_156] : memref<352768xf32, #tpu.memory_space<hbm>> -> memref<64xf32, #tpu.memory_space<hbm>>
          tpu.wait_dma2 semaphore(%run_scoped3A : memref<!tpu.dma_semaphore, #tpu.memory_space<semaphore_mem>>) src(%arg20 : memref<64xf32, #tpu.memory_space<vmem>>) dst(%dma_wait3A_158 : memref<64xf32, #tpu.memory_space<hbm>>)
          tpu.yield
        }) : () -> ()
        scf.yield %scan3A_151 : vector<16xf32>
      }
      %while3A_51 = arith.constant 1 : i32
      %while3A_52 = scf.for %while3A_131 = %while3A_48 to %while3A_44 step %while3A_51 iter_args(%while3A_132 = %while3A_50) -> (vector<16xf32>)  : i32 {
        %mul3A_133 = arith.constant 64 : i32
        %mul3A_134 = arith.muli %while3A_131, %mul3A_133 : i32
        %multiple_of3A_135 = tpu.assume_multiple %mul3A_134, 8 : i32
        %mul3A_136 = arith.constant 22048 : i32
        %mul3A_137 = arith.muli %arg1, %mul3A_136 : i32
        %add3A_138 = arith.addi %mul3A_137, %multiple_of3A_135 : i32
        %multiple_of3A_139 = tpu.assume_multiple %add3A_138, 8 : i32
        "tpu.region"() ({
          %run_scoped3A = tpu.sem_alloc : memref<!tpu.dma_semaphore, #tpu.memory_space<semaphore_mem>>
          %dma_start3A = tpu.memref_slice %arg6[%multiple_of3A_139] : memref<352768xi32, #tpu.memory_space<hbm>> -> memref<64xi32, #tpu.memory_space<hbm>>
          %dma_start3A_157 = tpu.memref_slice %arg6[%multiple_of3A_139] : memref<352768xi32, #tpu.memory_space<hbm>> -> memref<64xi32, #tpu.memory_space<hbm>>
          tpu.enqueue_dma source(%dma_start3A_157 : memref<64xi32, #tpu.memory_space<hbm>>) target(%arg16 : memref<64xi32, #tpu.memory_space<vmem>>) target_semaphore(%run_scoped3A : memref<!tpu.dma_semaphore, #tpu.memory_space<semaphore_mem>>)
          %dma_wait3A = tpu.memref_slice %arg6[%multiple_of3A_139] : memref<352768xi32, #tpu.memory_space<hbm>> -> memref<64xi32, #tpu.memory_space<hbm>>
          %dma_wait3A_158 = tpu.memref_slice %arg6[%multiple_of3A_139] : memref<352768xi32, #tpu.memory_space<hbm>> -> memref<64xi32, #tpu.memory_space<hbm>>
          tpu.wait_dma2 semaphore(%run_scoped3A : memref<!tpu.dma_semaphore, #tpu.memory_space<semaphore_mem>>) src(%dma_wait3A_158 : memref<64xi32, #tpu.memory_space<hbm>>) dst(%arg16 : memref<64xi32, #tpu.memory_space<vmem>>)
          tpu.yield
        }) : () -> ()
        %scan3A_140 = arith.constant 0 : i32
        %scan3A_141 = arith.constant 0 : i32
        %scan3A_142 = arith.constant 4 : i32
        %scan3A_143 = arith.addi %scan3A_141, %scan3A_142 : i32
        %scan3A_144 = arith.constant 1 : i32
        %scan3A_145 = scf.for %scan3A_157 = %scan3A_141 to %scan3A_143 step %scan3A_144 iter_args(%scan3A_158 = %scan3A_140) -> (i32)  : i32 {
          %mul3A_159 = arith.constant 16 : i32
          %mul3A_160 = arith.muli %scan3A_157, %mul3A_159 : i32
          %get3A_161 = arith.index_cast %mul3A_160 : i32 to index
          %get3A_162 = tpu.vector_load %arg16[%get3A_161] {strides = array<i32>} : memref<64xi32, #tpu.memory_space<vmem>>, vector<16xi32>,
          %jit3A_163 = arith.constant 0 : i32
          %jit3A_164 = arith.constant 319999 : i32
          %max3A_165 = vector.broadcast %jit3A_163 : i32 to vector<16xi32>
          %max3A_166 = arith.maxsi %max3A_165, %get3A_162 : vector<16xi32>
          %min3A = vector.broadcast %jit3A_164 : i32 to vector<16xi32>
          %min3A_167 = arith.minsi %min3A, %max3A_166 : vector<16xi32>
          %mul3A_168 = arith.constant 16 : i32
          %mul3A_169 = arith.muli %scan3A_157, %mul3A_168 : i32
          %swap3A_170 = arith.index_cast %mul3A_169 : i32 to index
          %swap3A_171 = tpu.vector_load %arg16[%swap3A_170] {strides = array<i32>} : memref<64xi32, #tpu.memory_space<vmem>>, vector<16xi32>,
          tpu.vector_store %arg16[%swap3A_170], %min3A_167 {strides = array<i32>} : memref<64xi32, #tpu.memory_space<vmem>>, vector<16xi32>,
          %scan3A_172 = arith.constant 0 : i32
          scf.yield %scan3A_172 : i32
        }
        %scan3A_146 = arith.constant 4 : i32
        "tpu.region"() ({
          %run_scoped3A = tpu.sem_alloc : memref<!tpu.dma_semaphore, #tpu.memory_space<semaphore_mem>>
          %dma_start3A = arith.constant 0 : i32
          %dma_start3A_157 = tpu.memref_slice %arg2[%dma_start3A] : memref<320000xi32, #tpu.memory_space<hbm>> -> memref<320000xi32, #tpu.memory_space<hbm>>
          tpu.enqueue_indirect_dma source(%dma_start3A_157 : memref<320000xi32, #tpu.memory_space<hbm>>) target(%arg17 : memref<64xi32, #tpu.memory_space<vmem>>) offsets(%arg16 : memref<64xi32, #tpu.memory_space<vmem>>) semaphore(%run_scoped3A : memref<!tpu.dma_semaphore, #tpu.memory_space<semaphore_mem>>)
          %dma_wait3A = arith.constant 0 : i32
          %dma_wait3A_158 = tpu.memref_slice %arg2[%dma_wait3A] : memref<320000xi32, #tpu.memory_space<hbm>> -> memref<320000xi32, #tpu.memory_space<hbm>>
          tpu.wait_indirect_dma semaphore(%run_scoped3A : memref<!tpu.dma_semaphore, #tpu.memory_space<semaphore_mem>>) src(%dma_wait3A_158 : memref<320000xi32, #tpu.memory_space<hbm>>) dst(%arg17 : memref<64xi32, #tpu.memory_space<vmem>>)
          tpu.yield
        }) : () -> ()
        "tpu.region"() ({
          %run_scoped3A = tpu.sem_alloc : memref<!tpu.dma_semaphore, #tpu.memory_space<semaphore_mem>>
          %dma_start3A = arith.constant 0 : i32
          %dma_start3A_157 = tpu.memref_slice %arg3[%dma_start3A] : memref<320000xi32, #tpu.memory_space<hbm>> -> memref<320000xi32, #tpu.memory_space<hbm>>
          tpu.enqueue_indirect_dma source(%dma_start3A_157 : memref<320000xi32, #tpu.memory_space<hbm>>) target(%arg18 : memref<64xi32, #tpu.memory_space<vmem>>) offsets(%arg16 : memref<64xi32, #tpu.memory_space<vmem>>) semaphore(%run_scoped3A : memref<!tpu.dma_semaphore, #tpu.memory_space<semaphore_mem>>)
          %dma_wait3A = arith.constant 0 : i32
          %dma_wait3A_158 = tpu.memref_slice %arg3[%dma_wait3A] : memref<320000xi32, #tpu.memory_space<hbm>> -> memref<320000xi32, #tpu.memory_space<hbm>>
          tpu.wait_indirect_dma semaphore(%run_scoped3A : memref<!tpu.dma_semaphore, #tpu.memory_space<semaphore_mem>>) src(%dma_wait3A_158 : memref<320000xi32, #tpu.memory_space<hbm>>) dst(%arg18 : memref<64xi32, #tpu.memory_space<vmem>>)
          tpu.yield
        }) : () -> ()
        "tpu.region"() ({
          %run_scoped3A = tpu.sem_alloc : memref<!tpu.dma_semaphore, #tpu.memory_space<semaphore_mem>>
          %dma_start3A = arith.constant 0 : i32
          %dma_start3A_157 = arith.constant 0 : i32
          %dma_start3A_158 = tpu.memref_slice %arg7[%dma_start3A, %dma_start3A_157] : memref<10000x128xf32, #tpu.memory_space<hbm>> -> memref<10000x128xf32, #tpu.memory_space<hbm>>
          tpu.enqueue_indirect_dma source(%dma_start3A_158 : memref<10000x128xf32, #tpu.memory_space<hbm>>) target(%arg19 : memref<64x128xf32, #tpu.memory_space<vmem>>) offsets(%arg17 : memref<64xi32, #tpu.memory_space<vmem>>) semaphore(%run_scoped3A : memref<!tpu.dma_semaphore, #tpu.memory_space<semaphore_mem>>)
          %dma_wait3A = arith.constant 0 : i32
          %dma_wait3A_159 = arith.constant 0 : i32
          %dma_wait3A_160 = tpu.memref_slice %arg7[%dma_wait3A, %dma_wait3A_159] : memref<10000x128xf32, #tpu.memory_space<hbm>> -> memref<10000x128xf32, #tpu.memory_space<hbm>>
          tpu.wait_indirect_dma semaphore(%run_scoped3A : memref<!tpu.dma_semaphore, #tpu.memory_space<semaphore_mem>>) src(%dma_wait3A_160 : memref<10000x128xf32, #tpu.memory_space<hbm>>) dst(%arg19 : memref<64x128xf32, #tpu.memory_space<vmem>>)
          tpu.yield
        }) : () -> ()
        %scan3A_147 = arith.constant 0 : i32
        %scan3A_148 = arith.constant 64 : i32
        %scan3A_149 = arith.addi %scan3A_147, %scan3A_148 : i32
        %scan3A_150 = arith.constant 1 : i32
        %scan3A_151 = scf.for %scan3A_157 = %scan3A_147 to %scan3A_149 step %scan3A_150 iter_args(%scan3A_158 = %while3A_132) -> (vector<16xf32>)  : i32 {
          %get3A_159 = arith.index_cast %scan3A_157 : i32 to index
          %get3A_160 = arith.constant 0 : index
          %get3A_161 = tpu.vector_load %arg19[%get3A_159, %get3A_160] {strides = array<i32>} : memref<64x128xf32, #tpu.memory_space<vmem>>, vector<16xf32>,
          %get3A_162 = arith.constant 0 : index
          %get3A_163 = tpu.vector_load %arg26[%get3A_162] {strides = array<i32>} : memref<128xf32, #tpu.memory_space<vmem>>, vector<16xf32>,
          %add3A_164 = arith.addf %get3A_161, %get3A_163 : vector<16xf32>
          %mul3A_165 = arith.constant 2.000000e-01 : f32
          %mul3A_166 = vector.broadcast %mul3A_165 : f32 to vector<16xf32>
          %mul3A_167 = arith.mulf %mul3A_166, %add3A_164 : vector<16xf32>
          %max3A_168 = arith.maximumf %add3A_164, %mul3A_167 : vector<16xf32>
          %get3A_169 = arith.constant 0 : index
          %get3A_170 = tpu.vector_load %arg24[%get3A_169] {strides = array<i32>} : memref<128xf32, #tpu.memory_space<vmem>>, vector<16xf32>,
          %mul3A_171 = arith.mulf %max3A_168, %get3A_170 : vector<16xf32>
          %add3A_172 = arith.addf %broadcast_in_dim3A_2, %mul3A_171 : vector<16xf32>
          %get3A_173 = arith.index_cast %scan3A_157 : i32 to index
          %get3A_174 = arith.constant 16 : index
          %get3A_175 = tpu.vector_load %arg19[%get3A_173, %get3A_174] {strides = array<i32>} : memref<64x128xf32, #tpu.memory_space<vmem>>, vector<16xf32>,
          %get3A_176 = arith.constant 16 : index
          %get3A_177 = tpu.vector_load %arg26[%get3A_176] {strides = array<i32>} : memref<128xf32, #tpu.memory_space<vmem>>, vector<16xf32>,
          %add3A_178 = arith.addf %get3A_175, %get3A_177 : vector<16xf32>
          %mul3A_179 = arith.constant 2.000000e-01 : f32
          %mul3A_180 = vector.broadcast %mul3A_179 : f32 to vector<16xf32>
          %mul3A_181 = arith.mulf %mul3A_180, %add3A_178 : vector<16xf32>
          %max3A_182 = arith.maximumf %add3A_178, %mul3A_181 : vector<16xf32>
          %get3A_183 = arith.constant 16 : index
          %get3A_184 = tpu.vector_load %arg24[%get3A_183] {strides = array<i32>} : memref<128xf32, #tpu.memory_space<vmem>>, vector<16xf32>,
          %mul3A_185 = arith.mulf %max3A_182, %get3A_184 : vector<16xf32>
          %add3A_186 = arith.addf %add3A_172, %mul3A_185 : vector<16xf32>
          %get3A_187 = arith.index_cast %scan3A_157 : i32 to index
          %get3A_188 = arith.constant 32 : index
          %get3A_189 = tpu.vector_load %arg19[%get3A_187, %get3A_188] {strides = array<i32>} : memref<64x128xf32, #tpu.memory_space<vmem>>, vector<16xf32>,
          %get3A_190 = arith.constant 32 : index
          %get3A_191 = tpu.vector_load %arg26[%get3A_190] {strides = array<i32>} : memref<128xf32, #tpu.memory_space<vmem>>, vector<16xf32>,
          %add3A_192 = arith.addf %get3A_189, %get3A_191 : vector<16xf32>
          %mul3A_193 = arith.constant 2.000000e-01 : f32
          %mul3A_194 = vector.broadcast %mul3A_193 : f32 to vector<16xf32>
          %mul3A_195 = arith.mulf %mul3A_194, %add3A_192 : vector<16xf32>
          %max3A_196 = arith.maximumf %add3A_192, %mul3A_195 : vector<16xf32>
          %get3A_197 = arith.constant 32 : index
          %get3A_198 = tpu.vector_load %arg24[%get3A_197] {strides = array<i32>} : memref<128xf32, #tpu.memory_space<vmem>>, vector<16xf32>,
          %mul3A_199 = arith.mulf %max3A_196, %get3A_198 : vector<16xf32>
          %add3A_200 = arith.addf %add3A_186, %mul3A_199 : vector<16xf32>
          %get3A_201 = arith.index_cast %scan3A_157 : i32 to index
          %get3A_202 = arith.constant 48 : index
          %get3A_203 = tpu.vector_load %arg19[%get3A_201, %get3A_202] {strides = array<i32>} : memref<64x128xf32, #tpu.memory_space<vmem>>, vector<16xf32>,
          %get3A_204 = arith.constant 48 : index
          %get3A_205 = tpu.vector_load %arg26[%get3A_204] {strides = array<i32>} : memref<128xf32, #tpu.memory_space<vmem>>, vector<16xf32>,
          %add3A_206 = arith.addf %get3A_203, %get3A_205 : vector<16xf32>
          %mul3A_207 = arith.constant 2.000000e-01 : f32
          %mul3A_208 = vector.broadcast %mul3A_207 : f32 to vector<16xf32>
          %mul3A_209 = arith.mulf %mul3A_208, %add3A_206 : vector<16xf32>
          %max3A_210 = arith.maximumf %add3A_206, %mul3A_209 : vector<16xf32>
          %get3A_211 = arith.constant 48 : index
          %get3A_212 = tpu.vector_load %arg24[%get3A_211] {strides = array<i32>} : memref<128xf32, #tpu.memory_space<vmem>>, vector<16xf32>,
          %mul3A_213 = arith.mulf %max3A_210, %get3A_212 : vector<16xf32>
          %add3A_214 = arith.addf %add3A_200, %mul3A_213 : vector<16xf32>
          %get3A_215 = arith.index_cast %scan3A_157 : i32 to index
          %get3A_216 = arith.constant 64 : index
          %get3A_217 = tpu.vector_load %arg19[%get3A_215, %get3A_216] {strides = array<i32>} : memref<64x128xf32, #tpu.memory_space<vmem>>, vector<16xf32>,
          %get3A_218 = arith.constant 64 : index
          %get3A_219 = tpu.vector_load %arg26[%get3A_218] {strides = array<i32>} : memref<128xf32, #tpu.memory_space<vmem>>, vector<16xf32>,
          %add3A_220 = arith.addf %get3A_217, %get3A_219 : vector<16xf32>
          %mul3A_221 = arith.constant 2.000000e-01 : f32
          %mul3A_222 = vector.broadcast %mul3A_221 : f32 to vector<16xf32>
          %mul3A_223 = arith.mulf %mul3A_222, %add3A_220 : vector<16xf32>
          %max3A_224 = arith.maximumf %add3A_220, %mul3A_223 : vector<16xf32>
          %get3A_225 = arith.constant 64 : index
          %get3A_226 = tpu.vector_load %arg24[%get3A_225] {strides = array<i32>} : memref<128xf32, #tpu.memory_space<vmem>>, vector<16xf32>,
          %mul3A_227 = arith.mulf %max3A_224, %get3A_226 : vector<16xf32>
          %add3A_228 = arith.addf %add3A_214, %mul3A_227 : vector<16xf32>
          %get3A_229 = arith.index_cast %scan3A_157 : i32 to index
          %get3A_230 = arith.constant 80 : index
          %get3A_231 = tpu.vector_load %arg19[%get3A_229, %get3A_230] {strides = array<i32>} : memref<64x128xf32, #tpu.memory_space<vmem>>, vector<16xf32>,
          %get3A_232 = arith.constant 80 : index
          %get3A_233 = tpu.vector_load %arg26[%get3A_232] {strides = array<i32>} : memref<128xf32, #tpu.memory_space<vmem>>, vector<16xf32>,
          %add3A_234 = arith.addf %get3A_231, %get3A_233 : vector<16xf32>
          %mul3A_235 = arith.constant 2.000000e-01 : f32
          %mul3A_236 = vector.broadcast %mul3A_235 : f32 to vector<16xf32>
          %mul3A_237 = arith.mulf %mul3A_236, %add3A_234 : vector<16xf32>
          %max3A_238 = arith.maximumf %add3A_234, %mul3A_237 : vector<16xf32>
          %get3A_239 = arith.constant 80 : index
          %get3A_240 = tpu.vector_load %arg24[%get3A_239] {strides = array<i32>} : memref<128xf32, #tpu.memory_space<vmem>>, vector<16xf32>,
          %mul3A_241 = arith.mulf %max3A_238, %get3A_240 : vector<16xf32>
          %add3A_242 = arith.addf %add3A_228, %mul3A_241 : vector<16xf32>
          %get3A_243 = arith.index_cast %scan3A_157 : i32 to index
          %get3A_244 = arith.constant 96 : index
          %get3A_245 = tpu.vector_load %arg19[%get3A_243, %get3A_244] {strides = array<i32>} : memref<64x128xf32, #tpu.memory_space<vmem>>, vector<16xf32>,
          %get3A_246 = arith.constant 96 : index
          %get3A_247 = tpu.vector_load %arg26[%get3A_246] {strides = array<i32>} : memref<128xf32, #tpu.memory_space<vmem>>, vector<16xf32>,
          %add3A_248 = arith.addf %get3A_245, %get3A_247 : vector<16xf32>
          %mul3A_249 = arith.constant 2.000000e-01 : f32
          %mul3A_250 = vector.broadcast %mul3A_249 : f32 to vector<16xf32>
          %mul3A_251 = arith.mulf %mul3A_250, %add3A_248 : vector<16xf32>
          %max3A_252 = arith.maximumf %add3A_248, %mul3A_251 : vector<16xf32>
          %get3A_253 = arith.constant 96 : index
          %get3A_254 = tpu.vector_load %arg24[%get3A_253] {strides = array<i32>} : memref<128xf32, #tpu.memory_space<vmem>>, vector<16xf32>,
          %mul3A_255 = arith.mulf %max3A_252, %get3A_254 : vector<16xf32>
          %add3A_256 = arith.addf %add3A_242, %mul3A_255 : vector<16xf32>
          %get3A_257 = arith.index_cast %scan3A_157 : i32 to index
          %get3A_258 = arith.constant 112 : index
          %get3A_259 = tpu.vector_load %arg19[%get3A_257, %get3A_258] {strides = array<i32>} : memref<64x128xf32, #tpu.memory_space<vmem>>, vector<16xf32>,
          %get3A_260 = arith.constant 112 : index
          %get3A_261 = tpu.vector_load %arg26[%get3A_260] {strides = array<i32>} : memref<128xf32, #tpu.memory_space<vmem>>, vector<16xf32>,
          %add3A_262 = arith.addf %get3A_259, %get3A_261 : vector<16xf32>
          %mul3A_263 = arith.constant 2.000000e-01 : f32
          %mul3A_264 = vector.broadcast %mul3A_263 : f32 to vector<16xf32>
          %mul3A_265 = arith.mulf %mul3A_264, %add3A_262 : vector<16xf32>
          %max3A_266 = arith.maximumf %add3A_262, %mul3A_265 : vector<16xf32>
          %get3A_267 = arith.constant 112 : index
          %get3A_268 = tpu.vector_load %arg24[%get3A_267] {strides = array<i32>} : memref<128xf32, #tpu.memory_space<vmem>>, vector<16xf32>,
          %mul3A_269 = arith.mulf %max3A_266, %get3A_268 : vector<16xf32>
          %add3A_270 = arith.addf %add3A_256, %mul3A_269 : vector<16xf32>
          %slice3A_271 = vector.extract_strided_slice %add3A_270 {offsets = [0], sizes = [1], strides = [1]} : vector<16xf32> to vector<1xf32>
          %squeeze3A_272 = vector.extract %slice3A_271[0] : f32 from vector<1xf32>
          %slice3A_273 = vector.extract_strided_slice %add3A_270 {offsets = [1], sizes = [1], strides = [1]} : vector<16xf32> to vector<1xf32>
          %squeeze3A_274 = vector.extract %slice3A_273[0] : f32 from vector<1xf32>
          %add3A_275 = arith.addf %squeeze3A_272, %squeeze3A_274 : f32
          %slice3A_276 = vector.extract_strided_slice %add3A_270 {offsets = [2], sizes = [1], strides = [1]} : vector<16xf32> to vector<1xf32>
          %squeeze3A_277 = vector.extract %slice3A_276[0] : f32 from vector<1xf32>
          %add3A_278 = arith.addf %add3A_275, %squeeze3A_277 : f32
          %slice3A_279 = vector.extract_strided_slice %add3A_270 {offsets = [3], sizes = [1], strides = [1]} : vector<16xf32> to vector<1xf32>
          %squeeze3A_280 = vector.extract %slice3A_279[0] : f32 from vector<1xf32>
          %add3A_281 = arith.addf %add3A_278, %squeeze3A_280 : f32
          %slice3A_282 = vector.extract_strided_slice %add3A_270 {offsets = [4], sizes = [1], strides = [1]} : vector<16xf32> to vector<1xf32>
          %squeeze3A_283 = vector.extract %slice3A_282[0] : f32 from vector<1xf32>
          %add3A_284 = arith.addf %add3A_281, %squeeze3A_283 : f32
          %slice3A_285 = vector.extract_strided_slice %add3A_270 {offsets = [5], sizes = [1], strides = [1]} : vector<16xf32> to vector<1xf32>
          %squeeze3A_286 = vector.extract %slice3A_285[0] : f32 from vector<1xf32>
          %add3A_287 = arith.addf %add3A_284, %squeeze3A_286 : f32
          %slice3A_288 = vector.extract_strided_slice %add3A_270 {offsets = [6], sizes = [1], strides = [1]} : vector<16xf32> to vector<1xf32>
          %squeeze3A_289 = vector.extract %slice3A_288[0] : f32 from vector<1xf32>
          %add3A_290 = arith.addf %add3A_287, %squeeze3A_289 : f32
          %slice3A_291 = vector.extract_strided_slice %add3A_270 {offsets = [7], sizes = [1], strides = [1]} : vector<16xf32> to vector<1xf32>
          %squeeze3A_292 = vector.extract %slice3A_291[0] : f32 from vector<1xf32>
          %add3A_293 = arith.addf %add3A_290, %squeeze3A_292 : f32
          %slice3A_294 = vector.extract_strided_slice %add3A_270 {offsets = [8], sizes = [1], strides = [1]} : vector<16xf32> to vector<1xf32>
          %squeeze3A_295 = vector.extract %slice3A_294[0] : f32 from vector<1xf32>
          %add3A_296 = arith.addf %add3A_293, %squeeze3A_295 : f32
          %slice3A_297 = vector.extract_strided_slice %add3A_270 {offsets = [9], sizes = [1], strides = [1]} : vector<16xf32> to vector<1xf32>
          %squeeze3A_298 = vector.extract %slice3A_297[0] : f32 from vector<1xf32>
          %add3A_299 = arith.addf %add3A_296, %squeeze3A_298 : f32
          %slice3A_300 = vector.extract_strided_slice %add3A_270 {offsets = [10], sizes = [1], strides = [1]} : vector<16xf32> to vector<1xf32>
          %squeeze3A_301 = vector.extract %slice3A_300[0] : f32 from vector<1xf32>
          %add3A_302 = arith.addf %add3A_299, %squeeze3A_301 : f32
          %slice3A_303 = vector.extract_strided_slice %add3A_270 {offsets = [11], sizes = [1], strides = [1]} : vector<16xf32> to vector<1xf32>
          %squeeze3A_304 = vector.extract %slice3A_303[0] : f32 from vector<1xf32>
          %add3A_305 = arith.addf %add3A_302, %squeeze3A_304 : f32
          %slice3A_306 = vector.extract_strided_slice %add3A_270 {offsets = [12], sizes = [1], strides = [1]} : vector<16xf32> to vector<1xf32>
          %squeeze3A_307 = vector.extract %slice3A_306[0] : f32 from vector<1xf32>
          %add3A_308 = arith.addf %add3A_305, %squeeze3A_307 : f32
          %slice3A_309 = vector.extract_strided_slice %add3A_270 {offsets = [13], sizes = [1], strides = [1]} : vector<16xf32> to vector<1xf32>
          %squeeze3A_310 = vector.extract %slice3A_309[0] : f32 from vector<1xf32>
          %add3A_311 = arith.addf %add3A_308, %squeeze3A_310 : f32
          %slice3A_312 = vector.extract_strided_slice %add3A_270 {offsets = [14], sizes = [1], strides = [1]} : vector<16xf32> to vector<1xf32>
          %squeeze3A_313 = vector.extract %slice3A_312[0] : f32 from vector<1xf32>
          %add3A_314 = arith.addf %add3A_311, %squeeze3A_313 : f32
          %slice3A_315 = vector.extract_strided_slice %add3A_270 {offsets = [15], sizes = [1], strides = [1]} : vector<16xf32> to vector<1xf32>
          %squeeze3A_316 = vector.extract %slice3A_315[0] : f32 from vector<1xf32>
          %add3A_317 = arith.addf %add3A_314, %squeeze3A_316 : f32
          %broadcast_in_dim3A_318 = vector.broadcast %scan3A_157 : i32 to vector<16xi32>
          %gather3A = tpu.vector_load_idx %arg18[%broadcast_in_dim3A_318] : memref<64xi32, #tpu.memory_space<vmem>>[vector<16xi32>], vector<16xi32>,
          %slice3A_319 = vector.extract_strided_slice %gather3A {offsets = [0], sizes = [1], strides = [1]} : vector<16xi32> to vector<1xi32>
          %squeeze3A_320 = vector.extract %slice3A_319[0] : i32 from vector<1xi32>
          %eq3A_321 = arith.cmpi eq, %squeeze3A_320, %squeeze3A : i32
          %add3A_322 = arith.addi %multiple_of3A_135, %scan3A_157 : i32
          %lt3A = arith.cmpi slt, %add3A_322, %squeeze3A_8 : i32
          %and3A_323 = arith.andi %eq3A_321, %lt3A : i1
          %jit3A_324 = arith.constant -1.000000e+30 : f32
          %select_n3A_325 = arith.select %and3A_323, %add3A_317, %jit3A_324 : f32
          %broadcast_in_dim3A_326 = vector.broadcast %scan3A_157 : i32 to vector<16xi32>
          %broadcast_in_dim3A_327 = vector.broadcast %select_n3A_325 : f32 to vector<16xf32>
          %eq3A_328 = arith.constant 0 : i32
          %eq3A_329 = vector.broadcast %eq3A_328 : i32 to vector<16xi32>
          %eq3A_330 = arith.cmpi eq, %iota3A, %eq3A_329 : vector<16xi32>
          tpu.vector_store_idx %arg20[%broadcast_in_dim3A_326], %broadcast_in_dim3A_327 masked %eq3A_330 : memref<64xf32, #tpu.memory_space<vmem>>[vector<16xi32>], vector<16xf32>, vector<16xi1>
          %broadcast_in_dim3A_331 = vector.broadcast %select_n3A_325 : f32 to vector<16xf32>
          %max3A_332 = arith.maximumf %scan3A_158, %broadcast_in_dim3A_331 : vector<16xf32>
          scf.yield %max3A_332 : vector<16xf32>
        }
        %scan3A_152 = arith.constant 64 : i32
        %mul3A_153 = arith.constant 22048 : i32
        %mul3A_154 = arith.muli %arg1, %mul3A_153 : i32
        %add3A_155 = arith.addi %mul3A_154, %multiple_of3A_135 : i32
        %multiple_of3A_156 = tpu.assume_multiple %add3A_155, 8 : i32
        "tpu.region"() ({
          %run_scoped3A = tpu.sem_alloc : memref<!tpu.dma_semaphore, #tpu.memory_space<semaphore_mem>>
          %dma_start3A = tpu.memref_slice %arg15[%multiple_of3A_156] : memref<352768xf32, #tpu.memory_space<hbm>> -> memref<64xf32, #tpu.memory_space<hbm>>
          %dma_start3A_157 = tpu.memref_slice %arg15[%multiple_of3A_156] : memref<352768xf32, #tpu.memory_space<hbm>> -> memref<64xf32, #tpu.memory_space<hbm>>
          tpu.enqueue_dma source(%arg20 : memref<64xf32, #tpu.memory_space<vmem>>) target(%dma_start3A_157 : memref<64xf32, #tpu.memory_space<hbm>>) target_semaphore(%run_scoped3A : memref<!tpu.dma_semaphore, #tpu.memory_space<semaphore_mem>>)
          %dma_wait3A = tpu.memref_slice %arg15[%multiple_of3A_156] : memref<352768xf32, #tpu.memory_space<hbm>> -> memref<64xf32, #tpu.memory_space<hbm>>
          %dma_wait3A_158 = tpu.memref_slice %arg15[%multiple_of3A_156] : memref<352768xf32, #tpu.memory_space<hbm>> -> memref<64xf32, #tpu.memory_space<hbm>>
          tpu.wait_dma2 semaphore(%run_scoped3A : memref<!tpu.dma_semaphore, #tpu.memory_space<semaphore_mem>>) src(%arg20 : memref<64xf32, #tpu.memory_space<vmem>>) dst(%dma_wait3A_158 : memref<64xf32, #tpu.memory_space<hbm>>)
          tpu.yield
        }) : () -> ()
        scf.yield %scan3A_151 : vector<16xf32>
      }
      %swap3A = arith.constant 0 : index
      %swap3A_53 = tpu.vector_load %arg23[%swap3A] {strides = array<i32>} : memref<16xf32, #tpu.memory_space<vmem>>, vector<16xf32>,
      tpu.vector_store %arg23[%swap3A], %while3A_52 {strides = array<i32>} : memref<16xf32, #tpu.memory_space<vmem>>, vector<16xf32>,
      %mul3A_54 = arith.constant 16 : i32
      %mul3A_55 = arith.muli %arg1, %mul3A_54 : i32
      %multiple_of3A_56 = tpu.assume_multiple %mul3A_55, 8 : i32
      "tpu.region"() ({
        %run_scoped3A = tpu.sem_alloc : memref<!tpu.dma_semaphore, #tpu.memory_space<semaphore_mem>>
        %dma_start3A = tpu.memref_slice %arg14[%multiple_of3A_56] : memref<256xf32, #tpu.memory_space<vmem_shared>> -> memref<16xf32, #tpu.memory_space<vmem_shared>>
        %dma_start3A_131 = tpu.memref_slice %arg14[%multiple_of3A_56] : memref<256xf32, #tpu.memory_space<vmem_shared>> -> memref<16xf32, #tpu.memory_space<vmem_shared>>
        tpu.enqueue_dma source(%arg23 : memref<16xf32, #tpu.memory_space<vmem>>) target(%dma_start3A_131 : memref<16xf32, #tpu.memory_space<vmem_shared>>) target_semaphore(%run_scoped3A : memref<!tpu.dma_semaphore, #tpu.memory_space<semaphore_mem>>)
        %dma_wait3A = tpu.memref_slice %arg14[%multiple_of3A_56] : memref<256xf32, #tpu.memory_space<vmem_shared>> -> memref<16xf32, #tpu.memory_space<vmem_shared>>
        %dma_wait3A_132 = tpu.memref_slice %arg14[%multiple_of3A_56] : memref<256xf32, #tpu.memory_space<vmem_shared>> -> memref<16xf32, #tpu.memory_space<vmem_shared>>
        tpu.wait_dma2 semaphore(%run_scoped3A : memref<!tpu.dma_semaphore, #tpu.memory_space<semaphore_mem>>) src(%arg23 : memref<16xf32, #tpu.memory_space<vmem>>) dst(%dma_wait3A_132 : memref<16xf32, #tpu.memory_space<vmem_shared>>)
        tpu.yield
      }) : () -> ()
      %barrier3A = arith.constant 0 : index
      tpu.barrier barrier_id(%barrier3A)
      "tpu.region"() ({
        %run_scoped3A = tpu.sem_alloc : memref<!tpu.dma_semaphore, #tpu.memory_space<semaphore_mem>>
        tpu.enqueue_dma source(%arg14 : memref<256xf32, #tpu.memory_space<vmem_shared>>) target(%arg29 : memref<256xf32, #tpu.memory_space<vmem>>) target_semaphore(%run_scoped3A : memref<!tpu.dma_semaphore, #tpu.memory_space<semaphore_mem>>)
        tpu.wait_dma2 semaphore(%run_scoped3A : memref<!tpu.dma_semaphore, #tpu.memory_space<semaphore_mem>>) src(%arg14 : memref<256xf32, #tpu.memory_space<vmem_shared>>) dst(%arg29 : memref<256xf32, #tpu.memory_space<vmem>>)
        tpu.yield
      }) : () -> ()
      %broadcast_in_dim3A_57 = arith.constant -1.000000e+30 : f32
      %broadcast_in_dim3A_58 = vector.broadcast %broadcast_in_dim3A_57 : f32 to vector<16xf32>
      %get3A_59 = arith.constant 0 : index
      %get3A_60 = tpu.vector_load %arg29[%get3A_59] {strides = array<i32>} : memref<256xf32, #tpu.memory_space<vmem>>, vector<16xf32>,
      %max3A = arith.maximumf %broadcast_in_dim3A_58, %get3A_60 : vector<16xf32>
      %get3A_61 = arith.constant 16 : index
      %get3A_62 = tpu.vector_load %arg29[%get3A_61] {strides = array<i32>} : memref<256xf32, #tpu.memory_space<vmem>>, vector<16xf32>,
      %max3A_63 = arith.maximumf %max3A, %get3A_62 : vector<16xf32>
      %get3A_64 = arith.constant 32 : index
      %get3A_65 = tpu.vector_load %arg29[%get3A_64] {strides = array<i32>} : memref<256xf32, #tpu.memory_space<vmem>>, vector<16xf32>,
      %max3A_66 = arith.maximumf %max3A_63, %get3A_65 : vector<16xf32>
      %get3A_67 = arith.constant 48 : index
      %get3A_68 = tpu.vector_load %arg29[%get3A_67] {strides = array<i32>} : memref<256xf32, #tpu.memory_space<vmem>>, vector<16xf32>,
      %max3A_69 = arith.maximumf %max3A_66, %get3A_68 : vector<16xf32>
      %get3A_70 = arith.constant 64 : index
      %get3A_71 = tpu.vector_load %arg29[%get3A_70] {strides = array<i32>} : memref<256xf32, #tpu.memory_space<vmem>>, vector<16xf32>,
      %max3A_72 = arith.maximumf %max3A_69, %get3A_71 : vector<16xf32>
      %get3A_73 = arith.constant 80 : index
      %get3A_74 = tpu.vector_load %arg29[%get3A_73] {strides = array<i32>} : memref<256xf32, #tpu.memory_space<vmem>>, vector<16xf32>,
      %max3A_75 = arith.maximumf %max3A_72, %get3A_74 : vector<16xf32>
      %get3A_76 = arith.constant 96 : index
      %get3A_77 = tpu.vector_load %arg29[%get3A_76] {strides = array<i32>} : memref<256xf32, #tpu.memory_space<vmem>>, vector<16xf32>,
      %max3A_78 = arith.maximumf %max3A_75, %get3A_77 : vector<16xf32>
      %get3A_79 = arith.constant 112 : index
      %get3A_80 = tpu.vector_load %arg29[%get3A_79] {strides = array<i32>} : memref<256xf32, #tpu.memory_space<vmem>>, vector<16xf32>,
      %max3A_81 = arith.maximumf %max3A_78, %get3A_80 : vector<16xf32>
      %get3A_82 = arith.constant 128 : index
      %get3A_83 = tpu.vector_load %arg29[%get3A_82] {strides = array<i32>} : memref<256xf32, #tpu.memory_space<vmem>>, vector<16xf32>,
      %max3A_84 = arith.maximumf %max3A_81, %get3A_83 : vector<16xf32>
      %get3A_85 = arith.constant 144 : index
      %get3A_86 = tpu.vector_load %arg29[%get3A_85] {strides = array<i32>} : memref<256xf32, #tpu.memory_space<vmem>>, vector<16xf32>,
      %max3A_87 = arith.maximumf %max3A_84, %get3A_86 : vector<16xf32>
      %get3A_88 = arith.constant 160 : index
      %get3A_89 = tpu.vector_load %arg29[%get3A_88] {strides = array<i32>} : memref<256xf32, #tpu.memory_space<vmem>>, vector<16xf32>,
      %max3A_90 = arith.maximumf %max3A_87, %get3A_89 : vector<16xf32>
      %get3A_91 = arith.constant 176 : index
      %get3A_92 = tpu.vector_load %arg29[%get3A_91] {strides = array<i32>} : memref<256xf32, #tpu.memory_space<vmem>>, vector<16xf32>,
      %max3A_93 = arith.maximumf %max3A_90, %get3A_92 : vector<16xf32>
      %get3A_94 = arith.constant 192 : index
      %get3A_95 = tpu.vector_load %arg29[%get3A_94] {strides = array<i32>} : memref<256xf32, #tpu.memory_space<vmem>>, vector<16xf32>,
      %max3A_96 = arith.maximumf %max3A_93, %get3A_95 : vector<16xf32>
      %get3A_97 = arith.constant 208 : index
      %get3A_98 = tpu.vector_load %arg29[%get3A_97] {strides = array<i32>} : memref<256xf32, #tpu.memory_space<vmem>>, vector<16xf32>,
      %max3A_99 = arith.maximumf %max3A_96, %get3A_98 : vector<16xf32>
      %get3A_100 = arith.constant 224 : index
      %get3A_101 = tpu.vector_load %arg29[%get3A_100] {strides = array<i32>} : memref<256xf32, #tpu.memory_space<vmem>>, vector<16xf32>,
      %max3A_102 = arith.maximumf %max3A_99, %get3A_101 : vector<16xf32>
      %get3A_103 = arith.constant 240 : index
      %get3A_104 = tpu.vector_load %arg29[%get3A_103] {strides = array<i32>} : memref<256xf32, #tpu.memory_space<vmem>>, vector<16xf32>,
      %max3A_105 = arith.maximumf %max3A_102, %get3A_104 : vector<16xf32>
      %while3A_106 = arith.constant 0 : i32
      %while3A_107 = arith.subi %select_n3A, %while3A_106 : i32
      %while3A_108 = arith.addi %while3A_106, %while3A_107 : i32
      %while3A_109 = arith.constant 1 : i32
      %while3A_110 = arith.divsi %while3A_107, %while3A_109 : i32
      %while3A_111 = arith.muli %while3A_110, %while3A_109 : i32
      %while3A_112 = arith.addi %while3A_106, %while3A_111 : i32
      %while3A_113 = arith.constant 1 : i32
      %while3A_114 = scf.for %while3A_131 = %while3A_106 to %while3A_112 step %while3A_113 iter_args(%while3A_132 = %broadcast_in_dim3A_2) -> (vector<16xf32>)  : i32 {
        %mul3A_133 = arith.constant 64 : i32
        %mul3A_134 = arith.muli %while3A_131, %mul3A_133 : i32
        %multiple_of3A_135 = tpu.assume_multiple %mul3A_134, 8 : i32
        %mul3A_136 = arith.constant 22048 : i32
        %mul3A_137 = arith.muli %arg1, %mul3A_136 : i32
        %add3A_138 = arith.addi %mul3A_137, %multiple_of3A_135 : i32
        %multiple_of3A_139 = tpu.assume_multiple %add3A_138, 8 : i32
        "tpu.region"() ({
          %run_scoped3A = tpu.sem_alloc : memref<!tpu.dma_semaphore, #tpu.memory_space<semaphore_mem>>
          %dma_start3A = tpu.memref_slice %arg6[%multiple_of3A_139] : memref<352768xi32, #tpu.memory_space<hbm>> -> memref<64xi32, #tpu.memory_space<hbm>>
          %dma_start3A_157 = tpu.memref_slice %arg6[%multiple_of3A_139] : memref<352768xi32, #tpu.memory_space<hbm>> -> memref<64xi32, #tpu.memory_space<hbm>>
          tpu.enqueue_dma source(%dma_start3A_157 : memref<64xi32, #tpu.memory_space<hbm>>) target(%arg16 : memref<64xi32, #tpu.memory_space<vmem>>) target_semaphore(%run_scoped3A : memref<!tpu.dma_semaphore, #tpu.memory_space<semaphore_mem>>)
          %dma_wait3A = tpu.memref_slice %arg6[%multiple_of3A_139] : memref<352768xi32, #tpu.memory_space<hbm>> -> memref<64xi32, #tpu.memory_space<hbm>>
          %dma_wait3A_158 = tpu.memref_slice %arg6[%multiple_of3A_139] : memref<352768xi32, #tpu.memory_space<hbm>> -> memref<64xi32, #tpu.memory_space<hbm>>
          tpu.wait_dma2 semaphore(%run_scoped3A : memref<!tpu.dma_semaphore, #tpu.memory_space<semaphore_mem>>) src(%dma_wait3A_158 : memref<64xi32, #tpu.memory_space<hbm>>) dst(%arg16 : memref<64xi32, #tpu.memory_space<vmem>>)
          tpu.yield
        }) : () -> ()
        %scan3A_140 = arith.constant 0 : i32
        %scan3A_141 = arith.constant 0 : i32
        %scan3A_142 = arith.constant 4 : i32
        %scan3A_143 = arith.addi %scan3A_141, %scan3A_142 : i32
        %scan3A_144 = arith.constant 1 : i32
        %scan3A_145 = scf.for %scan3A_157 = %scan3A_141 to %scan3A_143 step %scan3A_144 iter_args(%scan3A_158 = %scan3A_140) -> (i32)  : i32 {
          %mul3A_159 = arith.constant 16 : i32
          %mul3A_160 = arith.muli %scan3A_157, %mul3A_159 : i32
          %get3A_161 = arith.index_cast %mul3A_160 : i32 to index
          %get3A_162 = tpu.vector_load %arg16[%get3A_161] {strides = array<i32>} : memref<64xi32, #tpu.memory_space<vmem>>, vector<16xi32>,
          %jit3A_163 = arith.constant 0 : i32
          %jit3A_164 = arith.constant 319999 : i32
          %max3A_165 = vector.broadcast %jit3A_163 : i32 to vector<16xi32>
          %max3A_166 = arith.maxsi %max3A_165, %get3A_162 : vector<16xi32>
          %min3A = vector.broadcast %jit3A_164 : i32 to vector<16xi32>
          %min3A_167 = arith.minsi %min3A, %max3A_166 : vector<16xi32>
          %mul3A_168 = arith.constant 16 : i32
          %mul3A_169 = arith.muli %scan3A_157, %mul3A_168 : i32
          %swap3A_170 = arith.index_cast %mul3A_169 : i32 to index
          %swap3A_171 = tpu.vector_load %arg16[%swap3A_170] {strides = array<i32>} : memref<64xi32, #tpu.memory_space<vmem>>, vector<16xi32>,
          tpu.vector_store %arg16[%swap3A_170], %min3A_167 {strides = array<i32>} : memref<64xi32, #tpu.memory_space<vmem>>, vector<16xi32>,
          %scan3A_172 = arith.constant 0 : i32
          scf.yield %scan3A_172 : i32
        }
        %scan3A_146 = arith.constant 4 : i32
        "tpu.region"() ({
          %run_scoped3A = tpu.sem_alloc : memref<!tpu.dma_semaphore, #tpu.memory_space<semaphore_mem>>
          %dma_start3A = arith.constant 0 : i32
          %dma_start3A_157 = tpu.memref_slice %arg2[%dma_start3A] : memref<320000xi32, #tpu.memory_space<hbm>> -> memref<320000xi32, #tpu.memory_space<hbm>>
          tpu.enqueue_indirect_dma source(%dma_start3A_157 : memref<320000xi32, #tpu.memory_space<hbm>>) target(%arg17 : memref<64xi32, #tpu.memory_space<vmem>>) offsets(%arg16 : memref<64xi32, #tpu.memory_space<vmem>>) semaphore(%run_scoped3A : memref<!tpu.dma_semaphore, #tpu.memory_space<semaphore_mem>>)
          %dma_wait3A = arith.constant 0 : i32
          %dma_wait3A_158 = tpu.memref_slice %arg2[%dma_wait3A] : memref<320000xi32, #tpu.memory_space<hbm>> -> memref<320000xi32, #tpu.memory_space<hbm>>
          tpu.wait_indirect_dma semaphore(%run_scoped3A : memref<!tpu.dma_semaphore, #tpu.memory_space<semaphore_mem>>) src(%dma_wait3A_158 : memref<320000xi32, #tpu.memory_space<hbm>>) dst(%arg17 : memref<64xi32, #tpu.memory_space<vmem>>)
          tpu.yield
        }) : () -> ()
        %mul3A_147 = arith.constant 22048 : i32
        %mul3A_148 = arith.muli %arg1, %mul3A_147 : i32
        %add3A_149 = arith.addi %mul3A_148, %multiple_of3A_135 : i32
        %multiple_of3A_150 = tpu.assume_multiple %add3A_149, 8 : i32
        "tpu.region"() ({
          %run_scoped3A = tpu.sem_alloc : memref<!tpu.dma_semaphore, #tpu.memory_space<semaphore_mem>>
          %dma_start3A = tpu.memref_slice %arg15[%multiple_of3A_150] : memref<352768xf32, #tpu.memory_space<hbm>> -> memref<64xf32, #tpu.memory_space<hbm>>
          %dma_start3A_157 = tpu.memref_slice %arg15[%multiple_of3A_150] : memref<352768xf32, #tpu.memory_space<hbm>> -> memref<64xf32, #tpu.memory_space<hbm>>
          tpu.enqueue_dma source(%dma_start3A_157 : memref<64xf32, #tpu.memory_space<hbm>>) target(%arg20 : memref<64xf32, #tpu.memory_space<vmem>>) target_semaphore(%run_scoped3A : memref<!tpu.dma_semaphore, #tpu.memory_space<semaphore_mem>>)
          %dma_wait3A = tpu.memref_slice %arg15[%multiple_of3A_150] : memref<352768xf32, #tpu.memory_space<hbm>> -> memref<64xf32, #tpu.memory_space<hbm>>
          %dma_wait3A_158 = tpu.memref_slice %arg15[%multiple_of3A_150] : memref<352768xf32, #tpu.memory_space<hbm>> -> memref<64xf32, #tpu.memory_space<hbm>>
          tpu.wait_dma2 semaphore(%run_scoped3A : memref<!tpu.dma_semaphore, #tpu.memory_space<semaphore_mem>>) src(%dma_wait3A_158 : memref<64xf32, #tpu.memory_space<hbm>>) dst(%arg20 : memref<64xf32, #tpu.memory_space<vmem>>)
          tpu.yield
        }) : () -> ()
        "tpu.region"() ({
          %run_scoped3A = tpu.sem_alloc : memref<!tpu.dma_semaphore, #tpu.memory_space<semaphore_mem>>
          %dma_start3A = arith.constant 0 : i32
          %dma_start3A_157 = arith.constant 0 : i32
          %dma_start3A_158 = tpu.memref_slice %arg7[%dma_start3A, %dma_start3A_157] : memref<10000x128xf32, #tpu.memory_space<hbm>> -> memref<10000x128xf32, #tpu.memory_space<hbm>>
          tpu.enqueue_indirect_dma source(%dma_start3A_158 : memref<10000x128xf32, #tpu.memory_space<hbm>>) target(%arg19 : memref<64x128xf32, #tpu.memory_space<vmem>>) offsets(%arg17 : memref<64xi32, #tpu.memory_space<vmem>>) semaphore(%run_scoped3A : memref<!tpu.dma_semaphore, #tpu.memory_space<semaphore_mem>>)
          %dma_wait3A = arith.constant 0 : i32
          %dma_wait3A_159 = arith.constant 0 : i32
          %dma_wait3A_160 = tpu.memref_slice %arg7[%dma_wait3A, %dma_wait3A_159] : memref<10000x128xf32, #tpu.memory_space<hbm>> -> memref<10000x128xf32, #tpu.memory_space<hbm>>
          tpu.wait_indirect_dma semaphore(%run_scoped3A : memref<!tpu.dma_semaphore, #tpu.memory_space<semaphore_mem>>) src(%dma_wait3A_160 : memref<10000x128xf32, #tpu.memory_space<hbm>>) dst(%arg19 : memref<64x128xf32, #tpu.memory_space<vmem>>)
          tpu.yield
        }) : () -> ()
        %scan3A_151 = arith.constant 0 : i32
        %scan3A_152 = arith.constant 64 : i32
        %scan3A_153 = arith.addi %scan3A_151, %scan3A_152 : i32
        %scan3A_154 = arith.constant 1 : i32
        %scan3A_155 = scf.for %scan3A_157 = %scan3A_151 to %scan3A_153 step %scan3A_154 iter_args(%scan3A_158 = %while3A_132) -> (vector<16xf32>)  : i32 {
          %broadcast_in_dim3A_159 = vector.broadcast %scan3A_157 : i32 to vector<16xi32>
          %gather3A = tpu.vector_load_idx %arg20[%broadcast_in_dim3A_159] : memref<64xf32, #tpu.memory_space<vmem>>[vector<16xi32>], vector<16xf32>,
          %slice3A_160 = vector.extract_strided_slice %gather3A {offsets = [0], sizes = [1], strides = [1]} : vector<16xf32> to vector<1xf32>
          %squeeze3A_161 = vector.extract %slice3A_160[0] : f32 from vector<1xf32>
          %gt3A = arith.constant -5.000000e+29 : f32
          %gt3A_162 = arith.cmpf ogt, %squeeze3A_161, %gt3A : f32
          %convert_element_type3A_163 = arith.extui %gt3A_162 : i1 to i32
          %cond3A_164 = arith.constant 0 : i32
          %cond3A_165 = arith.cmpi ne, %convert_element_type3A_163, %cond3A_164 : i32
          %cond3A_166 = scf.if %cond3A_165 -> (vector<16xf32>) {
            %sub3A_167 = arith.subf %gather3A, %max3A_105 : vector<16xf32>
            %exp3A = math.exp %sub3A_167 : vector<16xf32>
            %get3A_168 = arith.constant 0 : index
            %get3A_169 = tpu.vector_load %arg27[%get3A_168] {strides = array<i32>} : memref<128xf32, #tpu.memory_space<vmem>>, vector<16xf32>,
            %get3A_170 = arith.index_cast %scan3A_157 : i32 to index
            %get3A_171 = arith.constant 0 : index
            %get3A_172 = tpu.vector_load %arg19[%get3A_170, %get3A_171] {strides = array<i32>} : memref<64x128xf32, #tpu.memory_space<vmem>>, vector<16xf32>,
            %mul3A_173 = arith.mulf %exp3A, %get3A_172 : vector<16xf32>
            %add3A_174 = arith.addf %get3A_169, %mul3A_173 : vector<16xf32>
            %swap3A_175 = arith.constant 0 : index
            %swap3A_176 = tpu.vector_load %arg27[%swap3A_175] {strides = array<i32>} : memref<128xf32, #tpu.memory_space<vmem>>, vector<16xf32>,
            tpu.vector_store %arg27[%swap3A_175], %add3A_174 {strides = array<i32>} : memref<128xf32, #tpu.memory_space<vmem>>, vector<16xf32>,
            %get3A_177 = arith.constant 16 : index
            %get3A_178 = tpu.vector_load %arg27[%get3A_177] {strides = array<i32>} : memref<128xf32, #tpu.memory_space<vmem>>, vector<16xf32>,
            %get3A_179 = arith.index_cast %scan3A_157 : i32 to index
            %get3A_180 = arith.constant 16 : index
            %get3A_181 = tpu.vector_load %arg19[%get3A_179, %get3A_180] {strides = array<i32>} : memref<64x128xf32, #tpu.memory_space<vmem>>, vector<16xf32>,
            %mul3A_182 = arith.mulf %exp3A, %get3A_181 : vector<16xf32>
            %add3A_183 = arith.addf %get3A_178, %mul3A_182 : vector<16xf32>
            %swap3A_184 = arith.constant 16 : index
            %swap3A_185 = tpu.vector_load %arg27[%swap3A_184] {strides = array<i32>} : memref<128xf32, #tpu.memory_space<vmem>>, vector<16xf32>,
            tpu.vector_store %arg27[%swap3A_184], %add3A_183 {strides = array<i32>} : memref<128xf32, #tpu.memory_space<vmem>>, vector<16xf32>,
            %get3A_186 = arith.constant 32 : index
            %get3A_187 = tpu.vector_load %arg27[%get3A_186] {strides = array<i32>} : memref<128xf32, #tpu.memory_space<vmem>>, vector<16xf32>,
            %get3A_188 = arith.index_cast %scan3A_157 : i32 to index
            %get3A_189 = arith.constant 32 : index
            %get3A_190 = tpu.vector_load %arg19[%get3A_188, %get3A_189] {strides = array<i32>} : memref<64x128xf32, #tpu.memory_space<vmem>>, vector<16xf32>,
            %mul3A_191 = arith.mulf %exp3A, %get3A_190 : vector<16xf32>
            %add3A_192 = arith.addf %get3A_187, %mul3A_191 : vector<16xf32>
            %swap3A_193 = arith.constant 32 : index
            %swap3A_194 = tpu.vector_load %arg27[%swap3A_193] {strides = array<i32>} : memref<128xf32, #tpu.memory_space<vmem>>, vector<16xf32>,
            tpu.vector_store %arg27[%swap3A_193], %add3A_192 {strides = array<i32>} : memref<128xf32, #tpu.memory_space<vmem>>, vector<16xf32>,
            %get3A_195 = arith.constant 48 : index
            %get3A_196 = tpu.vector_load %arg27[%get3A_195] {strides = array<i32>} : memref<128xf32, #tpu.memory_space<vmem>>, vector<16xf32>,
            %get3A_197 = arith.index_cast %scan3A_157 : i32 to index
            %get3A_198 = arith.constant 48 : index
            %get3A_199 = tpu.vector_load %arg19[%get3A_197, %get3A_198] {strides = array<i32>} : memref<64x128xf32, #tpu.memory_space<vmem>>, vector<16xf32>,
            %mul3A_200 = arith.mulf %exp3A, %get3A_199 : vector<16xf32>
            %add3A_201 = arith.addf %get3A_196, %mul3A_200 : vector<16xf32>
            %swap3A_202 = arith.constant 48 : index
            %swap3A_203 = tpu.vector_load %arg27[%swap3A_202] {strides = array<i32>} : memref<128xf32, #tpu.memory_space<vmem>>, vector<16xf32>,
            tpu.vector_store %arg27[%swap3A_202], %add3A_201 {strides = array<i32>} : memref<128xf32, #tpu.memory_space<vmem>>, vector<16xf32>,
            %get3A_204 = arith.constant 64 : index
            %get3A_205 = tpu.vector_load %arg27[%get3A_204] {strides = array<i32>} : memref<128xf32, #tpu.memory_space<vmem>>, vector<16xf32>,
            %get3A_206 = arith.index_cast %scan3A_157 : i32 to index
            %get3A_207 = arith.constant 64 : index
            %get3A_208 = tpu.vector_load %arg19[%get3A_206, %get3A_207] {strides = array<i32>} : memref<64x128xf32, #tpu.memory_space<vmem>>, vector<16xf32>,
            %mul3A_209 = arith.mulf %exp3A, %get3A_208 : vector<16xf32>
            %add3A_210 = arith.addf %get3A_205, %mul3A_209 : vector<16xf32>
            %swap3A_211 = arith.constant 64 : index
            %swap3A_212 = tpu.vector_load %arg27[%swap3A_211] {strides = array<i32>} : memref<128xf32, #tpu.memory_space<vmem>>, vector<16xf32>,
            tpu.vector_store %arg27[%swap3A_211], %add3A_210 {strides = array<i32>} : memref<128xf32, #tpu.memory_space<vmem>>, vector<16xf32>,
            %get3A_213 = arith.constant 80 : index
            %get3A_214 = tpu.vector_load %arg27[%get3A_213] {strides = array<i32>} : memref<128xf32, #tpu.memory_space<vmem>>, vector<16xf32>,
            %get3A_215 = arith.index_cast %scan3A_157 : i32 to index
            %get3A_216 = arith.constant 80 : index
            %get3A_217 = tpu.vector_load %arg19[%get3A_215, %get3A_216] {strides = array<i32>} : memref<64x128xf32, #tpu.memory_space<vmem>>, vector<16xf32>,
            %mul3A_218 = arith.mulf %exp3A, %get3A_217 : vector<16xf32>
            %add3A_219 = arith.addf %get3A_214, %mul3A_218 : vector<16xf32>
            %swap3A_220 = arith.constant 80 : index
            %swap3A_221 = tpu.vector_load %arg27[%swap3A_220] {strides = array<i32>} : memref<128xf32, #tpu.memory_space<vmem>>, vector<16xf32>,
            tpu.vector_store %arg27[%swap3A_220], %add3A_219 {strides = array<i32>} : memref<128xf32, #tpu.memory_space<vmem>>, vector<16xf32>,
            %get3A_222 = arith.constant 96 : index
            %get3A_223 = tpu.vector_load %arg27[%get3A_222] {strides = array<i32>} : memref<128xf32, #tpu.memory_space<vmem>>, vector<16xf32>,
            %get3A_224 = arith.index_cast %scan3A_157 : i32 to index
            %get3A_225 = arith.constant 96 : index
            %get3A_226 = tpu.vector_load %arg19[%get3A_224, %get3A_225] {strides = array<i32>} : memref<64x128xf32, #tpu.memory_space<vmem>>, vector<16xf32>,
            %mul3A_227 = arith.mulf %exp3A, %get3A_226 : vector<16xf32>
            %add3A_228 = arith.addf %get3A_223, %mul3A_227 : vector<16xf32>
            %swap3A_229 = arith.constant 96 : index
            %swap3A_230 = tpu.vector_load %arg27[%swap3A_229] {strides = array<i32>} : memref<128xf32, #tpu.memory_space<vmem>>, vector<16xf32>,
            tpu.vector_store %arg27[%swap3A_229], %add3A_228 {strides = array<i32>} : memref<128xf32, #tpu.memory_space<vmem>>, vector<16xf32>,
            %get3A_231 = arith.constant 112 : index
            %get3A_232 = tpu.vector_load %arg27[%get3A_231] {strides = array<i32>} : memref<128xf32, #tpu.memory_space<vmem>>, vector<16xf32>,
            %get3A_233 = arith.index_cast %scan3A_157 : i32 to index
            %get3A_234 = arith.constant 112 : index
            %get3A_235 = tpu.vector_load %arg19[%get3A_233, %get3A_234] {strides = array<i32>} : memref<64x128xf32, #tpu.memory_space<vmem>>, vector<16xf32>,
            %mul3A_236 = arith.mulf %exp3A, %get3A_235 : vector<16xf32>
            %add3A_237 = arith.addf %get3A_232, %mul3A_236 : vector<16xf32>
            %swap3A_238 = arith.constant 112 : index
            %swap3A_239 = tpu.vector_load %arg27[%swap3A_238] {strides = array<i32>} : memref<128xf32, #tpu.memory_space<vmem>>, vector<16xf32>,
            tpu.vector_store %arg27[%swap3A_238], %add3A_237 {strides = array<i32>} : memref<128xf32, #tpu.memory_space<vmem>>, vector<16xf32>,
            %add3A_240 = arith.addf %scan3A_158, %exp3A : vector<16xf32>
            scf.yield %add3A_240 : vector<16xf32>
          } else {
            scf.yield %scan3A_158 : vector<16xf32>
          }
          scf.yield %cond3A_166 : vector<16xf32>
        }
        %scan3A_156 = arith.constant 64 : i32
        scf.yield %scan3A_155 : vector<16xf32>
      }
      %while3A_115 = arith.constant 1 : i32
      %while3A_116 = scf.for %while3A_131 = %while3A_112 to %while3A_108 step %while3A_115 iter_args(%while3A_132 = %while3A_114) -> (vector<16xf32>)  : i32 {
        %mul3A_133 = arith.constant 64 : i32
        %mul3A_134 = arith.muli %while3A_131, %mul3A_133 : i32
        %multiple_of3A_135 = tpu.assume_multiple %mul3A_134, 8 : i32
        %mul3A_136 = arith.constant 22048 : i32
        %mul3A_137 = arith.muli %arg1, %mul3A_136 : i32
        %add3A_138 = arith.addi %mul3A_137, %multiple_of3A_135 : i32
        %multiple_of3A_139 = tpu.assume_multiple %add3A_138, 8 : i32
        "tpu.region"() ({
          %run_scoped3A = tpu.sem_alloc : memref<!tpu.dma_semaphore, #tpu.memory_space<semaphore_mem>>
          %dma_start3A = tpu.memref_slice %arg6[%multiple_of3A_139] : memref<352768xi32, #tpu.memory_space<hbm>> -> memref<64xi32, #tpu.memory_space<hbm>>
          %dma_start3A_157 = tpu.memref_slice %arg6[%multiple_of3A_139] : memref<352768xi32, #tpu.memory_space<hbm>> -> memref<64xi32, #tpu.memory_space<hbm>>
          tpu.enqueue_dma source(%dma_start3A_157 : memref<64xi32, #tpu.memory_space<hbm>>) target(%arg16 : memref<64xi32, #tpu.memory_space<vmem>>) target_semaphore(%run_scoped3A : memref<!tpu.dma_semaphore, #tpu.memory_space<semaphore_mem>>)
          %dma_wait3A = tpu.memref_slice %arg6[%multiple_of3A_139] : memref<352768xi32, #tpu.memory_space<hbm>> -> memref<64xi32, #tpu.memory_space<hbm>>
          %dma_wait3A_158 = tpu.memref_slice %arg6[%multiple_of3A_139] : memref<352768xi32, #tpu.memory_space<hbm>> -> memref<64xi32, #tpu.memory_space<hbm>>
          tpu.wait_dma2 semaphore(%run_scoped3A : memref<!tpu.dma_semaphore, #tpu.memory_space<semaphore_mem>>) src(%dma_wait3A_158 : memref<64xi32, #tpu.memory_space<hbm>>) dst(%arg16 : memref<64xi32, #tpu.memory_space<vmem>>)
          tpu.yield
        }) : () -> ()
        %scan3A_140 = arith.constant 0 : i32
        %scan3A_141 = arith.constant 0 : i32
        %scan3A_142 = arith.constant 4 : i32
        %scan3A_143 = arith.addi %scan3A_141, %scan3A_142 : i32
        %scan3A_144 = arith.constant 1 : i32
        %scan3A_145 = scf.for %scan3A_157 = %scan3A_141 to %scan3A_143 step %scan3A_144 iter_args(%scan3A_158 = %scan3A_140) -> (i32)  : i32 {
          %mul3A_159 = arith.constant 16 : i32
          %mul3A_160 = arith.muli %scan3A_157, %mul3A_159 : i32
          %get3A_161 = arith.index_cast %mul3A_160 : i32 to index
          %get3A_162 = tpu.vector_load %arg16[%get3A_161] {strides = array<i32>} : memref<64xi32, #tpu.memory_space<vmem>>, vector<16xi32>,
          %jit3A_163 = arith.constant 0 : i32
          %jit3A_164 = arith.constant 319999 : i32
          %max3A_165 = vector.broadcast %jit3A_163 : i32 to vector<16xi32>
          %max3A_166 = arith.maxsi %max3A_165, %get3A_162 : vector<16xi32>
          %min3A = vector.broadcast %jit3A_164 : i32 to vector<16xi32>
          %min3A_167 = arith.minsi %min3A, %max3A_166 : vector<16xi32>
          %mul3A_168 = arith.constant 16 : i32
          %mul3A_169 = arith.muli %scan3A_157, %mul3A_168 : i32
          %swap3A_170 = arith.index_cast %mul3A_169 : i32 to index
          %swap3A_171 = tpu.vector_load %arg16[%swap3A_170] {strides = array<i32>} : memref<64xi32, #tpu.memory_space<vmem>>, vector<16xi32>,
          tpu.vector_store %arg16[%swap3A_170], %min3A_167 {strides = array<i32>} : memref<64xi32, #tpu.memory_space<vmem>>, vector<16xi32>,
          %scan3A_172 = arith.constant 0 : i32
          scf.yield %scan3A_172 : i32
        }
        %scan3A_146 = arith.constant 4 : i32
        "tpu.region"() ({
          %run_scoped3A = tpu.sem_alloc : memref<!tpu.dma_semaphore, #tpu.memory_space<semaphore_mem>>
          %dma_start3A = arith.constant 0 : i32
          %dma_start3A_157 = tpu.memref_slice %arg2[%dma_start3A] : memref<320000xi32, #tpu.memory_space<hbm>> -> memref<320000xi32, #tpu.memory_space<hbm>>
          tpu.enqueue_indirect_dma source(%dma_start3A_157 : memref<320000xi32, #tpu.memory_space<hbm>>) target(%arg17 : memref<64xi32, #tpu.memory_space<vmem>>) offsets(%arg16 : memref<64xi32, #tpu.memory_space<vmem>>) semaphore(%run_scoped3A : memref<!tpu.dma_semaphore, #tpu.memory_space<semaphore_mem>>)
          %dma_wait3A = arith.constant 0 : i32
          %dma_wait3A_158 = tpu.memref_slice %arg2[%dma_wait3A] : memref<320000xi32, #tpu.memory_space<hbm>> -> memref<320000xi32, #tpu.memory_space<hbm>>
          tpu.wait_indirect_dma semaphore(%run_scoped3A : memref<!tpu.dma_semaphore, #tpu.memory_space<semaphore_mem>>) src(%dma_wait3A_158 : memref<320000xi32, #tpu.memory_space<hbm>>) dst(%arg17 : memref<64xi32, #tpu.memory_space<vmem>>)
          tpu.yield
        }) : () -> ()
        %mul3A_147 = arith.constant 22048 : i32
        %mul3A_148 = arith.muli %arg1, %mul3A_147 : i32
        %add3A_149 = arith.addi %mul3A_148, %multiple_of3A_135 : i32
        %multiple_of3A_150 = tpu.assume_multiple %add3A_149, 8 : i32
        "tpu.region"() ({
          %run_scoped3A = tpu.sem_alloc : memref<!tpu.dma_semaphore, #tpu.memory_space<semaphore_mem>>
          %dma_start3A = tpu.memref_slice %arg15[%multiple_of3A_150] : memref<352768xf32, #tpu.memory_space<hbm>> -> memref<64xf32, #tpu.memory_space<hbm>>
          %dma_start3A_157 = tpu.memref_slice %arg15[%multiple_of3A_150] : memref<352768xf32, #tpu.memory_space<hbm>> -> memref<64xf32, #tpu.memory_space<hbm>>
          tpu.enqueue_dma source(%dma_start3A_157 : memref<64xf32, #tpu.memory_space<hbm>>) target(%arg20 : memref<64xf32, #tpu.memory_space<vmem>>) target_semaphore(%run_scoped3A : memref<!tpu.dma_semaphore, #tpu.memory_space<semaphore_mem>>)
          %dma_wait3A = tpu.memref_slice %arg15[%multiple_of3A_150] : memref<352768xf32, #tpu.memory_space<hbm>> -> memref<64xf32, #tpu.memory_space<hbm>>
          %dma_wait3A_158 = tpu.memref_slice %arg15[%multiple_of3A_150] : memref<352768xf32, #tpu.memory_space<hbm>> -> memref<64xf32, #tpu.memory_space<hbm>>
          tpu.wait_dma2 semaphore(%run_scoped3A : memref<!tpu.dma_semaphore, #tpu.memory_space<semaphore_mem>>) src(%dma_wait3A_158 : memref<64xf32, #tpu.memory_space<hbm>>) dst(%arg20 : memref<64xf32, #tpu.memory_space<vmem>>)
          tpu.yield
        }) : () -> ()
        "tpu.region"() ({
          %run_scoped3A = tpu.sem_alloc : memref<!tpu.dma_semaphore, #tpu.memory_space<semaphore_mem>>
          %dma_start3A = arith.constant 0 : i32
          %dma_start3A_157 = arith.constant 0 : i32
          %dma_start3A_158 = tpu.memref_slice %arg7[%dma_start3A, %dma_start3A_157] : memref<10000x128xf32, #tpu.memory_space<hbm>> -> memref<10000x128xf32, #tpu.memory_space<hbm>>
          tpu.enqueue_indirect_dma source(%dma_start3A_158 : memref<10000x128xf32, #tpu.memory_space<hbm>>) target(%arg19 : memref<64x128xf32, #tpu.memory_space<vmem>>) offsets(%arg17 : memref<64xi32, #tpu.memory_space<vmem>>) semaphore(%run_scoped3A : memref<!tpu.dma_semaphore, #tpu.memory_space<semaphore_mem>>)
          %dma_wait3A = arith.constant 0 : i32
          %dma_wait3A_159 = arith.constant 0 : i32
          %dma_wait3A_160 = tpu.memref_slice %arg7[%dma_wait3A, %dma_wait3A_159] : memref<10000x128xf32, #tpu.memory_space<hbm>> -> memref<10000x128xf32, #tpu.memory_space<hbm>>
          tpu.wait_indirect_dma semaphore(%run_scoped3A : memref<!tpu.dma_semaphore, #tpu.memory_space<semaphore_mem>>) src(%dma_wait3A_160 : memref<10000x128xf32, #tpu.memory_space<hbm>>) dst(%arg19 : memref<64x128xf32, #tpu.memory_space<vmem>>)
          tpu.yield
        }) : () -> ()
        %scan3A_151 = arith.constant 0 : i32
        %scan3A_152 = arith.constant 64 : i32
        %scan3A_153 = arith.addi %scan3A_151, %scan3A_152 : i32
        %scan3A_154 = arith.constant 1 : i32
        %scan3A_155 = scf.for %scan3A_157 = %scan3A_151 to %scan3A_153 step %scan3A_154 iter_args(%scan3A_158 = %while3A_132) -> (vector<16xf32>)  : i32 {
          %broadcast_in_dim3A_159 = vector.broadcast %scan3A_157 : i32 to vector<16xi32>
          %gather3A = tpu.vector_load_idx %arg20[%broadcast_in_dim3A_159] : memref<64xf32, #tpu.memory_space<vmem>>[vector<16xi32>], vector<16xf32>,
          %slice3A_160 = vector.extract_strided_slice %gather3A {offsets = [0], sizes = [1], strides = [1]} : vector<16xf32> to vector<1xf32>
          %squeeze3A_161 = vector.extract %slice3A_160[0] : f32 from vector<1xf32>
          %gt3A = arith.constant -5.000000e+29 : f32
          %gt3A_162 = arith.cmpf ogt, %squeeze3A_161, %gt3A : f32
          %convert_element_type3A_163 = arith.extui %gt3A_162 : i1 to i32
          %cond3A_164 = arith.constant 0 : i32
          %cond3A_165 = arith.cmpi ne, %convert_element_type3A_163, %cond3A_164 : i32
          %cond3A_166 = scf.if %cond3A_165 -> (vector<16xf32>) {
            %sub3A_167 = arith.subf %gather3A, %max3A_105 : vector<16xf32>
            %exp3A = math.exp %sub3A_167 : vector<16xf32>
            %get3A_168 = arith.constant 0 : index
            %get3A_169 = tpu.vector_load %arg27[%get3A_168] {strides = array<i32>} : memref<128xf32, #tpu.memory_space<vmem>>, vector<16xf32>,
            %get3A_170 = arith.index_cast %scan3A_157 : i32 to index
            %get3A_171 = arith.constant 0 : index
            %get3A_172 = tpu.vector_load %arg19[%get3A_170, %get3A_171] {strides = array<i32>} : memref<64x128xf32, #tpu.memory_space<vmem>>, vector<16xf32>,
            %mul3A_173 = arith.mulf %exp3A, %get3A_172 : vector<16xf32>
            %add3A_174 = arith.addf %get3A_169, %mul3A_173 : vector<16xf32>
            %swap3A_175 = arith.constant 0 : index
            %swap3A_176 = tpu.vector_load %arg27[%swap3A_175] {strides = array<i32>} : memref<128xf32, #tpu.memory_space<vmem>>, vector<16xf32>,
            tpu.vector_store %arg27[%swap3A_175], %add3A_174 {strides = array<i32>} : memref<128xf32, #tpu.memory_space<vmem>>, vector<16xf32>,
            %get3A_177 = arith.constant 16 : index
            %get3A_178 = tpu.vector_load %arg27[%get3A_177] {strides = array<i32>} : memref<128xf32, #tpu.memory_space<vmem>>, vector<16xf32>,
            %get3A_179 = arith.index_cast %scan3A_157 : i32 to index
            %get3A_180 = arith.constant 16 : index
            %get3A_181 = tpu.vector_load %arg19[%get3A_179, %get3A_180] {strides = array<i32>} : memref<64x128xf32, #tpu.memory_space<vmem>>, vector<16xf32>,
            %mul3A_182 = arith.mulf %exp3A, %get3A_181 : vector<16xf32>
            %add3A_183 = arith.addf %get3A_178, %mul3A_182 : vector<16xf32>
            %swap3A_184 = arith.constant 16 : index
            %swap3A_185 = tpu.vector_load %arg27[%swap3A_184] {strides = array<i32>} : memref<128xf32, #tpu.memory_space<vmem>>, vector<16xf32>,
            tpu.vector_store %arg27[%swap3A_184], %add3A_183 {strides = array<i32>} : memref<128xf32, #tpu.memory_space<vmem>>, vector<16xf32>,
            %get3A_186 = arith.constant 32 : index
            %get3A_187 = tpu.vector_load %arg27[%get3A_186] {strides = array<i32>} : memref<128xf32, #tpu.memory_space<vmem>>, vector<16xf32>,
            %get3A_188 = arith.index_cast %scan3A_157 : i32 to index
            %get3A_189 = arith.constant 32 : index
            %get3A_190 = tpu.vector_load %arg19[%get3A_188, %get3A_189] {strides = array<i32>} : memref<64x128xf32, #tpu.memory_space<vmem>>, vector<16xf32>,
            %mul3A_191 = arith.mulf %exp3A, %get3A_190 : vector<16xf32>
            %add3A_192 = arith.addf %get3A_187, %mul3A_191 : vector<16xf32>
            %swap3A_193 = arith.constant 32 : index
            %swap3A_194 = tpu.vector_load %arg27[%swap3A_193] {strides = array<i32>} : memref<128xf32, #tpu.memory_space<vmem>>, vector<16xf32>,
            tpu.vector_store %arg27[%swap3A_193], %add3A_192 {strides = array<i32>} : memref<128xf32, #tpu.memory_space<vmem>>, vector<16xf32>,
            %get3A_195 = arith.constant 48 : index
            %get3A_196 = tpu.vector_load %arg27[%get3A_195] {strides = array<i32>} : memref<128xf32, #tpu.memory_space<vmem>>, vector<16xf32>,
            %get3A_197 = arith.index_cast %scan3A_157 : i32 to index
            %get3A_198 = arith.constant 48 : index
            %get3A_199 = tpu.vector_load %arg19[%get3A_197, %get3A_198] {strides = array<i32>} : memref<64x128xf32, #tpu.memory_space<vmem>>, vector<16xf32>,
            %mul3A_200 = arith.mulf %exp3A, %get3A_199 : vector<16xf32>
            %add3A_201 = arith.addf %get3A_196, %mul3A_200 : vector<16xf32>
            %swap3A_202 = arith.constant 48 : index
            %swap3A_203 = tpu.vector_load %arg27[%swap3A_202] {strides = array<i32>} : memref<128xf32, #tpu.memory_space<vmem>>, vector<16xf32>,
            tpu.vector_store %arg27[%swap3A_202], %add3A_201 {strides = array<i32>} : memref<128xf32, #tpu.memory_space<vmem>>, vector<16xf32>,
            %get3A_204 = arith.constant 64 : index
            %get3A_205 = tpu.vector_load %arg27[%get3A_204] {strides = array<i32>} : memref<128xf32, #tpu.memory_space<vmem>>, vector<16xf32>,
            %get3A_206 = arith.index_cast %scan3A_157 : i32 to index
            %get3A_207 = arith.constant 64 : index
            %get3A_208 = tpu.vector_load %arg19[%get3A_206, %get3A_207] {strides = array<i32>} : memref<64x128xf32, #tpu.memory_space<vmem>>, vector<16xf32>,
            %mul3A_209 = arith.mulf %exp3A, %get3A_208 : vector<16xf32>
            %add3A_210 = arith.addf %get3A_205, %mul3A_209 : vector<16xf32>
            %swap3A_211 = arith.constant 64 : index
            %swap3A_212 = tpu.vector_load %arg27[%swap3A_211] {strides = array<i32>} : memref<128xf32, #tpu.memory_space<vmem>>, vector<16xf32>,
            tpu.vector_store %arg27[%swap3A_211], %add3A_210 {strides = array<i32>} : memref<128xf32, #tpu.memory_space<vmem>>, vector<16xf32>,
            %get3A_213 = arith.constant 80 : index
            %get3A_214 = tpu.vector_load %arg27[%get3A_213] {strides = array<i32>} : memref<128xf32, #tpu.memory_space<vmem>>, vector<16xf32>,
            %get3A_215 = arith.index_cast %scan3A_157 : i32 to index
            %get3A_216 = arith.constant 80 : index
            %get3A_217 = tpu.vector_load %arg19[%get3A_215, %get3A_216] {strides = array<i32>} : memref<64x128xf32, #tpu.memory_space<vmem>>, vector<16xf32>,
            %mul3A_218 = arith.mulf %exp3A, %get3A_217 : vector<16xf32>
            %add3A_219 = arith.addf %get3A_214, %mul3A_218 : vector<16xf32>
            %swap3A_220 = arith.constant 80 : index
            %swap3A_221 = tpu.vector_load %arg27[%swap3A_220] {strides = array<i32>} : memref<128xf32, #tpu.memory_space<vmem>>, vector<16xf32>,
            tpu.vector_store %arg27[%swap3A_220], %add3A_219 {strides = array<i32>} : memref<128xf32, #tpu.memory_space<vmem>>, vector<16xf32>,
            %get3A_222 = arith.constant 96 : index
            %get3A_223 = tpu.vector_load %arg27[%get3A_222] {strides = array<i32>} : memref<128xf32, #tpu.memory_space<vmem>>, vector<16xf32>,
            %get3A_224 = arith.index_cast %scan3A_157 : i32 to index
            %get3A_225 = arith.constant 96 : index
            %get3A_226 = tpu.vector_load %arg19[%get3A_224, %get3A_225] {strides = array<i32>} : memref<64x128xf32, #tpu.memory_space<vmem>>, vector<16xf32>,
            %mul3A_227 = arith.mulf %exp3A, %get3A_226 : vector<16xf32>
            %add3A_228 = arith.addf %get3A_223, %mul3A_227 : vector<16xf32>
            %swap3A_229 = arith.constant 96 : index
            %swap3A_230 = tpu.vector_load %arg27[%swap3A_229] {strides = array<i32>} : memref<128xf32, #tpu.memory_space<vmem>>, vector<16xf32>,
            tpu.vector_store %arg27[%swap3A_229], %add3A_228 {strides = array<i32>} : memref<128xf32, #tpu.memory_space<vmem>>, vector<16xf32>,
            %get3A_231 = arith.constant 112 : index
            %get3A_232 = tpu.vector_load %arg27[%get3A_231] {strides = array<i32>} : memref<128xf32, #tpu.memory_space<vmem>>, vector<16xf32>,
            %get3A_233 = arith.index_cast %scan3A_157 : i32 to index
            %get3A_234 = arith.constant 112 : index
            %get3A_235 = tpu.vector_load %arg19[%get3A_233, %get3A_234] {strides = array<i32>} : memref<64x128xf32, #tpu.memory_space<vmem>>, vector<16xf32>,
            %mul3A_236 = arith.mulf %exp3A, %get3A_235 : vector<16xf32>
            %add3A_237 = arith.addf %get3A_232, %mul3A_236 : vector<16xf32>
            %swap3A_238 = arith.constant 112 : index
            %swap3A_239 = tpu.vector_load %arg27[%swap3A_238] {strides = array<i32>} : memref<128xf32, #tpu.memory_space<vmem>>, vector<16xf32>,
            tpu.vector_store %arg27[%swap3A_238], %add3A_237 {strides = array<i32>} : memref<128xf32, #tpu.memory_space<vmem>>, vector<16xf32>,
            %add3A_240 = arith.addf %scan3A_158, %exp3A : vector<16xf32>
            scf.yield %add3A_240 : vector<16xf32>
          } else {
            scf.yield %scan3A_158 : vector<16xf32>
          }
          scf.yield %cond3A_166 : vector<16xf32>
        }
        %scan3A_156 = arith.constant 64 : i32
        scf.yield %scan3A_155 : vector<16xf32>
      }
      %mul3A_117 = arith.constant 128 : i32
      %mul3A_118 = arith.muli %arg1, %mul3A_117 : i32
      %multiple_of3A_119 = tpu.assume_multiple %mul3A_118, 8 : i32
      "tpu.region"() ({
        %run_scoped3A = tpu.sem_alloc : memref<!tpu.dma_semaphore, #tpu.memory_space<semaphore_mem>>
        %dma_start3A = tpu.memref_slice %arg12[%multiple_of3A_119] : memref<2048xf32, #tpu.memory_space<vmem_shared>> -> memref<128xf32, #tpu.memory_space<vmem_shared>>
        %dma_start3A_131 = tpu.memref_slice %arg12[%multiple_of3A_119] : memref<2048xf32, #tpu.memory_space<vmem_shared>> -> memref<128xf32, #tpu.memory_space<vmem_shared>>
        tpu.enqueue_dma source(%arg27 : memref<128xf32, #tpu.memory_space<vmem>>) target(%dma_start3A_131 : memref<128xf32, #tpu.memory_space<vmem_shared>>) target_semaphore(%run_scoped3A : memref<!tpu.dma_semaphore, #tpu.memory_space<semaphore_mem>>)
        %dma_wait3A = tpu.memref_slice %arg12[%multiple_of3A_119] : memref<2048xf32, #tpu.memory_space<vmem_shared>> -> memref<128xf32, #tpu.memory_space<vmem_shared>>
        %dma_wait3A_132 = tpu.memref_slice %arg12[%multiple_of3A_119] : memref<2048xf32, #tpu.memory_space<vmem_shared>> -> memref<128xf32, #tpu.memory_space<vmem_shared>>
        tpu.wait_dma2 semaphore(%run_scoped3A : memref<!tpu.dma_semaphore, #tpu.memory_space<semaphore_mem>>) src(%arg27 : memref<128xf32, #tpu.memory_space<vmem>>) dst(%dma_wait3A_132 : memref<128xf32, #tpu.memory_space<vmem_shared>>)
        tpu.yield
      }) : () -> ()
      %swap3A_120 = arith.constant 0 : index
      %swap3A_121 = tpu.vector_load %arg23[%swap3A_120] {strides = array<i32>} : memref<16xf32, #tpu.memory_space<vmem>>, vector<16xf32>,
      tpu.vector_store %arg23[%swap3A_120], %while3A_116 {strides = array<i32>} : memref<16xf32, #tpu.memory_space<vmem>>, vector<16xf32>,
      %mul3A_122 = arith.constant 16 : i32
      %mul3A_123 = arith.muli %arg1, %mul3A_122 : i32
      %multiple_of3A_124 = tpu.assume_multiple %mul3A_123, 8 : i32
      "tpu.region"() ({
        %run_scoped3A = tpu.sem_alloc : memref<!tpu.dma_semaphore, #tpu.memory_space<semaphore_mem>>
        %dma_start3A = tpu.memref_slice %arg13[%multiple_of3A_124] : memref<256xf32, #tpu.memory_space<vmem_shared>> -> memref<16xf32, #tpu.memory_space<vmem_shared>>
        %dma_start3A_131 = tpu.memref_slice %arg13[%multiple_of3A_124] : memref<256xf32, #tpu.memory_space<vmem_shared>> -> memref<16xf32, #tpu.memory_space<vmem_shared>>
        tpu.enqueue_dma source(%arg23 : memref<16xf32, #tpu.memory_space<vmem>>) target(%dma_start3A_131 : memref<16xf32, #tpu.memory_space<vmem_shared>>) target_semaphore(%run_scoped3A : memref<!tpu.dma_semaphore, #tpu.memory_space<semaphore_mem>>)
        %dma_wait3A = tpu.memref_slice %arg13[%multiple_of3A_124] : memref<256xf32, #tpu.memory_space<vmem_shared>> -> memref<16xf32, #tpu.memory_space<vmem_shared>>
        %dma_wait3A_132 = tpu.memref_slice %arg13[%multiple_of3A_124] : memref<256xf32, #tpu.memory_space<vmem_shared>> -> memref<16xf32, #tpu.memory_space<vmem_shared>>
        tpu.wait_dma2 semaphore(%run_scoped3A : memref<!tpu.dma_semaphore, #tpu.memory_space<semaphore_mem>>) src(%arg23 : memref<16xf32, #tpu.memory_space<vmem>>) dst(%dma_wait3A_132 : memref<16xf32, #tpu.memory_space<vmem_shared>>)
        tpu.yield
      }) : () -> ()
      %barrier3A_125 = arith.constant 0 : index
      tpu.barrier barrier_id(%barrier3A_125)
      %eq3A_126 = arith.constant 0 : i32
      %eq3A_127 = arith.cmpi eq, %arg1, %eq3A_126 : i32
      %convert_element_type3A_128 = arith.extui %eq3A_127 : i1 to i32
      %cond3A_129 = arith.constant 0 : i32
      %cond3A_130 = arith.cmpi ne, %convert_element_type3A_128, %cond3A_129 : i32
      scf.if %cond3A_130 {
        "tpu.region"() ({
          %run_scoped3A = tpu.sem_alloc : memref<!tpu.dma_semaphore, #tpu.memory_space<semaphore_mem>>
          tpu.enqueue_dma source(%arg13 : memref<256xf32, #tpu.memory_space<vmem_shared>>) target(%arg29 : memref<256xf32, #tpu.memory_space<vmem>>) target_semaphore(%run_scoped3A : memref<!tpu.dma_semaphore, #tpu.memory_space<semaphore_mem>>)
          tpu.wait_dma2 semaphore(%run_scoped3A : memref<!tpu.dma_semaphore, #tpu.memory_space<semaphore_mem>>) src(%arg13 : memref<256xf32, #tpu.memory_space<vmem_shared>>) dst(%arg29 : memref<256xf32, #tpu.memory_space<vmem>>)
          tpu.yield
        }) : () -> ()
        "tpu.region"() ({
          %run_scoped3A = tpu.sem_alloc : memref<!tpu.dma_semaphore, #tpu.memory_space<semaphore_mem>>
          tpu.enqueue_dma source(%arg12 : memref<2048xf32, #tpu.memory_space<vmem_shared>>) target(%arg30 : memref<2048xf32, #tpu.memory_space<vmem>>) target_semaphore(%run_scoped3A : memref<!tpu.dma_semaphore, #tpu.memory_space<semaphore_mem>>)
          tpu.wait_dma2 semaphore(%run_scoped3A : memref<!tpu.dma_semaphore, #tpu.memory_space<semaphore_mem>>) src(%arg12 : memref<2048xf32, #tpu.memory_space<vmem_shared>>) dst(%arg30 : memref<2048xf32, #tpu.memory_space<vmem>>)
          tpu.yield
        }) : () -> ()
        %get3A_131 = arith.constant 0 : index
        %get3A_132 = tpu.vector_load %arg29[%get3A_131] {strides = array<i32>} : memref<256xf32, #tpu.memory_space<vmem>>, vector<16xf32>,
        %add3A_133 = arith.addf %broadcast_in_dim3A_2, %get3A_132 : vector<16xf32>
        %get3A_134 = arith.constant 16 : index
        %get3A_135 = tpu.vector_load %arg29[%get3A_134] {strides = array<i32>} : memref<256xf32, #tpu.memory_space<vmem>>, vector<16xf32>,
        %add3A_136 = arith.addf %add3A_133, %get3A_135 : vector<16xf32>
        %get3A_137 = arith.constant 32 : index
        %get3A_138 = tpu.vector_load %arg29[%get3A_137] {strides = array<i32>} : memref<256xf32, #tpu.memory_space<vmem>>, vector<16xf32>,
        %add3A_139 = arith.addf %add3A_136, %get3A_138 : vector<16xf32>
        %get3A_140 = arith.constant 48 : index
        %get3A_141 = tpu.vector_load %arg29[%get3A_140] {strides = array<i32>} : memref<256xf32, #tpu.memory_space<vmem>>, vector<16xf32>,
        %add3A_142 = arith.addf %add3A_139, %get3A_141 : vector<16xf32>
        %get3A_143 = arith.constant 64 : index
        %get3A_144 = tpu.vector_load %arg29[%get3A_143] {strides = array<i32>} : memref<256xf32, #tpu.memory_space<vmem>>, vector<16xf32>,
        %add3A_145 = arith.addf %add3A_142, %get3A_144 : vector<16xf32>
        %get3A_146 = arith.constant 80 : index
        %get3A_147 = tpu.vector_load %arg29[%get3A_146] {strides = array<i32>} : memref<256xf32, #tpu.memory_space<vmem>>, vector<16xf32>,
        %add3A_148 = arith.addf %add3A_145, %get3A_147 : vector<16xf32>
        %get3A_149 = arith.constant 96 : index
        %get3A_150 = tpu.vector_load %arg29[%get3A_149] {strides = array<i32>} : memref<256xf32, #tpu.memory_space<vmem>>, vector<16xf32>,
        %add3A_151 = arith.addf %add3A_148, %get3A_150 : vector<16xf32>
        %get3A_152 = arith.constant 112 : index
        %get3A_153 = tpu.vector_load %arg29[%get3A_152] {strides = array<i32>} : memref<256xf32, #tpu.memory_space<vmem>>, vector<16xf32>,
        %add3A_154 = arith.addf %add3A_151, %get3A_153 : vector<16xf32>
        %get3A_155 = arith.constant 128 : index
        %get3A_156 = tpu.vector_load %arg29[%get3A_155] {strides = array<i32>} : memref<256xf32, #tpu.memory_space<vmem>>, vector<16xf32>,
        %add3A_157 = arith.addf %add3A_154, %get3A_156 : vector<16xf32>
        %get3A_158 = arith.constant 144 : index
        %get3A_159 = tpu.vector_load %arg29[%get3A_158] {strides = array<i32>} : memref<256xf32, #tpu.memory_space<vmem>>, vector<16xf32>,
        %add3A_160 = arith.addf %add3A_157, %get3A_159 : vector<16xf32>
        %get3A_161 = arith.constant 160 : index
        %get3A_162 = tpu.vector_load %arg29[%get3A_161] {strides = array<i32>} : memref<256xf32, #tpu.memory_space<vmem>>, vector<16xf32>,
        %add3A_163 = arith.addf %add3A_160, %get3A_162 : vector<16xf32>
        %get3A_164 = arith.constant 176 : index
        %get3A_165 = tpu.vector_load %arg29[%get3A_164] {strides = array<i32>} : memref<256xf32, #tpu.memory_space<vmem>>, vector<16xf32>,
        %add3A_166 = arith.addf %add3A_163, %get3A_165 : vector<16xf32>
        %get3A_167 = arith.constant 192 : index
        %get3A_168 = tpu.vector_load %arg29[%get3A_167] {strides = array<i32>} : memref<256xf32, #tpu.memory_space<vmem>>, vector<16xf32>,
        %add3A_169 = arith.addf %add3A_166, %get3A_168 : vector<16xf32>
        %get3A_170 = arith.constant 208 : index
        %get3A_171 = tpu.vector_load %arg29[%get3A_170] {strides = array<i32>} : memref<256xf32, #tpu.memory_space<vmem>>, vector<16xf32>,
        %add3A_172 = arith.addf %add3A_169, %get3A_171 : vector<16xf32>
        %get3A_173 = arith.constant 224 : index
        %get3A_174 = tpu.vector_load %arg29[%get3A_173] {strides = array<i32>} : memref<256xf32, #tpu.memory_space<vmem>>, vector<16xf32>,
        %add3A_175 = arith.addf %add3A_172, %get3A_174 : vector<16xf32>
        %get3A_176 = arith.constant 240 : index
        %get3A_177 = tpu.vector_load %arg29[%get3A_176] {strides = array<i32>} : memref<256xf32, #tpu.memory_space<vmem>>, vector<16xf32>,
        %add3A_178 = arith.addf %add3A_175, %get3A_177 : vector<16xf32>
        %add3A_179 = arith.constant 9.99999971E-10 : f32
        %add3A_180 = vector.broadcast %add3A_179 : f32 to vector<16xf32>
        %add3A_181 = arith.addf %add3A_178, %add3A_180 : vector<16xf32>
        %div3A_182 = arith.constant 1.000000e+00 : f32
        %div3A_183 = vector.broadcast %div3A_182 : f32 to vector<16xf32>
        %div3A_184 = arith.divf %div3A_183, %add3A_181 : vector<16xf32>
        %scan3A_185 = arith.constant 0 : i32
        %scan3A_186 = arith.constant 0 : i32
        %scan3A_187 = arith.constant 8 : i32
        %scan3A_188 = arith.addi %scan3A_186, %scan3A_187 : i32
        %scan3A_189 = arith.constant 1 : i32
        %scan3A_190 = scf.for %scan3A_192 = %scan3A_186 to %scan3A_188 step %scan3A_189 iter_args(%scan3A_193 = %scan3A_185) -> (i32)  : i32 {
          %mul3A_194 = arith.constant 16 : i32
          %mul3A_195 = arith.muli %scan3A_192, %mul3A_194 : i32
          %add3A_196 = arith.constant 0 : i32
          %add3A_197 = arith.addi %add3A_196, %mul3A_195 : i32
          %get3A_198 = arith.index_cast %add3A_197 : i32 to index
          %get3A_199 = tpu.vector_load %arg30[%get3A_198] {strides = array<i32>} : memref<2048xf32, #tpu.memory_space<vmem>>, vector<16xf32>,
          %add3A_200 = arith.addf %broadcast_in_dim3A_2, %get3A_199 : vector<16xf32>
          %mul3A_201 = arith.constant 16 : i32
          %mul3A_202 = arith.muli %scan3A_192, %mul3A_201 : i32
          %add3A_203 = arith.constant 128 : i32
          %add3A_204 = arith.addi %add3A_203, %mul3A_202 : i32
          %get3A_205 = arith.index_cast %add3A_204 : i32 to index
          %get3A_206 = tpu.vector_load %arg30[%get3A_205] {strides = array<i32>} : memref<2048xf32, #tpu.memory_space<vmem>>, vector<16xf32>,
          %add3A_207 = arith.addf %add3A_200, %get3A_206 : vector<16xf32>
          %mul3A_208 = arith.constant 16 : i32
          %mul3A_209 = arith.muli %scan3A_192, %mul3A_208 : i32
          %add3A_210 = arith.constant 256 : i32
          %add3A_211 = arith.addi %add3A_210, %mul3A_209 : i32
          %get3A_212 = arith.index_cast %add3A_211 : i32 to index
          %get3A_213 = tpu.vector_load %arg30[%get3A_212] {strides = array<i32>} : memref<2048xf32, #tpu.memory_space<vmem>>, vector<16xf32>,
          %add3A_214 = arith.addf %add3A_207, %get3A_213 : vector<16xf32>
          %mul3A_215 = arith.constant 16 : i32
          %mul3A_216 = arith.muli %scan3A_192, %mul3A_215 : i32
          %add3A_217 = arith.constant 384 : i32
          %add3A_218 = arith.addi %add3A_217, %mul3A_216 : i32
          %get3A_219 = arith.index_cast %add3A_218 : i32 to index
          %get3A_220 = tpu.vector_load %arg30[%get3A_219] {strides = array<i32>} : memref<2048xf32, #tpu.memory_space<vmem>>, vector<16xf32>,
          %add3A_221 = arith.addf %add3A_214, %get3A_220 : vector<16xf32>
          %mul3A_222 = arith.constant 16 : i32
          %mul3A_223 = arith.muli %scan3A_192, %mul3A_222 : i32
          %add3A_224 = arith.constant 512 : i32
          %add3A_225 = arith.addi %add3A_224, %mul3A_223 : i32
          %get3A_226 = arith.index_cast %add3A_225 : i32 to index
          %get3A_227 = tpu.vector_load %arg30[%get3A_226] {strides = array<i32>} : memref<2048xf32, #tpu.memory_space<vmem>>, vector<16xf32>,
          %add3A_228 = arith.addf %add3A_221, %get3A_227 : vector<16xf32>
          %mul3A_229 = arith.constant 16 : i32
          %mul3A_230 = arith.muli %scan3A_192, %mul3A_229 : i32
          %add3A_231 = arith.constant 640 : i32
          %add3A_232 = arith.addi %add3A_231, %mul3A_230 : i32
          %get3A_233 = arith.index_cast %add3A_232 : i32 to index
          %get3A_234 = tpu.vector_load %arg30[%get3A_233] {strides = array<i32>} : memref<2048xf32, #tpu.memory_space<vmem>>, vector<16xf32>,
          %add3A_235 = arith.addf %add3A_228, %get3A_234 : vector<16xf32>
          %mul3A_236 = arith.constant 16 : i32
          %mul3A_237 = arith.muli %scan3A_192, %mul3A_236 : i32
          %add3A_238 = arith.constant 768 : i32
          %add3A_239 = arith.addi %add3A_238, %mul3A_237 : i32
          %get3A_240 = arith.index_cast %add3A_239 : i32 to index
          %get3A_241 = tpu.vector_load %arg30[%get3A_240] {strides = array<i32>} : memref<2048xf32, #tpu.memory_space<vmem>>, vector<16xf32>,
          %add3A_242 = arith.addf %add3A_235, %get3A_241 : vector<16xf32>
          %mul3A_243 = arith.constant 16 : i32
          %mul3A_244 = arith.muli %scan3A_192, %mul3A_243 : i32
          %add3A_245 = arith.constant 896 : i32
          %add3A_246 = arith.addi %add3A_245, %mul3A_244 : i32
          %get3A_247 = arith.index_cast %add3A_246 : i32 to index
          %get3A_248 = tpu.vector_load %arg30[%get3A_247] {strides = array<i32>} : memref<2048xf32, #tpu.memory_space<vmem>>, vector<16xf32>,
          %add3A_249 = arith.addf %add3A_242, %get3A_248 : vector<16xf32>
          %mul3A_250 = arith.constant 16 : i32
          %mul3A_251 = arith.muli %scan3A_192, %mul3A_250 : i32
          %add3A_252 = arith.constant 1024 : i32
          %add3A_253 = arith.addi %add3A_252, %mul3A_251 : i32
          %get3A_254 = arith.index_cast %add3A_253 : i32 to index
          %get3A_255 = tpu.vector_load %arg30[%get3A_254] {strides = array<i32>} : memref<2048xf32, #tpu.memory_space<vmem>>, vector<16xf32>,
          %add3A_256 = arith.addf %add3A_249, %get3A_255 : vector<16xf32>
          %mul3A_257 = arith.constant 16 : i32
          %mul3A_258 = arith.muli %scan3A_192, %mul3A_257 : i32
          %add3A_259 = arith.constant 1152 : i32
          %add3A_260 = arith.addi %add3A_259, %mul3A_258 : i32
          %get3A_261 = arith.index_cast %add3A_260 : i32 to index
          %get3A_262 = tpu.vector_load %arg30[%get3A_261] {strides = array<i32>} : memref<2048xf32, #tpu.memory_space<vmem>>, vector<16xf32>,
          %add3A_263 = arith.addf %add3A_256, %get3A_262 : vector<16xf32>
          %mul3A_264 = arith.constant 16 : i32
          %mul3A_265 = arith.muli %scan3A_192, %mul3A_264 : i32
          %add3A_266 = arith.constant 1280 : i32
          %add3A_267 = arith.addi %add3A_266, %mul3A_265 : i32
          %get3A_268 = arith.index_cast %add3A_267 : i32 to index
          %get3A_269 = tpu.vector_load %arg30[%get3A_268] {strides = array<i32>} : memref<2048xf32, #tpu.memory_space<vmem>>, vector<16xf32>,
          %add3A_270 = arith.addf %add3A_263, %get3A_269 : vector<16xf32>
          %mul3A_271 = arith.constant 16 : i32
          %mul3A_272 = arith.muli %scan3A_192, %mul3A_271 : i32
          %add3A_273 = arith.constant 1408 : i32
          %add3A_274 = arith.addi %add3A_273, %mul3A_272 : i32
          %get3A_275 = arith.index_cast %add3A_274 : i32 to index
          %get3A_276 = tpu.vector_load %arg30[%get3A_275] {strides = array<i32>} : memref<2048xf32, #tpu.memory_space<vmem>>, vector<16xf32>,
          %add3A_277 = arith.addf %add3A_270, %get3A_276 : vector<16xf32>
          %mul3A_278 = arith.constant 16 : i32
          %mul3A_279 = arith.muli %scan3A_192, %mul3A_278 : i32
          %add3A_280 = arith.constant 1536 : i32
          %add3A_281 = arith.addi %add3A_280, %mul3A_279 : i32
          %get3A_282 = arith.index_cast %add3A_281 : i32 to index
          %get3A_283 = tpu.vector_load %arg30[%get3A_282] {strides = array<i32>} : memref<2048xf32, #tpu.memory_space<vmem>>, vector<16xf32>,
          %add3A_284 = arith.addf %add3A_277, %get3A_283 : vector<16xf32>
          %mul3A_285 = arith.constant 16 : i32
          %mul3A_286 = arith.muli %scan3A_192, %mul3A_285 : i32
          %add3A_287 = arith.constant 1664 : i32
          %add3A_288 = arith.addi %add3A_287, %mul3A_286 : i32
          %get3A_289 = arith.index_cast %add3A_288 : i32 to index
          %get3A_290 = tpu.vector_load %arg30[%get3A_289] {strides = array<i32>} : memref<2048xf32, #tpu.memory_space<vmem>>, vector<16xf32>,
          %add3A_291 = arith.addf %add3A_284, %get3A_290 : vector<16xf32>
          %mul3A_292 = arith.constant 16 : i32
          %mul3A_293 = arith.muli %scan3A_192, %mul3A_292 : i32
          %add3A_294 = arith.constant 1792 : i32
          %add3A_295 = arith.addi %add3A_294, %mul3A_293 : i32
          %get3A_296 = arith.index_cast %add3A_295 : i32 to index
          %get3A_297 = tpu.vector_load %arg30[%get3A_296] {strides = array<i32>} : memref<2048xf32, #tpu.memory_space<vmem>>, vector<16xf32>,
          %add3A_298 = arith.addf %add3A_291, %get3A_297 : vector<16xf32>
          %mul3A_299 = arith.constant 16 : i32
          %mul3A_300 = arith.muli %scan3A_192, %mul3A_299 : i32
          %add3A_301 = arith.constant 1920 : i32
          %add3A_302 = arith.addi %add3A_301, %mul3A_300 : i32
          %get3A_303 = arith.index_cast %add3A_302 : i32 to index
          %get3A_304 = tpu.vector_load %arg30[%get3A_303] {strides = array<i32>} : memref<2048xf32, #tpu.memory_space<vmem>>, vector<16xf32>,
          %add3A_305 = arith.addf %add3A_298, %get3A_304 : vector<16xf32>
          %mul3A_306 = arith.mulf %add3A_305, %div3A_184 : vector<16xf32>
          %mul3A_307 = arith.constant 16 : i32
          %mul3A_308 = arith.muli %scan3A_192, %mul3A_307 : i32
          %get3A_309 = arith.index_cast %mul3A_308 : i32 to index
          %get3A_310 = tpu.vector_load %arg25[%get3A_309] {strides = array<i32>} : memref<128xf32, #tpu.memory_space<vmem>>, vector<16xf32>,
          %add3A_311 = arith.addf %mul3A_306, %get3A_310 : vector<16xf32>
          %mul3A_312 = arith.constant 16 : i32
          %mul3A_313 = arith.muli %scan3A_192, %mul3A_312 : i32
          %swap3A_314 = arith.index_cast %mul3A_313 : i32 to index
          %swap3A_315 = tpu.vector_load %arg27[%swap3A_314] {strides = array<i32>} : memref<128xf32, #tpu.memory_space<vmem>>, vector<16xf32>,
          tpu.vector_store %arg27[%swap3A_314], %add3A_311 {strides = array<i32>} : memref<128xf32, #tpu.memory_space<vmem>>, vector<16xf32>,
          %scan3A_316 = arith.constant 0 : i32
          scf.yield %scan3A_316 : i32
        }
        %scan3A_191 = arith.constant 8 : i32
        "tpu.region"() ({
          %run_scoped3A = tpu.sem_alloc : memref<!tpu.dma_semaphore, #tpu.memory_space<semaphore_mem>>
          tpu.enqueue_dma source(%arg27 : memref<128xf32, #tpu.memory_space<vmem>>) target(%arg11 : memref<128xf32, #tpu.memory_space<hbm>>) target_semaphore(%run_scoped3A : memref<!tpu.dma_semaphore, #tpu.memory_space<semaphore_mem>>)
          tpu.wait_dma2 semaphore(%run_scoped3A : memref<!tpu.dma_semaphore, #tpu.memory_space<semaphore_mem>>) src(%arg27 : memref<128xf32, #tpu.memory_space<vmem>>) dst(%arg11 : memref<128xf32, #tpu.memory_space<hbm>>)
          tpu.yield
        }) : () -> ()
      } else {
      }
    } else {
    }
    return
  }
}

#map = affine_map<(d0, d1) -> (0)>
#map1 = affine_map<(d0, d1) -> (0, 0)>
module attributes {stable_mosaic.version = 14 : i64} {
  func.func @sc_a(%arg0: i32, %arg1: i32, %arg2: memref<320000xi32, #tpu.memory_space<hbm>>, %arg3: memref<320000xi32, #tpu.memory_space<hbm>>, %arg4: memref<16xi32, #tpu.memory_space<hbm>>, %arg5: memref<10000x128xf32, #tpu.memory_space<hbm>>, %arg6: memref<10000x128xf32, #tpu.memory_space<hbm>>, %arg7: memref<128xf32, #tpu.memory_space<hbm>>, %arg8: memref<10000x128xf32, #tpu.memory_space<hbm>>, %arg9: memref<352768xi32, #tpu.memory_space<hbm>>, %arg10: memref<256xi32, #tpu.memory_space<hbm>>, %arg11: memref<10016x128xf32, #tpu.memory_space<vmem_shared>>, %arg12: memref<12288xi32, #tpu.memory_space<vmem_shared>>, %arg13: memref<12288xf32, #tpu.memory_space<vmem_shared>>, %arg14: memref<256xf32, #tpu.memory_space<vmem_shared>>, %arg15: memref<352768xf32, #tpu.memory_space<hbm>>, %arg16: memref<2000xi32, #tpu.memory_space<vmem>>, %arg17: memref<2000xi32, #tpu.memory_space<vmem>>, %arg18: memref<10240xi32, #tpu.memory_space<vmem>>, %arg19: memref<2064xi32, #tpu.memory_space<vmem>>, %arg20: memref<16xi32, #tpu.memory_space<vmem>>, %arg21: memref<16xi32, #tpu.memory_space<vmem>>, %arg22: memref<64xi32, #tpu.memory_space<vmem>>, %arg23: memref<64xi32, #tpu.memory_space<vmem>>, %arg24: memref<64xi32, #tpu.memory_space<vmem>>, %arg25: memref<64xi32, #tpu.memory_space<vmem>>, %arg26: memref<64xf32, #tpu.memory_space<vmem>>, %arg27: memref<64x128xf32, #tpu.memory_space<vmem>>, %arg28: memref<64x128xf32, #tpu.memory_space<vmem>>, %arg29: memref<16x128xf32, #tpu.memory_space<vmem>>, %arg30: memref<64xf32, #tpu.memory_space<vmem>>, %arg31: memref<64xf32, #tpu.memory_space<vmem>>, %arg32: memref<16xi32, #tpu.memory_space<vmem>>, %arg33: memref<128xf32, #tpu.memory_space<vmem>>, %arg34: memref<16xi32, #tpu.memory_space<vmem>>, %arg35: memref<16xf32, #tpu.memory_space<vmem>>, %arg36: memref<2048xf32, #tpu.memory_space<vmem>>, %arg37: memref<256xf32, #tpu.memory_space<vmem>>, %arg38: memref<2000xi32, #tpu.memory_space<vmem>>, %arg39: memref<128xi32, #tpu.memory_space<vmem>>, %arg40: memref<2000xi32, #tpu.memory_space<vmem>>, %arg41: memref<!tpu.dma_semaphore, #tpu.memory_space<semaphore_mem>>, %arg42: memref<!tpu.dma_semaphore, #tpu.memory_space<semaphore_mem>>) attributes {dimension_semantics = [#tpu.dimension_semantics<core_parallel>, #tpu.dimension_semantics<subcore_parallel>], iteration_bounds = array<i64: 2, 16>, scalar_prefetch = 0 : i64, scratch_operands = 32 : i64, tpu.core_type = #tpu.core_type<sc_vector_subcore>, window_params = [{transform_indices = #map}, {transform_indices = #map}, {transform_indices = #map}, {transform_indices = #map1}, {transform_indices = #map1}, {transform_indices = #map}, {transform_indices = #map1}, {transform_indices = #map}, {transform_indices = #map}]} {
    %eq3A = arith.constant 0 : i32
    %eq3A_0 = arith.cmpi eq, %arg0, %eq3A : i32
    %convert_element_type3A = arith.extui %eq3A_0 : i1 to i32
    %cond3A = arith.constant 0 : i32
    %cond3A_1 = arith.cmpi ne, %convert_element_type3A, %cond3A : i32
    scf.if %cond3A_1 {
      %iota3A = tpu.iota {dimensions = array<i32: 0>} : vector<16xi32>
      %broadcast_in_dim3A = arith.constant 0 : i32
      %broadcast_in_dim3A_2 = vector.broadcast %broadcast_in_dim3A : i32 to vector<16xi32>
      %broadcast_in_dim3A_3 = arith.constant 0.000000e+00 : f32
      %broadcast_in_dim3A_4 = vector.broadcast %broadcast_in_dim3A_3 : f32 to vector<16xf32>
      %broadcast_in_dim3A_5 = arith.constant 1 : i32
      %broadcast_in_dim3A_6 = vector.broadcast %broadcast_in_dim3A_5 : i32 to vector<16xi32>
      %mul3A = arith.constant 20000 : i32
      %mul3A_7 = arith.muli %arg1, %mul3A : i32
      "tpu.region"() ({
        %run_scoped3A = tpu.sem_alloc : memref<!tpu.dma_semaphore, #tpu.memory_space<semaphore_mem>>
        tpu.enqueue_dma source(%arg4 : memref<16xi32, #tpu.memory_space<hbm>>) target(%arg32 : memref<16xi32, #tpu.memory_space<vmem>>) target_semaphore(%run_scoped3A : memref<!tpu.dma_semaphore, #tpu.memory_space<semaphore_mem>>)
        tpu.wait_dma2 semaphore(%run_scoped3A : memref<!tpu.dma_semaphore, #tpu.memory_space<semaphore_mem>>) src(%arg4 : memref<16xi32, #tpu.memory_space<hbm>>) dst(%arg32 : memref<16xi32, #tpu.memory_space<vmem>>)
        tpu.yield
      }) : () -> ()
      "tpu.region"() ({
        %run_scoped3A = tpu.sem_alloc : memref<!tpu.dma_semaphore, #tpu.memory_space<semaphore_mem>>
        tpu.enqueue_dma source(%arg7 : memref<128xf32, #tpu.memory_space<hbm>>) target(%arg33 : memref<128xf32, #tpu.memory_space<vmem>>) target_semaphore(%run_scoped3A : memref<!tpu.dma_semaphore, #tpu.memory_space<semaphore_mem>>)
        tpu.wait_dma2 semaphore(%run_scoped3A : memref<!tpu.dma_semaphore, #tpu.memory_space<semaphore_mem>>) src(%arg7 : memref<128xf32, #tpu.memory_space<hbm>>) dst(%arg33 : memref<128xf32, #tpu.memory_space<vmem>>)
        tpu.yield
      }) : () -> ()
      %get3A = arith.constant 0 : index
      %get3A_8 = tpu.vector_load %arg32[%get3A] {strides = array<i32>} : memref<16xi32, #tpu.memory_space<vmem>>, vector<16xi32>,
      %swap3A = arith.constant 0 : index
      %swap3A_9 = tpu.vector_load %arg21[%swap3A] {strides = array<i32>} : memref<16xi32, #tpu.memory_space<vmem>>, vector<16xi32>,
      tpu.vector_store %arg21[%swap3A], %broadcast_in_dim3A_6 {strides = array<i32>} : memref<16xi32, #tpu.memory_space<vmem>>, vector<16xi32>,
      %scan3A = arith.constant 0 : i32
      %scan3A_10 = arith.constant 0 : i32
      %scan3A_11 = arith.constant 129 : i32
      %scan3A_12 = arith.addi %scan3A_10, %scan3A_11 : i32
      %scan3A_13 = arith.constant 1 : i32
      %scan3A_14 = scf.for %scan3A_215 = %scan3A_10 to %scan3A_12 step %scan3A_13 iter_args(%scan3A_216 = %scan3A) -> (i32)  : i32 {
        %mul3A_217 = arith.constant 16 : i32
        %mul3A_218 = arith.muli %scan3A_215, %mul3A_217 : i32
        %swap3A_219 = arith.index_cast %mul3A_218 : i32 to index
        %swap3A_220 = tpu.vector_load %arg19[%swap3A_219] {strides = array<i32>} : memref<2064xi32, #tpu.memory_space<vmem>>, vector<16xi32>,
        tpu.vector_store %arg19[%swap3A_219], %broadcast_in_dim3A_2 {strides = array<i32>} : memref<2064xi32, #tpu.memory_space<vmem>>, vector<16xi32>,
        %scan3A_221 = arith.constant 0 : i32
        scf.yield %scan3A_221 : i32
      }
      %scan3A_15 = arith.constant 129 : i32
      %scan3A_16 = arith.constant 0 : i32
      %scan3A_17 = arith.constant 0 : i32
      %scan3A_18 = arith.constant 128 : i32
      %scan3A_19 = arith.addi %scan3A_17, %scan3A_18 : i32
      %scan3A_20 = arith.constant 1 : i32
      %scan3A_21 = scf.for %scan3A_215 = %scan3A_17 to %scan3A_19 step %scan3A_20 iter_args(%scan3A_216 = %scan3A_16) -> (i32)  : i32 {
        %mul3A_217 = arith.constant 16 : i32
        %mul3A_218 = arith.muli %scan3A_215, %mul3A_217 : i32
        %swap3A_219 = arith.index_cast %mul3A_218 : i32 to index
        %swap3A_220 = tpu.vector_load %arg36[%swap3A_219] {strides = array<i32>} : memref<2048xf32, #tpu.memory_space<vmem>>, vector<16xf32>,
        tpu.vector_store %arg36[%swap3A_219], %broadcast_in_dim3A_4 {strides = array<i32>} : memref<2048xf32, #tpu.memory_space<vmem>>, vector<16xf32>,
        %scan3A_221 = arith.constant 0 : i32
        scf.yield %scan3A_221 : i32
      }
      %scan3A_22 = arith.constant 128 : i32
      %scan3A_23 = arith.constant 0 : i32
      %scan3A_24 = arith.constant 0 : i32
      %scan3A_25 = arith.constant 16 : i32
      %scan3A_26 = arith.addi %scan3A_24, %scan3A_25 : i32
      %scan3A_27 = arith.constant 1 : i32
      %scan3A_28 = scf.for %scan3A_215 = %scan3A_24 to %scan3A_26 step %scan3A_27 iter_args(%scan3A_216 = %scan3A_23) -> (i32)  : i32 {
        %scan3A_217 = arith.constant 0 : i32
        %scan3A_218 = arith.constant 0 : i32
        %scan3A_219 = arith.constant 8 : i32
        %scan3A_220 = arith.addi %scan3A_218, %scan3A_219 : i32
        %scan3A_221 = arith.constant 1 : i32
        %scan3A_222 = scf.for %scan3A_225 = %scan3A_218 to %scan3A_220 step %scan3A_221 iter_args(%scan3A_226 = %scan3A_217) -> (i32)  : i32 {
          %mul3A_227 = arith.constant 16 : i32
          %mul3A_228 = arith.muli %scan3A_225, %mul3A_227 : i32
          %swap3A_229 = arith.index_cast %scan3A_215 : i32 to index
          %swap3A_230 = arith.index_cast %mul3A_228 : i32 to index
          %swap3A_231 = tpu.vector_load %arg29[%swap3A_229, %swap3A_230] {strides = array<i32>} : memref<16x128xf32, #tpu.memory_space<vmem>>, vector<16xf32>,
          tpu.vector_store %arg29[%swap3A_229, %swap3A_230], %broadcast_in_dim3A_4 {strides = array<i32>} : memref<16x128xf32, #tpu.memory_space<vmem>>, vector<16xf32>,
          %scan3A_232 = arith.constant 0 : i32
          scf.yield %scan3A_232 : i32
        }
        %scan3A_223 = arith.constant 8 : i32
        %scan3A_224 = arith.constant 0 : i32
        scf.yield %scan3A_224 : i32
      }
      %scan3A_29 = arith.constant 16 : i32
      %eq3A_30 = arith.constant 0 : i32
      %eq3A_31 = arith.cmpi eq, %arg1, %eq3A_30 : i32
      %convert_element_type3A_32 = arith.extui %eq3A_31 : i1 to i32
      %cond3A_33 = arith.constant 0 : i32
      %cond3A_34 = arith.cmpi ne, %convert_element_type3A_32, %cond3A_33 : i32
      scf.if %cond3A_34 {
        %scan3A_215 = arith.constant 0 : i32
        %scan3A_216 = arith.constant 0 : i32
        %scan3A_217 = arith.constant 6 : i32
        %scan3A_218 = arith.addi %scan3A_216, %scan3A_217 : i32
        %scan3A_219 = arith.constant 1 : i32
        %scan3A_220 = scf.for %scan3A_229 = %scan3A_216 to %scan3A_218 step %scan3A_219 iter_args(%scan3A_230 = %scan3A_215) -> (i32)  : i32 {
          %mul3A_231 = arith.constant 2048 : i32
          %mul3A_232 = arith.muli %scan3A_229, %mul3A_231 : i32
          "tpu.region"() ({
            %run_scoped3A = tpu.sem_alloc : memref<!tpu.dma_semaphore, #tpu.memory_space<semaphore_mem>>
            %dma_start3A_234 = arith.constant 0 : i32
            %dma_start3A_235 = tpu.memref_slice %arg19[%dma_start3A_234] : memref<2064xi32, #tpu.memory_space<vmem>> -> memref<2048xi32, #tpu.memory_space<vmem>>
            %dma_start3A_236 = tpu.memref_slice %arg12[%mul3A_232] : memref<12288xi32, #tpu.memory_space<vmem_shared>> -> memref<2048xi32, #tpu.memory_space<vmem_shared>>
            %dma_start3A_237 = tpu.memref_slice %arg12[%mul3A_232] : memref<12288xi32, #tpu.memory_space<vmem_shared>> -> memref<2048xi32, #tpu.memory_space<vmem_shared>>
            %dma_start3A_238 = arith.constant 0 : i32
            %dma_start3A_239 = tpu.memref_slice %arg19[%dma_start3A_238] : memref<2064xi32, #tpu.memory_space<vmem>> -> memref<2048xi32, #tpu.memory_space<vmem>>
            tpu.enqueue_dma source(%dma_start3A_239 : memref<2048xi32, #tpu.memory_space<vmem>>) target(%dma_start3A_237 : memref<2048xi32, #tpu.memory_space<vmem_shared>>) target_semaphore(%run_scoped3A : memref<!tpu.dma_semaphore, #tpu.memory_space<semaphore_mem>>)
            %dma_wait3A_240 = arith.constant 0 : i32
            %dma_wait3A_241 = tpu.memref_slice %arg19[%dma_wait3A_240] : memref<2064xi32, #tpu.memory_space<vmem>> -> memref<2048xi32, #tpu.memory_space<vmem>>
            %dma_wait3A_242 = tpu.memref_slice %arg12[%mul3A_232] : memref<12288xi32, #tpu.memory_space<vmem_shared>> -> memref<2048xi32, #tpu.memory_space<vmem_shared>>
            %dma_wait3A_243 = tpu.memref_slice %arg12[%mul3A_232] : memref<12288xi32, #tpu.memory_space<vmem_shared>> -> memref<2048xi32, #tpu.memory_space<vmem_shared>>
            %dma_wait3A_244 = arith.constant 0 : i32
            %dma_wait3A_245 = tpu.memref_slice %arg19[%dma_wait3A_244] : memref<2064xi32, #tpu.memory_space<vmem>> -> memref<2048xi32, #tpu.memory_space<vmem>>
            tpu.wait_dma2 semaphore(%run_scoped3A : memref<!tpu.dma_semaphore, #tpu.memory_space<semaphore_mem>>) src(%dma_wait3A_245 : memref<2048xi32, #tpu.memory_space<vmem>>) dst(%dma_wait3A_243 : memref<2048xi32, #tpu.memory_space<vmem_shared>>)
            tpu.yield
          }) : () -> ()
          %scan3A_233 = arith.constant 0 : i32
          scf.yield %scan3A_233 : i32
        }
        %scan3A_221 = arith.constant 6 : i32
        %scan3A_222 = arith.constant 0 : i32
        %scan3A_223 = arith.constant 0 : i32
        %scan3A_224 = arith.constant 6 : i32
        %scan3A_225 = arith.addi %scan3A_223, %scan3A_224 : i32
        %scan3A_226 = arith.constant 1 : i32
        %scan3A_227 = scf.for %scan3A_229 = %scan3A_223 to %scan3A_225 step %scan3A_226 iter_args(%scan3A_230 = %scan3A_222) -> (i32)  : i32 {
          %mul3A_231 = arith.constant 2048 : i32
          %mul3A_232 = arith.muli %scan3A_229, %mul3A_231 : i32
          "tpu.region"() ({
            %run_scoped3A = tpu.sem_alloc : memref<!tpu.dma_semaphore, #tpu.memory_space<semaphore_mem>>
            %dma_start3A_234 = arith.constant 0 : i32
            %dma_start3A_235 = tpu.memref_slice %arg36[%dma_start3A_234] : memref<2048xf32, #tpu.memory_space<vmem>> -> memref<2048xf32, #tpu.memory_space<vmem>>
            %dma_start3A_236 = tpu.memref_slice %arg13[%mul3A_232] : memref<12288xf32, #tpu.memory_space<vmem_shared>> -> memref<2048xf32, #tpu.memory_space<vmem_shared>>
            %dma_start3A_237 = tpu.memref_slice %arg13[%mul3A_232] : memref<12288xf32, #tpu.memory_space<vmem_shared>> -> memref<2048xf32, #tpu.memory_space<vmem_shared>>
            %dma_start3A_238 = arith.constant 0 : i32
            %dma_start3A_239 = tpu.memref_slice %arg36[%dma_start3A_238] : memref<2048xf32, #tpu.memory_space<vmem>> -> memref<2048xf32, #tpu.memory_space<vmem>>
            tpu.enqueue_dma source(%dma_start3A_239 : memref<2048xf32, #tpu.memory_space<vmem>>) target(%dma_start3A_237 : memref<2048xf32, #tpu.memory_space<vmem_shared>>) target_semaphore(%run_scoped3A : memref<!tpu.dma_semaphore, #tpu.memory_space<semaphore_mem>>)
            %dma_wait3A_240 = arith.constant 0 : i32
            %dma_wait3A_241 = tpu.memref_slice %arg36[%dma_wait3A_240] : memref<2048xf32, #tpu.memory_space<vmem>> -> memref<2048xf32, #tpu.memory_space<vmem>>
            %dma_wait3A_242 = tpu.memref_slice %arg13[%mul3A_232] : memref<12288xf32, #tpu.memory_space<vmem_shared>> -> memref<2048xf32, #tpu.memory_space<vmem_shared>>
            %dma_wait3A_243 = tpu.memref_slice %arg13[%mul3A_232] : memref<12288xf32, #tpu.memory_space<vmem_shared>> -> memref<2048xf32, #tpu.memory_space<vmem_shared>>
            %dma_wait3A_244 = arith.constant 0 : i32
            %dma_wait3A_245 = tpu.memref_slice %arg36[%dma_wait3A_244] : memref<2048xf32, #tpu.memory_space<vmem>> -> memref<2048xf32, #tpu.memory_space<vmem>>
            tpu.wait_dma2 semaphore(%run_scoped3A : memref<!tpu.dma_semaphore, #tpu.memory_space<semaphore_mem>>) src(%dma_wait3A_245 : memref<2048xf32, #tpu.memory_space<vmem>>) dst(%dma_wait3A_243 : memref<2048xf32, #tpu.memory_space<vmem_shared>>)
            tpu.yield
          }) : () -> ()
          %scan3A_233 = arith.constant 0 : i32
          scf.yield %scan3A_233 : i32
        }
        %scan3A_228 = arith.constant 6 : i32
      } else {
      }
      %eq3A_35 = arith.constant 0 : i32
      %eq3A_36 = arith.cmpi eq, %arg1, %eq3A_35 : i32
      %convert_element_type3A_37 = arith.extui %eq3A_36 : i1 to i32
      %cond3A_38 = arith.constant 0 : i32
      %cond3A_39 = arith.cmpi ne, %convert_element_type3A_37, %cond3A_38 : i32
      scf.if %cond3A_39 {
        "tpu.region"() ({
          %run_scoped3A = tpu.sem_alloc : memref<!tpu.dma_semaphore, #tpu.memory_space<semaphore_mem>>
          %dma_start3A_215 = arith.constant 10000 : i32
          %dma_start3A_216 = arith.constant 0 : i32
          %dma_start3A_217 = tpu.memref_slice %arg11[%dma_start3A_215, %dma_start3A_216] : memref<10016x128xf32, #tpu.memory_space<vmem_shared>> -> memref<16x128xf32, #tpu.memory_space<vmem_shared>>
          %dma_start3A_218 = arith.constant 10000 : i32
          %dma_start3A_219 = arith.constant 0 : i32
          %dma_start3A_220 = tpu.memref_slice %arg11[%dma_start3A_218, %dma_start3A_219] : memref<10016x128xf32, #tpu.memory_space<vmem_shared>> -> memref<16x128xf32, #tpu.memory_space<vmem_shared>>
          tpu.enqueue_dma source(%arg29 : memref<16x128xf32, #tpu.memory_space<vmem>>) target(%dma_start3A_220 : memref<16x128xf32, #tpu.memory_space<vmem_shared>>) target_semaphore(%run_scoped3A : memref<!tpu.dma_semaphore, #tpu.memory_space<semaphore_mem>>)
          %dma_wait3A_221 = arith.constant 10000 : i32
          %dma_wait3A_222 = arith.constant 0 : i32
          %dma_wait3A_223 = tpu.memref_slice %arg11[%dma_wait3A_221, %dma_wait3A_222] : memref<10016x128xf32, #tpu.memory_space<vmem_shared>> -> memref<16x128xf32, #tpu.memory_space<vmem_shared>>
          %dma_wait3A_224 = arith.constant 10000 : i32
          %dma_wait3A_225 = arith.constant 0 : i32
          %dma_wait3A_226 = tpu.memref_slice %arg11[%dma_wait3A_224, %dma_wait3A_225] : memref<10016x128xf32, #tpu.memory_space<vmem_shared>> -> memref<16x128xf32, #tpu.memory_space<vmem_shared>>
          tpu.wait_dma2 semaphore(%run_scoped3A : memref<!tpu.dma_semaphore, #tpu.memory_space<semaphore_mem>>) src(%arg29 : memref<16x128xf32, #tpu.memory_space<vmem>>) dst(%dma_wait3A_226 : memref<16x128xf32, #tpu.memory_space<vmem_shared>>)
          tpu.yield
        }) : () -> ()
      } else {
      }
      %barrier3A = arith.constant 0 : index
      tpu.barrier barrier_id(%barrier3A)
      %broadcast_in_dim3A_40 = arith.constant false
      %broadcast_in_dim3A_41 = vector.broadcast %broadcast_in_dim3A_40 : i1 to vector<16xi1>
      %add3A = arith.constant 0 : i32
      %add3A_42 = arith.addi %mul3A_7, %add3A : i32
      %multiple_of3A = tpu.assume_multiple %add3A_42, 8 : i32
      %dma_start3A = tpu.memref_slice %arg3[%multiple_of3A] : memref<320000xi32, #tpu.memory_space<hbm>> -> memref<2000xi32, #tpu.memory_space<hbm>>
      %dma_start3A_43 = tpu.memref_slice %arg3[%multiple_of3A] : memref<320000xi32, #tpu.memory_space<hbm>> -> memref<2000xi32, #tpu.memory_space<hbm>>
      tpu.enqueue_dma source(%dma_start3A_43 : memref<2000xi32, #tpu.memory_space<hbm>>) target(%arg16 : memref<2000xi32, #tpu.memory_space<vmem>>) target_semaphore(%arg41 : memref<!tpu.dma_semaphore, #tpu.memory_space<semaphore_mem>>)
      %scan3A_44 = arith.constant 0 : i32
      %scan3A_45 = arith.constant 0 : i32
      %scan3A_46 = arith.constant 5 : i32
      %scan3A_47 = arith.addi %scan3A_45, %scan3A_46 : i32
      %scan3A_48 = arith.constant 1 : i32
      %scan3A_49 = scf.for %scan3A_215 = %scan3A_45 to %scan3A_47 step %scan3A_48 iter_args(%scan3A_216 = %scan3A_44) -> (i32)  : i32 {
        %dma_wait3A_217 = arith.constant 0 : i32
        %dma_wait3A_218 = tpu.memref_slice %arg3[%dma_wait3A_217] : memref<320000xi32, #tpu.memory_space<hbm>> -> memref<2000xi32, #tpu.memory_space<hbm>>
        %dma_wait3A_219 = arith.constant 0 : i32
        %dma_wait3A_220 = tpu.memref_slice %arg3[%dma_wait3A_219] : memref<320000xi32, #tpu.memory_space<hbm>> -> memref<2000xi32, #tpu.memory_space<hbm>>
        tpu.wait_dma2 semaphore(%arg41 : memref<!tpu.dma_semaphore, #tpu.memory_space<semaphore_mem>>) src(%dma_wait3A_220 : memref<2000xi32, #tpu.memory_space<hbm>>) dst(%arg16 : memref<2000xi32, #tpu.memory_space<vmem>>)
        %mul3A_221 = arith.constant 2 : i32
        %mul3A_222 = arith.muli %mul3A_221, %scan3A_215 : i32
        %add3A_223 = arith.constant 1 : i32
        %add3A_224 = arith.addi %mul3A_222, %add3A_223 : i32
        %jit3A_225 = arith.constant 10 : i32
        %eq3A_226 = arith.constant 0 : i32
        %eq3A_227 = arith.cmpi eq, %jit3A_225, %eq3A_226 : i32
        %jit3A_228 = arith.constant 1 : i32
        %select_n3A_229 = arith.select %eq3A_227, %jit3A_228, %jit3A_225 : i32
        %rem3A_230 = arith.remsi %add3A_224, %select_n3A_229 : i32
        %ne3A_231 = arith.constant 0 : i32
        %ne3A_232 = arith.cmpi ne, %rem3A_230, %ne3A_231 : i32
        %lt3A = arith.constant 0 : i32
        %lt3A_233 = arith.cmpi slt, %rem3A_230, %lt3A : i32
        %lt3A_234 = arith.constant 0 : i32
        %lt3A_235 = arith.cmpi slt, %select_n3A_229, %lt3A_234 : i32
        %ne3A_236 = arith.xori %lt3A_233, %lt3A_235 : i1
        %and3A_237 = arith.andi %ne3A_236, %ne3A_232 : i1
        %add3A_238 = arith.addi %rem3A_230, %select_n3A_229 : i32
        %select_n3A_239 = arith.select %and3A_237, %add3A_238, %rem3A_230 : i32
        %mul3A_240 = arith.constant 2000 : i32
        %mul3A_241 = arith.muli %select_n3A_239, %mul3A_240 : i32
        %add3A_242 = arith.addi %mul3A_7, %mul3A_241 : i32
        %multiple_of3A_243 = tpu.assume_multiple %add3A_242, 8 : i32
        %dma_start3A_244 = tpu.memref_slice %arg3[%multiple_of3A_243] : memref<320000xi32, #tpu.memory_space<hbm>> -> memref<2000xi32, #tpu.memory_space<hbm>>
        %dma_start3A_245 = tpu.memref_slice %arg3[%multiple_of3A_243] : memref<320000xi32, #tpu.memory_space<hbm>> -> memref<2000xi32, #tpu.memory_space<hbm>>
        tpu.enqueue_dma source(%dma_start3A_245 : memref<2000xi32, #tpu.memory_space<hbm>>) target(%arg40 : memref<2000xi32, #tpu.memory_space<vmem>>) target_semaphore(%arg42 : memref<!tpu.dma_semaphore, #tpu.memory_space<semaphore_mem>>)
        %mul3A_246 = arith.constant 2 : i32
        %mul3A_247 = arith.muli %mul3A_246, %scan3A_215 : i32
        %mul3A_248 = arith.constant 2000 : i32
        %mul3A_249 = arith.muli %mul3A_247, %mul3A_248 : i32
        %add3A_250 = arith.addi %mul3A_7, %mul3A_249 : i32
        %multiple_of3A_251 = tpu.assume_multiple %add3A_250, 8 : i32
        %scan3A_252 = arith.constant 0 : i32
        %scan3A_253 = arith.constant 125 : i32
        %scan3A_254 = arith.addi %scan3A_252, %scan3A_253 : i32
        %scan3A_255 = arith.constant 1 : i32
        %scan3A_256 = scf.for %scan3A_315 = %scan3A_252 to %scan3A_254 step %scan3A_255 iter_args(%scan3A_316 = %broadcast_in_dim3A_41) -> (vector<16xi1>)  : i32 {
          %mul3A_317 = arith.constant 16 : i32
          %mul3A_318 = arith.muli %scan3A_315, %mul3A_317 : i32
          %get3A_319 = arith.index_cast %mul3A_318 : i32 to index
          %get3A_320 = tpu.vector_load %arg16[%get3A_319] {strides = array<i32>} : memref<2000xi32, #tpu.memory_space<vmem>>, vector<16xi32>,
          %eq3A_321 = arith.cmpi eq, %get3A_320, %get3A_8 : vector<16xi32>
          %or3A = arith.ori %scan3A_316, %eq3A_321 : vector<16xi1>
          scf.yield %or3A : vector<16xi1>
        }
        %scan3A_257 = arith.constant 125 : i32
        %all_reduce_population_count3A = tpu.all_reduce %scan3A_256 {dim = 0 : i64, kind = #tpu.reduction_kind<sum>} : vector<16xi1> -> vector<16xi32>
        %slice3A = vector.extract_strided_slice %all_reduce_population_count3A {offsets = [0], sizes = [1], strides = [1]} : vector<16xi32> to vector<1xi32>
        %squeeze3A = vector.extract %slice3A[0] : i32 from vector<1xi32>
        %gt3A = arith.constant 0 : i32
        %gt3A_258 = arith.cmpi sgt, %squeeze3A, %gt3A : i32
        %convert_element_type3A_259 = arith.extui %gt3A_258 : i1 to i32
        %cond3A_260 = arith.constant 0 : i32
        %cond3A_261 = arith.cmpi ne, %convert_element_type3A_259, %cond3A_260 : i32
        scf.if %cond3A_261 {
          "tpu.region"() ({
            %run_scoped3A = tpu.sem_alloc : memref<!tpu.dma_semaphore, #tpu.memory_space<semaphore_mem>>
            %dma_start3A_322 = tpu.memref_slice %arg2[%multiple_of3A_251] : memref<320000xi32, #tpu.memory_space<hbm>> -> memref<2000xi32, #tpu.memory_space<hbm>>
            %dma_start3A_323 = tpu.memref_slice %arg2[%multiple_of3A_251] : memref<320000xi32, #tpu.memory_space<hbm>> -> memref<2000xi32, #tpu.memory_space<hbm>>
            tpu.enqueue_dma source(%dma_start3A_323 : memref<2000xi32, #tpu.memory_space<hbm>>) target(%arg17 : memref<2000xi32, #tpu.memory_space<vmem>>) target_semaphore(%run_scoped3A : memref<!tpu.dma_semaphore, #tpu.memory_space<semaphore_mem>>)
            %dma_wait3A_324 = tpu.memref_slice %arg2[%multiple_of3A_251] : memref<320000xi32, #tpu.memory_space<hbm>> -> memref<2000xi32, #tpu.memory_space<hbm>>
            %dma_wait3A_325 = tpu.memref_slice %arg2[%multiple_of3A_251] : memref<320000xi32, #tpu.memory_space<hbm>> -> memref<2000xi32, #tpu.memory_space<hbm>>
            tpu.wait_dma2 semaphore(%run_scoped3A : memref<!tpu.dma_semaphore, #tpu.memory_space<semaphore_mem>>) src(%dma_wait3A_325 : memref<2000xi32, #tpu.memory_space<hbm>>) dst(%arg17 : memref<2000xi32, #tpu.memory_space<vmem>>)
            tpu.yield
          }) : () -> ()
          %scan3A_315 = arith.constant 0 : i32
          %scan3A_316 = arith.constant 0 : i32
          %scan3A_317 = arith.constant 125 : i32
          %scan3A_318 = arith.addi %scan3A_316, %scan3A_317 : i32
          %scan3A_319 = arith.constant 1 : i32
          %scan3A_320 = scf.for %scan3A_322 = %scan3A_316 to %scan3A_318 step %scan3A_319 iter_args(%scan3A_323 = %scan3A_315) -> (i32)  : i32 {
            %mul3A_324 = arith.constant 16 : i32
            %mul3A_325 = arith.muli %scan3A_322, %mul3A_324 : i32
            %get3A_326 = arith.index_cast %mul3A_325 : i32 to index
            %get3A_327 = tpu.vector_load %arg16[%get3A_326] {strides = array<i32>} : memref<2000xi32, #tpu.memory_space<vmem>>, vector<16xi32>,
            %eq3A_328 = arith.cmpi eq, %get3A_327, %get3A_8 : vector<16xi32>
            %all_reduce_population_count3A_329 = tpu.all_reduce %eq3A_328 {dim = 0 : i64, kind = #tpu.reduction_kind<sum>} : vector<16xi1> -> vector<16xi32>
            %slice3A_330 = vector.extract_strided_slice %all_reduce_population_count3A_329 {offsets = [0], sizes = [1], strides = [1]} : vector<16xi32> to vector<1xi32>
            %squeeze3A_331 = vector.extract %slice3A_330[0] : i32 from vector<1xi32>
            %gt3A_332 = arith.constant 0 : i32
            %gt3A_333 = arith.cmpi sgt, %squeeze3A_331, %gt3A_332 : i32
            %convert_element_type3A_334 = arith.extui %gt3A_333 : i1 to i32
            %cond3A_335 = arith.constant 0 : i32
            %cond3A_336 = arith.cmpi ne, %convert_element_type3A_334, %cond3A_335 : i32
            scf.if %cond3A_336 {
              %mul3A_338 = arith.constant 16 : i32
              %mul3A_339 = arith.muli %scan3A_322, %mul3A_338 : i32
              %get3A_340 = arith.index_cast %mul3A_339 : i32 to index
              %get3A_341 = tpu.vector_load %arg17[%get3A_340] {strides = array<i32>} : memref<2000xi32, #tpu.memory_space<vmem>>, vector<16xi32>,
              %jit3A_342 = arith.constant 10000 : i32
              %broadcast_in_dim3A_343 = vector.broadcast %jit3A_342 : i32 to vector<16xi32>
              %select_n3A_344 = arith.select %eq3A_328, %get3A_341, %broadcast_in_dim3A_343 : vector<16xi1>, vector<16xi32>
              "tpu.region"() ({
                %run_scoped3A = tpu.sem_alloc : memref<!tpu.dma_semaphore, #tpu.memory_space<semaphore_mem>>
                %dma_start3A_345 = arith.constant 0 : i32
                %dma_start3A_346 = tpu.memref_slice %arg12[%dma_start3A_345] : memref<12288xi32, #tpu.memory_space<vmem_shared>> -> memref<12288xi32, #tpu.memory_space<vmem_shared>>
                tpu.enqueue_indirect_dma source(%arg21 : memref<16xi32, #tpu.memory_space<vmem>>) target(%dma_start3A_346 : memref<12288xi32, #tpu.memory_space<vmem_shared>>) offsets(%select_n3A_344 : vector<16xi32>) semaphore(%run_scoped3A : memref<!tpu.dma_semaphore, #tpu.memory_space<semaphore_mem>>)
                %dma_wait3A_347 = arith.constant 0 : i32
                %dma_wait3A_348 = tpu.memref_slice %arg12[%dma_wait3A_347] : memref<12288xi32, #tpu.memory_space<vmem_shared>> -> memref<12288xi32, #tpu.memory_space<vmem_shared>>
                tpu.wait_indirect_dma semaphore(%run_scoped3A : memref<!tpu.dma_semaphore, #tpu.memory_space<semaphore_mem>>) src(%arg21 : memref<16xi32, #tpu.memory_space<vmem>>) dst(%dma_wait3A_348 : memref<12288xi32, #tpu.memory_space<vmem_shared>>)
                tpu.yield
              }) : () -> ()
            } else {
            }
            %scan3A_337 = arith.constant 0 : i32
            scf.yield %scan3A_337 : i32
          }
          %scan3A_321 = arith.constant 125 : i32
        } else {
        }
        %dma_wait3A_262 = arith.constant 0 : i32
        %dma_wait3A_263 = tpu.memref_slice %arg3[%dma_wait3A_262] : memref<320000xi32, #tpu.memory_space<hbm>> -> memref<2000xi32, #tpu.memory_space<hbm>>
        %dma_wait3A_264 = arith.constant 0 : i32
        %dma_wait3A_265 = tpu.memref_slice %arg3[%dma_wait3A_264] : memref<320000xi32, #tpu.memory_space<hbm>> -> memref<2000xi32, #tpu.memory_space<hbm>>
        tpu.wait_dma2 semaphore(%arg42 : memref<!tpu.dma_semaphore, #tpu.memory_space<semaphore_mem>>) src(%dma_wait3A_265 : memref<2000xi32, #tpu.memory_space<hbm>>) dst(%arg40 : memref<2000xi32, #tpu.memory_space<vmem>>)
        %mul3A_266 = arith.constant 2 : i32
        %mul3A_267 = arith.muli %mul3A_266, %scan3A_215 : i32
        %add3A_268 = arith.constant 2 : i32
        %add3A_269 = arith.addi %mul3A_267, %add3A_268 : i32
        %jit3A_270 = arith.constant 10 : i32
        %eq3A_271 = arith.constant 0 : i32
        %eq3A_272 = arith.cmpi eq, %jit3A_270, %eq3A_271 : i32
        %jit3A_273 = arith.constant 1 : i32
        %select_n3A_274 = arith.select %eq3A_272, %jit3A_273, %jit3A_270 : i32
        %rem3A_275 = arith.remsi %add3A_269, %select_n3A_274 : i32
        %ne3A_276 = arith.constant 0 : i32
        %ne3A_277 = arith.cmpi ne, %rem3A_275, %ne3A_276 : i32
        %lt3A_278 = arith.constant 0 : i32
        %lt3A_279 = arith.cmpi slt, %rem3A_275, %lt3A_278 : i32
        %lt3A_280 = arith.constant 0 : i32
        %lt3A_281 = arith.cmpi slt, %select_n3A_274, %lt3A_280 : i32
        %ne3A_282 = arith.xori %lt3A_279, %lt3A_281 : i1
        %and3A_283 = arith.andi %ne3A_282, %ne3A_277 : i1
        %add3A_284 = arith.addi %rem3A_275, %select_n3A_274 : i32
        %select_n3A_285 = arith.select %and3A_283, %add3A_284, %rem3A_275 : i32
        %mul3A_286 = arith.constant 2000 : i32
        %mul3A_287 = arith.muli %select_n3A_285, %mul3A_286 : i32
        %add3A_288 = arith.addi %mul3A_7, %mul3A_287 : i32
        %multiple_of3A_289 = tpu.assume_multiple %add3A_288, 8 : i32
        %dma_start3A_290 = tpu.memref_slice %arg3[%multiple_of3A_289] : memref<320000xi32, #tpu.memory_space<hbm>> -> memref<2000xi32, #tpu.memory_space<hbm>>
        %dma_start3A_291 = tpu.memref_slice %arg3[%multiple_of3A_289] : memref<320000xi32, #tpu.memory_space<hbm>> -> memref<2000xi32, #tpu.memory_space<hbm>>
        tpu.enqueue_dma source(%dma_start3A_291 : memref<2000xi32, #tpu.memory_space<hbm>>) target(%arg16 : memref<2000xi32, #tpu.memory_space<vmem>>) target_semaphore(%arg41 : memref<!tpu.dma_semaphore, #tpu.memory_space<semaphore_mem>>)
        %mul3A_292 = arith.constant 2 : i32
        %mul3A_293 = arith.muli %mul3A_292, %scan3A_215 : i32
        %add3A_294 = arith.constant 1 : i32
        %add3A_295 = arith.addi %mul3A_293, %add3A_294 : i32
        %mul3A_296 = arith.constant 2000 : i32
        %mul3A_297 = arith.muli %add3A_295, %mul3A_296 : i32
        %add3A_298 = arith.addi %mul3A_7, %mul3A_297 : i32
        %multiple_of3A_299 = tpu.assume_multiple %add3A_298, 8 : i32
        %scan3A_300 = arith.constant 0 : i32
        %scan3A_301 = arith.constant 125 : i32
        %scan3A_302 = arith.addi %scan3A_300, %scan3A_301 : i32
        %scan3A_303 = arith.constant 1 : i32
        %scan3A_304 = scf.for %scan3A_315 = %scan3A_300 to %scan3A_302 step %scan3A_303 iter_args(%scan3A_316 = %broadcast_in_dim3A_41) -> (vector<16xi1>)  : i32 {
          %mul3A_317 = arith.constant 16 : i32
          %mul3A_318 = arith.muli %scan3A_315, %mul3A_317 : i32
          %get3A_319 = arith.index_cast %mul3A_318 : i32 to index
          %get3A_320 = tpu.vector_load %arg40[%get3A_319] {strides = array<i32>} : memref<2000xi32, #tpu.memory_space<vmem>>, vector<16xi32>,
          %eq3A_321 = arith.cmpi eq, %get3A_320, %get3A_8 : vector<16xi32>
          %or3A = arith.ori %scan3A_316, %eq3A_321 : vector<16xi1>
          scf.yield %or3A : vector<16xi1>
        }
        %scan3A_305 = arith.constant 125 : i32
        %all_reduce_population_count3A_306 = tpu.all_reduce %scan3A_304 {dim = 0 : i64, kind = #tpu.reduction_kind<sum>} : vector<16xi1> -> vector<16xi32>
        %slice3A_307 = vector.extract_strided_slice %all_reduce_population_count3A_306 {offsets = [0], sizes = [1], strides = [1]} : vector<16xi32> to vector<1xi32>
        %squeeze3A_308 = vector.extract %slice3A_307[0] : i32 from vector<1xi32>
        %gt3A_309 = arith.constant 0 : i32
        %gt3A_310 = arith.cmpi sgt, %squeeze3A_308, %gt3A_309 : i32
        %convert_element_type3A_311 = arith.extui %gt3A_310 : i1 to i32
        %cond3A_312 = arith.constant 0 : i32
        %cond3A_313 = arith.cmpi ne, %convert_element_type3A_311, %cond3A_312 : i32
        scf.if %cond3A_313 {
          "tpu.region"() ({
            %run_scoped3A = tpu.sem_alloc : memref<!tpu.dma_semaphore, #tpu.memory_space<semaphore_mem>>
            %dma_start3A_322 = tpu.memref_slice %arg2[%multiple_of3A_299] : memref<320000xi32, #tpu.memory_space<hbm>> -> memref<2000xi32, #tpu.memory_space<hbm>>
            %dma_start3A_323 = tpu.memref_slice %arg2[%multiple_of3A_299] : memref<320000xi32, #tpu.memory_space<hbm>> -> memref<2000xi32, #tpu.memory_space<hbm>>
            tpu.enqueue_dma source(%dma_start3A_323 : memref<2000xi32, #tpu.memory_space<hbm>>) target(%arg17 : memref<2000xi32, #tpu.memory_space<vmem>>) target_semaphore(%run_scoped3A : memref<!tpu.dma_semaphore, #tpu.memory_space<semaphore_mem>>)
            %dma_wait3A_324 = tpu.memref_slice %arg2[%multiple_of3A_299] : memref<320000xi32, #tpu.memory_space<hbm>> -> memref<2000xi32, #tpu.memory_space<hbm>>
            %dma_wait3A_325 = tpu.memref_slice %arg2[%multiple_of3A_299] : memref<320000xi32, #tpu.memory_space<hbm>> -> memref<2000xi32, #tpu.memory_space<hbm>>
            tpu.wait_dma2 semaphore(%run_scoped3A : memref<!tpu.dma_semaphore, #tpu.memory_space<semaphore_mem>>) src(%dma_wait3A_325 : memref<2000xi32, #tpu.memory_space<hbm>>) dst(%arg17 : memref<2000xi32, #tpu.memory_space<vmem>>)
            tpu.yield
          }) : () -> ()
          %scan3A_315 = arith.constant 0 : i32
          %scan3A_316 = arith.constant 0 : i32
          %scan3A_317 = arith.constant 125 : i32
          %scan3A_318 = arith.addi %scan3A_316, %scan3A_317 : i32
          %scan3A_319 = arith.constant 1 : i32
          %scan3A_320 = scf.for %scan3A_322 = %scan3A_316 to %scan3A_318 step %scan3A_319 iter_args(%scan3A_323 = %scan3A_315) -> (i32)  : i32 {
            %mul3A_324 = arith.constant 16 : i32
            %mul3A_325 = arith.muli %scan3A_322, %mul3A_324 : i32
            %get3A_326 = arith.index_cast %mul3A_325 : i32 to index
            %get3A_327 = tpu.vector_load %arg40[%get3A_326] {strides = array<i32>} : memref<2000xi32, #tpu.memory_space<vmem>>, vector<16xi32>,
            %eq3A_328 = arith.cmpi eq, %get3A_327, %get3A_8 : vector<16xi32>
            %all_reduce_population_count3A_329 = tpu.all_reduce %eq3A_328 {dim = 0 : i64, kind = #tpu.reduction_kind<sum>} : vector<16xi1> -> vector<16xi32>
            %slice3A_330 = vector.extract_strided_slice %all_reduce_population_count3A_329 {offsets = [0], sizes = [1], strides = [1]} : vector<16xi32> to vector<1xi32>
            %squeeze3A_331 = vector.extract %slice3A_330[0] : i32 from vector<1xi32>
            %gt3A_332 = arith.constant 0 : i32
            %gt3A_333 = arith.cmpi sgt, %squeeze3A_331, %gt3A_332 : i32
            %convert_element_type3A_334 = arith.extui %gt3A_333 : i1 to i32
            %cond3A_335 = arith.constant 0 : i32
            %cond3A_336 = arith.cmpi ne, %convert_element_type3A_334, %cond3A_335 : i32
            scf.if %cond3A_336 {
              %mul3A_338 = arith.constant 16 : i32
              %mul3A_339 = arith.muli %scan3A_322, %mul3A_338 : i32
              %get3A_340 = arith.index_cast %mul3A_339 : i32 to index
              %get3A_341 = tpu.vector_load %arg17[%get3A_340] {strides = array<i32>} : memref<2000xi32, #tpu.memory_space<vmem>>, vector<16xi32>,
              %jit3A_342 = arith.constant 10000 : i32
              %broadcast_in_dim3A_343 = vector.broadcast %jit3A_342 : i32 to vector<16xi32>
              %select_n3A_344 = arith.select %eq3A_328, %get3A_341, %broadcast_in_dim3A_343 : vector<16xi1>, vector<16xi32>
              "tpu.region"() ({
                %run_scoped3A = tpu.sem_alloc : memref<!tpu.dma_semaphore, #tpu.memory_space<semaphore_mem>>
                %dma_start3A_345 = arith.constant 0 : i32
                %dma_start3A_346 = tpu.memref_slice %arg12[%dma_start3A_345] : memref<12288xi32, #tpu.memory_space<vmem_shared>> -> memref<12288xi32, #tpu.memory_space<vmem_shared>>
                tpu.enqueue_indirect_dma source(%arg21 : memref<16xi32, #tpu.memory_space<vmem>>) target(%dma_start3A_346 : memref<12288xi32, #tpu.memory_space<vmem_shared>>) offsets(%select_n3A_344 : vector<16xi32>) semaphore(%run_scoped3A : memref<!tpu.dma_semaphore, #tpu.memory_space<semaphore_mem>>)
                %dma_wait3A_347 = arith.constant 0 : i32
                %dma_wait3A_348 = tpu.memref_slice %arg12[%dma_wait3A_347] : memref<12288xi32, #tpu.memory_space<vmem_shared>> -> memref<12288xi32, #tpu.memory_space<vmem_shared>>
                tpu.wait_indirect_dma semaphore(%run_scoped3A : memref<!tpu.dma_semaphore, #tpu.memory_space<semaphore_mem>>) src(%arg21 : memref<16xi32, #tpu.memory_space<vmem>>) dst(%dma_wait3A_348 : memref<12288xi32, #tpu.memory_space<vmem_shared>>)
                tpu.yield
              }) : () -> ()
            } else {
            }
            %scan3A_337 = arith.constant 0 : i32
            scf.yield %scan3A_337 : i32
          }
          %scan3A_321 = arith.constant 125 : i32
        } else {
        }
        %scan3A_314 = arith.constant 0 : i32
        scf.yield %scan3A_314 : i32
      }
      %scan3A_50 = arith.constant 5 : i32
      %dma_wait3A = arith.constant 0 : i32
      %dma_wait3A_51 = tpu.memref_slice %arg3[%dma_wait3A] : memref<320000xi32, #tpu.memory_space<hbm>> -> memref<2000xi32, #tpu.memory_space<hbm>>
      %dma_wait3A_52 = arith.constant 0 : i32
      %dma_wait3A_53 = tpu.memref_slice %arg3[%dma_wait3A_52] : memref<320000xi32, #tpu.memory_space<hbm>> -> memref<2000xi32, #tpu.memory_space<hbm>>
      tpu.wait_dma2 semaphore(%arg41 : memref<!tpu.dma_semaphore, #tpu.memory_space<semaphore_mem>>) src(%dma_wait3A_53 : memref<2000xi32, #tpu.memory_space<hbm>>) dst(%arg16 : memref<2000xi32, #tpu.memory_space<vmem>>)
      %barrier3A_54 = arith.constant 0 : index
      tpu.barrier barrier_id(%barrier3A_54)
      "tpu.region"() ({
        %run_scoped3A = tpu.sem_alloc : memref<!tpu.dma_semaphore, #tpu.memory_space<semaphore_mem>>
        %dma_start3A_215 = arith.constant 0 : i32
        %dma_start3A_216 = tpu.memref_slice %arg12[%dma_start3A_215] : memref<12288xi32, #tpu.memory_space<vmem_shared>> -> memref<10240xi32, #tpu.memory_space<vmem_shared>>
        %dma_start3A_217 = arith.constant 0 : i32
        %dma_start3A_218 = tpu.memref_slice %arg12[%dma_start3A_217] : memref<12288xi32, #tpu.memory_space<vmem_shared>> -> memref<10240xi32, #tpu.memory_space<vmem_shared>>
        tpu.enqueue_dma source(%dma_start3A_218 : memref<10240xi32, #tpu.memory_space<vmem_shared>>) target(%arg18 : memref<10240xi32, #tpu.memory_space<vmem>>) target_semaphore(%run_scoped3A : memref<!tpu.dma_semaphore, #tpu.memory_space<semaphore_mem>>)
        %dma_wait3A_219 = arith.constant 0 : i32
        %dma_wait3A_220 = tpu.memref_slice %arg12[%dma_wait3A_219] : memref<12288xi32, #tpu.memory_space<vmem_shared>> -> memref<10240xi32, #tpu.memory_space<vmem_shared>>
        %dma_wait3A_221 = arith.constant 0 : i32
        %dma_wait3A_222 = tpu.memref_slice %arg12[%dma_wait3A_221] : memref<12288xi32, #tpu.memory_space<vmem_shared>> -> memref<10240xi32, #tpu.memory_space<vmem_shared>>
        tpu.wait_dma2 semaphore(%run_scoped3A : memref<!tpu.dma_semaphore, #tpu.memory_space<semaphore_mem>>) src(%dma_wait3A_222 : memref<10240xi32, #tpu.memory_space<vmem_shared>>) dst(%arg18 : memref<10240xi32, #tpu.memory_space<vmem>>)
        tpu.yield
      }) : () -> ()
      tpu.vector_store_idx %arg18[%get3A_8], %broadcast_in_dim3A_6 : memref<10240xi32, #tpu.memory_space<vmem>>[vector<16xi32>], vector<16xi32>,
      %scan3A_55 = arith.constant 0 : i32
      %scan3A_56 = arith.constant 0 : i32
      %scan3A_57 = arith.constant 40 : i32
      %scan3A_58 = arith.addi %scan3A_56, %scan3A_57 : i32
      %scan3A_59 = arith.constant 1 : i32
      %scan3A_60 = scf.for %scan3A_215 = %scan3A_56 to %scan3A_58 step %scan3A_59 iter_args(%scan3A_216 = %scan3A_55) -> (i32)  : i32 {
        %mul3A_217 = arith.constant 40 : i32
        %mul3A_218 = arith.muli %arg1, %mul3A_217 : i32
        %add3A_219 = arith.addi %mul3A_218, %scan3A_215 : i32
        %mul3A_220 = arith.constant 16 : i32
        %mul3A_221 = arith.muli %add3A_219, %mul3A_220 : i32
        %get3A_222 = arith.index_cast %mul3A_221 : i32 to index
        %get3A_223 = tpu.vector_load %arg18[%get3A_222] {strides = array<i32>} : memref<10240xi32, #tpu.memory_space<vmem>>, vector<16xi32>,
        %gt3A = arith.constant 0 : i32
        %gt3A_224 = vector.broadcast %gt3A : i32 to vector<16xi32>
        %gt3A_225 = arith.cmpi sgt, %get3A_223, %gt3A_224 : vector<16xi32>
        %all_reduce_population_count3A = tpu.all_reduce %gt3A_225 {dim = 0 : i64, kind = #tpu.reduction_kind<sum>} : vector<16xi1> -> vector<16xi32>
        %slice3A = vector.extract_strided_slice %all_reduce_population_count3A {offsets = [0], sizes = [1], strides = [1]} : vector<16xi32> to vector<1xi32>
        %squeeze3A = vector.extract %slice3A[0] : i32 from vector<1xi32>
        %gt3A_226 = arith.constant 0 : i32
        %gt3A_227 = arith.cmpi sgt, %squeeze3A, %gt3A_226 : i32
        %convert_element_type3A_228 = arith.extui %gt3A_227 : i1 to i32
        %cond3A_229 = arith.constant 0 : i32
        %cond3A_230 = arith.cmpi ne, %convert_element_type3A_228, %cond3A_229 : i32
        scf.if %cond3A_230 {
          %mul3A_232 = arith.constant 16 : i32
          %mul3A_233 = arith.muli %add3A_219, %mul3A_232 : i32
          %add3A_234 = vector.broadcast %mul3A_233 : i32 to vector<16xi32>
          %add3A_235 = arith.addi %add3A_234, %iota3A : vector<16xi32>
          %jit3A_236 = arith.constant 10000 : i32
          %broadcast_in_dim3A_237 = vector.broadcast %jit3A_236 : i32 to vector<16xi32>
          %select_n3A_238 = arith.select %gt3A_225, %add3A_235, %broadcast_in_dim3A_237 : vector<16xi1>, vector<16xi32>
          "tpu.region"() ({
            %run_scoped3A = tpu.sem_alloc : memref<!tpu.dma_semaphore, #tpu.memory_space<semaphore_mem>>
            %dma_start3A_239 = arith.constant 0 : i32
            %dma_start3A_240 = arith.constant 0 : i32
            %dma_start3A_241 = tpu.memref_slice %arg11[%dma_start3A_239, %dma_start3A_240] : memref<10016x128xf32, #tpu.memory_space<vmem_shared>> -> memref<10016x128xf32, #tpu.memory_space<vmem_shared>>
            tpu.enqueue_indirect_dma source(%arg29 : memref<16x128xf32, #tpu.memory_space<vmem>>) target(%dma_start3A_241 : memref<10016x128xf32, #tpu.memory_space<vmem_shared>>) offsets(%select_n3A_238 : vector<16xi32>) semaphore(%run_scoped3A : memref<!tpu.dma_semaphore, #tpu.memory_space<semaphore_mem>>)
            %dma_wait3A_242 = arith.constant 0 : i32
            %dma_wait3A_243 = arith.constant 0 : i32
            %dma_wait3A_244 = tpu.memref_slice %arg11[%dma_wait3A_242, %dma_wait3A_243] : memref<10016x128xf32, #tpu.memory_space<vmem_shared>> -> memref<10016x128xf32, #tpu.memory_space<vmem_shared>>
            tpu.wait_indirect_dma semaphore(%run_scoped3A : memref<!tpu.dma_semaphore, #tpu.memory_space<semaphore_mem>>) src(%arg29 : memref<16x128xf32, #tpu.memory_space<vmem>>) dst(%dma_wait3A_244 : memref<10016x128xf32, #tpu.memory_space<vmem_shared>>)
            tpu.yield
          }) : () -> ()
        } else {
        }
        %scan3A_231 = arith.constant 0 : i32
        scf.yield %scan3A_231 : i32
      }
      %scan3A_61 = arith.constant 40 : i32
      %barrier3A_62 = arith.constant 0 : index
      tpu.barrier barrier_id(%barrier3A_62)
      %add3A_63 = arith.constant 0 : i32
      %add3A_64 = arith.addi %mul3A_7, %add3A_63 : i32
      %multiple_of3A_65 = tpu.assume_multiple %add3A_64, 8 : i32
      %dma_start3A_66 = tpu.memref_slice %arg3[%multiple_of3A_65] : memref<320000xi32, #tpu.memory_space<hbm>> -> memref<2000xi32, #tpu.memory_space<hbm>>
      %dma_start3A_67 = tpu.memref_slice %arg3[%multiple_of3A_65] : memref<320000xi32, #tpu.memory_space<hbm>> -> memref<2000xi32, #tpu.memory_space<hbm>>
      tpu.enqueue_dma source(%dma_start3A_67 : memref<2000xi32, #tpu.memory_space<hbm>>) target(%arg16 : memref<2000xi32, #tpu.memory_space<vmem>>) target_semaphore(%arg41 : memref<!tpu.dma_semaphore, #tpu.memory_space<semaphore_mem>>)
      %scan3A_68 = arith.constant 0 : i32
      %scan3A_69 = arith.constant 0 : i32
      %scan3A_70 = arith.constant 0 : i32
      %scan3A_71 = arith.constant 0 : i32
      %scan3A_72 = arith.constant 5 : i32
      %scan3A_73 = arith.addi %scan3A_71, %scan3A_72 : i32
      %scan3A_74 = arith.constant 1 : i32
      %scan3A_75:3 = scf.for %scan3A_215 = %scan3A_71 to %scan3A_73 step %scan3A_74 iter_args(%scan3A_216 = %scan3A_68, %scan3A_217 = %scan3A_69, %scan3A_218 = %scan3A_70) -> (i32, i32, i32)  : i32 {
        %dma_wait3A_219 = arith.constant 0 : i32
        %dma_wait3A_220 = tpu.memref_slice %arg3[%dma_wait3A_219] : memref<320000xi32, #tpu.memory_space<hbm>> -> memref<2000xi32, #tpu.memory_space<hbm>>
        %dma_wait3A_221 = arith.constant 0 : i32
        %dma_wait3A_222 = tpu.memref_slice %arg3[%dma_wait3A_221] : memref<320000xi32, #tpu.memory_space<hbm>> -> memref<2000xi32, #tpu.memory_space<hbm>>
        tpu.wait_dma2 semaphore(%arg41 : memref<!tpu.dma_semaphore, #tpu.memory_space<semaphore_mem>>) src(%dma_wait3A_222 : memref<2000xi32, #tpu.memory_space<hbm>>) dst(%arg16 : memref<2000xi32, #tpu.memory_space<vmem>>)
        %mul3A_223 = arith.constant 2 : i32
        %mul3A_224 = arith.muli %mul3A_223, %scan3A_215 : i32
        %add3A_225 = arith.constant 1 : i32
        %add3A_226 = arith.addi %mul3A_224, %add3A_225 : i32
        %jit3A_227 = arith.constant 10 : i32
        %eq3A_228 = arith.constant 0 : i32
        %eq3A_229 = arith.cmpi eq, %jit3A_227, %eq3A_228 : i32
        %jit3A_230 = arith.constant 1 : i32
        %select_n3A_231 = arith.select %eq3A_229, %jit3A_230, %jit3A_227 : i32
        %rem3A_232 = arith.remsi %add3A_226, %select_n3A_231 : i32
        %ne3A_233 = arith.constant 0 : i32
        %ne3A_234 = arith.cmpi ne, %rem3A_232, %ne3A_233 : i32
        %lt3A = arith.constant 0 : i32
        %lt3A_235 = arith.cmpi slt, %rem3A_232, %lt3A : i32
        %lt3A_236 = arith.constant 0 : i32
        %lt3A_237 = arith.cmpi slt, %select_n3A_231, %lt3A_236 : i32
        %ne3A_238 = arith.xori %lt3A_235, %lt3A_237 : i1
        %and3A_239 = arith.andi %ne3A_238, %ne3A_234 : i1
        %add3A_240 = arith.addi %rem3A_232, %select_n3A_231 : i32
        %select_n3A_241 = arith.select %and3A_239, %add3A_240, %rem3A_232 : i32
        %mul3A_242 = arith.constant 2000 : i32
        %mul3A_243 = arith.muli %select_n3A_241, %mul3A_242 : i32
        %add3A_244 = arith.addi %mul3A_7, %mul3A_243 : i32
        %multiple_of3A_245 = tpu.assume_multiple %add3A_244, 8 : i32
        %dma_start3A_246 = tpu.memref_slice %arg3[%multiple_of3A_245] : memref<320000xi32, #tpu.memory_space<hbm>> -> memref<2000xi32, #tpu.memory_space<hbm>>
        %dma_start3A_247 = tpu.memref_slice %arg3[%multiple_of3A_245] : memref<320000xi32, #tpu.memory_space<hbm>> -> memref<2000xi32, #tpu.memory_space<hbm>>
        tpu.enqueue_dma source(%dma_start3A_247 : memref<2000xi32, #tpu.memory_space<hbm>>) target(%arg40 : memref<2000xi32, #tpu.memory_space<vmem>>) target_semaphore(%arg42 : memref<!tpu.dma_semaphore, #tpu.memory_space<semaphore_mem>>)
        %mul3A_248 = arith.constant 2 : i32
        %mul3A_249 = arith.muli %mul3A_248, %scan3A_215 : i32
        %scan3A_250 = arith.constant 0 : i32
        %scan3A_251 = arith.constant 0 : i32
        %scan3A_252 = arith.constant 125 : i32
        %scan3A_253 = arith.addi %scan3A_251, %scan3A_252 : i32
        %scan3A_254 = arith.constant 1 : i32
        %scan3A_255 = scf.for %scan3A_310 = %scan3A_251 to %scan3A_253 step %scan3A_254 iter_args(%scan3A_311 = %scan3A_250) -> (i32)  : i32 {
          %mul3A_312 = arith.constant 16 : i32
          %mul3A_313 = arith.muli %scan3A_310, %mul3A_312 : i32
          %get3A_314 = arith.index_cast %mul3A_313 : i32 to index
          %get3A_315 = tpu.vector_load %arg16[%get3A_314] {strides = array<i32>} : memref<2000xi32, #tpu.memory_space<vmem>>, vector<16xi32>,
          %gather3A = tpu.vector_load_idx %arg18[%get3A_315] : memref<10240xi32, #tpu.memory_space<vmem>>[vector<16xi32>], vector<16xi32>,
          %gt3A = arith.constant 0 : i32
          %gt3A_316 = vector.broadcast %gt3A : i32 to vector<16xi32>
          %gt3A_317 = arith.cmpi sgt, %gather3A, %gt3A_316 : vector<16xi32>
          %mul3A_318 = arith.constant 2000 : i32
          %mul3A_319 = arith.muli %mul3A_249, %mul3A_318 : i32
          %add3A_320 = arith.addi %mul3A_7, %mul3A_319 : i32
          %mul3A_321 = arith.constant 16 : i32
          %mul3A_322 = arith.muli %scan3A_310, %mul3A_321 : i32
          %add3A_323 = arith.addi %add3A_320, %mul3A_322 : i32
          %add3A_324 = vector.broadcast %add3A_323 : i32 to vector<16xi32>
          %add3A_325 = arith.addi %add3A_324, %iota3A : vector<16xi32>
          %mul3A_326 = arith.constant 16 : i32
          %mul3A_327 = arith.muli %scan3A_310, %mul3A_326 : i32
          %swap3A_328 = arith.index_cast %mul3A_327 : i32 to index
          %swap3A_329 = tpu.vector_load %arg38[%swap3A_328] masked %gt3A_317 {strides = array<i32>} : memref<2000xi32, #tpu.memory_space<vmem>>, vector<16xi32>, vector<16xi1>
          tpu.vector_store %arg38[%swap3A_328], %add3A_325 masked %gt3A_317 {strides = array<i32>} : memref<2000xi32, #tpu.memory_space<vmem>>, vector<16xi32>, vector<16xi1>
          %all_reduce_population_count3A = tpu.all_reduce %gt3A_317 {dim = 0 : i64, kind = #tpu.reduction_kind<sum>} : vector<16xi1> -> vector<16xi32>
          %broadcast_in_dim3A_330 = vector.broadcast %scan3A_310 : i32 to vector<16xi32>
          %eq3A_331 = arith.constant 0 : i32
          %eq3A_332 = vector.broadcast %eq3A_331 : i32 to vector<16xi32>
          %eq3A_333 = arith.cmpi eq, %iota3A, %eq3A_332 : vector<16xi32>
          tpu.vector_store_idx %arg39[%broadcast_in_dim3A_330], %all_reduce_population_count3A masked %eq3A_333 : memref<128xi32, #tpu.memory_space<vmem>>[vector<16xi32>], vector<16xi32>, vector<16xi1>
          %scan3A_334 = arith.constant 0 : i32
          scf.yield %scan3A_334 : i32
        }
        %scan3A_256 = arith.constant 125 : i32
        %scan3A_257 = arith.constant 0 : i32
        %scan3A_258 = arith.constant 125 : i32
        %scan3A_259 = arith.addi %scan3A_257, %scan3A_258 : i32
        %scan3A_260 = arith.constant 1 : i32
        %scan3A_261:3 = scf.for %scan3A_310 = %scan3A_257 to %scan3A_259 step %scan3A_260 iter_args(%scan3A_311 = %scan3A_216, %scan3A_312 = %scan3A_217, %scan3A_313 = %scan3A_218) -> (i32, i32, i32)  : i32 {
          %broadcast_in_dim3A_314 = vector.broadcast %scan3A_310 : i32 to vector<16xi32>
          %gather3A = tpu.vector_load_idx %arg39[%broadcast_in_dim3A_314] : memref<128xi32, #tpu.memory_space<vmem>>[vector<16xi32>], vector<16xi32>,
          %slice3A = vector.extract_strided_slice %gather3A {offsets = [0], sizes = [1], strides = [1]} : vector<16xi32> to vector<1xi32>
          %squeeze3A = vector.extract %slice3A[0] : i32 from vector<1xi32>
          %mul3A_315 = arith.constant 16 : i32
          %mul3A_316 = arith.muli %scan3A_310, %mul3A_315 : i32
          %get3A_317 = arith.index_cast %mul3A_316 : i32 to index
          %get3A_318 = tpu.vector_load %arg38[%get3A_317] {strides = array<i32>} : memref<2000xi32, #tpu.memory_space<vmem>>, vector<16xi32>,
          %swap3A_319 = arith.index_cast %scan3A_312 : i32 to index
          %swap3A_320 = tpu.vector_load %arg19[%swap3A_319] {strides = array<i32>} : memref<2064xi32, #tpu.memory_space<vmem>>, vector<16xi32>,
          tpu.vector_store %arg19[%swap3A_319], %get3A_318 {strides = array<i32>} : memref<2064xi32, #tpu.memory_space<vmem>>, vector<16xi32>,
          %add3A_321 = arith.addi %scan3A_312, %squeeze3A : i32
          %ge3A = arith.constant 2048 : i32
          %ge3A_322 = arith.cmpi sge, %add3A_321, %ge3A : i32
          %convert_element_type3A_323 = arith.extui %ge3A_322 : i1 to i32
          %cond3A_324 = arith.constant 0 : i32
          %cond3A_325 = arith.cmpi ne, %convert_element_type3A_323, %cond3A_324 : i32
          scf.if %cond3A_325 {
            %mul3A_335 = arith.constant 22048 : i32
            %mul3A_336 = arith.muli %arg1, %mul3A_335 : i32
            %add3A_337 = arith.addi %mul3A_336, %scan3A_313 : i32
            %multiple_of3A_338 = tpu.assume_multiple %add3A_337, 8 : i32
            "tpu.region"() ({
              %run_scoped3A = tpu.sem_alloc : memref<!tpu.dma_semaphore, #tpu.memory_space<semaphore_mem>>
              %dma_start3A_343 = arith.constant 0 : i32
              %dma_start3A_344 = tpu.memref_slice %arg19[%dma_start3A_343] : memref<2064xi32, #tpu.memory_space<vmem>> -> memref<2048xi32, #tpu.memory_space<vmem>>
              %dma_start3A_345 = tpu.memref_slice %arg9[%multiple_of3A_338] : memref<352768xi32, #tpu.memory_space<hbm>> -> memref<2048xi32, #tpu.memory_space<hbm>>
              %dma_start3A_346 = tpu.memref_slice %arg9[%multiple_of3A_338] : memref<352768xi32, #tpu.memory_space<hbm>> -> memref<2048xi32, #tpu.memory_space<hbm>>
              %dma_start3A_347 = arith.constant 0 : i32
              %dma_start3A_348 = tpu.memref_slice %arg19[%dma_start3A_347] : memref<2064xi32, #tpu.memory_space<vmem>> -> memref<2048xi32, #tpu.memory_space<vmem>>
              tpu.enqueue_dma source(%dma_start3A_348 : memref<2048xi32, #tpu.memory_space<vmem>>) target(%dma_start3A_346 : memref<2048xi32, #tpu.memory_space<hbm>>) target_semaphore(%run_scoped3A : memref<!tpu.dma_semaphore, #tpu.memory_space<semaphore_mem>>)
              %dma_wait3A_349 = arith.constant 0 : i32
              %dma_wait3A_350 = tpu.memref_slice %arg19[%dma_wait3A_349] : memref<2064xi32, #tpu.memory_space<vmem>> -> memref<2048xi32, #tpu.memory_space<vmem>>
              %dma_wait3A_351 = tpu.memref_slice %arg9[%multiple_of3A_338] : memref<352768xi32, #tpu.memory_space<hbm>> -> memref<2048xi32, #tpu.memory_space<hbm>>
              %dma_wait3A_352 = tpu.memref_slice %arg9[%multiple_of3A_338] : memref<352768xi32, #tpu.memory_space<hbm>> -> memref<2048xi32, #tpu.memory_space<hbm>>
              %dma_wait3A_353 = arith.constant 0 : i32
              %dma_wait3A_354 = tpu.memref_slice %arg19[%dma_wait3A_353] : memref<2064xi32, #tpu.memory_space<vmem>> -> memref<2048xi32, #tpu.memory_space<vmem>>
              tpu.wait_dma2 semaphore(%run_scoped3A : memref<!tpu.dma_semaphore, #tpu.memory_space<semaphore_mem>>) src(%dma_wait3A_354 : memref<2048xi32, #tpu.memory_space<vmem>>) dst(%dma_wait3A_352 : memref<2048xi32, #tpu.memory_space<hbm>>)
              tpu.yield
            }) : () -> ()
            %get3A_339 = arith.constant 2048 : index
            %get3A_340 = tpu.vector_load %arg19[%get3A_339] {strides = array<i32>} : memref<2064xi32, #tpu.memory_space<vmem>>, vector<16xi32>,
            %swap3A_341 = arith.constant 0 : index
            %swap3A_342 = tpu.vector_load %arg19[%swap3A_341] {strides = array<i32>} : memref<2064xi32, #tpu.memory_space<vmem>>, vector<16xi32>,
            tpu.vector_store %arg19[%swap3A_341], %get3A_340 {strides = array<i32>} : memref<2064xi32, #tpu.memory_space<vmem>>, vector<16xi32>,
          } else {
          }
          %ge3A_326 = arith.constant 2048 : i32
          %ge3A_327 = arith.cmpi sge, %add3A_321, %ge3A_326 : i32
          %sub3A_328 = arith.constant 2048 : i32
          %sub3A_329 = arith.subi %add3A_321, %sub3A_328 : i32
          %select_n3A_330 = arith.select %ge3A_327, %sub3A_329, %add3A_321 : i32
          %add3A_331 = arith.constant 2048 : i32
          %add3A_332 = arith.addi %scan3A_313, %add3A_331 : i32
          %select_n3A_333 = arith.select %ge3A_327, %add3A_332, %scan3A_313 : i32
          %add3A_334 = arith.addi %scan3A_311, %squeeze3A : i32
          scf.yield %add3A_334, %select_n3A_330, %select_n3A_333 : i32, i32, i32
        }
        %scan3A_262 = arith.constant 125 : i32
        %dma_wait3A_263 = arith.constant 0 : i32
        %dma_wait3A_264 = tpu.memref_slice %arg3[%dma_wait3A_263] : memref<320000xi32, #tpu.memory_space<hbm>> -> memref<2000xi32, #tpu.memory_space<hbm>>
        %dma_wait3A_265 = arith.constant 0 : i32
        %dma_wait3A_266 = tpu.memref_slice %arg3[%dma_wait3A_265] : memref<320000xi32, #tpu.memory_space<hbm>> -> memref<2000xi32, #tpu.memory_space<hbm>>
        tpu.wait_dma2 semaphore(%arg42 : memref<!tpu.dma_semaphore, #tpu.memory_space<semaphore_mem>>) src(%dma_wait3A_266 : memref<2000xi32, #tpu.memory_space<hbm>>) dst(%arg40 : memref<2000xi32, #tpu.memory_space<vmem>>)
        %mul3A_267 = arith.constant 2 : i32
        %mul3A_268 = arith.muli %mul3A_267, %scan3A_215 : i32
        %add3A_269 = arith.constant 2 : i32
        %add3A_270 = arith.addi %mul3A_268, %add3A_269 : i32
        %jit3A_271 = arith.constant 10 : i32
        %eq3A_272 = arith.constant 0 : i32
        %eq3A_273 = arith.cmpi eq, %jit3A_271, %eq3A_272 : i32
        %jit3A_274 = arith.constant 1 : i32
        %select_n3A_275 = arith.select %eq3A_273, %jit3A_274, %jit3A_271 : i32
        %rem3A_276 = arith.remsi %add3A_270, %select_n3A_275 : i32
        %ne3A_277 = arith.constant 0 : i32
        %ne3A_278 = arith.cmpi ne, %rem3A_276, %ne3A_277 : i32
        %lt3A_279 = arith.constant 0 : i32
        %lt3A_280 = arith.cmpi slt, %rem3A_276, %lt3A_279 : i32
        %lt3A_281 = arith.constant 0 : i32
        %lt3A_282 = arith.cmpi slt, %select_n3A_275, %lt3A_281 : i32
        %ne3A_283 = arith.xori %lt3A_280, %lt3A_282 : i1
        %and3A_284 = arith.andi %ne3A_283, %ne3A_278 : i1
        %add3A_285 = arith.addi %rem3A_276, %select_n3A_275 : i32
        %select_n3A_286 = arith.select %and3A_284, %add3A_285, %rem3A_276 : i32
        %mul3A_287 = arith.constant 2000 : i32
        %mul3A_288 = arith.muli %select_n3A_286, %mul3A_287 : i32
        %add3A_289 = arith.addi %mul3A_7, %mul3A_288 : i32
        %multiple_of3A_290 = tpu.assume_multiple %add3A_289, 8 : i32
        %dma_start3A_291 = tpu.memref_slice %arg3[%multiple_of3A_290] : memref<320000xi32, #tpu.memory_space<hbm>> -> memref<2000xi32, #tpu.memory_space<hbm>>
        %dma_start3A_292 = tpu.memref_slice %arg3[%multiple_of3A_290] : memref<320000xi32, #tpu.memory_space<hbm>> -> memref<2000xi32, #tpu.memory_space<hbm>>
        tpu.enqueue_dma source(%dma_start3A_292 : memref<2000xi32, #tpu.memory_space<hbm>>) target(%arg16 : memref<2000xi32, #tpu.memory_space<vmem>>) target_semaphore(%arg41 : memref<!tpu.dma_semaphore, #tpu.memory_space<semaphore_mem>>)
        %mul3A_293 = arith.constant 2 : i32
        %mul3A_294 = arith.muli %mul3A_293, %scan3A_215 : i32
        %add3A_295 = arith.constant 1 : i32
        %add3A_296 = arith.addi %mul3A_294, %add3A_295 : i32
        %scan3A_297 = arith.constant 0 : i32
        %scan3A_298 = arith.constant 0 : i32
        %scan3A_299 = arith.constant 125 : i32
        %scan3A_300 = arith.addi %scan3A_298, %scan3A_299 : i32
        %scan3A_301 = arith.constant 1 : i32
        %scan3A_302 = scf.for %scan3A_310 = %scan3A_298 to %scan3A_300 step %scan3A_301 iter_args(%scan3A_311 = %scan3A_297) -> (i32)  : i32 {
          %mul3A_312 = arith.constant 16 : i32
          %mul3A_313 = arith.muli %scan3A_310, %mul3A_312 : i32
          %get3A_314 = arith.index_cast %mul3A_313 : i32 to index
          %get3A_315 = tpu.vector_load %arg40[%get3A_314] {strides = array<i32>} : memref<2000xi32, #tpu.memory_space<vmem>>, vector<16xi32>,
          %gather3A = tpu.vector_load_idx %arg18[%get3A_315] : memref<10240xi32, #tpu.memory_space<vmem>>[vector<16xi32>], vector<16xi32>,
          %gt3A = arith.constant 0 : i32
          %gt3A_316 = vector.broadcast %gt3A : i32 to vector<16xi32>
          %gt3A_317 = arith.cmpi sgt, %gather3A, %gt3A_316 : vector<16xi32>
          %mul3A_318 = arith.constant 2000 : i32
          %mul3A_319 = arith.muli %add3A_296, %mul3A_318 : i32
          %add3A_320 = arith.addi %mul3A_7, %mul3A_319 : i32
          %mul3A_321 = arith.constant 16 : i32
          %mul3A_322 = arith.muli %scan3A_310, %mul3A_321 : i32
          %add3A_323 = arith.addi %add3A_320, %mul3A_322 : i32
          %add3A_324 = vector.broadcast %add3A_323 : i32 to vector<16xi32>
          %add3A_325 = arith.addi %add3A_324, %iota3A : vector<16xi32>
          %mul3A_326 = arith.constant 16 : i32
          %mul3A_327 = arith.muli %scan3A_310, %mul3A_326 : i32
          %swap3A_328 = arith.index_cast %mul3A_327 : i32 to index
          %swap3A_329 = tpu.vector_load %arg38[%swap3A_328] masked %gt3A_317 {strides = array<i32>} : memref<2000xi32, #tpu.memory_space<vmem>>, vector<16xi32>, vector<16xi1>
          tpu.vector_store %arg38[%swap3A_328], %add3A_325 masked %gt3A_317 {strides = array<i32>} : memref<2000xi32, #tpu.memory_space<vmem>>, vector<16xi32>, vector<16xi1>
          %all_reduce_population_count3A = tpu.all_reduce %gt3A_317 {dim = 0 : i64, kind = #tpu.reduction_kind<sum>} : vector<16xi1> -> vector<16xi32>
          %broadcast_in_dim3A_330 = vector.broadcast %scan3A_310 : i32 to vector<16xi32>
          %eq3A_331 = arith.constant 0 : i32
          %eq3A_332 = vector.broadcast %eq3A_331 : i32 to vector<16xi32>
          %eq3A_333 = arith.cmpi eq, %iota3A, %eq3A_332 : vector<16xi32>
          tpu.vector_store_idx %arg39[%broadcast_in_dim3A_330], %all_reduce_population_count3A masked %eq3A_333 : memref<128xi32, #tpu.memory_space<vmem>>[vector<16xi32>], vector<16xi32>, vector<16xi1>
          %scan3A_334 = arith.constant 0 : i32
          scf.yield %scan3A_334 : i32
        }
        %scan3A_303 = arith.constant 125 : i32
        %scan3A_304 = arith.constant 0 : i32
        %scan3A_305 = arith.constant 125 : i32
        %scan3A_306 = arith.addi %scan3A_304, %scan3A_305 : i32
        %scan3A_307 = arith.constant 1 : i32
        %scan3A_308:3 = scf.for %scan3A_310 = %scan3A_304 to %scan3A_306 step %scan3A_307 iter_args(%scan3A_311 = %scan3A_261#0, %scan3A_312 = %scan3A_261#1, %scan3A_313 = %scan3A_261#2) -> (i32, i32, i32)  : i32 {
          %broadcast_in_dim3A_314 = vector.broadcast %scan3A_310 : i32 to vector<16xi32>
          %gather3A = tpu.vector_load_idx %arg39[%broadcast_in_dim3A_314] : memref<128xi32, #tpu.memory_space<vmem>>[vector<16xi32>], vector<16xi32>,
          %slice3A = vector.extract_strided_slice %gather3A {offsets = [0], sizes = [1], strides = [1]} : vector<16xi32> to vector<1xi32>
          %squeeze3A = vector.extract %slice3A[0] : i32 from vector<1xi32>
          %mul3A_315 = arith.constant 16 : i32
          %mul3A_316 = arith.muli %scan3A_310, %mul3A_315 : i32
          %get3A_317 = arith.index_cast %mul3A_316 : i32 to index
          %get3A_318 = tpu.vector_load %arg38[%get3A_317] {strides = array<i32>} : memref<2000xi32, #tpu.memory_space<vmem>>, vector<16xi32>,
          %swap3A_319 = arith.index_cast %scan3A_312 : i32 to index
          %swap3A_320 = tpu.vector_load %arg19[%swap3A_319] {strides = array<i32>} : memref<2064xi32, #tpu.memory_space<vmem>>, vector<16xi32>,
          tpu.vector_store %arg19[%swap3A_319], %get3A_318 {strides = array<i32>} : memref<2064xi32, #tpu.memory_space<vmem>>, vector<16xi32>,
          %add3A_321 = arith.addi %scan3A_312, %squeeze3A : i32
          %ge3A = arith.constant 2048 : i32
          %ge3A_322 = arith.cmpi sge, %add3A_321, %ge3A : i32
          %convert_element_type3A_323 = arith.extui %ge3A_322 : i1 to i32
          %cond3A_324 = arith.constant 0 : i32
          %cond3A_325 = arith.cmpi ne, %convert_element_type3A_323, %cond3A_324 : i32
          scf.if %cond3A_325 {
            %mul3A_335 = arith.constant 22048 : i32
            %mul3A_336 = arith.muli %arg1, %mul3A_335 : i32
            %add3A_337 = arith.addi %mul3A_336, %scan3A_313 : i32
            %multiple_of3A_338 = tpu.assume_multiple %add3A_337, 8 : i32
            "tpu.region"() ({
              %run_scoped3A = tpu.sem_alloc : memref<!tpu.dma_semaphore, #tpu.memory_space<semaphore_mem>>
              %dma_start3A_343 = arith.constant 0 : i32
              %dma_start3A_344 = tpu.memref_slice %arg19[%dma_start3A_343] : memref<2064xi32, #tpu.memory_space<vmem>> -> memref<2048xi32, #tpu.memory_space<vmem>>
              %dma_start3A_345 = tpu.memref_slice %arg9[%multiple_of3A_338] : memref<352768xi32, #tpu.memory_space<hbm>> -> memref<2048xi32, #tpu.memory_space<hbm>>
              %dma_start3A_346 = tpu.memref_slice %arg9[%multiple_of3A_338] : memref<352768xi32, #tpu.memory_space<hbm>> -> memref<2048xi32, #tpu.memory_space<hbm>>
              %dma_start3A_347 = arith.constant 0 : i32
              %dma_start3A_348 = tpu.memref_slice %arg19[%dma_start3A_347] : memref<2064xi32, #tpu.memory_space<vmem>> -> memref<2048xi32, #tpu.memory_space<vmem>>
              tpu.enqueue_dma source(%dma_start3A_348 : memref<2048xi32, #tpu.memory_space<vmem>>) target(%dma_start3A_346 : memref<2048xi32, #tpu.memory_space<hbm>>) target_semaphore(%run_scoped3A : memref<!tpu.dma_semaphore, #tpu.memory_space<semaphore_mem>>)
              %dma_wait3A_349 = arith.constant 0 : i32
              %dma_wait3A_350 = tpu.memref_slice %arg19[%dma_wait3A_349] : memref<2064xi32, #tpu.memory_space<vmem>> -> memref<2048xi32, #tpu.memory_space<vmem>>
              %dma_wait3A_351 = tpu.memref_slice %arg9[%multiple_of3A_338] : memref<352768xi32, #tpu.memory_space<hbm>> -> memref<2048xi32, #tpu.memory_space<hbm>>
              %dma_wait3A_352 = tpu.memref_slice %arg9[%multiple_of3A_338] : memref<352768xi32, #tpu.memory_space<hbm>> -> memref<2048xi32, #tpu.memory_space<hbm>>
              %dma_wait3A_353 = arith.constant 0 : i32
              %dma_wait3A_354 = tpu.memref_slice %arg19[%dma_wait3A_353] : memref<2064xi32, #tpu.memory_space<vmem>> -> memref<2048xi32, #tpu.memory_space<vmem>>
              tpu.wait_dma2 semaphore(%run_scoped3A : memref<!tpu.dma_semaphore, #tpu.memory_space<semaphore_mem>>) src(%dma_wait3A_354 : memref<2048xi32, #tpu.memory_space<vmem>>) dst(%dma_wait3A_352 : memref<2048xi32, #tpu.memory_space<hbm>>)
              tpu.yield
            }) : () -> ()
            %get3A_339 = arith.constant 2048 : index
            %get3A_340 = tpu.vector_load %arg19[%get3A_339] {strides = array<i32>} : memref<2064xi32, #tpu.memory_space<vmem>>, vector<16xi32>,
            %swap3A_341 = arith.constant 0 : index
            %swap3A_342 = tpu.vector_load %arg19[%swap3A_341] {strides = array<i32>} : memref<2064xi32, #tpu.memory_space<vmem>>, vector<16xi32>,
            tpu.vector_store %arg19[%swap3A_341], %get3A_340 {strides = array<i32>} : memref<2064xi32, #tpu.memory_space<vmem>>, vector<16xi32>,
          } else {
          }
          %ge3A_326 = arith.constant 2048 : i32
          %ge3A_327 = arith.cmpi sge, %add3A_321, %ge3A_326 : i32
          %sub3A_328 = arith.constant 2048 : i32
          %sub3A_329 = arith.subi %add3A_321, %sub3A_328 : i32
          %select_n3A_330 = arith.select %ge3A_327, %sub3A_329, %add3A_321 : i32
          %add3A_331 = arith.constant 2048 : i32
          %add3A_332 = arith.addi %scan3A_313, %add3A_331 : i32
          %select_n3A_333 = arith.select %ge3A_327, %add3A_332, %scan3A_313 : i32
          %add3A_334 = arith.addi %scan3A_311, %squeeze3A : i32
          scf.yield %add3A_334, %select_n3A_330, %select_n3A_333 : i32, i32, i32
        }
        %scan3A_309 = arith.constant 125 : i32
        scf.yield %scan3A_308#0, %scan3A_308#1, %scan3A_308#2 : i32, i32, i32
      }
      %scan3A_76 = arith.constant 5 : i32
      %dma_wait3A_77 = arith.constant 0 : i32
      %dma_wait3A_78 = tpu.memref_slice %arg3[%dma_wait3A_77] : memref<320000xi32, #tpu.memory_space<hbm>> -> memref<2000xi32, #tpu.memory_space<hbm>>
      %dma_wait3A_79 = arith.constant 0 : i32
      %dma_wait3A_80 = tpu.memref_slice %arg3[%dma_wait3A_79] : memref<320000xi32, #tpu.memory_space<hbm>> -> memref<2000xi32, #tpu.memory_space<hbm>>
      tpu.wait_dma2 semaphore(%arg41 : memref<!tpu.dma_semaphore, #tpu.memory_space<semaphore_mem>>) src(%dma_wait3A_80 : memref<2000xi32, #tpu.memory_space<hbm>>) dst(%arg16 : memref<2000xi32, #tpu.memory_space<vmem>>)
      %mul3A_81 = arith.constant 22048 : i32
      %mul3A_82 = arith.muli %arg1, %mul3A_81 : i32
      %add3A_83 = arith.addi %mul3A_82, %scan3A_75#2 : i32
      %multiple_of3A_84 = tpu.assume_multiple %add3A_83, 8 : i32
      "tpu.region"() ({
        %run_scoped3A = tpu.sem_alloc : memref<!tpu.dma_semaphore, #tpu.memory_space<semaphore_mem>>
        %dma_start3A_215 = arith.constant 0 : i32
        %dma_start3A_216 = tpu.memref_slice %arg19[%dma_start3A_215] : memref<2064xi32, #tpu.memory_space<vmem>> -> memref<2048xi32, #tpu.memory_space<vmem>>
        %dma_start3A_217 = tpu.memref_slice %arg9[%multiple_of3A_84] : memref<352768xi32, #tpu.memory_space<hbm>> -> memref<2048xi32, #tpu.memory_space<hbm>>
        %dma_start3A_218 = tpu.memref_slice %arg9[%multiple_of3A_84] : memref<352768xi32, #tpu.memory_space<hbm>> -> memref<2048xi32, #tpu.memory_space<hbm>>
        %dma_start3A_219 = arith.constant 0 : i32
        %dma_start3A_220 = tpu.memref_slice %arg19[%dma_start3A_219] : memref<2064xi32, #tpu.memory_space<vmem>> -> memref<2048xi32, #tpu.memory_space<vmem>>
        tpu.enqueue_dma source(%dma_start3A_220 : memref<2048xi32, #tpu.memory_space<vmem>>) target(%dma_start3A_218 : memref<2048xi32, #tpu.memory_space<hbm>>) target_semaphore(%run_scoped3A : memref<!tpu.dma_semaphore, #tpu.memory_space<semaphore_mem>>)
        %dma_wait3A_221 = arith.constant 0 : i32
        %dma_wait3A_222 = tpu.memref_slice %arg19[%dma_wait3A_221] : memref<2064xi32, #tpu.memory_space<vmem>> -> memref<2048xi32, #tpu.memory_space<vmem>>
        %dma_wait3A_223 = tpu.memref_slice %arg9[%multiple_of3A_84] : memref<352768xi32, #tpu.memory_space<hbm>> -> memref<2048xi32, #tpu.memory_space<hbm>>
        %dma_wait3A_224 = tpu.memref_slice %arg9[%multiple_of3A_84] : memref<352768xi32, #tpu.memory_space<hbm>> -> memref<2048xi32, #tpu.memory_space<hbm>>
        %dma_wait3A_225 = arith.constant 0 : i32
        %dma_wait3A_226 = tpu.memref_slice %arg19[%dma_wait3A_225] : memref<2064xi32, #tpu.memory_space<vmem>> -> memref<2048xi32, #tpu.memory_space<vmem>>
        tpu.wait_dma2 semaphore(%run_scoped3A : memref<!tpu.dma_semaphore, #tpu.memory_space<semaphore_mem>>) src(%dma_wait3A_226 : memref<2048xi32, #tpu.memory_space<vmem>>) dst(%dma_wait3A_224 : memref<2048xi32, #tpu.memory_space<hbm>>)
        tpu.yield
      }) : () -> ()
      %broadcast_in_dim3A_85 = vector.broadcast %scan3A_75#0 : i32 to vector<16xi32>
      %swap3A_86 = arith.constant 0 : index
      %swap3A_87 = tpu.vector_load %arg34[%swap3A_86] {strides = array<i32>} : memref<16xi32, #tpu.memory_space<vmem>>, vector<16xi32>,
      tpu.vector_store %arg34[%swap3A_86], %broadcast_in_dim3A_85 {strides = array<i32>} : memref<16xi32, #tpu.memory_space<vmem>>, vector<16xi32>,
      %add3A_88 = arith.constant 64 : i32
      %add3A_89 = arith.addi %scan3A_75#0, %add3A_88 : i32
      %sub3A = arith.constant 1 : i32
      %sub3A_90 = arith.subi %add3A_89, %sub3A : i32
      %jit3A = arith.constant 64 : i32
      %div3A = arith.divsi %sub3A_90, %jit3A : i32
      %sign3A = arith.constant 0 : i32
      %sign3A_91 = arith.cmpi sgt, %sub3A_90, %sign3A : i32
      %sign3A_92 = arith.extui %sign3A_91 : i1 to i32
      %sign3A_93 = arith.constant 0 : i32
      %sign3A_94 = arith.cmpi slt, %sub3A_90, %sign3A_93 : i32
      %sign3A_95 = arith.extui %sign3A_94 : i1 to i32
      %sign3A_96 = arith.subi %sign3A_92, %sign3A_95 : i32
      %sign3A_97 = arith.constant 0 : i32
      %sign3A_98 = arith.cmpi sgt, %jit3A, %sign3A_97 : i32
      %sign3A_99 = arith.extui %sign3A_98 : i1 to i32
      %sign3A_100 = arith.constant 0 : i32
      %sign3A_101 = arith.cmpi slt, %jit3A, %sign3A_100 : i32
      %sign3A_102 = arith.extui %sign3A_101 : i1 to i32
      %sign3A_103 = arith.subi %sign3A_99, %sign3A_102 : i32
      %ne3A = arith.cmpi ne, %sign3A_96, %sign3A_103 : i32
      %rem3A = arith.remsi %sub3A_90, %jit3A : i32
      %ne3A_104 = arith.constant 0 : i32
      %ne3A_105 = arith.cmpi ne, %rem3A, %ne3A_104 : i32
      %and3A = arith.andi %ne3A, %ne3A_105 : i1
      %sub3A_106 = arith.constant 1 : i32
      %sub3A_107 = arith.subi %div3A, %sub3A_106 : i32
      %select_n3A = arith.select %and3A, %sub3A_107, %div3A : i32
      %broadcast_in_dim3A_108 = arith.constant -1.000000e+30 : f32
      %broadcast_in_dim3A_109 = vector.broadcast %broadcast_in_dim3A_108 : f32 to vector<16xf32>
      %while3A = arith.constant 0 : i32
      %while3A_110 = arith.subi %select_n3A, %while3A : i32
      %while3A_111 = arith.addi %while3A, %while3A_110 : i32
      %while3A_112 = arith.constant 1 : i32
      %while3A_113 = arith.divsi %while3A_110, %while3A_112 : i32
      %while3A_114 = arith.muli %while3A_113, %while3A_112 : i32
      %while3A_115 = arith.addi %while3A, %while3A_114 : i32
      %while3A_116 = arith.constant 1 : i32
      %while3A_117 = scf.for %while3A_215 = %while3A to %while3A_115 step %while3A_116 iter_args(%while3A_216 = %broadcast_in_dim3A_109) -> (vector<16xf32>)  : i32 {
        %mul3A_217 = arith.constant 64 : i32
        %mul3A_218 = arith.muli %while3A_215, %mul3A_217 : i32
        %multiple_of3A_219 = tpu.assume_multiple %mul3A_218, 8 : i32
        %mul3A_220 = arith.constant 22048 : i32
        %mul3A_221 = arith.muli %arg1, %mul3A_220 : i32
        %add3A_222 = arith.addi %mul3A_221, %multiple_of3A_219 : i32
        %multiple_of3A_223 = tpu.assume_multiple %add3A_222, 8 : i32
        "tpu.region"() ({
          %run_scoped3A = tpu.sem_alloc : memref<!tpu.dma_semaphore, #tpu.memory_space<semaphore_mem>>
          %dma_start3A_241 = tpu.memref_slice %arg9[%multiple_of3A_223] : memref<352768xi32, #tpu.memory_space<hbm>> -> memref<64xi32, #tpu.memory_space<hbm>>
          %dma_start3A_242 = tpu.memref_slice %arg9[%multiple_of3A_223] : memref<352768xi32, #tpu.memory_space<hbm>> -> memref<64xi32, #tpu.memory_space<hbm>>
          tpu.enqueue_dma source(%dma_start3A_242 : memref<64xi32, #tpu.memory_space<hbm>>) target(%arg22 : memref<64xi32, #tpu.memory_space<vmem>>) target_semaphore(%run_scoped3A : memref<!tpu.dma_semaphore, #tpu.memory_space<semaphore_mem>>)
          %dma_wait3A_243 = tpu.memref_slice %arg9[%multiple_of3A_223] : memref<352768xi32, #tpu.memory_space<hbm>> -> memref<64xi32, #tpu.memory_space<hbm>>
          %dma_wait3A_244 = tpu.memref_slice %arg9[%multiple_of3A_223] : memref<352768xi32, #tpu.memory_space<hbm>> -> memref<64xi32, #tpu.memory_space<hbm>>
          tpu.wait_dma2 semaphore(%run_scoped3A : memref<!tpu.dma_semaphore, #tpu.memory_space<semaphore_mem>>) src(%dma_wait3A_244 : memref<64xi32, #tpu.memory_space<hbm>>) dst(%arg22 : memref<64xi32, #tpu.memory_space<vmem>>)
          tpu.yield
        }) : () -> ()
        %scan3A_224 = arith.constant 0 : i32
        %scan3A_225 = arith.constant 0 : i32
        %scan3A_226 = arith.constant 4 : i32
        %scan3A_227 = arith.addi %scan3A_225, %scan3A_226 : i32
        %scan3A_228 = arith.constant 1 : i32
        %scan3A_229 = scf.for %scan3A_241 = %scan3A_225 to %scan3A_227 step %scan3A_228 iter_args(%scan3A_242 = %scan3A_224) -> (i32)  : i32 {
          %mul3A_243 = arith.constant 16 : i32
          %mul3A_244 = arith.muli %scan3A_241, %mul3A_243 : i32
          %get3A_245 = arith.index_cast %mul3A_244 : i32 to index
          %get3A_246 = tpu.vector_load %arg22[%get3A_245] {strides = array<i32>} : memref<64xi32, #tpu.memory_space<vmem>>, vector<16xi32>,
          %jit3A_247 = arith.constant 0 : i32
          %jit3A_248 = arith.constant 319999 : i32
          %max3A_249 = vector.broadcast %jit3A_247 : i32 to vector<16xi32>
          %max3A_250 = arith.maxsi %max3A_249, %get3A_246 : vector<16xi32>
          %min3A = vector.broadcast %jit3A_248 : i32 to vector<16xi32>
          %min3A_251 = arith.minsi %min3A, %max3A_250 : vector<16xi32>
          %mul3A_252 = arith.constant 16 : i32
          %mul3A_253 = arith.muli %scan3A_241, %mul3A_252 : i32
          %swap3A_254 = arith.index_cast %mul3A_253 : i32 to index
          %swap3A_255 = tpu.vector_load %arg22[%swap3A_254] {strides = array<i32>} : memref<64xi32, #tpu.memory_space<vmem>>, vector<16xi32>,
          tpu.vector_store %arg22[%swap3A_254], %min3A_251 {strides = array<i32>} : memref<64xi32, #tpu.memory_space<vmem>>, vector<16xi32>,
          %scan3A_256 = arith.constant 0 : i32
          scf.yield %scan3A_256 : i32
        }
        %scan3A_230 = arith.constant 4 : i32
        "tpu.region"() ({
          %run_scoped3A = tpu.sem_alloc : memref<!tpu.dma_semaphore, #tpu.memory_space<semaphore_mem>>
          %dma_start3A_241 = arith.constant 0 : i32
          %dma_start3A_242 = tpu.memref_slice %arg2[%dma_start3A_241] : memref<320000xi32, #tpu.memory_space<hbm>> -> memref<320000xi32, #tpu.memory_space<hbm>>
          tpu.enqueue_indirect_dma source(%dma_start3A_242 : memref<320000xi32, #tpu.memory_space<hbm>>) target(%arg23 : memref<64xi32, #tpu.memory_space<vmem>>) offsets(%arg22 : memref<64xi32, #tpu.memory_space<vmem>>) semaphore(%run_scoped3A : memref<!tpu.dma_semaphore, #tpu.memory_space<semaphore_mem>>)
          %dma_wait3A_243 = arith.constant 0 : i32
          %dma_wait3A_244 = tpu.memref_slice %arg2[%dma_wait3A_243] : memref<320000xi32, #tpu.memory_space<hbm>> -> memref<320000xi32, #tpu.memory_space<hbm>>
          tpu.wait_indirect_dma semaphore(%run_scoped3A : memref<!tpu.dma_semaphore, #tpu.memory_space<semaphore_mem>>) src(%dma_wait3A_244 : memref<320000xi32, #tpu.memory_space<hbm>>) dst(%arg23 : memref<64xi32, #tpu.memory_space<vmem>>)
          tpu.yield
        }) : () -> ()
        "tpu.region"() ({
          %run_scoped3A = tpu.sem_alloc : memref<!tpu.dma_semaphore, #tpu.memory_space<semaphore_mem>>
          %dma_start3A_241 = arith.constant 0 : i32
          %dma_start3A_242 = tpu.memref_slice %arg3[%dma_start3A_241] : memref<320000xi32, #tpu.memory_space<hbm>> -> memref<320000xi32, #tpu.memory_space<hbm>>
          tpu.enqueue_indirect_dma source(%dma_start3A_242 : memref<320000xi32, #tpu.memory_space<hbm>>) target(%arg24 : memref<64xi32, #tpu.memory_space<vmem>>) offsets(%arg22 : memref<64xi32, #tpu.memory_space<vmem>>) semaphore(%run_scoped3A : memref<!tpu.dma_semaphore, #tpu.memory_space<semaphore_mem>>)
          %dma_wait3A_243 = arith.constant 0 : i32
          %dma_wait3A_244 = tpu.memref_slice %arg3[%dma_wait3A_243] : memref<320000xi32, #tpu.memory_space<hbm>> -> memref<320000xi32, #tpu.memory_space<hbm>>
          tpu.wait_indirect_dma semaphore(%run_scoped3A : memref<!tpu.dma_semaphore, #tpu.memory_space<semaphore_mem>>) src(%dma_wait3A_244 : memref<320000xi32, #tpu.memory_space<hbm>>) dst(%arg24 : memref<64xi32, #tpu.memory_space<vmem>>)
          tpu.yield
        }) : () -> ()
        "tpu.region"() ({
          %run_scoped3A = tpu.sem_alloc : memref<!tpu.dma_semaphore, #tpu.memory_space<semaphore_mem>>
          %dma_start3A_241 = arith.constant 0 : i32
          %dma_start3A_242 = arith.constant 0 : i32
          %dma_start3A_243 = tpu.memref_slice %arg5[%dma_start3A_241, %dma_start3A_242] : memref<10000x128xf32, #tpu.memory_space<hbm>> -> memref<10000x128xf32, #tpu.memory_space<hbm>>
          tpu.enqueue_indirect_dma source(%dma_start3A_243 : memref<10000x128xf32, #tpu.memory_space<hbm>>) target(%arg27 : memref<64x128xf32, #tpu.memory_space<vmem>>) offsets(%arg23 : memref<64xi32, #tpu.memory_space<vmem>>) semaphore(%run_scoped3A : memref<!tpu.dma_semaphore, #tpu.memory_space<semaphore_mem>>)
          %dma_wait3A_244 = arith.constant 0 : i32
          %dma_wait3A_245 = arith.constant 0 : i32
          %dma_wait3A_246 = tpu.memref_slice %arg5[%dma_wait3A_244, %dma_wait3A_245] : memref<10000x128xf32, #tpu.memory_space<hbm>> -> memref<10000x128xf32, #tpu.memory_space<hbm>>
          tpu.wait_indirect_dma semaphore(%run_scoped3A : memref<!tpu.dma_semaphore, #tpu.memory_space<semaphore_mem>>) src(%dma_wait3A_246 : memref<10000x128xf32, #tpu.memory_space<hbm>>) dst(%arg27 : memref<64x128xf32, #tpu.memory_space<vmem>>)
          tpu.yield
        }) : () -> ()
        "tpu.region"() ({
          %run_scoped3A = tpu.sem_alloc : memref<!tpu.dma_semaphore, #tpu.memory_space<semaphore_mem>>
          %dma_start3A_241 = arith.constant 0 : i32
          %dma_start3A_242 = arith.constant 0 : i32
          %dma_start3A_243 = tpu.memref_slice %arg6[%dma_start3A_241, %dma_start3A_242] : memref<10000x128xf32, #tpu.memory_space<hbm>> -> memref<10000x128xf32, #tpu.memory_space<hbm>>
          tpu.enqueue_indirect_dma source(%dma_start3A_243 : memref<10000x128xf32, #tpu.memory_space<hbm>>) target(%arg28 : memref<64x128xf32, #tpu.memory_space<vmem>>) offsets(%arg24 : memref<64xi32, #tpu.memory_space<vmem>>) semaphore(%run_scoped3A : memref<!tpu.dma_semaphore, #tpu.memory_space<semaphore_mem>>)
          %dma_wait3A_244 = arith.constant 0 : i32
          %dma_wait3A_245 = arith.constant 0 : i32
          %dma_wait3A_246 = tpu.memref_slice %arg6[%dma_wait3A_244, %dma_wait3A_245] : memref<10000x128xf32, #tpu.memory_space<hbm>> -> memref<10000x128xf32, #tpu.memory_space<hbm>>
          tpu.wait_indirect_dma semaphore(%run_scoped3A : memref<!tpu.dma_semaphore, #tpu.memory_space<semaphore_mem>>) src(%dma_wait3A_246 : memref<10000x128xf32, #tpu.memory_space<hbm>>) dst(%arg28 : memref<64x128xf32, #tpu.memory_space<vmem>>)
          tpu.yield
        }) : () -> ()
        %scan3A_231 = arith.constant 0 : i32
        %scan3A_232 = arith.constant 64 : i32
        %scan3A_233 = arith.addi %scan3A_231, %scan3A_232 : i32
        %scan3A_234 = arith.constant 1 : i32
        %scan3A_235 = scf.for %scan3A_241 = %scan3A_231 to %scan3A_233 step %scan3A_234 iter_args(%scan3A_242 = %while3A_216) -> (vector<16xf32>)  : i32 {
          %get3A_243 = arith.index_cast %scan3A_241 : i32 to index
          %get3A_244 = arith.constant 0 : index
          %get3A_245 = tpu.vector_load %arg27[%get3A_243, %get3A_244] {strides = array<i32>} : memref<64x128xf32, #tpu.memory_space<vmem>>, vector<16xf32>,
          %get3A_246 = arith.index_cast %scan3A_241 : i32 to index
          %get3A_247 = arith.constant 0 : index
          %get3A_248 = tpu.vector_load %arg28[%get3A_246, %get3A_247] {strides = array<i32>} : memref<64x128xf32, #tpu.memory_space<vmem>>, vector<16xf32>,
          %add3A_249 = arith.addf %get3A_245, %get3A_248 : vector<16xf32>
          %mul3A_250 = arith.constant 2.000000e-01 : f32
          %mul3A_251 = vector.broadcast %mul3A_250 : f32 to vector<16xf32>
          %mul3A_252 = arith.mulf %mul3A_251, %add3A_249 : vector<16xf32>
          %max3A_253 = arith.maximumf %add3A_249, %mul3A_252 : vector<16xf32>
          %get3A_254 = arith.constant 0 : index
          %get3A_255 = tpu.vector_load %arg33[%get3A_254] {strides = array<i32>} : memref<128xf32, #tpu.memory_space<vmem>>, vector<16xf32>,
          %mul3A_256 = arith.mulf %max3A_253, %get3A_255 : vector<16xf32>
          %add3A_257 = arith.addf %broadcast_in_dim3A_4, %mul3A_256 : vector<16xf32>
          %get3A_258 = arith.index_cast %scan3A_241 : i32 to index
          %get3A_259 = arith.constant 16 : index
          %get3A_260 = tpu.vector_load %arg27[%get3A_258, %get3A_259] {strides = array<i32>} : memref<64x128xf32, #tpu.memory_space<vmem>>, vector<16xf32>,
          %get3A_261 = arith.index_cast %scan3A_241 : i32 to index
          %get3A_262 = arith.constant 16 : index
          %get3A_263 = tpu.vector_load %arg28[%get3A_261, %get3A_262] {strides = array<i32>} : memref<64x128xf32, #tpu.memory_space<vmem>>, vector<16xf32>,
          %add3A_264 = arith.addf %get3A_260, %get3A_263 : vector<16xf32>
          %mul3A_265 = arith.constant 2.000000e-01 : f32
          %mul3A_266 = vector.broadcast %mul3A_265 : f32 to vector<16xf32>
          %mul3A_267 = arith.mulf %mul3A_266, %add3A_264 : vector<16xf32>
          %max3A_268 = arith.maximumf %add3A_264, %mul3A_267 : vector<16xf32>
          %get3A_269 = arith.constant 16 : index
          %get3A_270 = tpu.vector_load %arg33[%get3A_269] {strides = array<i32>} : memref<128xf32, #tpu.memory_space<vmem>>, vector<16xf32>,
          %mul3A_271 = arith.mulf %max3A_268, %get3A_270 : vector<16xf32>
          %add3A_272 = arith.addf %add3A_257, %mul3A_271 : vector<16xf32>
          %get3A_273 = arith.index_cast %scan3A_241 : i32 to index
          %get3A_274 = arith.constant 32 : index
          %get3A_275 = tpu.vector_load %arg27[%get3A_273, %get3A_274] {strides = array<i32>} : memref<64x128xf32, #tpu.memory_space<vmem>>, vector<16xf32>,
          %get3A_276 = arith.index_cast %scan3A_241 : i32 to index
          %get3A_277 = arith.constant 32 : index
          %get3A_278 = tpu.vector_load %arg28[%get3A_276, %get3A_277] {strides = array<i32>} : memref<64x128xf32, #tpu.memory_space<vmem>>, vector<16xf32>,
          %add3A_279 = arith.addf %get3A_275, %get3A_278 : vector<16xf32>
          %mul3A_280 = arith.constant 2.000000e-01 : f32
          %mul3A_281 = vector.broadcast %mul3A_280 : f32 to vector<16xf32>
          %mul3A_282 = arith.mulf %mul3A_281, %add3A_279 : vector<16xf32>
          %max3A_283 = arith.maximumf %add3A_279, %mul3A_282 : vector<16xf32>
          %get3A_284 = arith.constant 32 : index
          %get3A_285 = tpu.vector_load %arg33[%get3A_284] {strides = array<i32>} : memref<128xf32, #tpu.memory_space<vmem>>, vector<16xf32>,
          %mul3A_286 = arith.mulf %max3A_283, %get3A_285 : vector<16xf32>
          %add3A_287 = arith.addf %add3A_272, %mul3A_286 : vector<16xf32>
          %get3A_288 = arith.index_cast %scan3A_241 : i32 to index
          %get3A_289 = arith.constant 48 : index
          %get3A_290 = tpu.vector_load %arg27[%get3A_288, %get3A_289] {strides = array<i32>} : memref<64x128xf32, #tpu.memory_space<vmem>>, vector<16xf32>,
          %get3A_291 = arith.index_cast %scan3A_241 : i32 to index
          %get3A_292 = arith.constant 48 : index
          %get3A_293 = tpu.vector_load %arg28[%get3A_291, %get3A_292] {strides = array<i32>} : memref<64x128xf32, #tpu.memory_space<vmem>>, vector<16xf32>,
          %add3A_294 = arith.addf %get3A_290, %get3A_293 : vector<16xf32>
          %mul3A_295 = arith.constant 2.000000e-01 : f32
          %mul3A_296 = vector.broadcast %mul3A_295 : f32 to vector<16xf32>
          %mul3A_297 = arith.mulf %mul3A_296, %add3A_294 : vector<16xf32>
          %max3A_298 = arith.maximumf %add3A_294, %mul3A_297 : vector<16xf32>
          %get3A_299 = arith.constant 48 : index
          %get3A_300 = tpu.vector_load %arg33[%get3A_299] {strides = array<i32>} : memref<128xf32, #tpu.memory_space<vmem>>, vector<16xf32>,
          %mul3A_301 = arith.mulf %max3A_298, %get3A_300 : vector<16xf32>
          %add3A_302 = arith.addf %add3A_287, %mul3A_301 : vector<16xf32>
          %get3A_303 = arith.index_cast %scan3A_241 : i32 to index
          %get3A_304 = arith.constant 64 : index
          %get3A_305 = tpu.vector_load %arg27[%get3A_303, %get3A_304] {strides = array<i32>} : memref<64x128xf32, #tpu.memory_space<vmem>>, vector<16xf32>,
          %get3A_306 = arith.index_cast %scan3A_241 : i32 to index
          %get3A_307 = arith.constant 64 : index
          %get3A_308 = tpu.vector_load %arg28[%get3A_306, %get3A_307] {strides = array<i32>} : memref<64x128xf32, #tpu.memory_space<vmem>>, vector<16xf32>,
          %add3A_309 = arith.addf %get3A_305, %get3A_308 : vector<16xf32>
          %mul3A_310 = arith.constant 2.000000e-01 : f32
          %mul3A_311 = vector.broadcast %mul3A_310 : f32 to vector<16xf32>
          %mul3A_312 = arith.mulf %mul3A_311, %add3A_309 : vector<16xf32>
          %max3A_313 = arith.maximumf %add3A_309, %mul3A_312 : vector<16xf32>
          %get3A_314 = arith.constant 64 : index
          %get3A_315 = tpu.vector_load %arg33[%get3A_314] {strides = array<i32>} : memref<128xf32, #tpu.memory_space<vmem>>, vector<16xf32>,
          %mul3A_316 = arith.mulf %max3A_313, %get3A_315 : vector<16xf32>
          %add3A_317 = arith.addf %add3A_302, %mul3A_316 : vector<16xf32>
          %get3A_318 = arith.index_cast %scan3A_241 : i32 to index
          %get3A_319 = arith.constant 80 : index
          %get3A_320 = tpu.vector_load %arg27[%get3A_318, %get3A_319] {strides = array<i32>} : memref<64x128xf32, #tpu.memory_space<vmem>>, vector<16xf32>,
          %get3A_321 = arith.index_cast %scan3A_241 : i32 to index
          %get3A_322 = arith.constant 80 : index
          %get3A_323 = tpu.vector_load %arg28[%get3A_321, %get3A_322] {strides = array<i32>} : memref<64x128xf32, #tpu.memory_space<vmem>>, vector<16xf32>,
          %add3A_324 = arith.addf %get3A_320, %get3A_323 : vector<16xf32>
          %mul3A_325 = arith.constant 2.000000e-01 : f32
          %mul3A_326 = vector.broadcast %mul3A_325 : f32 to vector<16xf32>
          %mul3A_327 = arith.mulf %mul3A_326, %add3A_324 : vector<16xf32>
          %max3A_328 = arith.maximumf %add3A_324, %mul3A_327 : vector<16xf32>
          %get3A_329 = arith.constant 80 : index
          %get3A_330 = tpu.vector_load %arg33[%get3A_329] {strides = array<i32>} : memref<128xf32, #tpu.memory_space<vmem>>, vector<16xf32>,
          %mul3A_331 = arith.mulf %max3A_328, %get3A_330 : vector<16xf32>
          %add3A_332 = arith.addf %add3A_317, %mul3A_331 : vector<16xf32>
          %get3A_333 = arith.index_cast %scan3A_241 : i32 to index
          %get3A_334 = arith.constant 96 : index
          %get3A_335 = tpu.vector_load %arg27[%get3A_333, %get3A_334] {strides = array<i32>} : memref<64x128xf32, #tpu.memory_space<vmem>>, vector<16xf32>,
          %get3A_336 = arith.index_cast %scan3A_241 : i32 to index
          %get3A_337 = arith.constant 96 : index
          %get3A_338 = tpu.vector_load %arg28[%get3A_336, %get3A_337] {strides = array<i32>} : memref<64x128xf32, #tpu.memory_space<vmem>>, vector<16xf32>,
          %add3A_339 = arith.addf %get3A_335, %get3A_338 : vector<16xf32>
          %mul3A_340 = arith.constant 2.000000e-01 : f32
          %mul3A_341 = vector.broadcast %mul3A_340 : f32 to vector<16xf32>
          %mul3A_342 = arith.mulf %mul3A_341, %add3A_339 : vector<16xf32>
          %max3A_343 = arith.maximumf %add3A_339, %mul3A_342 : vector<16xf32>
          %get3A_344 = arith.constant 96 : index
          %get3A_345 = tpu.vector_load %arg33[%get3A_344] {strides = array<i32>} : memref<128xf32, #tpu.memory_space<vmem>>, vector<16xf32>,
          %mul3A_346 = arith.mulf %max3A_343, %get3A_345 : vector<16xf32>
          %add3A_347 = arith.addf %add3A_332, %mul3A_346 : vector<16xf32>
          %get3A_348 = arith.index_cast %scan3A_241 : i32 to index
          %get3A_349 = arith.constant 112 : index
          %get3A_350 = tpu.vector_load %arg27[%get3A_348, %get3A_349] {strides = array<i32>} : memref<64x128xf32, #tpu.memory_space<vmem>>, vector<16xf32>,
          %get3A_351 = arith.index_cast %scan3A_241 : i32 to index
          %get3A_352 = arith.constant 112 : index
          %get3A_353 = tpu.vector_load %arg28[%get3A_351, %get3A_352] {strides = array<i32>} : memref<64x128xf32, #tpu.memory_space<vmem>>, vector<16xf32>,
          %add3A_354 = arith.addf %get3A_350, %get3A_353 : vector<16xf32>
          %mul3A_355 = arith.constant 2.000000e-01 : f32
          %mul3A_356 = vector.broadcast %mul3A_355 : f32 to vector<16xf32>
          %mul3A_357 = arith.mulf %mul3A_356, %add3A_354 : vector<16xf32>
          %max3A_358 = arith.maximumf %add3A_354, %mul3A_357 : vector<16xf32>
          %get3A_359 = arith.constant 112 : index
          %get3A_360 = tpu.vector_load %arg33[%get3A_359] {strides = array<i32>} : memref<128xf32, #tpu.memory_space<vmem>>, vector<16xf32>,
          %mul3A_361 = arith.mulf %max3A_358, %get3A_360 : vector<16xf32>
          %add3A_362 = arith.addf %add3A_347, %mul3A_361 : vector<16xf32>
          %slice3A = vector.extract_strided_slice %add3A_362 {offsets = [0], sizes = [1], strides = [1]} : vector<16xf32> to vector<1xf32>
          %squeeze3A = vector.extract %slice3A[0] : f32 from vector<1xf32>
          %slice3A_363 = vector.extract_strided_slice %add3A_362 {offsets = [1], sizes = [1], strides = [1]} : vector<16xf32> to vector<1xf32>
          %squeeze3A_364 = vector.extract %slice3A_363[0] : f32 from vector<1xf32>
          %add3A_365 = arith.addf %squeeze3A, %squeeze3A_364 : f32
          %slice3A_366 = vector.extract_strided_slice %add3A_362 {offsets = [2], sizes = [1], strides = [1]} : vector<16xf32> to vector<1xf32>
          %squeeze3A_367 = vector.extract %slice3A_366[0] : f32 from vector<1xf32>
          %add3A_368 = arith.addf %add3A_365, %squeeze3A_367 : f32
          %slice3A_369 = vector.extract_strided_slice %add3A_362 {offsets = [3], sizes = [1], strides = [1]} : vector<16xf32> to vector<1xf32>
          %squeeze3A_370 = vector.extract %slice3A_369[0] : f32 from vector<1xf32>
          %add3A_371 = arith.addf %add3A_368, %squeeze3A_370 : f32
          %slice3A_372 = vector.extract_strided_slice %add3A_362 {offsets = [4], sizes = [1], strides = [1]} : vector<16xf32> to vector<1xf32>
          %squeeze3A_373 = vector.extract %slice3A_372[0] : f32 from vector<1xf32>
          %add3A_374 = arith.addf %add3A_371, %squeeze3A_373 : f32
          %slice3A_375 = vector.extract_strided_slice %add3A_362 {offsets = [5], sizes = [1], strides = [1]} : vector<16xf32> to vector<1xf32>
          %squeeze3A_376 = vector.extract %slice3A_375[0] : f32 from vector<1xf32>
          %add3A_377 = arith.addf %add3A_374, %squeeze3A_376 : f32
          %slice3A_378 = vector.extract_strided_slice %add3A_362 {offsets = [6], sizes = [1], strides = [1]} : vector<16xf32> to vector<1xf32>
          %squeeze3A_379 = vector.extract %slice3A_378[0] : f32 from vector<1xf32>
          %add3A_380 = arith.addf %add3A_377, %squeeze3A_379 : f32
          %slice3A_381 = vector.extract_strided_slice %add3A_362 {offsets = [7], sizes = [1], strides = [1]} : vector<16xf32> to vector<1xf32>
          %squeeze3A_382 = vector.extract %slice3A_381[0] : f32 from vector<1xf32>
          %add3A_383 = arith.addf %add3A_380, %squeeze3A_382 : f32
          %slice3A_384 = vector.extract_strided_slice %add3A_362 {offsets = [8], sizes = [1], strides = [1]} : vector<16xf32> to vector<1xf32>
          %squeeze3A_385 = vector.extract %slice3A_384[0] : f32 from vector<1xf32>
          %add3A_386 = arith.addf %add3A_383, %squeeze3A_385 : f32
          %slice3A_387 = vector.extract_strided_slice %add3A_362 {offsets = [9], sizes = [1], strides = [1]} : vector<16xf32> to vector<1xf32>
          %squeeze3A_388 = vector.extract %slice3A_387[0] : f32 from vector<1xf32>
          %add3A_389 = arith.addf %add3A_386, %squeeze3A_388 : f32
          %slice3A_390 = vector.extract_strided_slice %add3A_362 {offsets = [10], sizes = [1], strides = [1]} : vector<16xf32> to vector<1xf32>
          %squeeze3A_391 = vector.extract %slice3A_390[0] : f32 from vector<1xf32>
          %add3A_392 = arith.addf %add3A_389, %squeeze3A_391 : f32
          %slice3A_393 = vector.extract_strided_slice %add3A_362 {offsets = [11], sizes = [1], strides = [1]} : vector<16xf32> to vector<1xf32>
          %squeeze3A_394 = vector.extract %slice3A_393[0] : f32 from vector<1xf32>
          %add3A_395 = arith.addf %add3A_392, %squeeze3A_394 : f32
          %slice3A_396 = vector.extract_strided_slice %add3A_362 {offsets = [12], sizes = [1], strides = [1]} : vector<16xf32> to vector<1xf32>
          %squeeze3A_397 = vector.extract %slice3A_396[0] : f32 from vector<1xf32>
          %add3A_398 = arith.addf %add3A_395, %squeeze3A_397 : f32
          %slice3A_399 = vector.extract_strided_slice %add3A_362 {offsets = [13], sizes = [1], strides = [1]} : vector<16xf32> to vector<1xf32>
          %squeeze3A_400 = vector.extract %slice3A_399[0] : f32 from vector<1xf32>
          %add3A_401 = arith.addf %add3A_398, %squeeze3A_400 : f32
          %slice3A_402 = vector.extract_strided_slice %add3A_362 {offsets = [14], sizes = [1], strides = [1]} : vector<16xf32> to vector<1xf32>
          %squeeze3A_403 = vector.extract %slice3A_402[0] : f32 from vector<1xf32>
          %add3A_404 = arith.addf %add3A_401, %squeeze3A_403 : f32
          %slice3A_405 = vector.extract_strided_slice %add3A_362 {offsets = [15], sizes = [1], strides = [1]} : vector<16xf32> to vector<1xf32>
          %squeeze3A_406 = vector.extract %slice3A_405[0] : f32 from vector<1xf32>
          %add3A_407 = arith.addf %add3A_404, %squeeze3A_406 : f32
          %broadcast_in_dim3A_408 = vector.broadcast %scan3A_241 : i32 to vector<16xi32>
          %broadcast_in_dim3A_409 = vector.broadcast %add3A_407 : f32 to vector<16xf32>
          %eq3A_410 = arith.constant 0 : i32
          %eq3A_411 = vector.broadcast %eq3A_410 : i32 to vector<16xi32>
          %eq3A_412 = arith.cmpi eq, %iota3A, %eq3A_411 : vector<16xi32>
          tpu.vector_store_idx %arg30[%broadcast_in_dim3A_408], %broadcast_in_dim3A_409 masked %eq3A_412 : memref<64xf32, #tpu.memory_space<vmem>>[vector<16xi32>], vector<16xf32>, vector<16xi1>
          %add3A_413 = arith.addi %multiple_of3A_219, %scan3A_241 : i32
          %lt3A = arith.cmpi slt, %add3A_413, %scan3A_75#0 : i32
          %jit3A_414 = arith.constant -1.000000e+30 : f32
          %select_n3A_415 = arith.select %lt3A, %add3A_407, %jit3A_414 : f32
          %broadcast_in_dim3A_416 = vector.broadcast %select_n3A_415 : f32 to vector<16xf32>
          %max3A_417 = arith.maximumf %scan3A_242, %broadcast_in_dim3A_416 : vector<16xf32>
          scf.yield %max3A_417 : vector<16xf32>
        }
        %scan3A_236 = arith.constant 64 : i32
        %mul3A_237 = arith.constant 22048 : i32
        %mul3A_238 = arith.muli %arg1, %mul3A_237 : i32
        %add3A_239 = arith.addi %mul3A_238, %multiple_of3A_219 : i32
        %multiple_of3A_240 = tpu.assume_multiple %add3A_239, 8 : i32
        "tpu.region"() ({
          %run_scoped3A = tpu.sem_alloc : memref<!tpu.dma_semaphore, #tpu.memory_space<semaphore_mem>>
          %dma_start3A_241 = tpu.memref_slice %arg15[%multiple_of3A_240] : memref<352768xf32, #tpu.memory_space<hbm>> -> memref<64xf32, #tpu.memory_space<hbm>>
          %dma_start3A_242 = tpu.memref_slice %arg15[%multiple_of3A_240] : memref<352768xf32, #tpu.memory_space<hbm>> -> memref<64xf32, #tpu.memory_space<hbm>>
          tpu.enqueue_dma source(%arg30 : memref<64xf32, #tpu.memory_space<vmem>>) target(%dma_start3A_242 : memref<64xf32, #tpu.memory_space<hbm>>) target_semaphore(%run_scoped3A : memref<!tpu.dma_semaphore, #tpu.memory_space<semaphore_mem>>)
          %dma_wait3A_243 = tpu.memref_slice %arg15[%multiple_of3A_240] : memref<352768xf32, #tpu.memory_space<hbm>> -> memref<64xf32, #tpu.memory_space<hbm>>
          %dma_wait3A_244 = tpu.memref_slice %arg15[%multiple_of3A_240] : memref<352768xf32, #tpu.memory_space<hbm>> -> memref<64xf32, #tpu.memory_space<hbm>>
          tpu.wait_dma2 semaphore(%run_scoped3A : memref<!tpu.dma_semaphore, #tpu.memory_space<semaphore_mem>>) src(%arg30 : memref<64xf32, #tpu.memory_space<vmem>>) dst(%dma_wait3A_244 : memref<64xf32, #tpu.memory_space<hbm>>)
          tpu.yield
        }) : () -> ()
        scf.yield %scan3A_235 : vector<16xf32>
      }
      %while3A_118 = arith.constant 1 : i32
      %while3A_119 = scf.for %while3A_215 = %while3A_115 to %while3A_111 step %while3A_118 iter_args(%while3A_216 = %while3A_117) -> (vector<16xf32>)  : i32 {
        %mul3A_217 = arith.constant 64 : i32
        %mul3A_218 = arith.muli %while3A_215, %mul3A_217 : i32
        %multiple_of3A_219 = tpu.assume_multiple %mul3A_218, 8 : i32
        %mul3A_220 = arith.constant 22048 : i32
        %mul3A_221 = arith.muli %arg1, %mul3A_220 : i32
        %add3A_222 = arith.addi %mul3A_221, %multiple_of3A_219 : i32
        %multiple_of3A_223 = tpu.assume_multiple %add3A_222, 8 : i32
        "tpu.region"() ({
          %run_scoped3A = tpu.sem_alloc : memref<!tpu.dma_semaphore, #tpu.memory_space<semaphore_mem>>
          %dma_start3A_241 = tpu.memref_slice %arg9[%multiple_of3A_223] : memref<352768xi32, #tpu.memory_space<hbm>> -> memref<64xi32, #tpu.memory_space<hbm>>
          %dma_start3A_242 = tpu.memref_slice %arg9[%multiple_of3A_223] : memref<352768xi32, #tpu.memory_space<hbm>> -> memref<64xi32, #tpu.memory_space<hbm>>
          tpu.enqueue_dma source(%dma_start3A_242 : memref<64xi32, #tpu.memory_space<hbm>>) target(%arg22 : memref<64xi32, #tpu.memory_space<vmem>>) target_semaphore(%run_scoped3A : memref<!tpu.dma_semaphore, #tpu.memory_space<semaphore_mem>>)
          %dma_wait3A_243 = tpu.memref_slice %arg9[%multiple_of3A_223] : memref<352768xi32, #tpu.memory_space<hbm>> -> memref<64xi32, #tpu.memory_space<hbm>>
          %dma_wait3A_244 = tpu.memref_slice %arg9[%multiple_of3A_223] : memref<352768xi32, #tpu.memory_space<hbm>> -> memref<64xi32, #tpu.memory_space<hbm>>
          tpu.wait_dma2 semaphore(%run_scoped3A : memref<!tpu.dma_semaphore, #tpu.memory_space<semaphore_mem>>) src(%dma_wait3A_244 : memref<64xi32, #tpu.memory_space<hbm>>) dst(%arg22 : memref<64xi32, #tpu.memory_space<vmem>>)
          tpu.yield
        }) : () -> ()
        %scan3A_224 = arith.constant 0 : i32
        %scan3A_225 = arith.constant 0 : i32
        %scan3A_226 = arith.constant 4 : i32
        %scan3A_227 = arith.addi %scan3A_225, %scan3A_226 : i32
        %scan3A_228 = arith.constant 1 : i32
        %scan3A_229 = scf.for %scan3A_241 = %scan3A_225 to %scan3A_227 step %scan3A_228 iter_args(%scan3A_242 = %scan3A_224) -> (i32)  : i32 {
          %mul3A_243 = arith.constant 16 : i32
          %mul3A_244 = arith.muli %scan3A_241, %mul3A_243 : i32
          %get3A_245 = arith.index_cast %mul3A_244 : i32 to index
          %get3A_246 = tpu.vector_load %arg22[%get3A_245] {strides = array<i32>} : memref<64xi32, #tpu.memory_space<vmem>>, vector<16xi32>,
          %jit3A_247 = arith.constant 0 : i32
          %jit3A_248 = arith.constant 319999 : i32
          %max3A_249 = vector.broadcast %jit3A_247 : i32 to vector<16xi32>
          %max3A_250 = arith.maxsi %max3A_249, %get3A_246 : vector<16xi32>
          %min3A = vector.broadcast %jit3A_248 : i32 to vector<16xi32>
          %min3A_251 = arith.minsi %min3A, %max3A_250 : vector<16xi32>
          %mul3A_252 = arith.constant 16 : i32
          %mul3A_253 = arith.muli %scan3A_241, %mul3A_252 : i32
          %swap3A_254 = arith.index_cast %mul3A_253 : i32 to index
          %swap3A_255 = tpu.vector_load %arg22[%swap3A_254] {strides = array<i32>} : memref<64xi32, #tpu.memory_space<vmem>>, vector<16xi32>,
          tpu.vector_store %arg22[%swap3A_254], %min3A_251 {strides = array<i32>} : memref<64xi32, #tpu.memory_space<vmem>>, vector<16xi32>,
          %scan3A_256 = arith.constant 0 : i32
          scf.yield %scan3A_256 : i32
        }
        %scan3A_230 = arith.constant 4 : i32
        "tpu.region"() ({
          %run_scoped3A = tpu.sem_alloc : memref<!tpu.dma_semaphore, #tpu.memory_space<semaphore_mem>>
          %dma_start3A_241 = arith.constant 0 : i32
          %dma_start3A_242 = tpu.memref_slice %arg2[%dma_start3A_241] : memref<320000xi32, #tpu.memory_space<hbm>> -> memref<320000xi32, #tpu.memory_space<hbm>>
          tpu.enqueue_indirect_dma source(%dma_start3A_242 : memref<320000xi32, #tpu.memory_space<hbm>>) target(%arg23 : memref<64xi32, #tpu.memory_space<vmem>>) offsets(%arg22 : memref<64xi32, #tpu.memory_space<vmem>>) semaphore(%run_scoped3A : memref<!tpu.dma_semaphore, #tpu.memory_space<semaphore_mem>>)
          %dma_wait3A_243 = arith.constant 0 : i32
          %dma_wait3A_244 = tpu.memref_slice %arg2[%dma_wait3A_243] : memref<320000xi32, #tpu.memory_space<hbm>> -> memref<320000xi32, #tpu.memory_space<hbm>>
          tpu.wait_indirect_dma semaphore(%run_scoped3A : memref<!tpu.dma_semaphore, #tpu.memory_space<semaphore_mem>>) src(%dma_wait3A_244 : memref<320000xi32, #tpu.memory_space<hbm>>) dst(%arg23 : memref<64xi32, #tpu.memory_space<vmem>>)
          tpu.yield
        }) : () -> ()
        "tpu.region"() ({
          %run_scoped3A = tpu.sem_alloc : memref<!tpu.dma_semaphore, #tpu.memory_space<semaphore_mem>>
          %dma_start3A_241 = arith.constant 0 : i32
          %dma_start3A_242 = tpu.memref_slice %arg3[%dma_start3A_241] : memref<320000xi32, #tpu.memory_space<hbm>> -> memref<320000xi32, #tpu.memory_space<hbm>>
          tpu.enqueue_indirect_dma source(%dma_start3A_242 : memref<320000xi32, #tpu.memory_space<hbm>>) target(%arg24 : memref<64xi32, #tpu.memory_space<vmem>>) offsets(%arg22 : memref<64xi32, #tpu.memory_space<vmem>>) semaphore(%run_scoped3A : memref<!tpu.dma_semaphore, #tpu.memory_space<semaphore_mem>>)
          %dma_wait3A_243 = arith.constant 0 : i32
          %dma_wait3A_244 = tpu.memref_slice %arg3[%dma_wait3A_243] : memref<320000xi32, #tpu.memory_space<hbm>> -> memref<320000xi32, #tpu.memory_space<hbm>>
          tpu.wait_indirect_dma semaphore(%run_scoped3A : memref<!tpu.dma_semaphore, #tpu.memory_space<semaphore_mem>>) src(%dma_wait3A_244 : memref<320000xi32, #tpu.memory_space<hbm>>) dst(%arg24 : memref<64xi32, #tpu.memory_space<vmem>>)
          tpu.yield
        }) : () -> ()
        "tpu.region"() ({
          %run_scoped3A = tpu.sem_alloc : memref<!tpu.dma_semaphore, #tpu.memory_space<semaphore_mem>>
          %dma_start3A_241 = arith.constant 0 : i32
          %dma_start3A_242 = arith.constant 0 : i32
          %dma_start3A_243 = tpu.memref_slice %arg5[%dma_start3A_241, %dma_start3A_242] : memref<10000x128xf32, #tpu.memory_space<hbm>> -> memref<10000x128xf32, #tpu.memory_space<hbm>>
          tpu.enqueue_indirect_dma source(%dma_start3A_243 : memref<10000x128xf32, #tpu.memory_space<hbm>>) target(%arg27 : memref<64x128xf32, #tpu.memory_space<vmem>>) offsets(%arg23 : memref<64xi32, #tpu.memory_space<vmem>>) semaphore(%run_scoped3A : memref<!tpu.dma_semaphore, #tpu.memory_space<semaphore_mem>>)
          %dma_wait3A_244 = arith.constant 0 : i32
          %dma_wait3A_245 = arith.constant 0 : i32
          %dma_wait3A_246 = tpu.memref_slice %arg5[%dma_wait3A_244, %dma_wait3A_245] : memref<10000x128xf32, #tpu.memory_space<hbm>> -> memref<10000x128xf32, #tpu.memory_space<hbm>>
          tpu.wait_indirect_dma semaphore(%run_scoped3A : memref<!tpu.dma_semaphore, #tpu.memory_space<semaphore_mem>>) src(%dma_wait3A_246 : memref<10000x128xf32, #tpu.memory_space<hbm>>) dst(%arg27 : memref<64x128xf32, #tpu.memory_space<vmem>>)
          tpu.yield
        }) : () -> ()
        "tpu.region"() ({
          %run_scoped3A = tpu.sem_alloc : memref<!tpu.dma_semaphore, #tpu.memory_space<semaphore_mem>>
          %dma_start3A_241 = arith.constant 0 : i32
          %dma_start3A_242 = arith.constant 0 : i32
          %dma_start3A_243 = tpu.memref_slice %arg6[%dma_start3A_241, %dma_start3A_242] : memref<10000x128xf32, #tpu.memory_space<hbm>> -> memref<10000x128xf32, #tpu.memory_space<hbm>>
          tpu.enqueue_indirect_dma source(%dma_start3A_243 : memref<10000x128xf32, #tpu.memory_space<hbm>>) target(%arg28 : memref<64x128xf32, #tpu.memory_space<vmem>>) offsets(%arg24 : memref<64xi32, #tpu.memory_space<vmem>>) semaphore(%run_scoped3A : memref<!tpu.dma_semaphore, #tpu.memory_space<semaphore_mem>>)
          %dma_wait3A_244 = arith.constant 0 : i32
          %dma_wait3A_245 = arith.constant 0 : i32
          %dma_wait3A_246 = tpu.memref_slice %arg6[%dma_wait3A_244, %dma_wait3A_245] : memref<10000x128xf32, #tpu.memory_space<hbm>> -> memref<10000x128xf32, #tpu.memory_space<hbm>>
          tpu.wait_indirect_dma semaphore(%run_scoped3A : memref<!tpu.dma_semaphore, #tpu.memory_space<semaphore_mem>>) src(%dma_wait3A_246 : memref<10000x128xf32, #tpu.memory_space<hbm>>) dst(%arg28 : memref<64x128xf32, #tpu.memory_space<vmem>>)
          tpu.yield
        }) : () -> ()
        %scan3A_231 = arith.constant 0 : i32
        %scan3A_232 = arith.constant 64 : i32
        %scan3A_233 = arith.addi %scan3A_231, %scan3A_232 : i32
        %scan3A_234 = arith.constant 1 : i32
        %scan3A_235 = scf.for %scan3A_241 = %scan3A_231 to %scan3A_233 step %scan3A_234 iter_args(%scan3A_242 = %while3A_216) -> (vector<16xf32>)  : i32 {
          %get3A_243 = arith.index_cast %scan3A_241 : i32 to index
          %get3A_244 = arith.constant 0 : index
          %get3A_245 = tpu.vector_load %arg27[%get3A_243, %get3A_244] {strides = array<i32>} : memref<64x128xf32, #tpu.memory_space<vmem>>, vector<16xf32>,
          %get3A_246 = arith.index_cast %scan3A_241 : i32 to index
          %get3A_247 = arith.constant 0 : index
          %get3A_248 = tpu.vector_load %arg28[%get3A_246, %get3A_247] {strides = array<i32>} : memref<64x128xf32, #tpu.memory_space<vmem>>, vector<16xf32>,
          %add3A_249 = arith.addf %get3A_245, %get3A_248 : vector<16xf32>
          %mul3A_250 = arith.constant 2.000000e-01 : f32
          %mul3A_251 = vector.broadcast %mul3A_250 : f32 to vector<16xf32>
          %mul3A_252 = arith.mulf %mul3A_251, %add3A_249 : vector<16xf32>
          %max3A_253 = arith.maximumf %add3A_249, %mul3A_252 : vector<16xf32>
          %get3A_254 = arith.constant 0 : index
          %get3A_255 = tpu.vector_load %arg33[%get3A_254] {strides = array<i32>} : memref<128xf32, #tpu.memory_space<vmem>>, vector<16xf32>,
          %mul3A_256 = arith.mulf %max3A_253, %get3A_255 : vector<16xf32>
          %add3A_257 = arith.addf %broadcast_in_dim3A_4, %mul3A_256 : vector<16xf32>
          %get3A_258 = arith.index_cast %scan3A_241 : i32 to index
          %get3A_259 = arith.constant 16 : index
          %get3A_260 = tpu.vector_load %arg27[%get3A_258, %get3A_259] {strides = array<i32>} : memref<64x128xf32, #tpu.memory_space<vmem>>, vector<16xf32>,
          %get3A_261 = arith.index_cast %scan3A_241 : i32 to index
          %get3A_262 = arith.constant 16 : index
          %get3A_263 = tpu.vector_load %arg28[%get3A_261, %get3A_262] {strides = array<i32>} : memref<64x128xf32, #tpu.memory_space<vmem>>, vector<16xf32>,
          %add3A_264 = arith.addf %get3A_260, %get3A_263 : vector<16xf32>
          %mul3A_265 = arith.constant 2.000000e-01 : f32
          %mul3A_266 = vector.broadcast %mul3A_265 : f32 to vector<16xf32>
          %mul3A_267 = arith.mulf %mul3A_266, %add3A_264 : vector<16xf32>
          %max3A_268 = arith.maximumf %add3A_264, %mul3A_267 : vector<16xf32>
          %get3A_269 = arith.constant 16 : index
          %get3A_270 = tpu.vector_load %arg33[%get3A_269] {strides = array<i32>} : memref<128xf32, #tpu.memory_space<vmem>>, vector<16xf32>,
          %mul3A_271 = arith.mulf %max3A_268, %get3A_270 : vector<16xf32>
          %add3A_272 = arith.addf %add3A_257, %mul3A_271 : vector<16xf32>
          %get3A_273 = arith.index_cast %scan3A_241 : i32 to index
          %get3A_274 = arith.constant 32 : index
          %get3A_275 = tpu.vector_load %arg27[%get3A_273, %get3A_274] {strides = array<i32>} : memref<64x128xf32, #tpu.memory_space<vmem>>, vector<16xf32>,
          %get3A_276 = arith.index_cast %scan3A_241 : i32 to index
          %get3A_277 = arith.constant 32 : index
          %get3A_278 = tpu.vector_load %arg28[%get3A_276, %get3A_277] {strides = array<i32>} : memref<64x128xf32, #tpu.memory_space<vmem>>, vector<16xf32>,
          %add3A_279 = arith.addf %get3A_275, %get3A_278 : vector<16xf32>
          %mul3A_280 = arith.constant 2.000000e-01 : f32
          %mul3A_281 = vector.broadcast %mul3A_280 : f32 to vector<16xf32>
          %mul3A_282 = arith.mulf %mul3A_281, %add3A_279 : vector<16xf32>
          %max3A_283 = arith.maximumf %add3A_279, %mul3A_282 : vector<16xf32>
          %get3A_284 = arith.constant 32 : index
          %get3A_285 = tpu.vector_load %arg33[%get3A_284] {strides = array<i32>} : memref<128xf32, #tpu.memory_space<vmem>>, vector<16xf32>,
          %mul3A_286 = arith.mulf %max3A_283, %get3A_285 : vector<16xf32>
          %add3A_287 = arith.addf %add3A_272, %mul3A_286 : vector<16xf32>
          %get3A_288 = arith.index_cast %scan3A_241 : i32 to index
          %get3A_289 = arith.constant 48 : index
          %get3A_290 = tpu.vector_load %arg27[%get3A_288, %get3A_289] {strides = array<i32>} : memref<64x128xf32, #tpu.memory_space<vmem>>, vector<16xf32>,
          %get3A_291 = arith.index_cast %scan3A_241 : i32 to index
          %get3A_292 = arith.constant 48 : index
          %get3A_293 = tpu.vector_load %arg28[%get3A_291, %get3A_292] {strides = array<i32>} : memref<64x128xf32, #tpu.memory_space<vmem>>, vector<16xf32>,
          %add3A_294 = arith.addf %get3A_290, %get3A_293 : vector<16xf32>
          %mul3A_295 = arith.constant 2.000000e-01 : f32
          %mul3A_296 = vector.broadcast %mul3A_295 : f32 to vector<16xf32>
          %mul3A_297 = arith.mulf %mul3A_296, %add3A_294 : vector<16xf32>
          %max3A_298 = arith.maximumf %add3A_294, %mul3A_297 : vector<16xf32>
          %get3A_299 = arith.constant 48 : index
          %get3A_300 = tpu.vector_load %arg33[%get3A_299] {strides = array<i32>} : memref<128xf32, #tpu.memory_space<vmem>>, vector<16xf32>,
          %mul3A_301 = arith.mulf %max3A_298, %get3A_300 : vector<16xf32>
          %add3A_302 = arith.addf %add3A_287, %mul3A_301 : vector<16xf32>
          %get3A_303 = arith.index_cast %scan3A_241 : i32 to index
          %get3A_304 = arith.constant 64 : index
          %get3A_305 = tpu.vector_load %arg27[%get3A_303, %get3A_304] {strides = array<i32>} : memref<64x128xf32, #tpu.memory_space<vmem>>, vector<16xf32>,
          %get3A_306 = arith.index_cast %scan3A_241 : i32 to index
          %get3A_307 = arith.constant 64 : index
          %get3A_308 = tpu.vector_load %arg28[%get3A_306, %get3A_307] {strides = array<i32>} : memref<64x128xf32, #tpu.memory_space<vmem>>, vector<16xf32>,
          %add3A_309 = arith.addf %get3A_305, %get3A_308 : vector<16xf32>
          %mul3A_310 = arith.constant 2.000000e-01 : f32
          %mul3A_311 = vector.broadcast %mul3A_310 : f32 to vector<16xf32>
          %mul3A_312 = arith.mulf %mul3A_311, %add3A_309 : vector<16xf32>
          %max3A_313 = arith.maximumf %add3A_309, %mul3A_312 : vector<16xf32>
          %get3A_314 = arith.constant 64 : index
          %get3A_315 = tpu.vector_load %arg33[%get3A_314] {strides = array<i32>} : memref<128xf32, #tpu.memory_space<vmem>>, vector<16xf32>,
          %mul3A_316 = arith.mulf %max3A_313, %get3A_315 : vector<16xf32>
          %add3A_317 = arith.addf %add3A_302, %mul3A_316 : vector<16xf32>
          %get3A_318 = arith.index_cast %scan3A_241 : i32 to index
          %get3A_319 = arith.constant 80 : index
          %get3A_320 = tpu.vector_load %arg27[%get3A_318, %get3A_319] {strides = array<i32>} : memref<64x128xf32, #tpu.memory_space<vmem>>, vector<16xf32>,
          %get3A_321 = arith.index_cast %scan3A_241 : i32 to index
          %get3A_322 = arith.constant 80 : index
          %get3A_323 = tpu.vector_load %arg28[%get3A_321, %get3A_322] {strides = array<i32>} : memref<64x128xf32, #tpu.memory_space<vmem>>, vector<16xf32>,
          %add3A_324 = arith.addf %get3A_320, %get3A_323 : vector<16xf32>
          %mul3A_325 = arith.constant 2.000000e-01 : f32
          %mul3A_326 = vector.broadcast %mul3A_325 : f32 to vector<16xf32>
          %mul3A_327 = arith.mulf %mul3A_326, %add3A_324 : vector<16xf32>
          %max3A_328 = arith.maximumf %add3A_324, %mul3A_327 : vector<16xf32>
          %get3A_329 = arith.constant 80 : index
          %get3A_330 = tpu.vector_load %arg33[%get3A_329] {strides = array<i32>} : memref<128xf32, #tpu.memory_space<vmem>>, vector<16xf32>,
          %mul3A_331 = arith.mulf %max3A_328, %get3A_330 : vector<16xf32>
          %add3A_332 = arith.addf %add3A_317, %mul3A_331 : vector<16xf32>
          %get3A_333 = arith.index_cast %scan3A_241 : i32 to index
          %get3A_334 = arith.constant 96 : index
          %get3A_335 = tpu.vector_load %arg27[%get3A_333, %get3A_334] {strides = array<i32>} : memref<64x128xf32, #tpu.memory_space<vmem>>, vector<16xf32>,
          %get3A_336 = arith.index_cast %scan3A_241 : i32 to index
          %get3A_337 = arith.constant 96 : index
          %get3A_338 = tpu.vector_load %arg28[%get3A_336, %get3A_337] {strides = array<i32>} : memref<64x128xf32, #tpu.memory_space<vmem>>, vector<16xf32>,
          %add3A_339 = arith.addf %get3A_335, %get3A_338 : vector<16xf32>
          %mul3A_340 = arith.constant 2.000000e-01 : f32
          %mul3A_341 = vector.broadcast %mul3A_340 : f32 to vector<16xf32>
          %mul3A_342 = arith.mulf %mul3A_341, %add3A_339 : vector<16xf32>
          %max3A_343 = arith.maximumf %add3A_339, %mul3A_342 : vector<16xf32>
          %get3A_344 = arith.constant 96 : index
          %get3A_345 = tpu.vector_load %arg33[%get3A_344] {strides = array<i32>} : memref<128xf32, #tpu.memory_space<vmem>>, vector<16xf32>,
          %mul3A_346 = arith.mulf %max3A_343, %get3A_345 : vector<16xf32>
          %add3A_347 = arith.addf %add3A_332, %mul3A_346 : vector<16xf32>
          %get3A_348 = arith.index_cast %scan3A_241 : i32 to index
          %get3A_349 = arith.constant 112 : index
          %get3A_350 = tpu.vector_load %arg27[%get3A_348, %get3A_349] {strides = array<i32>} : memref<64x128xf32, #tpu.memory_space<vmem>>, vector<16xf32>,
          %get3A_351 = arith.index_cast %scan3A_241 : i32 to index
          %get3A_352 = arith.constant 112 : index
          %get3A_353 = tpu.vector_load %arg28[%get3A_351, %get3A_352] {strides = array<i32>} : memref<64x128xf32, #tpu.memory_space<vmem>>, vector<16xf32>,
          %add3A_354 = arith.addf %get3A_350, %get3A_353 : vector<16xf32>
          %mul3A_355 = arith.constant 2.000000e-01 : f32
          %mul3A_356 = vector.broadcast %mul3A_355 : f32 to vector<16xf32>
          %mul3A_357 = arith.mulf %mul3A_356, %add3A_354 : vector<16xf32>
          %max3A_358 = arith.maximumf %add3A_354, %mul3A_357 : vector<16xf32>
          %get3A_359 = arith.constant 112 : index
          %get3A_360 = tpu.vector_load %arg33[%get3A_359] {strides = array<i32>} : memref<128xf32, #tpu.memory_space<vmem>>, vector<16xf32>,
          %mul3A_361 = arith.mulf %max3A_358, %get3A_360 : vector<16xf32>
          %add3A_362 = arith.addf %add3A_347, %mul3A_361 : vector<16xf32>
          %slice3A = vector.extract_strided_slice %add3A_362 {offsets = [0], sizes = [1], strides = [1]} : vector<16xf32> to vector<1xf32>
          %squeeze3A = vector.extract %slice3A[0] : f32 from vector<1xf32>
          %slice3A_363 = vector.extract_strided_slice %add3A_362 {offsets = [1], sizes = [1], strides = [1]} : vector<16xf32> to vector<1xf32>
          %squeeze3A_364 = vector.extract %slice3A_363[0] : f32 from vector<1xf32>
          %add3A_365 = arith.addf %squeeze3A, %squeeze3A_364 : f32
          %slice3A_366 = vector.extract_strided_slice %add3A_362 {offsets = [2], sizes = [1], strides = [1]} : vector<16xf32> to vector<1xf32>
          %squeeze3A_367 = vector.extract %slice3A_366[0] : f32 from vector<1xf32>
          %add3A_368 = arith.addf %add3A_365, %squeeze3A_367 : f32
          %slice3A_369 = vector.extract_strided_slice %add3A_362 {offsets = [3], sizes = [1], strides = [1]} : vector<16xf32> to vector<1xf32>
          %squeeze3A_370 = vector.extract %slice3A_369[0] : f32 from vector<1xf32>
          %add3A_371 = arith.addf %add3A_368, %squeeze3A_370 : f32
          %slice3A_372 = vector.extract_strided_slice %add3A_362 {offsets = [4], sizes = [1], strides = [1]} : vector<16xf32> to vector<1xf32>
          %squeeze3A_373 = vector.extract %slice3A_372[0] : f32 from vector<1xf32>
          %add3A_374 = arith.addf %add3A_371, %squeeze3A_373 : f32
          %slice3A_375 = vector.extract_strided_slice %add3A_362 {offsets = [5], sizes = [1], strides = [1]} : vector<16xf32> to vector<1xf32>
          %squeeze3A_376 = vector.extract %slice3A_375[0] : f32 from vector<1xf32>
          %add3A_377 = arith.addf %add3A_374, %squeeze3A_376 : f32
          %slice3A_378 = vector.extract_strided_slice %add3A_362 {offsets = [6], sizes = [1], strides = [1]} : vector<16xf32> to vector<1xf32>
          %squeeze3A_379 = vector.extract %slice3A_378[0] : f32 from vector<1xf32>
          %add3A_380 = arith.addf %add3A_377, %squeeze3A_379 : f32
          %slice3A_381 = vector.extract_strided_slice %add3A_362 {offsets = [7], sizes = [1], strides = [1]} : vector<16xf32> to vector<1xf32>
          %squeeze3A_382 = vector.extract %slice3A_381[0] : f32 from vector<1xf32>
          %add3A_383 = arith.addf %add3A_380, %squeeze3A_382 : f32
          %slice3A_384 = vector.extract_strided_slice %add3A_362 {offsets = [8], sizes = [1], strides = [1]} : vector<16xf32> to vector<1xf32>
          %squeeze3A_385 = vector.extract %slice3A_384[0] : f32 from vector<1xf32>
          %add3A_386 = arith.addf %add3A_383, %squeeze3A_385 : f32
          %slice3A_387 = vector.extract_strided_slice %add3A_362 {offsets = [9], sizes = [1], strides = [1]} : vector<16xf32> to vector<1xf32>
          %squeeze3A_388 = vector.extract %slice3A_387[0] : f32 from vector<1xf32>
          %add3A_389 = arith.addf %add3A_386, %squeeze3A_388 : f32
          %slice3A_390 = vector.extract_strided_slice %add3A_362 {offsets = [10], sizes = [1], strides = [1]} : vector<16xf32> to vector<1xf32>
          %squeeze3A_391 = vector.extract %slice3A_390[0] : f32 from vector<1xf32>
          %add3A_392 = arith.addf %add3A_389, %squeeze3A_391 : f32
          %slice3A_393 = vector.extract_strided_slice %add3A_362 {offsets = [11], sizes = [1], strides = [1]} : vector<16xf32> to vector<1xf32>
          %squeeze3A_394 = vector.extract %slice3A_393[0] : f32 from vector<1xf32>
          %add3A_395 = arith.addf %add3A_392, %squeeze3A_394 : f32
          %slice3A_396 = vector.extract_strided_slice %add3A_362 {offsets = [12], sizes = [1], strides = [1]} : vector<16xf32> to vector<1xf32>
          %squeeze3A_397 = vector.extract %slice3A_396[0] : f32 from vector<1xf32>
          %add3A_398 = arith.addf %add3A_395, %squeeze3A_397 : f32
          %slice3A_399 = vector.extract_strided_slice %add3A_362 {offsets = [13], sizes = [1], strides = [1]} : vector<16xf32> to vector<1xf32>
          %squeeze3A_400 = vector.extract %slice3A_399[0] : f32 from vector<1xf32>
          %add3A_401 = arith.addf %add3A_398, %squeeze3A_400 : f32
          %slice3A_402 = vector.extract_strided_slice %add3A_362 {offsets = [14], sizes = [1], strides = [1]} : vector<16xf32> to vector<1xf32>
          %squeeze3A_403 = vector.extract %slice3A_402[0] : f32 from vector<1xf32>
          %add3A_404 = arith.addf %add3A_401, %squeeze3A_403 : f32
          %slice3A_405 = vector.extract_strided_slice %add3A_362 {offsets = [15], sizes = [1], strides = [1]} : vector<16xf32> to vector<1xf32>
          %squeeze3A_406 = vector.extract %slice3A_405[0] : f32 from vector<1xf32>
          %add3A_407 = arith.addf %add3A_404, %squeeze3A_406 : f32
          %broadcast_in_dim3A_408 = vector.broadcast %scan3A_241 : i32 to vector<16xi32>
          %broadcast_in_dim3A_409 = vector.broadcast %add3A_407 : f32 to vector<16xf32>
          %eq3A_410 = arith.constant 0 : i32
          %eq3A_411 = vector.broadcast %eq3A_410 : i32 to vector<16xi32>
          %eq3A_412 = arith.cmpi eq, %iota3A, %eq3A_411 : vector<16xi32>
          tpu.vector_store_idx %arg30[%broadcast_in_dim3A_408], %broadcast_in_dim3A_409 masked %eq3A_412 : memref<64xf32, #tpu.memory_space<vmem>>[vector<16xi32>], vector<16xf32>, vector<16xi1>
          %add3A_413 = arith.addi %multiple_of3A_219, %scan3A_241 : i32
          %lt3A = arith.cmpi slt, %add3A_413, %scan3A_75#0 : i32
          %jit3A_414 = arith.constant -1.000000e+30 : f32
          %select_n3A_415 = arith.select %lt3A, %add3A_407, %jit3A_414 : f32
          %broadcast_in_dim3A_416 = vector.broadcast %select_n3A_415 : f32 to vector<16xf32>
          %max3A_417 = arith.maximumf %scan3A_242, %broadcast_in_dim3A_416 : vector<16xf32>
          scf.yield %max3A_417 : vector<16xf32>
        }
        %scan3A_236 = arith.constant 64 : i32
        %mul3A_237 = arith.constant 22048 : i32
        %mul3A_238 = arith.muli %arg1, %mul3A_237 : i32
        %add3A_239 = arith.addi %mul3A_238, %multiple_of3A_219 : i32
        %multiple_of3A_240 = tpu.assume_multiple %add3A_239, 8 : i32
        "tpu.region"() ({
          %run_scoped3A = tpu.sem_alloc : memref<!tpu.dma_semaphore, #tpu.memory_space<semaphore_mem>>
          %dma_start3A_241 = tpu.memref_slice %arg15[%multiple_of3A_240] : memref<352768xf32, #tpu.memory_space<hbm>> -> memref<64xf32, #tpu.memory_space<hbm>>
          %dma_start3A_242 = tpu.memref_slice %arg15[%multiple_of3A_240] : memref<352768xf32, #tpu.memory_space<hbm>> -> memref<64xf32, #tpu.memory_space<hbm>>
          tpu.enqueue_dma source(%arg30 : memref<64xf32, #tpu.memory_space<vmem>>) target(%dma_start3A_242 : memref<64xf32, #tpu.memory_space<hbm>>) target_semaphore(%run_scoped3A : memref<!tpu.dma_semaphore, #tpu.memory_space<semaphore_mem>>)
          %dma_wait3A_243 = tpu.memref_slice %arg15[%multiple_of3A_240] : memref<352768xf32, #tpu.memory_space<hbm>> -> memref<64xf32, #tpu.memory_space<hbm>>
          %dma_wait3A_244 = tpu.memref_slice %arg15[%multiple_of3A_240] : memref<352768xf32, #tpu.memory_space<hbm>> -> memref<64xf32, #tpu.memory_space<hbm>>
          tpu.wait_dma2 semaphore(%run_scoped3A : memref<!tpu.dma_semaphore, #tpu.memory_space<semaphore_mem>>) src(%arg30 : memref<64xf32, #tpu.memory_space<vmem>>) dst(%dma_wait3A_244 : memref<64xf32, #tpu.memory_space<hbm>>)
          tpu.yield
        }) : () -> ()
        scf.yield %scan3A_235 : vector<16xf32>
      }
      %swap3A_120 = arith.constant 0 : index
      %swap3A_121 = tpu.vector_load %arg35[%swap3A_120] {strides = array<i32>} : memref<16xf32, #tpu.memory_space<vmem>>, vector<16xf32>,
      tpu.vector_store %arg35[%swap3A_120], %while3A_119 {strides = array<i32>} : memref<16xf32, #tpu.memory_space<vmem>>, vector<16xf32>,
      %mul3A_122 = arith.constant 16 : i32
      %mul3A_123 = arith.muli %arg1, %mul3A_122 : i32
      %multiple_of3A_124 = tpu.assume_multiple %mul3A_123, 8 : i32
      "tpu.region"() ({
        %run_scoped3A = tpu.sem_alloc : memref<!tpu.dma_semaphore, #tpu.memory_space<semaphore_mem>>
        %dma_start3A_215 = tpu.memref_slice %arg14[%multiple_of3A_124] : memref<256xf32, #tpu.memory_space<vmem_shared>> -> memref<16xf32, #tpu.memory_space<vmem_shared>>
        %dma_start3A_216 = tpu.memref_slice %arg14[%multiple_of3A_124] : memref<256xf32, #tpu.memory_space<vmem_shared>> -> memref<16xf32, #tpu.memory_space<vmem_shared>>
        tpu.enqueue_dma source(%arg35 : memref<16xf32, #tpu.memory_space<vmem>>) target(%dma_start3A_216 : memref<16xf32, #tpu.memory_space<vmem_shared>>) target_semaphore(%run_scoped3A : memref<!tpu.dma_semaphore, #tpu.memory_space<semaphore_mem>>)
        %dma_wait3A_217 = tpu.memref_slice %arg14[%multiple_of3A_124] : memref<256xf32, #tpu.memory_space<vmem_shared>> -> memref<16xf32, #tpu.memory_space<vmem_shared>>
        %dma_wait3A_218 = tpu.memref_slice %arg14[%multiple_of3A_124] : memref<256xf32, #tpu.memory_space<vmem_shared>> -> memref<16xf32, #tpu.memory_space<vmem_shared>>
        tpu.wait_dma2 semaphore(%run_scoped3A : memref<!tpu.dma_semaphore, #tpu.memory_space<semaphore_mem>>) src(%arg35 : memref<16xf32, #tpu.memory_space<vmem>>) dst(%dma_wait3A_218 : memref<16xf32, #tpu.memory_space<vmem_shared>>)
        tpu.yield
      }) : () -> ()
      %barrier3A_125 = arith.constant 0 : index
      tpu.barrier barrier_id(%barrier3A_125)
      "tpu.region"() ({
        %run_scoped3A = tpu.sem_alloc : memref<!tpu.dma_semaphore, #tpu.memory_space<semaphore_mem>>
        tpu.enqueue_dma source(%arg14 : memref<256xf32, #tpu.memory_space<vmem_shared>>) target(%arg37 : memref<256xf32, #tpu.memory_space<vmem>>) target_semaphore(%run_scoped3A : memref<!tpu.dma_semaphore, #tpu.memory_space<semaphore_mem>>)
        tpu.wait_dma2 semaphore(%run_scoped3A : memref<!tpu.dma_semaphore, #tpu.memory_space<semaphore_mem>>) src(%arg14 : memref<256xf32, #tpu.memory_space<vmem_shared>>) dst(%arg37 : memref<256xf32, #tpu.memory_space<vmem>>)
        tpu.yield
      }) : () -> ()
      %broadcast_in_dim3A_126 = arith.constant -1.000000e+30 : f32
      %broadcast_in_dim3A_127 = vector.broadcast %broadcast_in_dim3A_126 : f32 to vector<16xf32>
      %get3A_128 = arith.constant 0 : index
      %get3A_129 = tpu.vector_load %arg37[%get3A_128] {strides = array<i32>} : memref<256xf32, #tpu.memory_space<vmem>>, vector<16xf32>,
      %max3A = arith.maximumf %broadcast_in_dim3A_127, %get3A_129 : vector<16xf32>
      %get3A_130 = arith.constant 16 : index
      %get3A_131 = tpu.vector_load %arg37[%get3A_130] {strides = array<i32>} : memref<256xf32, #tpu.memory_space<vmem>>, vector<16xf32>,
      %max3A_132 = arith.maximumf %max3A, %get3A_131 : vector<16xf32>
      %get3A_133 = arith.constant 32 : index
      %get3A_134 = tpu.vector_load %arg37[%get3A_133] {strides = array<i32>} : memref<256xf32, #tpu.memory_space<vmem>>, vector<16xf32>,
      %max3A_135 = arith.maximumf %max3A_132, %get3A_134 : vector<16xf32>
      %get3A_136 = arith.constant 48 : index
      %get3A_137 = tpu.vector_load %arg37[%get3A_136] {strides = array<i32>} : memref<256xf32, #tpu.memory_space<vmem>>, vector<16xf32>,
      %max3A_138 = arith.maximumf %max3A_135, %get3A_137 : vector<16xf32>
      %get3A_139 = arith.constant 64 : index
      %get3A_140 = tpu.vector_load %arg37[%get3A_139] {strides = array<i32>} : memref<256xf32, #tpu.memory_space<vmem>>, vector<16xf32>,
      %max3A_141 = arith.maximumf %max3A_138, %get3A_140 : vector<16xf32>
      %get3A_142 = arith.constant 80 : index
      %get3A_143 = tpu.vector_load %arg37[%get3A_142] {strides = array<i32>} : memref<256xf32, #tpu.memory_space<vmem>>, vector<16xf32>,
      %max3A_144 = arith.maximumf %max3A_141, %get3A_143 : vector<16xf32>
      %get3A_145 = arith.constant 96 : index
      %get3A_146 = tpu.vector_load %arg37[%get3A_145] {strides = array<i32>} : memref<256xf32, #tpu.memory_space<vmem>>, vector<16xf32>,
      %max3A_147 = arith.maximumf %max3A_144, %get3A_146 : vector<16xf32>
      %get3A_148 = arith.constant 112 : index
      %get3A_149 = tpu.vector_load %arg37[%get3A_148] {strides = array<i32>} : memref<256xf32, #tpu.memory_space<vmem>>, vector<16xf32>,
      %max3A_150 = arith.maximumf %max3A_147, %get3A_149 : vector<16xf32>
      %get3A_151 = arith.constant 128 : index
      %get3A_152 = tpu.vector_load %arg37[%get3A_151] {strides = array<i32>} : memref<256xf32, #tpu.memory_space<vmem>>, vector<16xf32>,
      %max3A_153 = arith.maximumf %max3A_150, %get3A_152 : vector<16xf32>
      %get3A_154 = arith.constant 144 : index
      %get3A_155 = tpu.vector_load %arg37[%get3A_154] {strides = array<i32>} : memref<256xf32, #tpu.memory_space<vmem>>, vector<16xf32>,
      %max3A_156 = arith.maximumf %max3A_153, %get3A_155 : vector<16xf32>
      %get3A_157 = arith.constant 160 : index
      %get3A_158 = tpu.vector_load %arg37[%get3A_157] {strides = array<i32>} : memref<256xf32, #tpu.memory_space<vmem>>, vector<16xf32>,
      %max3A_159 = arith.maximumf %max3A_156, %get3A_158 : vector<16xf32>
      %get3A_160 = arith.constant 176 : index
      %get3A_161 = tpu.vector_load %arg37[%get3A_160] {strides = array<i32>} : memref<256xf32, #tpu.memory_space<vmem>>, vector<16xf32>,
      %max3A_162 = arith.maximumf %max3A_159, %get3A_161 : vector<16xf32>
      %get3A_163 = arith.constant 192 : index
      %get3A_164 = tpu.vector_load %arg37[%get3A_163] {strides = array<i32>} : memref<256xf32, #tpu.memory_space<vmem>>, vector<16xf32>,
      %max3A_165 = arith.maximumf %max3A_162, %get3A_164 : vector<16xf32>
      %get3A_166 = arith.constant 208 : index
      %get3A_167 = tpu.vector_load %arg37[%get3A_166] {strides = array<i32>} : memref<256xf32, #tpu.memory_space<vmem>>, vector<16xf32>,
      %max3A_168 = arith.maximumf %max3A_165, %get3A_167 : vector<16xf32>
      %get3A_169 = arith.constant 224 : index
      %get3A_170 = tpu.vector_load %arg37[%get3A_169] {strides = array<i32>} : memref<256xf32, #tpu.memory_space<vmem>>, vector<16xf32>,
      %max3A_171 = arith.maximumf %max3A_168, %get3A_170 : vector<16xf32>
      %get3A_172 = arith.constant 240 : index
      %get3A_173 = tpu.vector_load %arg37[%get3A_172] {strides = array<i32>} : memref<256xf32, #tpu.memory_space<vmem>>, vector<16xf32>,
      %max3A_174 = arith.maximumf %max3A_171, %get3A_173 : vector<16xf32>
      %while3A_175 = arith.constant 0 : i32
      %while3A_176 = arith.constant 0 : i32
      %while3A_177 = arith.subi %select_n3A, %while3A_175 : i32
      %while3A_178 = arith.addi %while3A_175, %while3A_177 : i32
      %while3A_179 = arith.constant 1 : i32
      %while3A_180 = arith.divsi %while3A_177, %while3A_179 : i32
      %while3A_181 = arith.muli %while3A_180, %while3A_179 : i32
      %while3A_182 = arith.addi %while3A_175, %while3A_181 : i32
      %while3A_183 = arith.constant 1 : i32
      %while3A_184 = scf.for %while3A_215 = %while3A_175 to %while3A_182 step %while3A_183 iter_args(%while3A_216 = %while3A_176) -> (i32)  : i32 {
        %mul3A_217 = arith.constant 64 : i32
        %mul3A_218 = arith.muli %while3A_215, %mul3A_217 : i32
        %multiple_of3A_219 = tpu.assume_multiple %mul3A_218, 8 : i32
        %mul3A_220 = arith.constant 22048 : i32
        %mul3A_221 = arith.muli %arg1, %mul3A_220 : i32
        %add3A_222 = arith.addi %mul3A_221, %multiple_of3A_219 : i32
        %multiple_of3A_223 = tpu.assume_multiple %add3A_222, 8 : i32
        "tpu.region"() ({
          %run_scoped3A = tpu.sem_alloc : memref<!tpu.dma_semaphore, #tpu.memory_space<semaphore_mem>>
          %dma_start3A_247 = tpu.memref_slice %arg9[%multiple_of3A_223] : memref<352768xi32, #tpu.memory_space<hbm>> -> memref<64xi32, #tpu.memory_space<hbm>>
          %dma_start3A_248 = tpu.memref_slice %arg9[%multiple_of3A_223] : memref<352768xi32, #tpu.memory_space<hbm>> -> memref<64xi32, #tpu.memory_space<hbm>>
          tpu.enqueue_dma source(%dma_start3A_248 : memref<64xi32, #tpu.memory_space<hbm>>) target(%arg22 : memref<64xi32, #tpu.memory_space<vmem>>) target_semaphore(%run_scoped3A : memref<!tpu.dma_semaphore, #tpu.memory_space<semaphore_mem>>)
          %dma_wait3A_249 = tpu.memref_slice %arg9[%multiple_of3A_223] : memref<352768xi32, #tpu.memory_space<hbm>> -> memref<64xi32, #tpu.memory_space<hbm>>
          %dma_wait3A_250 = tpu.memref_slice %arg9[%multiple_of3A_223] : memref<352768xi32, #tpu.memory_space<hbm>> -> memref<64xi32, #tpu.memory_space<hbm>>
          tpu.wait_dma2 semaphore(%run_scoped3A : memref<!tpu.dma_semaphore, #tpu.memory_space<semaphore_mem>>) src(%dma_wait3A_250 : memref<64xi32, #tpu.memory_space<hbm>>) dst(%arg22 : memref<64xi32, #tpu.memory_space<vmem>>)
          tpu.yield
        }) : () -> ()
        %scan3A_224 = arith.constant 0 : i32
        %scan3A_225 = arith.constant 0 : i32
        %scan3A_226 = arith.constant 4 : i32
        %scan3A_227 = arith.addi %scan3A_225, %scan3A_226 : i32
        %scan3A_228 = arith.constant 1 : i32
        %scan3A_229 = scf.for %scan3A_247 = %scan3A_225 to %scan3A_227 step %scan3A_228 iter_args(%scan3A_248 = %scan3A_224) -> (i32)  : i32 {
          %mul3A_249 = arith.constant 16 : i32
          %mul3A_250 = arith.muli %scan3A_247, %mul3A_249 : i32
          %get3A_251 = arith.index_cast %mul3A_250 : i32 to index
          %get3A_252 = tpu.vector_load %arg22[%get3A_251] {strides = array<i32>} : memref<64xi32, #tpu.memory_space<vmem>>, vector<16xi32>,
          %jit3A_253 = arith.constant 0 : i32
          %jit3A_254 = arith.constant 319999 : i32
          %max3A_255 = vector.broadcast %jit3A_253 : i32 to vector<16xi32>
          %max3A_256 = arith.maxsi %max3A_255, %get3A_252 : vector<16xi32>
          %min3A = vector.broadcast %jit3A_254 : i32 to vector<16xi32>
          %min3A_257 = arith.minsi %min3A, %max3A_256 : vector<16xi32>
          %mul3A_258 = arith.constant 16 : i32
          %mul3A_259 = arith.muli %scan3A_247, %mul3A_258 : i32
          %swap3A_260 = arith.index_cast %mul3A_259 : i32 to index
          %swap3A_261 = tpu.vector_load %arg22[%swap3A_260] {strides = array<i32>} : memref<64xi32, #tpu.memory_space<vmem>>, vector<16xi32>,
          tpu.vector_store %arg22[%swap3A_260], %min3A_257 {strides = array<i32>} : memref<64xi32, #tpu.memory_space<vmem>>, vector<16xi32>,
          %scan3A_262 = arith.constant 0 : i32
          scf.yield %scan3A_262 : i32
        }
        %scan3A_230 = arith.constant 4 : i32
        "tpu.region"() ({
          %run_scoped3A = tpu.sem_alloc : memref<!tpu.dma_semaphore, #tpu.memory_space<semaphore_mem>>
          %dma_start3A_247 = arith.constant 0 : i32
          %dma_start3A_248 = tpu.memref_slice %arg3[%dma_start3A_247] : memref<320000xi32, #tpu.memory_space<hbm>> -> memref<320000xi32, #tpu.memory_space<hbm>>
          tpu.enqueue_indirect_dma source(%dma_start3A_248 : memref<320000xi32, #tpu.memory_space<hbm>>) target(%arg24 : memref<64xi32, #tpu.memory_space<vmem>>) offsets(%arg22 : memref<64xi32, #tpu.memory_space<vmem>>) semaphore(%run_scoped3A : memref<!tpu.dma_semaphore, #tpu.memory_space<semaphore_mem>>)
          %dma_wait3A_249 = arith.constant 0 : i32
          %dma_wait3A_250 = tpu.memref_slice %arg3[%dma_wait3A_249] : memref<320000xi32, #tpu.memory_space<hbm>> -> memref<320000xi32, #tpu.memory_space<hbm>>
          tpu.wait_indirect_dma semaphore(%run_scoped3A : memref<!tpu.dma_semaphore, #tpu.memory_space<semaphore_mem>>) src(%dma_wait3A_250 : memref<320000xi32, #tpu.memory_space<hbm>>) dst(%arg24 : memref<64xi32, #tpu.memory_space<vmem>>)
          tpu.yield
        }) : () -> ()
        %mul3A_231 = arith.constant 22048 : i32
        %mul3A_232 = arith.muli %arg1, %mul3A_231 : i32
        %add3A_233 = arith.addi %mul3A_232, %multiple_of3A_219 : i32
        %multiple_of3A_234 = tpu.assume_multiple %add3A_233, 8 : i32
        "tpu.region"() ({
          %run_scoped3A = tpu.sem_alloc : memref<!tpu.dma_semaphore, #tpu.memory_space<semaphore_mem>>
          %dma_start3A_247 = tpu.memref_slice %arg15[%multiple_of3A_234] : memref<352768xf32, #tpu.memory_space<hbm>> -> memref<64xf32, #tpu.memory_space<hbm>>
          %dma_start3A_248 = tpu.memref_slice %arg15[%multiple_of3A_234] : memref<352768xf32, #tpu.memory_space<hbm>> -> memref<64xf32, #tpu.memory_space<hbm>>
          tpu.enqueue_dma source(%dma_start3A_248 : memref<64xf32, #tpu.memory_space<hbm>>) target(%arg30 : memref<64xf32, #tpu.memory_space<vmem>>) target_semaphore(%run_scoped3A : memref<!tpu.dma_semaphore, #tpu.memory_space<semaphore_mem>>)
          %dma_wait3A_249 = tpu.memref_slice %arg15[%multiple_of3A_234] : memref<352768xf32, #tpu.memory_space<hbm>> -> memref<64xf32, #tpu.memory_space<hbm>>
          %dma_wait3A_250 = tpu.memref_slice %arg15[%multiple_of3A_234] : memref<352768xf32, #tpu.memory_space<hbm>> -> memref<64xf32, #tpu.memory_space<hbm>>
          tpu.wait_dma2 semaphore(%run_scoped3A : memref<!tpu.dma_semaphore, #tpu.memory_space<semaphore_mem>>) src(%dma_wait3A_250 : memref<64xf32, #tpu.memory_space<hbm>>) dst(%arg30 : memref<64xf32, #tpu.memory_space<vmem>>)
          tpu.yield
        }) : () -> ()
        %scan3A_235 = arith.constant 0 : i32
        %scan3A_236 = arith.constant 0 : i32
        %scan3A_237 = arith.constant 4 : i32
        %scan3A_238 = arith.addi %scan3A_236, %scan3A_237 : i32
        %scan3A_239 = arith.constant 1 : i32
        %scan3A_240 = scf.for %scan3A_247 = %scan3A_236 to %scan3A_238 step %scan3A_239 iter_args(%scan3A_248 = %scan3A_235) -> (i32)  : i32 {
          %mul3A_249 = arith.constant 16 : i32
          %mul3A_250 = arith.muli %scan3A_247, %mul3A_249 : i32
          %get3A_251 = arith.index_cast %mul3A_250 : i32 to index
          %get3A_252 = tpu.vector_load %arg30[%get3A_251] {strides = array<i32>} : memref<64xf32, #tpu.memory_space<vmem>>, vector<16xf32>,
          %mul3A_253 = arith.constant 16 : i32
          %mul3A_254 = arith.muli %scan3A_247, %mul3A_253 : i32
          %get3A_255 = arith.index_cast %mul3A_254 : i32 to index
          %get3A_256 = tpu.vector_load %arg24[%get3A_255] {strides = array<i32>} : memref<64xi32, #tpu.memory_space<vmem>>, vector<16xi32>,
          %mul3A_257 = arith.constant 16 : i32
          %mul3A_258 = arith.muli %scan3A_247, %mul3A_257 : i32
          %add3A_259 = arith.addi %multiple_of3A_219, %mul3A_258 : i32
          %add3A_260 = vector.broadcast %add3A_259 : i32 to vector<16xi32>
          %add3A_261 = arith.addi %add3A_260, %iota3A : vector<16xi32>
          %lt3A = vector.broadcast %scan3A_75#0 : i32 to vector<16xi32>
          %lt3A_262 = arith.cmpi slt, %add3A_261, %lt3A : vector<16xi32>
          %sub3A_263 = arith.subf %get3A_252, %max3A_174 : vector<16xf32>
          %exp3A = math.exp %sub3A_263 : vector<16xf32>
          %jit3A_264 = arith.constant 0.000000e+00 : f32
          %broadcast_in_dim3A_265 = vector.broadcast %jit3A_264 : f32 to vector<16xf32>
          %select_n3A_266 = arith.select %lt3A_262, %exp3A, %broadcast_in_dim3A_265 : vector<16xi1>, vector<16xf32>
          %mul3A_267 = arith.constant 16 : i32
          %mul3A_268 = arith.muli %scan3A_247, %mul3A_267 : i32
          %swap3A_269 = arith.index_cast %mul3A_268 : i32 to index
          %swap3A_270 = tpu.vector_load %arg30[%swap3A_269] {strides = array<i32>} : memref<64xf32, #tpu.memory_space<vmem>>, vector<16xf32>,
          tpu.vector_store %arg30[%swap3A_269], %select_n3A_266 {strides = array<i32>} : memref<64xf32, #tpu.memory_space<vmem>>, vector<16xf32>,
          %jit3A_271 = arith.constant 10000 : i32
          %broadcast_in_dim3A_272 = vector.broadcast %jit3A_271 : i32 to vector<16xi32>
          %select_n3A_273 = arith.select %lt3A_262, %get3A_256, %broadcast_in_dim3A_272 : vector<16xi1>, vector<16xi32>
          %mul3A_274 = arith.constant 16 : i32
          %mul3A_275 = arith.muli %scan3A_247, %mul3A_274 : i32
          %swap3A_276 = arith.index_cast %mul3A_275 : i32 to index
          %swap3A_277 = tpu.vector_load %arg25[%swap3A_276] {strides = array<i32>} : memref<64xi32, #tpu.memory_space<vmem>>, vector<16xi32>,
          tpu.vector_store %arg25[%swap3A_276], %select_n3A_273 {strides = array<i32>} : memref<64xi32, #tpu.memory_space<vmem>>, vector<16xi32>,
          %scan3A_278 = arith.constant 0 : i32
          scf.yield %scan3A_278 : i32
        }
        %scan3A_241 = arith.constant 4 : i32
        %mul3A_242 = arith.constant 22048 : i32
        %mul3A_243 = arith.muli %arg1, %mul3A_242 : i32
        %add3A_244 = arith.addi %mul3A_243, %multiple_of3A_219 : i32
        %multiple_of3A_245 = tpu.assume_multiple %add3A_244, 8 : i32
        "tpu.region"() ({
          %run_scoped3A = tpu.sem_alloc : memref<!tpu.dma_semaphore, #tpu.memory_space<semaphore_mem>>
          %dma_start3A_247 = tpu.memref_slice %arg15[%multiple_of3A_245] : memref<352768xf32, #tpu.memory_space<hbm>> -> memref<64xf32, #tpu.memory_space<hbm>>
          %dma_start3A_248 = tpu.memref_slice %arg15[%multiple_of3A_245] : memref<352768xf32, #tpu.memory_space<hbm>> -> memref<64xf32, #tpu.memory_space<hbm>>
          tpu.enqueue_dma source(%arg30 : memref<64xf32, #tpu.memory_space<vmem>>) target(%dma_start3A_248 : memref<64xf32, #tpu.memory_space<hbm>>) target_semaphore(%run_scoped3A : memref<!tpu.dma_semaphore, #tpu.memory_space<semaphore_mem>>)
          %dma_wait3A_249 = tpu.memref_slice %arg15[%multiple_of3A_245] : memref<352768xf32, #tpu.memory_space<hbm>> -> memref<64xf32, #tpu.memory_space<hbm>>
          %dma_wait3A_250 = tpu.memref_slice %arg15[%multiple_of3A_245] : memref<352768xf32, #tpu.memory_space<hbm>> -> memref<64xf32, #tpu.memory_space<hbm>>
          tpu.wait_dma2 semaphore(%run_scoped3A : memref<!tpu.dma_semaphore, #tpu.memory_space<semaphore_mem>>) src(%arg30 : memref<64xf32, #tpu.memory_space<vmem>>) dst(%dma_wait3A_250 : memref<64xf32, #tpu.memory_space<hbm>>)
          tpu.yield
        }) : () -> ()
        "tpu.region"() ({
          %run_scoped3A = tpu.sem_alloc : memref<!tpu.dma_semaphore, #tpu.memory_space<semaphore_mem>>
          %dma_start3A_247 = arith.constant 0 : i32
          %dma_start3A_248 = tpu.memref_slice %arg13[%dma_start3A_247] : memref<12288xf32, #tpu.memory_space<vmem_shared>> -> memref<12288xf32, #tpu.memory_space<vmem_shared>>
          tpu.enqueue_indirect_dma source(%arg30 : memref<64xf32, #tpu.memory_space<vmem>>) target(%dma_start3A_248 : memref<12288xf32, #tpu.memory_space<vmem_shared>>) offsets(%arg25 : memref<64xi32, #tpu.memory_space<vmem>>) semaphore(%run_scoped3A : memref<!tpu.dma_semaphore, #tpu.memory_space<semaphore_mem>>) {add = true}
          %dma_wait3A_249 = arith.constant 0 : i32
          %dma_wait3A_250 = tpu.memref_slice %arg13[%dma_wait3A_249] : memref<12288xf32, #tpu.memory_space<vmem_shared>> -> memref<12288xf32, #tpu.memory_space<vmem_shared>>
          tpu.wait_indirect_dma semaphore(%run_scoped3A : memref<!tpu.dma_semaphore, #tpu.memory_space<semaphore_mem>>) src(%arg30 : memref<64xf32, #tpu.memory_space<vmem>>) dst(%dma_wait3A_250 : memref<12288xf32, #tpu.memory_space<vmem_shared>>)
          tpu.yield
        }) : () -> ()
        %while3A_246 = arith.constant 0 : i32
        scf.yield %while3A_246 : i32
      }
      %while3A_185 = arith.constant 1 : i32
      %while3A_186 = scf.for %while3A_215 = %while3A_182 to %while3A_178 step %while3A_185 iter_args(%while3A_216 = %while3A_184) -> (i32)  : i32 {
        %mul3A_217 = arith.constant 64 : i32
        %mul3A_218 = arith.muli %while3A_215, %mul3A_217 : i32
        %multiple_of3A_219 = tpu.assume_multiple %mul3A_218, 8 : i32
        %mul3A_220 = arith.constant 22048 : i32
        %mul3A_221 = arith.muli %arg1, %mul3A_220 : i32
        %add3A_222 = arith.addi %mul3A_221, %multiple_of3A_219 : i32
        %multiple_of3A_223 = tpu.assume_multiple %add3A_222, 8 : i32
        "tpu.region"() ({
          %run_scoped3A = tpu.sem_alloc : memref<!tpu.dma_semaphore, #tpu.memory_space<semaphore_mem>>
          %dma_start3A_247 = tpu.memref_slice %arg9[%multiple_of3A_223] : memref<352768xi32, #tpu.memory_space<hbm>> -> memref<64xi32, #tpu.memory_space<hbm>>
          %dma_start3A_248 = tpu.memref_slice %arg9[%multiple_of3A_223] : memref<352768xi32, #tpu.memory_space<hbm>> -> memref<64xi32, #tpu.memory_space<hbm>>
          tpu.enqueue_dma source(%dma_start3A_248 : memref<64xi32, #tpu.memory_space<hbm>>) target(%arg22 : memref<64xi32, #tpu.memory_space<vmem>>) target_semaphore(%run_scoped3A : memref<!tpu.dma_semaphore, #tpu.memory_space<semaphore_mem>>)
          %dma_wait3A_249 = tpu.memref_slice %arg9[%multiple_of3A_223] : memref<352768xi32, #tpu.memory_space<hbm>> -> memref<64xi32, #tpu.memory_space<hbm>>
          %dma_wait3A_250 = tpu.memref_slice %arg9[%multiple_of3A_223] : memref<352768xi32, #tpu.memory_space<hbm>> -> memref<64xi32, #tpu.memory_space<hbm>>
          tpu.wait_dma2 semaphore(%run_scoped3A : memref<!tpu.dma_semaphore, #tpu.memory_space<semaphore_mem>>) src(%dma_wait3A_250 : memref<64xi32, #tpu.memory_space<hbm>>) dst(%arg22 : memref<64xi32, #tpu.memory_space<vmem>>)
          tpu.yield
        }) : () -> ()
        %scan3A_224 = arith.constant 0 : i32
        %scan3A_225 = arith.constant 0 : i32
        %scan3A_226 = arith.constant 4 : i32
        %scan3A_227 = arith.addi %scan3A_225, %scan3A_226 : i32
        %scan3A_228 = arith.constant 1 : i32
        %scan3A_229 = scf.for %scan3A_247 = %scan3A_225 to %scan3A_227 step %scan3A_228 iter_args(%scan3A_248 = %scan3A_224) -> (i32)  : i32 {
          %mul3A_249 = arith.constant 16 : i32
          %mul3A_250 = arith.muli %scan3A_247, %mul3A_249 : i32
          %get3A_251 = arith.index_cast %mul3A_250 : i32 to index
          %get3A_252 = tpu.vector_load %arg22[%get3A_251] {strides = array<i32>} : memref<64xi32, #tpu.memory_space<vmem>>, vector<16xi32>,
          %jit3A_253 = arith.constant 0 : i32
          %jit3A_254 = arith.constant 319999 : i32
          %max3A_255 = vector.broadcast %jit3A_253 : i32 to vector<16xi32>
          %max3A_256 = arith.maxsi %max3A_255, %get3A_252 : vector<16xi32>
          %min3A = vector.broadcast %jit3A_254 : i32 to vector<16xi32>
          %min3A_257 = arith.minsi %min3A, %max3A_256 : vector<16xi32>
          %mul3A_258 = arith.constant 16 : i32
          %mul3A_259 = arith.muli %scan3A_247, %mul3A_258 : i32
          %swap3A_260 = arith.index_cast %mul3A_259 : i32 to index
          %swap3A_261 = tpu.vector_load %arg22[%swap3A_260] {strides = array<i32>} : memref<64xi32, #tpu.memory_space<vmem>>, vector<16xi32>,
          tpu.vector_store %arg22[%swap3A_260], %min3A_257 {strides = array<i32>} : memref<64xi32, #tpu.memory_space<vmem>>, vector<16xi32>,
          %scan3A_262 = arith.constant 0 : i32
          scf.yield %scan3A_262 : i32
        }
        %scan3A_230 = arith.constant 4 : i32
        "tpu.region"() ({
          %run_scoped3A = tpu.sem_alloc : memref<!tpu.dma_semaphore, #tpu.memory_space<semaphore_mem>>
          %dma_start3A_247 = arith.constant 0 : i32
          %dma_start3A_248 = tpu.memref_slice %arg3[%dma_start3A_247] : memref<320000xi32, #tpu.memory_space<hbm>> -> memref<320000xi32, #tpu.memory_space<hbm>>
          tpu.enqueue_indirect_dma source(%dma_start3A_248 : memref<320000xi32, #tpu.memory_space<hbm>>) target(%arg24 : memref<64xi32, #tpu.memory_space<vmem>>) offsets(%arg22 : memref<64xi32, #tpu.memory_space<vmem>>) semaphore(%run_scoped3A : memref<!tpu.dma_semaphore, #tpu.memory_space<semaphore_mem>>)
          %dma_wait3A_249 = arith.constant 0 : i32
          %dma_wait3A_250 = tpu.memref_slice %arg3[%dma_wait3A_249] : memref<320000xi32, #tpu.memory_space<hbm>> -> memref<320000xi32, #tpu.memory_space<hbm>>
          tpu.wait_indirect_dma semaphore(%run_scoped3A : memref<!tpu.dma_semaphore, #tpu.memory_space<semaphore_mem>>) src(%dma_wait3A_250 : memref<320000xi32, #tpu.memory_space<hbm>>) dst(%arg24 : memref<64xi32, #tpu.memory_space<vmem>>)
          tpu.yield
        }) : () -> ()
        %mul3A_231 = arith.constant 22048 : i32
        %mul3A_232 = arith.muli %arg1, %mul3A_231 : i32
        %add3A_233 = arith.addi %mul3A_232, %multiple_of3A_219 : i32
        %multiple_of3A_234 = tpu.assume_multiple %add3A_233, 8 : i32
        "tpu.region"() ({
          %run_scoped3A = tpu.sem_alloc : memref<!tpu.dma_semaphore, #tpu.memory_space<semaphore_mem>>
          %dma_start3A_247 = tpu.memref_slice %arg15[%multiple_of3A_234] : memref<352768xf32, #tpu.memory_space<hbm>> -> memref<64xf32, #tpu.memory_space<hbm>>
          %dma_start3A_248 = tpu.memref_slice %arg15[%multiple_of3A_234] : memref<352768xf32, #tpu.memory_space<hbm>> -> memref<64xf32, #tpu.memory_space<hbm>>
          tpu.enqueue_dma source(%dma_start3A_248 : memref<64xf32, #tpu.memory_space<hbm>>) target(%arg30 : memref<64xf32, #tpu.memory_space<vmem>>) target_semaphore(%run_scoped3A : memref<!tpu.dma_semaphore, #tpu.memory_space<semaphore_mem>>)
          %dma_wait3A_249 = tpu.memref_slice %arg15[%multiple_of3A_234] : memref<352768xf32, #tpu.memory_space<hbm>> -> memref<64xf32, #tpu.memory_space<hbm>>
          %dma_wait3A_250 = tpu.memref_slice %arg15[%multiple_of3A_234] : memref<352768xf32, #tpu.memory_space<hbm>> -> memref<64xf32, #tpu.memory_space<hbm>>
          tpu.wait_dma2 semaphore(%run_scoped3A : memref<!tpu.dma_semaphore, #tpu.memory_space<semaphore_mem>>) src(%dma_wait3A_250 : memref<64xf32, #tpu.memory_space<hbm>>) dst(%arg30 : memref<64xf32, #tpu.memory_space<vmem>>)
          tpu.yield
        }) : () -> ()
        %scan3A_235 = arith.constant 0 : i32
        %scan3A_236 = arith.constant 0 : i32
        %scan3A_237 = arith.constant 4 : i32
        %scan3A_238 = arith.addi %scan3A_236, %scan3A_237 : i32
        %scan3A_239 = arith.constant 1 : i32
        %scan3A_240 = scf.for %scan3A_247 = %scan3A_236 to %scan3A_238 step %scan3A_239 iter_args(%scan3A_248 = %scan3A_235) -> (i32)  : i32 {
          %mul3A_249 = arith.constant 16 : i32
          %mul3A_250 = arith.muli %scan3A_247, %mul3A_249 : i32
          %get3A_251 = arith.index_cast %mul3A_250 : i32 to index
          %get3A_252 = tpu.vector_load %arg30[%get3A_251] {strides = array<i32>} : memref<64xf32, #tpu.memory_space<vmem>>, vector<16xf32>,
          %mul3A_253 = arith.constant 16 : i32
          %mul3A_254 = arith.muli %scan3A_247, %mul3A_253 : i32
          %get3A_255 = arith.index_cast %mul3A_254 : i32 to index
          %get3A_256 = tpu.vector_load %arg24[%get3A_255] {strides = array<i32>} : memref<64xi32, #tpu.memory_space<vmem>>, vector<16xi32>,
          %mul3A_257 = arith.constant 16 : i32
          %mul3A_258 = arith.muli %scan3A_247, %mul3A_257 : i32
          %add3A_259 = arith.addi %multiple_of3A_219, %mul3A_258 : i32
          %add3A_260 = vector.broadcast %add3A_259 : i32 to vector<16xi32>
          %add3A_261 = arith.addi %add3A_260, %iota3A : vector<16xi32>
          %lt3A = vector.broadcast %scan3A_75#0 : i32 to vector<16xi32>
          %lt3A_262 = arith.cmpi slt, %add3A_261, %lt3A : vector<16xi32>
          %sub3A_263 = arith.subf %get3A_252, %max3A_174 : vector<16xf32>
          %exp3A = math.exp %sub3A_263 : vector<16xf32>
          %jit3A_264 = arith.constant 0.000000e+00 : f32
          %broadcast_in_dim3A_265 = vector.broadcast %jit3A_264 : f32 to vector<16xf32>
          %select_n3A_266 = arith.select %lt3A_262, %exp3A, %broadcast_in_dim3A_265 : vector<16xi1>, vector<16xf32>
          %mul3A_267 = arith.constant 16 : i32
          %mul3A_268 = arith.muli %scan3A_247, %mul3A_267 : i32
          %swap3A_269 = arith.index_cast %mul3A_268 : i32 to index
          %swap3A_270 = tpu.vector_load %arg30[%swap3A_269] {strides = array<i32>} : memref<64xf32, #tpu.memory_space<vmem>>, vector<16xf32>,
          tpu.vector_store %arg30[%swap3A_269], %select_n3A_266 {strides = array<i32>} : memref<64xf32, #tpu.memory_space<vmem>>, vector<16xf32>,
          %jit3A_271 = arith.constant 10000 : i32
          %broadcast_in_dim3A_272 = vector.broadcast %jit3A_271 : i32 to vector<16xi32>
          %select_n3A_273 = arith.select %lt3A_262, %get3A_256, %broadcast_in_dim3A_272 : vector<16xi1>, vector<16xi32>
          %mul3A_274 = arith.constant 16 : i32
          %mul3A_275 = arith.muli %scan3A_247, %mul3A_274 : i32
          %swap3A_276 = arith.index_cast %mul3A_275 : i32 to index
          %swap3A_277 = tpu.vector_load %arg25[%swap3A_276] {strides = array<i32>} : memref<64xi32, #tpu.memory_space<vmem>>, vector<16xi32>,
          tpu.vector_store %arg25[%swap3A_276], %select_n3A_273 {strides = array<i32>} : memref<64xi32, #tpu.memory_space<vmem>>, vector<16xi32>,
          %scan3A_278 = arith.constant 0 : i32
          scf.yield %scan3A_278 : i32
        }
        %scan3A_241 = arith.constant 4 : i32
        %mul3A_242 = arith.constant 22048 : i32
        %mul3A_243 = arith.muli %arg1, %mul3A_242 : i32
        %add3A_244 = arith.addi %mul3A_243, %multiple_of3A_219 : i32
        %multiple_of3A_245 = tpu.assume_multiple %add3A_244, 8 : i32
        "tpu.region"() ({
          %run_scoped3A = tpu.sem_alloc : memref<!tpu.dma_semaphore, #tpu.memory_space<semaphore_mem>>
          %dma_start3A_247 = tpu.memref_slice %arg15[%multiple_of3A_245] : memref<352768xf32, #tpu.memory_space<hbm>> -> memref<64xf32, #tpu.memory_space<hbm>>
          %dma_start3A_248 = tpu.memref_slice %arg15[%multiple_of3A_245] : memref<352768xf32, #tpu.memory_space<hbm>> -> memref<64xf32, #tpu.memory_space<hbm>>
          tpu.enqueue_dma source(%arg30 : memref<64xf32, #tpu.memory_space<vmem>>) target(%dma_start3A_248 : memref<64xf32, #tpu.memory_space<hbm>>) target_semaphore(%run_scoped3A : memref<!tpu.dma_semaphore, #tpu.memory_space<semaphore_mem>>)
          %dma_wait3A_249 = tpu.memref_slice %arg15[%multiple_of3A_245] : memref<352768xf32, #tpu.memory_space<hbm>> -> memref<64xf32, #tpu.memory_space<hbm>>
          %dma_wait3A_250 = tpu.memref_slice %arg15[%multiple_of3A_245] : memref<352768xf32, #tpu.memory_space<hbm>> -> memref<64xf32, #tpu.memory_space<hbm>>
          tpu.wait_dma2 semaphore(%run_scoped3A : memref<!tpu.dma_semaphore, #tpu.memory_space<semaphore_mem>>) src(%arg30 : memref<64xf32, #tpu.memory_space<vmem>>) dst(%dma_wait3A_250 : memref<64xf32, #tpu.memory_space<hbm>>)
          tpu.yield
        }) : () -> ()
        "tpu.region"() ({
          %run_scoped3A = tpu.sem_alloc : memref<!tpu.dma_semaphore, #tpu.memory_space<semaphore_mem>>
          %dma_start3A_247 = arith.constant 0 : i32
          %dma_start3A_248 = tpu.memref_slice %arg13[%dma_start3A_247] : memref<12288xf32, #tpu.memory_space<vmem_shared>> -> memref<12288xf32, #tpu.memory_space<vmem_shared>>
          tpu.enqueue_indirect_dma source(%arg30 : memref<64xf32, #tpu.memory_space<vmem>>) target(%dma_start3A_248 : memref<12288xf32, #tpu.memory_space<vmem_shared>>) offsets(%arg25 : memref<64xi32, #tpu.memory_space<vmem>>) semaphore(%run_scoped3A : memref<!tpu.dma_semaphore, #tpu.memory_space<semaphore_mem>>) {add = true}
          %dma_wait3A_249 = arith.constant 0 : i32
          %dma_wait3A_250 = tpu.memref_slice %arg13[%dma_wait3A_249] : memref<12288xf32, #tpu.memory_space<vmem_shared>> -> memref<12288xf32, #tpu.memory_space<vmem_shared>>
          tpu.wait_indirect_dma semaphore(%run_scoped3A : memref<!tpu.dma_semaphore, #tpu.memory_space<semaphore_mem>>) src(%arg30 : memref<64xf32, #tpu.memory_space<vmem>>) dst(%dma_wait3A_250 : memref<12288xf32, #tpu.memory_space<vmem_shared>>)
          tpu.yield
        }) : () -> ()
        %while3A_246 = arith.constant 0 : i32
        scf.yield %while3A_246 : i32
      }
      %barrier3A_187 = arith.constant 0 : index
      tpu.barrier barrier_id(%barrier3A_187)
      %while3A_188 = arith.constant 0 : i32
      %while3A_189 = arith.constant 0 : i32
      %while3A_190 = arith.subi %select_n3A, %while3A_188 : i32
      %while3A_191 = arith.addi %while3A_188, %while3A_190 : i32
      %while3A_192 = arith.constant 1 : i32
      %while3A_193 = arith.divsi %while3A_190, %while3A_192 : i32
      %while3A_194 = arith.muli %while3A_193, %while3A_192 : i32
      %while3A_195 = arith.addi %while3A_188, %while3A_194 : i32
      %while3A_196 = arith.constant 1 : i32
      %while3A_197 = scf.for %while3A_215 = %while3A_188 to %while3A_195 step %while3A_196 iter_args(%while3A_216 = %while3A_189) -> (i32)  : i32 {
        %mul3A_217 = arith.constant 64 : i32
        %mul3A_218 = arith.muli %while3A_215, %mul3A_217 : i32
        %multiple_of3A_219 = tpu.assume_multiple %mul3A_218, 8 : i32
        %mul3A_220 = arith.constant 22048 : i32
        %mul3A_221 = arith.muli %arg1, %mul3A_220 : i32
        %add3A_222 = arith.addi %mul3A_221, %multiple_of3A_219 : i32
        %multiple_of3A_223 = tpu.assume_multiple %add3A_222, 8 : i32
        "tpu.region"() ({
          %run_scoped3A = tpu.sem_alloc : memref<!tpu.dma_semaphore, #tpu.memory_space<semaphore_mem>>
          %dma_start3A_257 = tpu.memref_slice %arg9[%multiple_of3A_223] : memref<352768xi32, #tpu.memory_space<hbm>> -> memref<64xi32, #tpu.memory_space<hbm>>
          %dma_start3A_258 = tpu.memref_slice %arg9[%multiple_of3A_223] : memref<352768xi32, #tpu.memory_space<hbm>> -> memref<64xi32, #tpu.memory_space<hbm>>
          tpu.enqueue_dma source(%dma_start3A_258 : memref<64xi32, #tpu.memory_space<hbm>>) target(%arg22 : memref<64xi32, #tpu.memory_space<vmem>>) target_semaphore(%run_scoped3A : memref<!tpu.dma_semaphore, #tpu.memory_space<semaphore_mem>>)
          %dma_wait3A_259 = tpu.memref_slice %arg9[%multiple_of3A_223] : memref<352768xi32, #tpu.memory_space<hbm>> -> memref<64xi32, #tpu.memory_space<hbm>>
          %dma_wait3A_260 = tpu.memref_slice %arg9[%multiple_of3A_223] : memref<352768xi32, #tpu.memory_space<hbm>> -> memref<64xi32, #tpu.memory_space<hbm>>
          tpu.wait_dma2 semaphore(%run_scoped3A : memref<!tpu.dma_semaphore, #tpu.memory_space<semaphore_mem>>) src(%dma_wait3A_260 : memref<64xi32, #tpu.memory_space<hbm>>) dst(%arg22 : memref<64xi32, #tpu.memory_space<vmem>>)
          tpu.yield
        }) : () -> ()
        %scan3A_224 = arith.constant 0 : i32
        %scan3A_225 = arith.constant 0 : i32
        %scan3A_226 = arith.constant 4 : i32
        %scan3A_227 = arith.addi %scan3A_225, %scan3A_226 : i32
        %scan3A_228 = arith.constant 1 : i32
        %scan3A_229 = scf.for %scan3A_257 = %scan3A_225 to %scan3A_227 step %scan3A_228 iter_args(%scan3A_258 = %scan3A_224) -> (i32)  : i32 {
          %mul3A_259 = arith.constant 16 : i32
          %mul3A_260 = arith.muli %scan3A_257, %mul3A_259 : i32
          %get3A_261 = arith.index_cast %mul3A_260 : i32 to index
          %get3A_262 = tpu.vector_load %arg22[%get3A_261] {strides = array<i32>} : memref<64xi32, #tpu.memory_space<vmem>>, vector<16xi32>,
          %jit3A_263 = arith.constant 0 : i32
          %jit3A_264 = arith.constant 319999 : i32
          %max3A_265 = vector.broadcast %jit3A_263 : i32 to vector<16xi32>
          %max3A_266 = arith.maxsi %max3A_265, %get3A_262 : vector<16xi32>
          %min3A = vector.broadcast %jit3A_264 : i32 to vector<16xi32>
          %min3A_267 = arith.minsi %min3A, %max3A_266 : vector<16xi32>
          %mul3A_268 = arith.constant 16 : i32
          %mul3A_269 = arith.muli %scan3A_257, %mul3A_268 : i32
          %swap3A_270 = arith.index_cast %mul3A_269 : i32 to index
          %swap3A_271 = tpu.vector_load %arg22[%swap3A_270] {strides = array<i32>} : memref<64xi32, #tpu.memory_space<vmem>>, vector<16xi32>,
          tpu.vector_store %arg22[%swap3A_270], %min3A_267 {strides = array<i32>} : memref<64xi32, #tpu.memory_space<vmem>>, vector<16xi32>,
          %scan3A_272 = arith.constant 0 : i32
          scf.yield %scan3A_272 : i32
        }
        %scan3A_230 = arith.constant 4 : i32
        "tpu.region"() ({
          %run_scoped3A = tpu.sem_alloc : memref<!tpu.dma_semaphore, #tpu.memory_space<semaphore_mem>>
          %dma_start3A_257 = arith.constant 0 : i32
          %dma_start3A_258 = tpu.memref_slice %arg2[%dma_start3A_257] : memref<320000xi32, #tpu.memory_space<hbm>> -> memref<320000xi32, #tpu.memory_space<hbm>>
          tpu.enqueue_indirect_dma source(%dma_start3A_258 : memref<320000xi32, #tpu.memory_space<hbm>>) target(%arg23 : memref<64xi32, #tpu.memory_space<vmem>>) offsets(%arg22 : memref<64xi32, #tpu.memory_space<vmem>>) semaphore(%run_scoped3A : memref<!tpu.dma_semaphore, #tpu.memory_space<semaphore_mem>>)
          %dma_wait3A_259 = arith.constant 0 : i32
          %dma_wait3A_260 = tpu.memref_slice %arg2[%dma_wait3A_259] : memref<320000xi32, #tpu.memory_space<hbm>> -> memref<320000xi32, #tpu.memory_space<hbm>>
          tpu.wait_indirect_dma semaphore(%run_scoped3A : memref<!tpu.dma_semaphore, #tpu.memory_space<semaphore_mem>>) src(%dma_wait3A_260 : memref<320000xi32, #tpu.memory_space<hbm>>) dst(%arg23 : memref<64xi32, #tpu.memory_space<vmem>>)
          tpu.yield
        }) : () -> ()
        "tpu.region"() ({
          %run_scoped3A = tpu.sem_alloc : memref<!tpu.dma_semaphore, #tpu.memory_space<semaphore_mem>>
          %dma_start3A_257 = arith.constant 0 : i32
          %dma_start3A_258 = tpu.memref_slice %arg3[%dma_start3A_257] : memref<320000xi32, #tpu.memory_space<hbm>> -> memref<320000xi32, #tpu.memory_space<hbm>>
          tpu.enqueue_indirect_dma source(%dma_start3A_258 : memref<320000xi32, #tpu.memory_space<hbm>>) target(%arg24 : memref<64xi32, #tpu.memory_space<vmem>>) offsets(%arg22 : memref<64xi32, #tpu.memory_space<vmem>>) semaphore(%run_scoped3A : memref<!tpu.dma_semaphore, #tpu.memory_space<semaphore_mem>>)
          %dma_wait3A_259 = arith.constant 0 : i32
          %dma_wait3A_260 = tpu.memref_slice %arg3[%dma_wait3A_259] : memref<320000xi32, #tpu.memory_space<hbm>> -> memref<320000xi32, #tpu.memory_space<hbm>>
          tpu.wait_indirect_dma semaphore(%run_scoped3A : memref<!tpu.dma_semaphore, #tpu.memory_space<semaphore_mem>>) src(%dma_wait3A_260 : memref<320000xi32, #tpu.memory_space<hbm>>) dst(%arg24 : memref<64xi32, #tpu.memory_space<vmem>>)
          tpu.yield
        }) : () -> ()
        %mul3A_231 = arith.constant 22048 : i32
        %mul3A_232 = arith.muli %arg1, %mul3A_231 : i32
        %add3A_233 = arith.addi %mul3A_232, %multiple_of3A_219 : i32
        %multiple_of3A_234 = tpu.assume_multiple %add3A_233, 8 : i32
        "tpu.region"() ({
          %run_scoped3A = tpu.sem_alloc : memref<!tpu.dma_semaphore, #tpu.memory_space<semaphore_mem>>
          %dma_start3A_257 = tpu.memref_slice %arg15[%multiple_of3A_234] : memref<352768xf32, #tpu.memory_space<hbm>> -> memref<64xf32, #tpu.memory_space<hbm>>
          %dma_start3A_258 = tpu.memref_slice %arg15[%multiple_of3A_234] : memref<352768xf32, #tpu.memory_space<hbm>> -> memref<64xf32, #tpu.memory_space<hbm>>
          tpu.enqueue_dma source(%dma_start3A_258 : memref<64xf32, #tpu.memory_space<hbm>>) target(%arg30 : memref<64xf32, #tpu.memory_space<vmem>>) target_semaphore(%run_scoped3A : memref<!tpu.dma_semaphore, #tpu.memory_space<semaphore_mem>>)
          %dma_wait3A_259 = tpu.memref_slice %arg15[%multiple_of3A_234] : memref<352768xf32, #tpu.memory_space<hbm>> -> memref<64xf32, #tpu.memory_space<hbm>>
          %dma_wait3A_260 = tpu.memref_slice %arg15[%multiple_of3A_234] : memref<352768xf32, #tpu.memory_space<hbm>> -> memref<64xf32, #tpu.memory_space<hbm>>
          tpu.wait_dma2 semaphore(%run_scoped3A : memref<!tpu.dma_semaphore, #tpu.memory_space<semaphore_mem>>) src(%dma_wait3A_260 : memref<64xf32, #tpu.memory_space<hbm>>) dst(%arg30 : memref<64xf32, #tpu.memory_space<vmem>>)
          tpu.yield
        }) : () -> ()
        "tpu.region"() ({
          %run_scoped3A = tpu.sem_alloc : memref<!tpu.dma_semaphore, #tpu.memory_space<semaphore_mem>>
          %dma_start3A_257 = arith.constant 0 : i32
          %dma_start3A_258 = arith.constant 0 : i32
          %dma_start3A_259 = tpu.memref_slice %arg5[%dma_start3A_257, %dma_start3A_258] : memref<10000x128xf32, #tpu.memory_space<hbm>> -> memref<10000x128xf32, #tpu.memory_space<hbm>>
          tpu.enqueue_indirect_dma source(%dma_start3A_259 : memref<10000x128xf32, #tpu.memory_space<hbm>>) target(%arg27 : memref<64x128xf32, #tpu.memory_space<vmem>>) offsets(%arg23 : memref<64xi32, #tpu.memory_space<vmem>>) semaphore(%run_scoped3A : memref<!tpu.dma_semaphore, #tpu.memory_space<semaphore_mem>>)
          %dma_wait3A_260 = arith.constant 0 : i32
          %dma_wait3A_261 = arith.constant 0 : i32
          %dma_wait3A_262 = tpu.memref_slice %arg5[%dma_wait3A_260, %dma_wait3A_261] : memref<10000x128xf32, #tpu.memory_space<hbm>> -> memref<10000x128xf32, #tpu.memory_space<hbm>>
          tpu.wait_indirect_dma semaphore(%run_scoped3A : memref<!tpu.dma_semaphore, #tpu.memory_space<semaphore_mem>>) src(%dma_wait3A_262 : memref<10000x128xf32, #tpu.memory_space<hbm>>) dst(%arg27 : memref<64x128xf32, #tpu.memory_space<vmem>>)
          tpu.yield
        }) : () -> ()
        %scan3A_235 = arith.constant 0 : i32
        %scan3A_236 = arith.constant 0 : i32
        %scan3A_237 = arith.constant 4 : i32
        %scan3A_238 = arith.addi %scan3A_236, %scan3A_237 : i32
        %scan3A_239 = arith.constant 1 : i32
        %scan3A_240 = scf.for %scan3A_257 = %scan3A_236 to %scan3A_238 step %scan3A_239 iter_args(%scan3A_258 = %scan3A_235) -> (i32)  : i32 {
          %mul3A_259 = arith.constant 16 : i32
          %mul3A_260 = arith.muli %scan3A_257, %mul3A_259 : i32
          %get3A_261 = arith.index_cast %mul3A_260 : i32 to index
          %get3A_262 = tpu.vector_load %arg24[%get3A_261] {strides = array<i32>} : memref<64xi32, #tpu.memory_space<vmem>>, vector<16xi32>,
          %mul3A_263 = arith.constant 16 : i32
          %mul3A_264 = arith.muli %scan3A_257, %mul3A_263 : i32
          %add3A_265 = arith.addi %multiple_of3A_219, %mul3A_264 : i32
          %add3A_266 = vector.broadcast %add3A_265 : i32 to vector<16xi32>
          %add3A_267 = arith.addi %add3A_266, %iota3A : vector<16xi32>
          %lt3A = vector.broadcast %scan3A_75#0 : i32 to vector<16xi32>
          %lt3A_268 = arith.cmpi slt, %add3A_267, %lt3A : vector<16xi32>
          %jit3A_269 = arith.constant 10000 : i32
          %broadcast_in_dim3A_270 = vector.broadcast %jit3A_269 : i32 to vector<16xi32>
          %select_n3A_271 = arith.select %lt3A_268, %get3A_262, %broadcast_in_dim3A_270 : vector<16xi1>, vector<16xi32>
          %mul3A_272 = arith.constant 16 : i32
          %mul3A_273 = arith.muli %scan3A_257, %mul3A_272 : i32
          %swap3A_274 = arith.index_cast %mul3A_273 : i32 to index
          %swap3A_275 = tpu.vector_load %arg25[%swap3A_274] {strides = array<i32>} : memref<64xi32, #tpu.memory_space<vmem>>, vector<16xi32>,
          tpu.vector_store %arg25[%swap3A_274], %select_n3A_271 {strides = array<i32>} : memref<64xi32, #tpu.memory_space<vmem>>, vector<16xi32>,
          %scan3A_276 = arith.constant 0 : i32
          scf.yield %scan3A_276 : i32
        }
        %scan3A_241 = arith.constant 4 : i32
        "tpu.region"() ({
          %run_scoped3A = tpu.sem_alloc : memref<!tpu.dma_semaphore, #tpu.memory_space<semaphore_mem>>
          %dma_start3A_257 = arith.constant 0 : i32
          %dma_start3A_258 = tpu.memref_slice %arg13[%dma_start3A_257] : memref<12288xf32, #tpu.memory_space<vmem_shared>> -> memref<12288xf32, #tpu.memory_space<vmem_shared>>
          tpu.enqueue_indirect_dma source(%dma_start3A_258 : memref<12288xf32, #tpu.memory_space<vmem_shared>>) target(%arg26 : memref<64xf32, #tpu.memory_space<vmem>>) offsets(%arg25 : memref<64xi32, #tpu.memory_space<vmem>>) semaphore(%run_scoped3A : memref<!tpu.dma_semaphore, #tpu.memory_space<semaphore_mem>>)
          %dma_wait3A_259 = arith.constant 0 : i32
          %dma_wait3A_260 = tpu.memref_slice %arg13[%dma_wait3A_259] : memref<12288xf32, #tpu.memory_space<vmem_shared>> -> memref<12288xf32, #tpu.memory_space<vmem_shared>>
          tpu.wait_indirect_dma semaphore(%run_scoped3A : memref<!tpu.dma_semaphore, #tpu.memory_space<semaphore_mem>>) src(%dma_wait3A_260 : memref<12288xf32, #tpu.memory_space<vmem_shared>>) dst(%arg26 : memref<64xf32, #tpu.memory_space<vmem>>)
          tpu.yield
        }) : () -> ()
        %scan3A_242 = arith.constant 0 : i32
        %scan3A_243 = arith.constant 0 : i32
        %scan3A_244 = arith.constant 4 : i32
        %scan3A_245 = arith.addi %scan3A_243, %scan3A_244 : i32
        %scan3A_246 = arith.constant 1 : i32
        %scan3A_247 = scf.for %scan3A_257 = %scan3A_243 to %scan3A_245 step %scan3A_246 iter_args(%scan3A_258 = %scan3A_242) -> (i32)  : i32 {
          %mul3A_259 = arith.constant 16 : i32
          %mul3A_260 = arith.muli %scan3A_257, %mul3A_259 : i32
          %get3A_261 = arith.index_cast %mul3A_260 : i32 to index
          %get3A_262 = tpu.vector_load %arg30[%get3A_261] {strides = array<i32>} : memref<64xf32, #tpu.memory_space<vmem>>, vector<16xf32>,
          %mul3A_263 = arith.constant 16 : i32
          %mul3A_264 = arith.muli %scan3A_257, %mul3A_263 : i32
          %get3A_265 = arith.index_cast %mul3A_264 : i32 to index
          %get3A_266 = tpu.vector_load %arg26[%get3A_265] {strides = array<i32>} : memref<64xf32, #tpu.memory_space<vmem>>, vector<16xf32>,
          %mul3A_267 = arith.constant 16 : i32
          %mul3A_268 = arith.muli %scan3A_257, %mul3A_267 : i32
          %add3A_269 = arith.addi %multiple_of3A_219, %mul3A_268 : i32
          %add3A_270 = vector.broadcast %add3A_269 : i32 to vector<16xi32>
          %add3A_271 = arith.addi %add3A_270, %iota3A : vector<16xi32>
          %lt3A = vector.broadcast %scan3A_75#0 : i32 to vector<16xi32>
          %lt3A_272 = arith.cmpi slt, %add3A_271, %lt3A : vector<16xi32>
          %add3A_273 = arith.constant 9.99999971E-10 : f32
          %add3A_274 = vector.broadcast %add3A_273 : f32 to vector<16xf32>
          %add3A_275 = arith.addf %get3A_266, %add3A_274 : vector<16xf32>
          %div3A_276 = arith.divf %get3A_262, %add3A_275 : vector<16xf32>
          %jit3A_277 = arith.constant 0.000000e+00 : f32
          %broadcast_in_dim3A_278 = vector.broadcast %jit3A_277 : f32 to vector<16xf32>
          %select_n3A_279 = arith.select %lt3A_272, %div3A_276, %broadcast_in_dim3A_278 : vector<16xi1>, vector<16xf32>
          %mul3A_280 = arith.constant 16 : i32
          %mul3A_281 = arith.muli %scan3A_257, %mul3A_280 : i32
          %swap3A_282 = arith.index_cast %mul3A_281 : i32 to index
          %swap3A_283 = tpu.vector_load %arg31[%swap3A_282] {strides = array<i32>} : memref<64xf32, #tpu.memory_space<vmem>>, vector<16xf32>,
          tpu.vector_store %arg31[%swap3A_282], %select_n3A_279 {strides = array<i32>} : memref<64xf32, #tpu.memory_space<vmem>>, vector<16xf32>,
          %scan3A_284 = arith.constant 0 : i32
          scf.yield %scan3A_284 : i32
        }
        %scan3A_248 = arith.constant 4 : i32
        %scan3A_249 = arith.constant 0 : i32
        %scan3A_250 = arith.constant 0 : i32
        %scan3A_251 = arith.constant 64 : i32
        %scan3A_252 = arith.addi %scan3A_250, %scan3A_251 : i32
        %scan3A_253 = arith.constant 1 : i32
        %scan3A_254 = scf.for %scan3A_257 = %scan3A_250 to %scan3A_252 step %scan3A_253 iter_args(%scan3A_258 = %scan3A_249) -> (i32)  : i32 {
          %broadcast_in_dim3A_259 = vector.broadcast %scan3A_257 : i32 to vector<16xi32>
          %gather3A = tpu.vector_load_idx %arg31[%broadcast_in_dim3A_259] : memref<64xf32, #tpu.memory_space<vmem>>[vector<16xi32>], vector<16xf32>,
          %get3A_260 = arith.index_cast %scan3A_257 : i32 to index
          %get3A_261 = arith.constant 0 : index
          %get3A_262 = tpu.vector_load %arg27[%get3A_260, %get3A_261] {strides = array<i32>} : memref<64x128xf32, #tpu.memory_space<vmem>>, vector<16xf32>,
          %mul3A_263 = arith.mulf %get3A_262, %gather3A : vector<16xf32>
          %swap3A_264 = arith.index_cast %scan3A_257 : i32 to index
          %swap3A_265 = arith.constant 0 : index
          %swap3A_266 = tpu.vector_load %arg28[%swap3A_264, %swap3A_265] {strides = array<i32>} : memref<64x128xf32, #tpu.memory_space<vmem>>, vector<16xf32>,
          tpu.vector_store %arg28[%swap3A_264, %swap3A_265], %mul3A_263 {strides = array<i32>} : memref<64x128xf32, #tpu.memory_space<vmem>>, vector<16xf32>,
          %get3A_267 = arith.index_cast %scan3A_257 : i32 to index
          %get3A_268 = arith.constant 16 : index
          %get3A_269 = tpu.vector_load %arg27[%get3A_267, %get3A_268] {strides = array<i32>} : memref<64x128xf32, #tpu.memory_space<vmem>>, vector<16xf32>,
          %mul3A_270 = arith.mulf %get3A_269, %gather3A : vector<16xf32>
          %swap3A_271 = arith.index_cast %scan3A_257 : i32 to index
          %swap3A_272 = arith.constant 16 : index
          %swap3A_273 = tpu.vector_load %arg28[%swap3A_271, %swap3A_272] {strides = array<i32>} : memref<64x128xf32, #tpu.memory_space<vmem>>, vector<16xf32>,
          tpu.vector_store %arg28[%swap3A_271, %swap3A_272], %mul3A_270 {strides = array<i32>} : memref<64x128xf32, #tpu.memory_space<vmem>>, vector<16xf32>,
          %get3A_274 = arith.index_cast %scan3A_257 : i32 to index
          %get3A_275 = arith.constant 32 : index
          %get3A_276 = tpu.vector_load %arg27[%get3A_274, %get3A_275] {strides = array<i32>} : memref<64x128xf32, #tpu.memory_space<vmem>>, vector<16xf32>,
          %mul3A_277 = arith.mulf %get3A_276, %gather3A : vector<16xf32>
          %swap3A_278 = arith.index_cast %scan3A_257 : i32 to index
          %swap3A_279 = arith.constant 32 : index
          %swap3A_280 = tpu.vector_load %arg28[%swap3A_278, %swap3A_279] {strides = array<i32>} : memref<64x128xf32, #tpu.memory_space<vmem>>, vector<16xf32>,
          tpu.vector_store %arg28[%swap3A_278, %swap3A_279], %mul3A_277 {strides = array<i32>} : memref<64x128xf32, #tpu.memory_space<vmem>>, vector<16xf32>,
          %get3A_281 = arith.index_cast %scan3A_257 : i32 to index
          %get3A_282 = arith.constant 48 : index
          %get3A_283 = tpu.vector_load %arg27[%get3A_281, %get3A_282] {strides = array<i32>} : memref<64x128xf32, #tpu.memory_space<vmem>>, vector<16xf32>,
          %mul3A_284 = arith.mulf %get3A_283, %gather3A : vector<16xf32>
          %swap3A_285 = arith.index_cast %scan3A_257 : i32 to index
          %swap3A_286 = arith.constant 48 : index
          %swap3A_287 = tpu.vector_load %arg28[%swap3A_285, %swap3A_286] {strides = array<i32>} : memref<64x128xf32, #tpu.memory_space<vmem>>, vector<16xf32>,
          tpu.vector_store %arg28[%swap3A_285, %swap3A_286], %mul3A_284 {strides = array<i32>} : memref<64x128xf32, #tpu.memory_space<vmem>>, vector<16xf32>,
          %get3A_288 = arith.index_cast %scan3A_257 : i32 to index
          %get3A_289 = arith.constant 64 : index
          %get3A_290 = tpu.vector_load %arg27[%get3A_288, %get3A_289] {strides = array<i32>} : memref<64x128xf32, #tpu.memory_space<vmem>>, vector<16xf32>,
          %mul3A_291 = arith.mulf %get3A_290, %gather3A : vector<16xf32>
          %swap3A_292 = arith.index_cast %scan3A_257 : i32 to index
          %swap3A_293 = arith.constant 64 : index
          %swap3A_294 = tpu.vector_load %arg28[%swap3A_292, %swap3A_293] {strides = array<i32>} : memref<64x128xf32, #tpu.memory_space<vmem>>, vector<16xf32>,
          tpu.vector_store %arg28[%swap3A_292, %swap3A_293], %mul3A_291 {strides = array<i32>} : memref<64x128xf32, #tpu.memory_space<vmem>>, vector<16xf32>,
          %get3A_295 = arith.index_cast %scan3A_257 : i32 to index
          %get3A_296 = arith.constant 80 : index
          %get3A_297 = tpu.vector_load %arg27[%get3A_295, %get3A_296] {strides = array<i32>} : memref<64x128xf32, #tpu.memory_space<vmem>>, vector<16xf32>,
          %mul3A_298 = arith.mulf %get3A_297, %gather3A : vector<16xf32>
          %swap3A_299 = arith.index_cast %scan3A_257 : i32 to index
          %swap3A_300 = arith.constant 80 : index
          %swap3A_301 = tpu.vector_load %arg28[%swap3A_299, %swap3A_300] {strides = array<i32>} : memref<64x128xf32, #tpu.memory_space<vmem>>, vector<16xf32>,
          tpu.vector_store %arg28[%swap3A_299, %swap3A_300], %mul3A_298 {strides = array<i32>} : memref<64x128xf32, #tpu.memory_space<vmem>>, vector<16xf32>,
          %get3A_302 = arith.index_cast %scan3A_257 : i32 to index
          %get3A_303 = arith.constant 96 : index
          %get3A_304 = tpu.vector_load %arg27[%get3A_302, %get3A_303] {strides = array<i32>} : memref<64x128xf32, #tpu.memory_space<vmem>>, vector<16xf32>,
          %mul3A_305 = arith.mulf %get3A_304, %gather3A : vector<16xf32>
          %swap3A_306 = arith.index_cast %scan3A_257 : i32 to index
          %swap3A_307 = arith.constant 96 : index
          %swap3A_308 = tpu.vector_load %arg28[%swap3A_306, %swap3A_307] {strides = array<i32>} : memref<64x128xf32, #tpu.memory_space<vmem>>, vector<16xf32>,
          tpu.vector_store %arg28[%swap3A_306, %swap3A_307], %mul3A_305 {strides = array<i32>} : memref<64x128xf32, #tpu.memory_space<vmem>>, vector<16xf32>,
          %get3A_309 = arith.index_cast %scan3A_257 : i32 to index
          %get3A_310 = arith.constant 112 : index
          %get3A_311 = tpu.vector_load %arg27[%get3A_309, %get3A_310] {strides = array<i32>} : memref<64x128xf32, #tpu.memory_space<vmem>>, vector<16xf32>,
          %mul3A_312 = arith.mulf %get3A_311, %gather3A : vector<16xf32>
          %swap3A_313 = arith.index_cast %scan3A_257 : i32 to index
          %swap3A_314 = arith.constant 112 : index
          %swap3A_315 = tpu.vector_load %arg28[%swap3A_313, %swap3A_314] {strides = array<i32>} : memref<64x128xf32, #tpu.memory_space<vmem>>, vector<16xf32>,
          tpu.vector_store %arg28[%swap3A_313, %swap3A_314], %mul3A_312 {strides = array<i32>} : memref<64x128xf32, #tpu.memory_space<vmem>>, vector<16xf32>,
          %scan3A_316 = arith.constant 0 : i32
          scf.yield %scan3A_316 : i32
        }
        %scan3A_255 = arith.constant 64 : i32
        "tpu.region"() ({
          %run_scoped3A = tpu.sem_alloc : memref<!tpu.dma_semaphore, #tpu.memory_space<semaphore_mem>>
          %dma_start3A_257 = arith.constant 0 : i32
          %dma_start3A_258 = arith.constant 0 : i32
          %dma_start3A_259 = tpu.memref_slice %arg11[%dma_start3A_257, %dma_start3A_258] : memref<10016x128xf32, #tpu.memory_space<vmem_shared>> -> memref<10016x128xf32, #tpu.memory_space<vmem_shared>>
          tpu.enqueue_indirect_dma source(%arg28 : memref<64x128xf32, #tpu.memory_space<vmem>>) target(%dma_start3A_259 : memref<10016x128xf32, #tpu.memory_space<vmem_shared>>) offsets(%arg25 : memref<64xi32, #tpu.memory_space<vmem>>) semaphore(%run_scoped3A : memref<!tpu.dma_semaphore, #tpu.memory_space<semaphore_mem>>) {add = true}
          %dma_wait3A_260 = arith.constant 0 : i32
          %dma_wait3A_261 = arith.constant 0 : i32
          %dma_wait3A_262 = tpu.memref_slice %arg11[%dma_wait3A_260, %dma_wait3A_261] : memref<10016x128xf32, #tpu.memory_space<vmem_shared>> -> memref<10016x128xf32, #tpu.memory_space<vmem_shared>>
          tpu.wait_indirect_dma semaphore(%run_scoped3A : memref<!tpu.dma_semaphore, #tpu.memory_space<semaphore_mem>>) src(%arg28 : memref<64x128xf32, #tpu.memory_space<vmem>>) dst(%dma_wait3A_262 : memref<10016x128xf32, #tpu.memory_space<vmem_shared>>)
          tpu.yield
        }) : () -> ()
        %while3A_256 = arith.constant 0 : i32
        scf.yield %while3A_256 : i32
      }
      %while3A_198 = arith.constant 1 : i32
      %while3A_199 = scf.for %while3A_215 = %while3A_195 to %while3A_191 step %while3A_198 iter_args(%while3A_216 = %while3A_197) -> (i32)  : i32 {
        %mul3A_217 = arith.constant 64 : i32
        %mul3A_218 = arith.muli %while3A_215, %mul3A_217 : i32
        %multiple_of3A_219 = tpu.assume_multiple %mul3A_218, 8 : i32
        %mul3A_220 = arith.constant 22048 : i32
        %mul3A_221 = arith.muli %arg1, %mul3A_220 : i32
        %add3A_222 = arith.addi %mul3A_221, %multiple_of3A_219 : i32
        %multiple_of3A_223 = tpu.assume_multiple %add3A_222, 8 : i32
        "tpu.region"() ({
          %run_scoped3A = tpu.sem_alloc : memref<!tpu.dma_semaphore, #tpu.memory_space<semaphore_mem>>
          %dma_start3A_257 = tpu.memref_slice %arg9[%multiple_of3A_223] : memref<352768xi32, #tpu.memory_space<hbm>> -> memref<64xi32, #tpu.memory_space<hbm>>
          %dma_start3A_258 = tpu.memref_slice %arg9[%multiple_of3A_223] : memref<352768xi32, #tpu.memory_space<hbm>> -> memref<64xi32, #tpu.memory_space<hbm>>
          tpu.enqueue_dma source(%dma_start3A_258 : memref<64xi32, #tpu.memory_space<hbm>>) target(%arg22 : memref<64xi32, #tpu.memory_space<vmem>>) target_semaphore(%run_scoped3A : memref<!tpu.dma_semaphore, #tpu.memory_space<semaphore_mem>>)
          %dma_wait3A_259 = tpu.memref_slice %arg9[%multiple_of3A_223] : memref<352768xi32, #tpu.memory_space<hbm>> -> memref<64xi32, #tpu.memory_space<hbm>>
          %dma_wait3A_260 = tpu.memref_slice %arg9[%multiple_of3A_223] : memref<352768xi32, #tpu.memory_space<hbm>> -> memref<64xi32, #tpu.memory_space<hbm>>
          tpu.wait_dma2 semaphore(%run_scoped3A : memref<!tpu.dma_semaphore, #tpu.memory_space<semaphore_mem>>) src(%dma_wait3A_260 : memref<64xi32, #tpu.memory_space<hbm>>) dst(%arg22 : memref<64xi32, #tpu.memory_space<vmem>>)
          tpu.yield
        }) : () -> ()
        %scan3A_224 = arith.constant 0 : i32
        %scan3A_225 = arith.constant 0 : i32
        %scan3A_226 = arith.constant 4 : i32
        %scan3A_227 = arith.addi %scan3A_225, %scan3A_226 : i32
        %scan3A_228 = arith.constant 1 : i32
        %scan3A_229 = scf.for %scan3A_257 = %scan3A_225 to %scan3A_227 step %scan3A_228 iter_args(%scan3A_258 = %scan3A_224) -> (i32)  : i32 {
          %mul3A_259 = arith.constant 16 : i32
          %mul3A_260 = arith.muli %scan3A_257, %mul3A_259 : i32
          %get3A_261 = arith.index_cast %mul3A_260 : i32 to index
          %get3A_262 = tpu.vector_load %arg22[%get3A_261] {strides = array<i32>} : memref<64xi32, #tpu.memory_space<vmem>>, vector<16xi32>,
          %jit3A_263 = arith.constant 0 : i32
          %jit3A_264 = arith.constant 319999 : i32
          %max3A_265 = vector.broadcast %jit3A_263 : i32 to vector<16xi32>
          %max3A_266 = arith.maxsi %max3A_265, %get3A_262 : vector<16xi32>
          %min3A = vector.broadcast %jit3A_264 : i32 to vector<16xi32>
          %min3A_267 = arith.minsi %min3A, %max3A_266 : vector<16xi32>
          %mul3A_268 = arith.constant 16 : i32
          %mul3A_269 = arith.muli %scan3A_257, %mul3A_268 : i32
          %swap3A_270 = arith.index_cast %mul3A_269 : i32 to index
          %swap3A_271 = tpu.vector_load %arg22[%swap3A_270] {strides = array<i32>} : memref<64xi32, #tpu.memory_space<vmem>>, vector<16xi32>,
          tpu.vector_store %arg22[%swap3A_270], %min3A_267 {strides = array<i32>} : memref<64xi32, #tpu.memory_space<vmem>>, vector<16xi32>,
          %scan3A_272 = arith.constant 0 : i32
          scf.yield %scan3A_272 : i32
        }
        %scan3A_230 = arith.constant 4 : i32
        "tpu.region"() ({
          %run_scoped3A = tpu.sem_alloc : memref<!tpu.dma_semaphore, #tpu.memory_space<semaphore_mem>>
          %dma_start3A_257 = arith.constant 0 : i32
          %dma_start3A_258 = tpu.memref_slice %arg2[%dma_start3A_257] : memref<320000xi32, #tpu.memory_space<hbm>> -> memref<320000xi32, #tpu.memory_space<hbm>>
          tpu.enqueue_indirect_dma source(%dma_start3A_258 : memref<320000xi32, #tpu.memory_space<hbm>>) target(%arg23 : memref<64xi32, #tpu.memory_space<vmem>>) offsets(%arg22 : memref<64xi32, #tpu.memory_space<vmem>>) semaphore(%run_scoped3A : memref<!tpu.dma_semaphore, #tpu.memory_space<semaphore_mem>>)
          %dma_wait3A_259 = arith.constant 0 : i32
          %dma_wait3A_260 = tpu.memref_slice %arg2[%dma_wait3A_259] : memref<320000xi32, #tpu.memory_space<hbm>> -> memref<320000xi32, #tpu.memory_space<hbm>>
          tpu.wait_indirect_dma semaphore(%run_scoped3A : memref<!tpu.dma_semaphore, #tpu.memory_space<semaphore_mem>>) src(%dma_wait3A_260 : memref<320000xi32, #tpu.memory_space<hbm>>) dst(%arg23 : memref<64xi32, #tpu.memory_space<vmem>>)
          tpu.yield
        }) : () -> ()
        "tpu.region"() ({
          %run_scoped3A = tpu.sem_alloc : memref<!tpu.dma_semaphore, #tpu.memory_space<semaphore_mem>>
          %dma_start3A_257 = arith.constant 0 : i32
          %dma_start3A_258 = tpu.memref_slice %arg3[%dma_start3A_257] : memref<320000xi32, #tpu.memory_space<hbm>> -> memref<320000xi32, #tpu.memory_space<hbm>>
          tpu.enqueue_indirect_dma source(%dma_start3A_258 : memref<320000xi32, #tpu.memory_space<hbm>>) target(%arg24 : memref<64xi32, #tpu.memory_space<vmem>>) offsets(%arg22 : memref<64xi32, #tpu.memory_space<vmem>>) semaphore(%run_scoped3A : memref<!tpu.dma_semaphore, #tpu.memory_space<semaphore_mem>>)
          %dma_wait3A_259 = arith.constant 0 : i32
          %dma_wait3A_260 = tpu.memref_slice %arg3[%dma_wait3A_259] : memref<320000xi32, #tpu.memory_space<hbm>> -> memref<320000xi32, #tpu.memory_space<hbm>>
          tpu.wait_indirect_dma semaphore(%run_scoped3A : memref<!tpu.dma_semaphore, #tpu.memory_space<semaphore_mem>>) src(%dma_wait3A_260 : memref<320000xi32, #tpu.memory_space<hbm>>) dst(%arg24 : memref<64xi32, #tpu.memory_space<vmem>>)
          tpu.yield
        }) : () -> ()
        %mul3A_231 = arith.constant 22048 : i32
        %mul3A_232 = arith.muli %arg1, %mul3A_231 : i32
        %add3A_233 = arith.addi %mul3A_232, %multiple_of3A_219 : i32
        %multiple_of3A_234 = tpu.assume_multiple %add3A_233, 8 : i32
        "tpu.region"() ({
          %run_scoped3A = tpu.sem_alloc : memref<!tpu.dma_semaphore, #tpu.memory_space<semaphore_mem>>
          %dma_start3A_257 = tpu.memref_slice %arg15[%multiple_of3A_234] : memref<352768xf32, #tpu.memory_space<hbm>> -> memref<64xf32, #tpu.memory_space<hbm>>
          %dma_start3A_258 = tpu.memref_slice %arg15[%multiple_of3A_234] : memref<352768xf32, #tpu.memory_space<hbm>> -> memref<64xf32, #tpu.memory_space<hbm>>
          tpu.enqueue_dma source(%dma_start3A_258 : memref<64xf32, #tpu.memory_space<hbm>>) target(%arg30 : memref<64xf32, #tpu.memory_space<vmem>>) target_semaphore(%run_scoped3A : memref<!tpu.dma_semaphore, #tpu.memory_space<semaphore_mem>>)
          %dma_wait3A_259 = tpu.memref_slice %arg15[%multiple_of3A_234] : memref<352768xf32, #tpu.memory_space<hbm>> -> memref<64xf32, #tpu.memory_space<hbm>>
          %dma_wait3A_260 = tpu.memref_slice %arg15[%multiple_of3A_234] : memref<352768xf32, #tpu.memory_space<hbm>> -> memref<64xf32, #tpu.memory_space<hbm>>
          tpu.wait_dma2 semaphore(%run_scoped3A : memref<!tpu.dma_semaphore, #tpu.memory_space<semaphore_mem>>) src(%dma_wait3A_260 : memref<64xf32, #tpu.memory_space<hbm>>) dst(%arg30 : memref<64xf32, #tpu.memory_space<vmem>>)
          tpu.yield
        }) : () -> ()
        "tpu.region"() ({
          %run_scoped3A = tpu.sem_alloc : memref<!tpu.dma_semaphore, #tpu.memory_space<semaphore_mem>>
          %dma_start3A_257 = arith.constant 0 : i32
          %dma_start3A_258 = arith.constant 0 : i32
          %dma_start3A_259 = tpu.memref_slice %arg5[%dma_start3A_257, %dma_start3A_258] : memref<10000x128xf32, #tpu.memory_space<hbm>> -> memref<10000x128xf32, #tpu.memory_space<hbm>>
          tpu.enqueue_indirect_dma source(%dma_start3A_259 : memref<10000x128xf32, #tpu.memory_space<hbm>>) target(%arg27 : memref<64x128xf32, #tpu.memory_space<vmem>>) offsets(%arg23 : memref<64xi32, #tpu.memory_space<vmem>>) semaphore(%run_scoped3A : memref<!tpu.dma_semaphore, #tpu.memory_space<semaphore_mem>>)
          %dma_wait3A_260 = arith.constant 0 : i32
          %dma_wait3A_261 = arith.constant 0 : i32
          %dma_wait3A_262 = tpu.memref_slice %arg5[%dma_wait3A_260, %dma_wait3A_261] : memref<10000x128xf32, #tpu.memory_space<hbm>> -> memref<10000x128xf32, #tpu.memory_space<hbm>>
          tpu.wait_indirect_dma semaphore(%run_scoped3A : memref<!tpu.dma_semaphore, #tpu.memory_space<semaphore_mem>>) src(%dma_wait3A_262 : memref<10000x128xf32, #tpu.memory_space<hbm>>) dst(%arg27 : memref<64x128xf32, #tpu.memory_space<vmem>>)
          tpu.yield
        }) : () -> ()
        %scan3A_235 = arith.constant 0 : i32
        %scan3A_236 = arith.constant 0 : i32
        %scan3A_237 = arith.constant 4 : i32
        %scan3A_238 = arith.addi %scan3A_236, %scan3A_237 : i32
        %scan3A_239 = arith.constant 1 : i32
        %scan3A_240 = scf.for %scan3A_257 = %scan3A_236 to %scan3A_238 step %scan3A_239 iter_args(%scan3A_258 = %scan3A_235) -> (i32)  : i32 {
          %mul3A_259 = arith.constant 16 : i32
          %mul3A_260 = arith.muli %scan3A_257, %mul3A_259 : i32
          %get3A_261 = arith.index_cast %mul3A_260 : i32 to index
          %get3A_262 = tpu.vector_load %arg24[%get3A_261] {strides = array<i32>} : memref<64xi32, #tpu.memory_space<vmem>>, vector<16xi32>,
          %mul3A_263 = arith.constant 16 : i32
          %mul3A_264 = arith.muli %scan3A_257, %mul3A_263 : i32
          %add3A_265 = arith.addi %multiple_of3A_219, %mul3A_264 : i32
          %add3A_266 = vector.broadcast %add3A_265 : i32 to vector<16xi32>
          %add3A_267 = arith.addi %add3A_266, %iota3A : vector<16xi32>
          %lt3A = vector.broadcast %scan3A_75#0 : i32 to vector<16xi32>
          %lt3A_268 = arith.cmpi slt, %add3A_267, %lt3A : vector<16xi32>
          %jit3A_269 = arith.constant 10000 : i32
          %broadcast_in_dim3A_270 = vector.broadcast %jit3A_269 : i32 to vector<16xi32>
          %select_n3A_271 = arith.select %lt3A_268, %get3A_262, %broadcast_in_dim3A_270 : vector<16xi1>, vector<16xi32>
          %mul3A_272 = arith.constant 16 : i32
          %mul3A_273 = arith.muli %scan3A_257, %mul3A_272 : i32
          %swap3A_274 = arith.index_cast %mul3A_273 : i32 to index
          %swap3A_275 = tpu.vector_load %arg25[%swap3A_274] {strides = array<i32>} : memref<64xi32, #tpu.memory_space<vmem>>, vector<16xi32>,
          tpu.vector_store %arg25[%swap3A_274], %select_n3A_271 {strides = array<i32>} : memref<64xi32, #tpu.memory_space<vmem>>, vector<16xi32>,
          %scan3A_276 = arith.constant 0 : i32
          scf.yield %scan3A_276 : i32
        }
        %scan3A_241 = arith.constant 4 : i32
        "tpu.region"() ({
          %run_scoped3A = tpu.sem_alloc : memref<!tpu.dma_semaphore, #tpu.memory_space<semaphore_mem>>
          %dma_start3A_257 = arith.constant 0 : i32
          %dma_start3A_258 = tpu.memref_slice %arg13[%dma_start3A_257] : memref<12288xf32, #tpu.memory_space<vmem_shared>> -> memref<12288xf32, #tpu.memory_space<vmem_shared>>
          tpu.enqueue_indirect_dma source(%dma_start3A_258 : memref<12288xf32, #tpu.memory_space<vmem_shared>>) target(%arg26 : memref<64xf32, #tpu.memory_space<vmem>>) offsets(%arg25 : memref<64xi32, #tpu.memory_space<vmem>>) semaphore(%run_scoped3A : memref<!tpu.dma_semaphore, #tpu.memory_space<semaphore_mem>>)
          %dma_wait3A_259 = arith.constant 0 : i32
          %dma_wait3A_260 = tpu.memref_slice %arg13[%dma_wait3A_259] : memref<12288xf32, #tpu.memory_space<vmem_shared>> -> memref<12288xf32, #tpu.memory_space<vmem_shared>>
          tpu.wait_indirect_dma semaphore(%run_scoped3A : memref<!tpu.dma_semaphore, #tpu.memory_space<semaphore_mem>>) src(%dma_wait3A_260 : memref<12288xf32, #tpu.memory_space<vmem_shared>>) dst(%arg26 : memref<64xf32, #tpu.memory_space<vmem>>)
          tpu.yield
        }) : () -> ()
        %scan3A_242 = arith.constant 0 : i32
        %scan3A_243 = arith.constant 0 : i32
        %scan3A_244 = arith.constant 4 : i32
        %scan3A_245 = arith.addi %scan3A_243, %scan3A_244 : i32
        %scan3A_246 = arith.constant 1 : i32
        %scan3A_247 = scf.for %scan3A_257 = %scan3A_243 to %scan3A_245 step %scan3A_246 iter_args(%scan3A_258 = %scan3A_242) -> (i32)  : i32 {
          %mul3A_259 = arith.constant 16 : i32
          %mul3A_260 = arith.muli %scan3A_257, %mul3A_259 : i32
          %get3A_261 = arith.index_cast %mul3A_260 : i32 to index
          %get3A_262 = tpu.vector_load %arg30[%get3A_261] {strides = array<i32>} : memref<64xf32, #tpu.memory_space<vmem>>, vector<16xf32>,
          %mul3A_263 = arith.constant 16 : i32
          %mul3A_264 = arith.muli %scan3A_257, %mul3A_263 : i32
          %get3A_265 = arith.index_cast %mul3A_264 : i32 to index
          %get3A_266 = tpu.vector_load %arg26[%get3A_265] {strides = array<i32>} : memref<64xf32, #tpu.memory_space<vmem>>, vector<16xf32>,
          %mul3A_267 = arith.constant 16 : i32
          %mul3A_268 = arith.muli %scan3A_257, %mul3A_267 : i32
          %add3A_269 = arith.addi %multiple_of3A_219, %mul3A_268 : i32
          %add3A_270 = vector.broadcast %add3A_269 : i32 to vector<16xi32>
          %add3A_271 = arith.addi %add3A_270, %iota3A : vector<16xi32>
          %lt3A = vector.broadcast %scan3A_75#0 : i32 to vector<16xi32>
          %lt3A_272 = arith.cmpi slt, %add3A_271, %lt3A : vector<16xi32>
          %add3A_273 = arith.constant 9.99999971E-10 : f32
          %add3A_274 = vector.broadcast %add3A_273 : f32 to vector<16xf32>
          %add3A_275 = arith.addf %get3A_266, %add3A_274 : vector<16xf32>
          %div3A_276 = arith.divf %get3A_262, %add3A_275 : vector<16xf32>
          %jit3A_277 = arith.constant 0.000000e+00 : f32
          %broadcast_in_dim3A_278 = vector.broadcast %jit3A_277 : f32 to vector<16xf32>
          %select_n3A_279 = arith.select %lt3A_272, %div3A_276, %broadcast_in_dim3A_278 : vector<16xi1>, vector<16xf32>
          %mul3A_280 = arith.constant 16 : i32
          %mul3A_281 = arith.muli %scan3A_257, %mul3A_280 : i32
          %swap3A_282 = arith.index_cast %mul3A_281 : i32 to index
          %swap3A_283 = tpu.vector_load %arg31[%swap3A_282] {strides = array<i32>} : memref<64xf32, #tpu.memory_space<vmem>>, vector<16xf32>,
          tpu.vector_store %arg31[%swap3A_282], %select_n3A_279 {strides = array<i32>} : memref<64xf32, #tpu.memory_space<vmem>>, vector<16xf32>,
          %scan3A_284 = arith.constant 0 : i32
          scf.yield %scan3A_284 : i32
        }
        %scan3A_248 = arith.constant 4 : i32
        %scan3A_249 = arith.constant 0 : i32
        %scan3A_250 = arith.constant 0 : i32
        %scan3A_251 = arith.constant 64 : i32
        %scan3A_252 = arith.addi %scan3A_250, %scan3A_251 : i32
        %scan3A_253 = arith.constant 1 : i32
        %scan3A_254 = scf.for %scan3A_257 = %scan3A_250 to %scan3A_252 step %scan3A_253 iter_args(%scan3A_258 = %scan3A_249) -> (i32)  : i32 {
          %broadcast_in_dim3A_259 = vector.broadcast %scan3A_257 : i32 to vector<16xi32>
          %gather3A = tpu.vector_load_idx %arg31[%broadcast_in_dim3A_259] : memref<64xf32, #tpu.memory_space<vmem>>[vector<16xi32>], vector<16xf32>,
          %get3A_260 = arith.index_cast %scan3A_257 : i32 to index
          %get3A_261 = arith.constant 0 : index
          %get3A_262 = tpu.vector_load %arg27[%get3A_260, %get3A_261] {strides = array<i32>} : memref<64x128xf32, #tpu.memory_space<vmem>>, vector<16xf32>,
          %mul3A_263 = arith.mulf %get3A_262, %gather3A : vector<16xf32>
          %swap3A_264 = arith.index_cast %scan3A_257 : i32 to index
          %swap3A_265 = arith.constant 0 : index
          %swap3A_266 = tpu.vector_load %arg28[%swap3A_264, %swap3A_265] {strides = array<i32>} : memref<64x128xf32, #tpu.memory_space<vmem>>, vector<16xf32>,
          tpu.vector_store %arg28[%swap3A_264, %swap3A_265], %mul3A_263 {strides = array<i32>} : memref<64x128xf32, #tpu.memory_space<vmem>>, vector<16xf32>,
          %get3A_267 = arith.index_cast %scan3A_257 : i32 to index
          %get3A_268 = arith.constant 16 : index
          %get3A_269 = tpu.vector_load %arg27[%get3A_267, %get3A_268] {strides = array<i32>} : memref<64x128xf32, #tpu.memory_space<vmem>>, vector<16xf32>,
          %mul3A_270 = arith.mulf %get3A_269, %gather3A : vector<16xf32>
          %swap3A_271 = arith.index_cast %scan3A_257 : i32 to index
          %swap3A_272 = arith.constant 16 : index
          %swap3A_273 = tpu.vector_load %arg28[%swap3A_271, %swap3A_272] {strides = array<i32>} : memref<64x128xf32, #tpu.memory_space<vmem>>, vector<16xf32>,
          tpu.vector_store %arg28[%swap3A_271, %swap3A_272], %mul3A_270 {strides = array<i32>} : memref<64x128xf32, #tpu.memory_space<vmem>>, vector<16xf32>,
          %get3A_274 = arith.index_cast %scan3A_257 : i32 to index
          %get3A_275 = arith.constant 32 : index
          %get3A_276 = tpu.vector_load %arg27[%get3A_274, %get3A_275] {strides = array<i32>} : memref<64x128xf32, #tpu.memory_space<vmem>>, vector<16xf32>,
          %mul3A_277 = arith.mulf %get3A_276, %gather3A : vector<16xf32>
          %swap3A_278 = arith.index_cast %scan3A_257 : i32 to index
          %swap3A_279 = arith.constant 32 : index
          %swap3A_280 = tpu.vector_load %arg28[%swap3A_278, %swap3A_279] {strides = array<i32>} : memref<64x128xf32, #tpu.memory_space<vmem>>, vector<16xf32>,
          tpu.vector_store %arg28[%swap3A_278, %swap3A_279], %mul3A_277 {strides = array<i32>} : memref<64x128xf32, #tpu.memory_space<vmem>>, vector<16xf32>,
          %get3A_281 = arith.index_cast %scan3A_257 : i32 to index
          %get3A_282 = arith.constant 48 : index
          %get3A_283 = tpu.vector_load %arg27[%get3A_281, %get3A_282] {strides = array<i32>} : memref<64x128xf32, #tpu.memory_space<vmem>>, vector<16xf32>,
          %mul3A_284 = arith.mulf %get3A_283, %gather3A : vector<16xf32>
          %swap3A_285 = arith.index_cast %scan3A_257 : i32 to index
          %swap3A_286 = arith.constant 48 : index
          %swap3A_287 = tpu.vector_load %arg28[%swap3A_285, %swap3A_286] {strides = array<i32>} : memref<64x128xf32, #tpu.memory_space<vmem>>, vector<16xf32>,
          tpu.vector_store %arg28[%swap3A_285, %swap3A_286], %mul3A_284 {strides = array<i32>} : memref<64x128xf32, #tpu.memory_space<vmem>>, vector<16xf32>,
          %get3A_288 = arith.index_cast %scan3A_257 : i32 to index
          %get3A_289 = arith.constant 64 : index
          %get3A_290 = tpu.vector_load %arg27[%get3A_288, %get3A_289] {strides = array<i32>} : memref<64x128xf32, #tpu.memory_space<vmem>>, vector<16xf32>,
          %mul3A_291 = arith.mulf %get3A_290, %gather3A : vector<16xf32>
          %swap3A_292 = arith.index_cast %scan3A_257 : i32 to index
          %swap3A_293 = arith.constant 64 : index
          %swap3A_294 = tpu.vector_load %arg28[%swap3A_292, %swap3A_293] {strides = array<i32>} : memref<64x128xf32, #tpu.memory_space<vmem>>, vector<16xf32>,
          tpu.vector_store %arg28[%swap3A_292, %swap3A_293], %mul3A_291 {strides = array<i32>} : memref<64x128xf32, #tpu.memory_space<vmem>>, vector<16xf32>,
          %get3A_295 = arith.index_cast %scan3A_257 : i32 to index
          %get3A_296 = arith.constant 80 : index
          %get3A_297 = tpu.vector_load %arg27[%get3A_295, %get3A_296] {strides = array<i32>} : memref<64x128xf32, #tpu.memory_space<vmem>>, vector<16xf32>,
          %mul3A_298 = arith.mulf %get3A_297, %gather3A : vector<16xf32>
          %swap3A_299 = arith.index_cast %scan3A_257 : i32 to index
          %swap3A_300 = arith.constant 80 : index
          %swap3A_301 = tpu.vector_load %arg28[%swap3A_299, %swap3A_300] {strides = array<i32>} : memref<64x128xf32, #tpu.memory_space<vmem>>, vector<16xf32>,
          tpu.vector_store %arg28[%swap3A_299, %swap3A_300], %mul3A_298 {strides = array<i32>} : memref<64x128xf32, #tpu.memory_space<vmem>>, vector<16xf32>,
          %get3A_302 = arith.index_cast %scan3A_257 : i32 to index
          %get3A_303 = arith.constant 96 : index
          %get3A_304 = tpu.vector_load %arg27[%get3A_302, %get3A_303] {strides = array<i32>} : memref<64x128xf32, #tpu.memory_space<vmem>>, vector<16xf32>,
          %mul3A_305 = arith.mulf %get3A_304, %gather3A : vector<16xf32>
          %swap3A_306 = arith.index_cast %scan3A_257 : i32 to index
          %swap3A_307 = arith.constant 96 : index
          %swap3A_308 = tpu.vector_load %arg28[%swap3A_306, %swap3A_307] {strides = array<i32>} : memref<64x128xf32, #tpu.memory_space<vmem>>, vector<16xf32>,
          tpu.vector_store %arg28[%swap3A_306, %swap3A_307], %mul3A_305 {strides = array<i32>} : memref<64x128xf32, #tpu.memory_space<vmem>>, vector<16xf32>,
          %get3A_309 = arith.index_cast %scan3A_257 : i32 to index
          %get3A_310 = arith.constant 112 : index
          %get3A_311 = tpu.vector_load %arg27[%get3A_309, %get3A_310] {strides = array<i32>} : memref<64x128xf32, #tpu.memory_space<vmem>>, vector<16xf32>,
          %mul3A_312 = arith.mulf %get3A_311, %gather3A : vector<16xf32>
          %swap3A_313 = arith.index_cast %scan3A_257 : i32 to index
          %swap3A_314 = arith.constant 112 : index
          %swap3A_315 = tpu.vector_load %arg28[%swap3A_313, %swap3A_314] {strides = array<i32>} : memref<64x128xf32, #tpu.memory_space<vmem>>, vector<16xf32>,
          tpu.vector_store %arg28[%swap3A_313, %swap3A_314], %mul3A_312 {strides = array<i32>} : memref<64x128xf32, #tpu.memory_space<vmem>>, vector<16xf32>,
          %scan3A_316 = arith.constant 0 : i32
          scf.yield %scan3A_316 : i32
        }
        %scan3A_255 = arith.constant 64 : i32
        "tpu.region"() ({
          %run_scoped3A = tpu.sem_alloc : memref<!tpu.dma_semaphore, #tpu.memory_space<semaphore_mem>>
          %dma_start3A_257 = arith.constant 0 : i32
          %dma_start3A_258 = arith.constant 0 : i32
          %dma_start3A_259 = tpu.memref_slice %arg11[%dma_start3A_257, %dma_start3A_258] : memref<10016x128xf32, #tpu.memory_space<vmem_shared>> -> memref<10016x128xf32, #tpu.memory_space<vmem_shared>>
          tpu.enqueue_indirect_dma source(%arg28 : memref<64x128xf32, #tpu.memory_space<vmem>>) target(%dma_start3A_259 : memref<10016x128xf32, #tpu.memory_space<vmem_shared>>) offsets(%arg25 : memref<64xi32, #tpu.memory_space<vmem>>) semaphore(%run_scoped3A : memref<!tpu.dma_semaphore, #tpu.memory_space<semaphore_mem>>) {add = true}
          %dma_wait3A_260 = arith.constant 0 : i32
          %dma_wait3A_261 = arith.constant 0 : i32
          %dma_wait3A_262 = tpu.memref_slice %arg11[%dma_wait3A_260, %dma_wait3A_261] : memref<10016x128xf32, #tpu.memory_space<vmem_shared>> -> memref<10016x128xf32, #tpu.memory_space<vmem_shared>>
          tpu.wait_indirect_dma semaphore(%run_scoped3A : memref<!tpu.dma_semaphore, #tpu.memory_space<semaphore_mem>>) src(%arg28 : memref<64x128xf32, #tpu.memory_space<vmem>>) dst(%dma_wait3A_262 : memref<10016x128xf32, #tpu.memory_space<vmem_shared>>)
          tpu.yield
        }) : () -> ()
        %while3A_256 = arith.constant 0 : i32
        scf.yield %while3A_256 : i32
      }
      %barrier3A_200 = arith.constant 0 : index
      tpu.barrier barrier_id(%barrier3A_200)
      %mul3A_201 = arith.constant 624 : i32
      %mul3A_202 = arith.muli %arg1, %mul3A_201 : i32
      %multiple_of3A_203 = tpu.assume_multiple %mul3A_202, 8 : i32
      %mul3A_204 = arith.constant 624 : i32
      %mul3A_205 = arith.muli %arg1, %mul3A_204 : i32
      %multiple_of3A_206 = tpu.assume_multiple %mul3A_205, 8 : i32
      "tpu.region"() ({
        %run_scoped3A = tpu.sem_alloc : memref<!tpu.dma_semaphore, #tpu.memory_space<semaphore_mem>>
        %dma_start3A_215 = arith.constant 0 : i32
        %dma_start3A_216 = tpu.memref_slice %arg8[%multiple_of3A_206, %dma_start3A_215] : memref<10000x128xf32, #tpu.memory_space<hbm>> -> memref<624x128xf32, #tpu.memory_space<hbm>>
        %dma_start3A_217 = arith.constant 0 : i32
        %dma_start3A_218 = tpu.memref_slice %arg11[%multiple_of3A_203, %dma_start3A_217] : memref<10016x128xf32, #tpu.memory_space<vmem_shared>> -> memref<624x128xf32, #tpu.memory_space<vmem_shared>>
        tpu.enqueue_dma source(%dma_start3A_218 : memref<624x128xf32, #tpu.memory_space<vmem_shared>>) target(%dma_start3A_216 : memref<624x128xf32, #tpu.memory_space<hbm>>) target_semaphore(%run_scoped3A : memref<!tpu.dma_semaphore, #tpu.memory_space<semaphore_mem>>)
        %dma_wait3A_219 = arith.constant 0 : i32
        %dma_wait3A_220 = tpu.memref_slice %arg8[%multiple_of3A_206, %dma_wait3A_219] : memref<10000x128xf32, #tpu.memory_space<hbm>> -> memref<624x128xf32, #tpu.memory_space<hbm>>
        %dma_wait3A_221 = arith.constant 0 : i32
        %dma_wait3A_222 = tpu.memref_slice %arg11[%multiple_of3A_203, %dma_wait3A_221] : memref<10016x128xf32, #tpu.memory_space<vmem_shared>> -> memref<624x128xf32, #tpu.memory_space<vmem_shared>>
        tpu.wait_dma2 semaphore(%run_scoped3A : memref<!tpu.dma_semaphore, #tpu.memory_space<semaphore_mem>>) src(%dma_wait3A_222 : memref<624x128xf32, #tpu.memory_space<vmem_shared>>) dst(%dma_wait3A_220 : memref<624x128xf32, #tpu.memory_space<hbm>>)
        tpu.yield
      }) : () -> ()
      %eq3A_207 = arith.constant 0 : i32
      %eq3A_208 = arith.cmpi eq, %arg1, %eq3A_207 : i32
      %convert_element_type3A_209 = arith.extui %eq3A_208 : i1 to i32
      %cond3A_210 = arith.constant 0 : i32
      %cond3A_211 = arith.cmpi ne, %convert_element_type3A_209, %cond3A_210 : i32
      scf.if %cond3A_211 {
        "tpu.region"() ({
          %run_scoped3A = tpu.sem_alloc : memref<!tpu.dma_semaphore, #tpu.memory_space<semaphore_mem>>
          %dma_start3A_215 = arith.constant 9984 : i32
          %dma_start3A_216 = arith.constant 0 : i32
          %dma_start3A_217 = tpu.memref_slice %arg8[%dma_start3A_215, %dma_start3A_216] : memref<10000x128xf32, #tpu.memory_space<hbm>> -> memref<16x128xf32, #tpu.memory_space<hbm>>
          %dma_start3A_218 = arith.constant 9984 : i32
          %dma_start3A_219 = arith.constant 0 : i32
          %dma_start3A_220 = tpu.memref_slice %arg11[%dma_start3A_218, %dma_start3A_219] : memref<10016x128xf32, #tpu.memory_space<vmem_shared>> -> memref<16x128xf32, #tpu.memory_space<vmem_shared>>
          tpu.enqueue_dma source(%dma_start3A_220 : memref<16x128xf32, #tpu.memory_space<vmem_shared>>) target(%dma_start3A_217 : memref<16x128xf32, #tpu.memory_space<hbm>>) target_semaphore(%run_scoped3A : memref<!tpu.dma_semaphore, #tpu.memory_space<semaphore_mem>>)
          %dma_wait3A_221 = arith.constant 9984 : i32
          %dma_wait3A_222 = arith.constant 0 : i32
          %dma_wait3A_223 = tpu.memref_slice %arg8[%dma_wait3A_221, %dma_wait3A_222] : memref<10000x128xf32, #tpu.memory_space<hbm>> -> memref<16x128xf32, #tpu.memory_space<hbm>>
          %dma_wait3A_224 = arith.constant 9984 : i32
          %dma_wait3A_225 = arith.constant 0 : i32
          %dma_wait3A_226 = tpu.memref_slice %arg11[%dma_wait3A_224, %dma_wait3A_225] : memref<10016x128xf32, #tpu.memory_space<vmem_shared>> -> memref<16x128xf32, #tpu.memory_space<vmem_shared>>
          tpu.wait_dma2 semaphore(%run_scoped3A : memref<!tpu.dma_semaphore, #tpu.memory_space<semaphore_mem>>) src(%dma_wait3A_226 : memref<16x128xf32, #tpu.memory_space<vmem_shared>>) dst(%dma_wait3A_223 : memref<16x128xf32, #tpu.memory_space<hbm>>)
          tpu.yield
        }) : () -> ()
      } else {
      }
      %mul3A_212 = arith.constant 16 : i32
      %mul3A_213 = arith.muli %arg1, %mul3A_212 : i32
      %multiple_of3A_214 = tpu.assume_multiple %mul3A_213, 8 : i32
      "tpu.region"() ({
        %run_scoped3A = tpu.sem_alloc : memref<!tpu.dma_semaphore, #tpu.memory_space<semaphore_mem>>
        %dma_start3A_215 = tpu.memref_slice %arg10[%multiple_of3A_214] : memref<256xi32, #tpu.memory_space<hbm>> -> memref<16xi32, #tpu.memory_space<hbm>>
        %dma_start3A_216 = tpu.memref_slice %arg10[%multiple_of3A_214] : memref<256xi32, #tpu.memory_space<hbm>> -> memref<16xi32, #tpu.memory_space<hbm>>
        tpu.enqueue_dma source(%arg34 : memref<16xi32, #tpu.memory_space<vmem>>) target(%dma_start3A_216 : memref<16xi32, #tpu.memory_space<hbm>>) target_semaphore(%run_scoped3A : memref<!tpu.dma_semaphore, #tpu.memory_space<semaphore_mem>>)
        %dma_wait3A_217 = tpu.memref_slice %arg10[%multiple_of3A_214] : memref<256xi32, #tpu.memory_space<hbm>> -> memref<16xi32, #tpu.memory_space<hbm>>
        %dma_wait3A_218 = tpu.memref_slice %arg10[%multiple_of3A_214] : memref<256xi32, #tpu.memory_space<hbm>> -> memref<16xi32, #tpu.memory_space<hbm>>
        tpu.wait_dma2 semaphore(%run_scoped3A : memref<!tpu.dma_semaphore, #tpu.memory_space<semaphore_mem>>) src(%arg34 : memref<16xi32, #tpu.memory_space<vmem>>) dst(%dma_wait3A_218 : memref<16xi32, #tpu.memory_space<hbm>>)
        tpu.yield
      }) : () -> ()
    } else {
    }
    return
  }
}

module attributes {stable_mosaic.version = 14 : i64} {
  func.func @body(%arg0: i32, %arg1: memref<1000x128xf32, #tpu.memory_space<vmem>>, %arg2: memref<128x128xf32, #tpu.memory_space<vmem>>, %arg3: memref<128x128xf32, #tpu.memory_space<vmem>>, %arg4: memref<1x128xf32, #tpu.memory_space<vmem>>, %arg5: memref<128x128xf32, #tpu.memory_space<vmem>>, %arg6: memref<1x128xf32, #tpu.memory_space<vmem>>, %arg7: memref<1000x128xf32, #tpu.memory_space<vmem>>, %arg8: memref<1000x128xf32, #tpu.memory_space<vmem>>) attributes {dimension_semantics = [#tpu.dimension_semantics<arbitrary>], iteration_bounds = array<i64: 10>, scalar_prefetch = 0 : i64, scratch_operands = 0 : i64, tpu.core_type = #tpu.core_type<tc>, window_params = [{transform_indices = @transform_0, window_bounds = array<i64: 1000, 128>}, {pipeline_mode = #tpu.pipeline_mode<synchronous>, transform_indices = @transform_1, window_bounds = array<i64: 128, 128>}, {pipeline_mode = #tpu.pipeline_mode<synchronous>, transform_indices = @transform_2, window_bounds = array<i64: 128, 128>}, {pipeline_mode = #tpu.pipeline_mode<synchronous>, transform_indices = @transform_3, window_bounds = array<i64: 1, 128>}, {pipeline_mode = #tpu.pipeline_mode<synchronous>, transform_indices = @transform_4, window_bounds = array<i64: 128, 128>}, {pipeline_mode = #tpu.pipeline_mode<synchronous>, transform_indices = @transform_5, window_bounds = array<i64: 1, 128>}, {transform_indices = @transform_6, window_bounds = array<i64: 1000, 128>}, {transform_indices = @transform_7, window_bounds = array<i64: 1000, 128>}]} {
    %get3A = arith.constant 0 : index
    %get3A_0 = arith.constant 0 : index
    %get3A_1 = vector.load %arg1[%get3A, %get3A_0] : memref<1000x128xf32, #tpu.memory_space<vmem>>, vector<1000x128xf32>
    %get3A_2 = arith.constant 0 : index
    %get3A_3 = arith.constant 0 : index
    %get3A_4 = vector.load %arg2[%get3A_2, %get3A_3] : memref<128x128xf32, #tpu.memory_space<vmem>>, vector<128x128xf32>
    %dot_general3A = arith.constant dense<0.000000e+00> : vector<1000x128xf32>
    %dot_general3A_5 = tpu.matmul %get3A_1, %get3A_4, %dot_general3A {dimension_numbers = #tpu.dot_dimension_numbers<[1], [0], [0], [1], [0, 0, 1, 1], [], []>, transpose_lhs_hint = false} : vector<1000x128xf32>, vector<128x128xf32>, vector<1000x128xf32> -> vector<1000x128xf32>
    %get3A_6 = arith.constant 0 : index
    %get3A_7 = arith.constant 0 : index
    %get3A_8 = vector.load %arg3[%get3A_6, %get3A_7] : memref<128x128xf32, #tpu.memory_space<vmem>>, vector<128x128xf32>
    %dot_general3A_9 = arith.constant dense<0.000000e+00> : vector<1000x128xf32>
    %dot_general3A_10 = tpu.matmul %dot_general3A_5, %get3A_8, %dot_general3A_9 {dimension_numbers = #tpu.dot_dimension_numbers<[1], [0], [0], [1], [0, 0, 1, 1], [], []>, transpose_lhs_hint = false} : vector<1000x128xf32>, vector<128x128xf32>, vector<1000x128xf32> -> vector<1000x128xf32>
    %get3A_11 = arith.constant 0 : index
    %get3A_12 = arith.constant 0 : index
    %get3A_13 = vector.load %arg4[%get3A_11, %get3A_12] : memref<1x128xf32, #tpu.memory_space<vmem>>, vector<1x128xf32>
    %add3A = vector.broadcast %get3A_13 : vector<1x128xf32> to vector<1000x128xf32>
    %add3A_14 = arith.addf %dot_general3A_10, %add3A : vector<1000x128xf32>
    %swap3A = arith.constant 0 : index
    %swap3A_15 = arith.constant 0 : index
    %swap3A_16 = vector.load %arg7[%swap3A, %swap3A_15] : memref<1000x128xf32, #tpu.memory_space<vmem>>, vector<1000x128xf32>
    tpu.vector_store %arg7[%swap3A, %swap3A_15], %add3A_14 {strides = array<i32>} : memref<1000x128xf32, #tpu.memory_space<vmem>>, vector<1000x128xf32>,
    %get3A_17 = arith.constant 0 : index
    %get3A_18 = arith.constant 0 : index
    %get3A_19 = vector.load %arg5[%get3A_17, %get3A_18] : memref<128x128xf32, #tpu.memory_space<vmem>>, vector<128x128xf32>
    %dot_general3A_20 = arith.constant dense<0.000000e+00> : vector<1000x128xf32>
    %dot_general3A_21 = tpu.matmul %dot_general3A_5, %get3A_19, %dot_general3A_20 {dimension_numbers = #tpu.dot_dimension_numbers<[1], [0], [0], [1], [0, 0, 1, 1], [], []>, transpose_lhs_hint = false} : vector<1000x128xf32>, vector<128x128xf32>, vector<1000x128xf32> -> vector<1000x128xf32>
    %get3A_22 = arith.constant 0 : index
    %get3A_23 = arith.constant 0 : index
    %get3A_24 = vector.load %arg6[%get3A_22, %get3A_23] : memref<1x128xf32, #tpu.memory_space<vmem>>, vector<1x128xf32>
    %add3A_25 = vector.broadcast %get3A_24 : vector<1x128xf32> to vector<1000x128xf32>
    %add3A_26 = arith.addf %dot_general3A_21, %add3A_25 : vector<1000x128xf32>
    %swap3A_27 = arith.constant 0 : index
    %swap3A_28 = arith.constant 0 : index
    %swap3A_29 = vector.load %arg8[%swap3A_27, %swap3A_28] : memref<1000x128xf32, #tpu.memory_space<vmem>>, vector<1000x128xf32>
    tpu.vector_store %arg8[%swap3A_27, %swap3A_28], %add3A_26 {strides = array<i32>} : memref<1000x128xf32, #tpu.memory_space<vmem>>, vector<1000x128xf32>,
    return
  }
  func.func @transform_0(%arg0: i32) -> (i32, i32) {
    %c0_i32 = arith.constant 0 : i32
    %c0_i32_0 = arith.constant 0 : i32
    return %arg0, %c0_i32 : i32, i32
  }
  func.func @transform_1(%arg0: i32) -> (i32, i32) {
    %c0_i32 = arith.constant 0 : i32
    %c0_i32_0 = arith.constant 0 : i32
    %c0_i32_1 = arith.constant 0 : i32
    return %c0_i32, %c0_i32_0 : i32, i32
  }
  func.func @transform_2(%arg0: i32) -> (i32, i32) {
    %c0_i32 = arith.constant 0 : i32
    %c0_i32_0 = arith.constant 0 : i32
    %c0_i32_1 = arith.constant 0 : i32
    return %c0_i32, %c0_i32_0 : i32, i32
  }
  func.func @transform_3(%arg0: i32) -> (i32, i32) {
    %c0_i32 = arith.constant 0 : i32
    %c0_i32_0 = arith.constant 0 : i32
    %c0_i32_1 = arith.constant 0 : i32
    return %c0_i32, %c0_i32_0 : i32, i32
  }
  func.func @transform_4(%arg0: i32) -> (i32, i32) {
    %c0_i32 = arith.constant 0 : i32
    %c0_i32_0 = arith.constant 0 : i32
    %c0_i32_1 = arith.constant 0 : i32
    return %c0_i32, %c0_i32_0 : i32, i32
  }
  func.func @transform_5(%arg0: i32) -> (i32, i32) {
    %c0_i32 = arith.constant 0 : i32
    %c0_i32_0 = arith.constant 0 : i32
    %c0_i32_1 = arith.constant 0 : i32
    return %c0_i32, %c0_i32_0 : i32, i32
  }
  func.func @transform_6(%arg0: i32) -> (i32, i32) {
    %c0_i32 = arith.constant 0 : i32
    %c0_i32_0 = arith.constant 0 : i32
    return %arg0, %c0_i32 : i32, i32
  }
  func.func @transform_7(%arg0: i32) -> (i32, i32) {
    %c0_i32 = arith.constant 0 : i32
    %c0_i32_0 = arith.constant 0 : i32
    return %arg0, %c0_i32 : i32, i32
  }
}

module attributes {stable_mosaic.version = 14 : i64} {
  func.func @body(%arg0: i32, %arg1: memref<1000x128xf32, #tpu.memory_space<vmem>>, %arg2: memref<1x128xf32, #tpu.memory_space<vmem>>, %arg3: memref<128x128xf32, #tpu.memory_space<vmem>>, %arg4: memref<1x128xf32, #tpu.memory_space<vmem>>, %arg5: memref<128x128xf32, #tpu.memory_space<vmem>>, %arg6: memref<1x128xf32, #tpu.memory_space<vmem>>, %arg7: memref<1000x128xf32, #tpu.memory_space<vmem>>, %arg8: memref<1000x128xf32, #tpu.memory_space<vmem>>) attributes {dimension_semantics = [#tpu.dimension_semantics<arbitrary>], iteration_bounds = array<i64: 10>, scalar_prefetch = 0 : i64, scratch_operands = 0 : i64, tpu.core_type = #tpu.core_type<tc>, window_params = [{transform_indices = @transform_0, window_bounds = array<i64: 1000, 128>}, {pipeline_mode = #tpu.pipeline_mode<synchronous>, transform_indices = @transform_1, window_bounds = array<i64: 1, 128>}, {pipeline_mode = #tpu.pipeline_mode<synchronous>, transform_indices = @transform_2, window_bounds = array<i64: 128, 128>}, {pipeline_mode = #tpu.pipeline_mode<synchronous>, transform_indices = @transform_3, window_bounds = array<i64: 1, 128>}, {pipeline_mode = #tpu.pipeline_mode<synchronous>, transform_indices = @transform_4, window_bounds = array<i64: 128, 128>}, {pipeline_mode = #tpu.pipeline_mode<synchronous>, transform_indices = @transform_5, window_bounds = array<i64: 1, 128>}, {transform_indices = @transform_6, window_bounds = array<i64: 1000, 128>}, {transform_indices = @transform_7, window_bounds = array<i64: 1000, 128>}]} {
    %get3A = arith.constant 0 : index
    %get3A_0 = arith.constant 0 : index
    %get3A_1 = vector.load %arg1[%get3A, %get3A_0] : memref<1000x128xf32, #tpu.memory_space<vmem>>, vector<1000x128xf32>
    %get3A_2 = arith.constant 0 : index
    %get3A_3 = arith.constant 0 : index
    %get3A_4 = vector.load %arg2[%get3A_2, %get3A_3] : memref<1x128xf32, #tpu.memory_space<vmem>>, vector<1x128xf32>
    %add3A = vector.broadcast %get3A_4 : vector<1x128xf32> to vector<1000x128xf32>
    %add3A_5 = arith.addf %get3A_1, %add3A : vector<1000x128xf32>
    %integer_pow3A = arith.mulf %add3A_5, %add3A_5 : vector<1000x128xf32>
    %integer_pow3A_6 = arith.mulf %add3A_5, %integer_pow3A : vector<1000x128xf32>
    %mul3A = arith.constant 4.471500e-02 : f32
    %mul3A_7 = vector.broadcast %mul3A : f32 to vector<1000x128xf32>
    %mul3A_8 = arith.mulf %mul3A_7, %integer_pow3A_6 : vector<1000x128xf32>
    %add3A_9 = arith.addf %add3A_5, %mul3A_8 : vector<1000x128xf32>
    %mul3A_10 = arith.constant 0.797884583 : f32
    %mul3A_11 = vector.broadcast %mul3A_10 : f32 to vector<1000x128xf32>
    %mul3A_12 = arith.mulf %mul3A_11, %add3A_9 : vector<1000x128xf32>
    %tanh3A = math.tanh %mul3A_12 : vector<1000x128xf32>
    %add3A_13 = arith.constant 1.000000e+00 : f32
    %add3A_14 = vector.broadcast %add3A_13 : f32 to vector<1000x128xf32>
    %add3A_15 = arith.addf %add3A_14, %tanh3A : vector<1000x128xf32>
    %mul3A_16 = arith.constant 5.000000e-01 : f32
    %mul3A_17 = vector.broadcast %mul3A_16 : f32 to vector<1000x128xf32>
    %mul3A_18 = arith.mulf %mul3A_17, %add3A_15 : vector<1000x128xf32>
    %mul3A_19 = arith.mulf %add3A_5, %mul3A_18 : vector<1000x128xf32>
    %get3A_20 = arith.constant 0 : index
    %get3A_21 = arith.constant 0 : index
    %get3A_22 = vector.load %arg3[%get3A_20, %get3A_21] : memref<128x128xf32, #tpu.memory_space<vmem>>, vector<128x128xf32>
    %dot_general3A = arith.constant dense<0.000000e+00> : vector<1000x128xf32>
    %dot_general3A_23 = tpu.matmul %mul3A_19, %get3A_22, %dot_general3A {dimension_numbers = #tpu.dot_dimension_numbers<[1], [0], [0], [1], [0, 0, 1, 1], [], []>, transpose_lhs_hint = false} : vector<1000x128xf32>, vector<128x128xf32>, vector<1000x128xf32> -> vector<1000x128xf32>
    %get3A_24 = arith.constant 0 : index
    %get3A_25 = arith.constant 0 : index
    %get3A_26 = vector.load %arg4[%get3A_24, %get3A_25] : memref<1x128xf32, #tpu.memory_space<vmem>>, vector<1x128xf32>
    %add3A_27 = vector.broadcast %get3A_26 : vector<1x128xf32> to vector<1000x128xf32>
    %add3A_28 = arith.addf %dot_general3A_23, %add3A_27 : vector<1000x128xf32>
    %swap3A = arith.constant 0 : index
    %swap3A_29 = arith.constant 0 : index
    %swap3A_30 = vector.load %arg7[%swap3A, %swap3A_29] : memref<1000x128xf32, #tpu.memory_space<vmem>>, vector<1000x128xf32>
    tpu.vector_store %arg7[%swap3A, %swap3A_29], %add3A_28 {strides = array<i32>} : memref<1000x128xf32, #tpu.memory_space<vmem>>, vector<1000x128xf32>,
    %get3A_31 = arith.constant 0 : index
    %get3A_32 = arith.constant 0 : index
    %get3A_33 = vector.load %arg5[%get3A_31, %get3A_32] : memref<128x128xf32, #tpu.memory_space<vmem>>, vector<128x128xf32>
    %dot_general3A_34 = arith.constant dense<0.000000e+00> : vector<1000x128xf32>
    %dot_general3A_35 = tpu.matmul %mul3A_19, %get3A_33, %dot_general3A_34 {dimension_numbers = #tpu.dot_dimension_numbers<[1], [0], [0], [1], [0, 0, 1, 1], [], []>, transpose_lhs_hint = false} : vector<1000x128xf32>, vector<128x128xf32>, vector<1000x128xf32> -> vector<1000x128xf32>
    %get3A_36 = arith.constant 0 : index
    %get3A_37 = arith.constant 0 : index
    %get3A_38 = vector.load %arg6[%get3A_36, %get3A_37] : memref<1x128xf32, #tpu.memory_space<vmem>>, vector<1x128xf32>
    %add3A_39 = vector.broadcast %get3A_38 : vector<1x128xf32> to vector<1000x128xf32>
    %add3A_40 = arith.addf %dot_general3A_35, %add3A_39 : vector<1000x128xf32>
    %swap3A_41 = arith.constant 0 : index
    %swap3A_42 = arith.constant 0 : index
    %swap3A_43 = vector.load %arg8[%swap3A_41, %swap3A_42] : memref<1000x128xf32, #tpu.memory_space<vmem>>, vector<1000x128xf32>
    tpu.vector_store %arg8[%swap3A_41, %swap3A_42], %add3A_40 {strides = array<i32>} : memref<1000x128xf32, #tpu.memory_space<vmem>>, vector<1000x128xf32>,
    return
  }
  func.func @transform_0(%arg0: i32) -> (i32, i32) {
    %c0_i32 = arith.constant 0 : i32
    %c0_i32_0 = arith.constant 0 : i32
    return %arg0, %c0_i32 : i32, i32
  }
  func.func @transform_1(%arg0: i32) -> (i32, i32) {
    %c0_i32 = arith.constant 0 : i32
    %c0_i32_0 = arith.constant 0 : i32
    %c0_i32_1 = arith.constant 0 : i32
    return %c0_i32, %c0_i32_0 : i32, i32
  }
  func.func @transform_2(%arg0: i32) -> (i32, i32) {
    %c0_i32 = arith.constant 0 : i32
    %c0_i32_0 = arith.constant 0 : i32
    %c0_i32_1 = arith.constant 0 : i32
    return %c0_i32, %c0_i32_0 : i32, i32
  }
  func.func @transform_3(%arg0: i32) -> (i32, i32) {
    %c0_i32 = arith.constant 0 : i32
    %c0_i32_0 = arith.constant 0 : i32
    %c0_i32_1 = arith.constant 0 : i32
    return %c0_i32, %c0_i32_0 : i32, i32
  }
  func.func @transform_4(%arg0: i32) -> (i32, i32) {
    %c0_i32 = arith.constant 0 : i32
    %c0_i32_0 = arith.constant 0 : i32
    %c0_i32_1 = arith.constant 0 : i32
    return %c0_i32, %c0_i32_0 : i32, i32
  }
  func.func @transform_5(%arg0: i32) -> (i32, i32) {
    %c0_i32 = arith.constant 0 : i32
    %c0_i32_0 = arith.constant 0 : i32
    %c0_i32_1 = arith.constant 0 : i32
    return %c0_i32, %c0_i32_0 : i32, i32
  }
  func.func @transform_6(%arg0: i32) -> (i32, i32) {
    %c0_i32 = arith.constant 0 : i32
    %c0_i32_0 = arith.constant 0 : i32
    return %arg0, %c0_i32 : i32, i32
  }
  func.func @transform_7(%arg0: i32) -> (i32, i32) {
    %c0_i32 = arith.constant 0 : i32
    %c0_i32_0 = arith.constant 0 : i32
    return %arg0, %c0_i32 : i32, i32
  }
}

</mosaic_0001>

<sc_bundles>
// kernel: kernel.6.cloned.1.call-start
scs
__scs_entry_jumppad:
0x0: {  	(pc) =	sbr.rel $0x88, $3  }
0x1: {  	(tag) =	ssettag $0x0;
	lr =	simm.s32 $0x1  }
0x2: {  	[smem:$0x3F91] =	sst lr;
	_ =	strace $0xD0000000  }
0x3: {  	_ = 	snop  }
0x4: {  	_ = 	snop  }
0x5: {  	_ = 	snop  }
0x6: {  	_ = 	snop  }
0x7: {  	_ = 	snop  }
__scs_overlays_trampoline_lowered:
0x8: {  	[smem:$0x3FA0] =	sst s0  }
0x9: {  	[smem:$0x3FA1] =	sst s1  }
0xa: {  	[smem:$0x3FA2] =	sst s2  }
0xb: {  	[smem:$0x3FA3] =	sst s3  }
0xc: {  	[smem:$0x3FA4] =	sst s4  }
0xd: {  	[smem:$0x3FA5] =	sst s5  }
0xe: {  	[smem:$0x3FA6] =	sst s6  }
0xf: {  	[smem:$0x3FA7] =	sst s7  }
0x10: {  	[smem:$0x3FA8] =	sst s8  }
0x11: {  	[smem:$0x3FA9] =	sst s9;
	s0 =	simm.s32 @!p0 $0x0  }
0x12: {  	s1 =	sld [smem:$0x3F8F];
	s0 =	simm.s32 @p0 $0x1  }
0x13: {  	[smem:$0x3FAA] =	sst s0;
	s0 =	simm.s32 @!p1 $0x0  }
0x14: {  	s2 =	sld [smem:$0x3F8E];
	s0 =	simm.s32 @p1 $0x1  }
0x15: {  	[smem:$0x3FAB] =	sst s0;
	s0 =	simm.s32 @!p2 $0x0  }
0x16: {  	s3 =	sld [smem:$0x3FDB];
	s0 =	simm.s32 @p2 $0x1  }
0x17: {  	s4 =	simm.s32 $0x1BF5;
	[smem:$0x3FAD] =	sst s0  }
0x18: {  	s0 =	sld [smem:$0x3F90];
	_ =	swait.ge [sflag:s4], $0x0  }
0x19: {  	s7 =	sld [smem:$0x3F91]  }
0x1a: {  	s8 =	sadd.s32 $0xFFFFE003, lr  }
0x1b: {  	s9 =	sadd.s32 $0xFFFFFEF7, lr;
	s5 =	simm.s32 $0xFFFFFFFF;
	p2 =	slt.u32 s8, $0xFFFFF086  }
0x1c: {  	p1 =	slt.u32 s9, $0xF7A;
	s5 =	simm.s32 @!p2 $0x0  }
0x1d: {  	s5 =	simm.s32 @p1 $0x1;
	p0 =	seq.s32 s7, s2  }
0x1e: {  	s7 =	smul.u32 @!p0 $0xF7A, s2;
	p2 =	seq.s32 @!p0 s5, $0x0  }
0x1f: {  	s9 =	smul.u32 $0xF7A, s1;
	s8 =	simm.s32 @!p0 $0x1BF5;
	p2 =	por !p2, p0  }
0x20: {  	[sflag:s8] =	ssyncset.s32 @!p0 $0xFFFFF086;
	s6 =	sadd.s32 @!p0 s3, s7;
	s7 =	simm.s32 @!p0 $0x108  }
0x21: {  	s3 =	sadd.s32 s3, s9;
	s6 =	sadd.s32 @!p0 $0x88, s6;
	s7 =	simm.s32 @p2 $0x1082  }
0x22: {  	[simem:s7], [sflag:s8] =	dma.local @!p0 [hbm:s6], $0xF7A  }
0x23: {  	s9 =	sor.u32 $0xD0000000, s2;
	s6 =	simm.s32 $0x108;
	_ =	swait.ge @!p0 [sflag:s8], $0x0  }
0x24: {  	s3 =	sadd.s32 $0x88, s3;
	s6 =	simm.s32 @!p1 $0x1082;
	[sflag:s4] =	ssyncset.s32 $0xFFFFF086  }
0x25: {  	[simem:s6], [sflag:s4] =	dma.local [hbm:s3], $0xF7A  }
0x26: {  	[smem:$0x3F91] =	sst s1;
	(tag) =	ssettag s2;
	_ =	strace s9  }
0x27: {  	s1 =	sld [smem:$0x3FA1]  }
0x28: {  	s2 =	sld [smem:$0x3FA2]  }
0x29: {  	s4 =	sld [smem:$0x3FA4]  }
0x2a: {  	p0 =	seq.s32 s5, $0x0;
	s5 =	sld [smem:$0x3FA5]  }
0x2b: {  	s6 =	sld [smem:$0x3FA6]  }
0x2c: {  	s7 =	sld [smem:$0x3FA7]  }
0x2d: {  	s3 =	simm.s32 $0x108;
	s8 =	sld [smem:$0x3FA8]  }
0x2e: {  	s3 =	simm.s32 @!p0 $0x1082;
	s9 =	sld [smem:$0x3FA9]  }
0x2f: {  	lr =	sadd.s32 s0, s3;
	s0 =	sld [smem:$0x3FA0]  }
0x30: {  	s3 =	sld [smem:$0x3FA3]  }
0x31: {  	[smem:$0x3FAC] =	sst s10  }
0x32: {  	s10 =	sld [smem:$0x3FAA];
	_ =	sdelay $0x3  }
0x33: {  	p0 =	seq.s32 s10, $0x1;
	s10 =	sld [smem:$0x3FAC];
	_ =	sdelay $0x3  }
0x34: {  	[smem:$0x3FAC] =	sst s10  }
0x35: {  	s10 =	sld [smem:$0x3FAB];
	_ =	sdelay $0x3  }
0x36: {  	p1 =	seq.s32 s10, $0x1;
	s10 =	sld [smem:$0x3FAC];
	_ =	sdelay $0x3  }
0x37: {  	[smem:$0x3FAC] =	sst s10  }
0x38: {  	s10 =	sld [smem:$0x3FAD]  }
0x39: {  	_ = 	snop;
	(pc) =	sbr.ind lr, $3  }
0x3a: {  	_ = 	snop  }
0x3b: {  	_ = 	snop  }
0x3c: {  	p2 =	seq.s32 s10, $0x1;
	s10 =	sld [smem:$0x3FAC]  }
0x3d: {  	_ =	shalt  }
0x3e: {  	_ =	shalt  }
0x3f: {  	_ =	shalt  }
0x40: {  	_ =	shalt  }
0x41: {  	_ =	shalt  }
0x42: {  	_ =	shalt  }
0x43: {  	_ =	shalt  }
0x44: {  	_ =	shalt  }
0x45: {  	_ =	shalt  }
0x46: {  	_ =	shalt  }
0x47: {  	_ =	shalt  }
0x48: {  	_ =	shalt  }
0x49: {  	_ =	shalt  }
0x4a: {  	_ =	shalt  }
0x4b: {  	_ =	shalt  }
0x4c: {  	_ =	shalt  }
0x4d: {  	_ =	shalt  }
0x4e: {  	_ =	shalt  }
0x4f: {  	_ =	shalt  }
0x50: {  	_ =	shalt  }
0x51: {  	_ =	shalt  }
0x52: {  	_ =	shalt  }
0x53: {  	_ =	shalt  }
0x54: {  	_ =	shalt  }
0x55: {  	_ =	shalt  }
0x56: {  	_ =	shalt  }
0x57: {  	_ =	shalt  }
0x58: {  	_ =	shalt  }
0x59: {  	_ =	shalt  }
0x5a: {  	_ =	shalt  }
0x5b: {  	_ =	shalt  }
0x5c: {  	_ =	shalt  }
0x5d: {  	_ =	shalt  }
0x5e: {  	_ =	shalt  }
0x5f: {  	_ =	shalt  }
0x60: {  	_ =	shalt  }
0x61: {  	_ =	shalt  }
0x62: {  	_ =	shalt  }
0x63: {  	_ =	shalt  }
0x64: {  	_ =	shalt  }
0x65: {  	_ =	shalt  }
0x66: {  	_ =	shalt  }
0x67: {  	_ =	shalt  }
0x68: {  	_ =	shalt  }
0x69: {  	_ =	shalt  }
0x6a: {  	_ =	shalt  }
0x6b: {  	_ =	shalt  }
0x6c: {  	_ =	shalt  }
0x6d: {  	_ =	shalt  }
0x6e: {  	_ =	shalt  }
0x6f: {  	_ =	shalt  }
0x70: {  	_ =	shalt  }
0x71: {  	_ =	shalt  }
0x72: {  	_ =	shalt  }
0x73: {  	_ =	shalt  }
0x74: {  	_ =	shalt  }
0x75: {  	_ =	shalt  }
0x76: {  	_ =	shalt  }
0x77: {  	_ =	shalt  }
0x78: {  	_ =	shalt  }
0x79: {  	_ =	shalt  }
0x7a: {  	_ =	shalt  }
0x7b: {  	_ =	shalt  }
0x7c: {  	_ =	shalt  }
0x7d: {  	_ =	shalt  }
0x7e: {  	_ =	shalt  }
0x7f: {  	_ =	shalt  }
0x80: {  	_ =	shalt  }
0x81: {  	_ =	shalt  }
0x82: {  	_ =	shalt  }
0x83: {  	_ =	shalt  }
0x84: {  	_ =	shalt  }
0x85: {  	_ =	shalt  }
0x86: {  	_ =	shalt  }
0x87: {  	_ =	shalt  }
.Lfunc_end0:
.L_simem_size_0:
called_computation_lowered:
.L_overlay_start_0:
0x88: {  	s2 =	sld [smem:$0x3FD9]  }
0x89: {  	s3 =	sld [smem:$0x3FFE];
	_ =	sdelay $0x1  }
0x8a: {  	s1 =	srdreg.scid  }
0x8b: {  	s0 =	sand.u32 $0x1, s1  }
0x8c: {  	s18 =	sshll.u32 s0, $0xA;
	s2 =	sadd.s32 s3, s2  }
0x8d: {  	s3 =	sadd.s32 s2, s18  }
0x8e: {  	[smem:$0x3FB8] =	sst s3  }
0x8f: {  	_ = 	snop  }
0x90: {  	s3 =	sld [smem:$0x3FC1];
	(tm) =	ssettm $0x1  }
0x91: {  	s4 =	sld [smem:$0x3FFB];
	_ =	sdelay $0x3  }
0x92: {  	_ =	strace s4  }
0x93: {  	s4 =	sld [smem:$0x3FFC];
	_ =	sdelay $0x3  }
0x94: {  	_ =	strace s4  }
0x95: {  	s4 =	sld [smem:$0x3FFD];
	_ =	sdelay $0x3  }
0x96: {  	_ =	strace s4  }
0x97: {  	_ =	strace $0x8FFFFFFF  }
0x98: {  	s19 =	sld [smem:$0x3FDB];
	_ =	sdelay $0x1  }
0x99: {  	s5 =	simm.s32 $_scs_section_size  }
0x9a: {  	s6 =	simm.s32 $_size__tile_overlayer_lowered;
	s7 =	simm.s32 $_tile_overlayer_lowered  }
0x9b: {  	s22 =	simm.s32 $0x1BFF;
	s21 =	sshll.u32 s7, $0x1;
	s4 =	sadd.s32 s5, s19  }
0x9c: {  	s8 =	simm.s32 $0x0;
	s20 =	sshll.u32 s6, $0x1;
	s6 =	sadd.s32 s21, s4  }
0x9d: {  	[timem:s8], [sflag:s22] =	dma.local [hbm:s6], s20  }
0x9e: {  	_ =	swait.ge [sflag:s22], s20  }
0x9f: {  	s5 =	ssub.s32 $0x0, s20;
	[sflag:s22] =	ssyncset.done $0x0  }
0xa0: {  	[sflag:s22] =	ssyncadd.s32 s5;
	_ =	sdelay $0x1  }
0xa1: {  	s23 =	simm.s32 $0x1B8B  }
0xa2: {  	_ =	swait.ge [sflag:s23], $0x1  }
0xa3: {  	[sflag:s23] =	ssyncset.done $0x0  }
0xa4: {  	s25 =	simm.s32 $0x1B8E;
	s24 =	sld [smem:$0x3FFE];
	[sflag:s23] =	ssyncadd.s32 $0xFFFFFFFF  }
0xa5: {  	s26 =	simm.s32 $execute0_lowered;
	[smem:$0x3FD2] =	sst s25  }
0xa6: {  	s6 =	sshll.u32 s26, $0x1;
	_ =	strace $0x80000046;
	[dreg:$0x1] =	wrdreg $0xFFFFFFFF  }
0xa7: {  	s28 =	simm.s32 $_size_execute0_lowered;
	s4 =	sadd.s32 s4, s6;
	[dreg:$0x0] =	wrdreg $0x0  }
0xa8: {  	s6 =	sshll.u32 s28, $0x1;
	[dreg:$0x2] =	wrdreg s4  }
0xa9: {  	[dreg:$0x3] =	wrdreg s6  }
0xaa: {  	[dreg:$0x4] =	wrdreg $0xC0  }
0xab: {  	_ =	task [dreg:s8], $0x5FFFF  }
0xac: {  	[dreg:$0x1] =	wrdreg $0xFFFFFFFF  }
0xad: {  	[dreg:$0x0] =	wrdreg $0x60  }
0xae: {  	[dreg:$0x2] =	wrdreg s24  }
0xaf: {  	[dreg:$0x3] =	wrdreg s3  }
0xb0: {  	[dreg:$0x4] =	wrdreg $0x0  }
0xb1: {  	[dreg:$0x5] =	wrdreg $0x139000  }
0xb2: {  	s2 =	sadd.s32 $0x800, s2;
	[dreg:$0x6] =	wrdreg $0x13C000  }
0xb3: {  	[dreg:$0x7] =	wrdreg s2  }
0xb4: {  	[dreg:$0x8] =	wrdreg $0x13F000  }
0xb5: {  	[dreg:$0x9] =	wrdreg $0x9  }
0xb6: {  	_ =	task.clear_ibuf [dreg:s8], $0xAFFFF;
	_ =	strace $0x90000046  }
0xb7: {  	s29 =	simm.s32 $0x9;
	_ =	strace $0x80000048  }
0xb8: {  	_ =	swait.ge [sflag:s29], $0x1  }
0xb9: {  	[sflag:s29] =	ssyncadd.s32 $0xFFFFFFFF  }
0xba: {  	_ =	strace $0x90000048  }
0xbb: {  	_ =	sfence  }
0xbc: {  	s30 =	sld [smem:$0x0];
	_ =	sdelay $0x2  }
0xbd: {  	s31 =	sshll.u32 s1, $0xD;
	s1 =	sshrl.u32 s1, $0x2  }
0xbe: {  	s3 =	sand.u32 $0x4000, s31;
	s1 =	sadd.s32 s1, s30  }
0xbf: {  	s0 =	sor.u32 s3, s0;
	s1 =	sshll.u32 s1, $0x11  }
0xc0: {  	s0 =	sor.u32 s1, s0  }
0xc1: {  	s0 =	sadd.s32 $0x8F2B, s0  }
0xc2: {  	[sflag:s0] =	ssyncadd.remote.s32 $0x1  }
0xc3: {  	_ =	sfence.sel $0xFFFF  }
0xc4: {  	[dreg:$0x0] =	wrdreg $0xFFFFFFFF;
	(pc) =	sbr.abs _section_cstart, $3  }
0xc5: {  	[dreg:$0x1] =	wrdreg $0xFFFFFFFF  }
0xc6: {  	_ =	task.clear_ibuf [dreg:s8], $0x2FFFF;
	_ =	strace $0x9FFFFFFF  }
0xc7: {  	(tm) =	ssettm $0x7FFFFFFF  }
tec
execute0_lowered:
.L_overlay_start_1:
0x0: {  	(tag) =	ssettag $0x1  }
0x1: {  	s10 =	rddreg [dreg:$0x0]  }
0x2: {  	s8 =	rddreg [dreg:$0x1];
	s0 =	srdreg.scid  }
0x3: {  	s2 =	rddreg [dreg:$0x2];
	s0 =	sand.u32 $0x1, s0  }
0x4: {  	s21 =	rddreg [dreg:$0x3];
	p0 =	seq.s32 s0, $0x1  }
.Ltmp0:
0x5: {  	s3 =	rddreg [dreg:$0x4];
	(pc) =	sbr.rel @p0 .LBB2_47-.Ltmp0, $4  }
0x6: {  	s4 =	rddreg [dreg:$0x5]  }
0x7: {  	s16 =	rddreg [dreg:$0x6];
	s13 =	simm.s32 $0x0  }
0x8: {  	[smem:$0x7FF] =	sst s13  }
0x9: {  	s1 =	rddreg [dreg:$0x7];
	s29 =	stileid.u32;
	_ =	strace $0x80000047  }
0xa: {  	s5 =	sadd.s32 $0xC600, s10;
	s6 =	sadd.s32 $0x2800, s10;
	s0 =	smul.u32 $0x2700, s29  }
0xb: {  	s1 =	sadd.s32 $0x64800, s10;
	s7 =	sadd.s32 $0x16400, s10;
	s18 =	smul.u32 $0x4E20, s29  }
0xc: {  	s9 =	sadd.s32 $0x3D600, s10;
	s11 =	sshll.u32 s29, $0x1;
	s15 =	smul.u32 $0x4E000, s29  }
0xd: {  	s17 =	sshll.u32 s29, $0x4;
	s31 =	simm.s32 $0x1CB90;
	s19 =	simm.s32 $0x3  }
0xe: {  	s25 =	sadd.s32 $0x138000, s2;
	s26 =	sadd.s32 $0x8BA00, s10;
	[dreg:$0xd] =	wrdreg s9  }
0xf: {  	[tilespmem:s31], [sflag:$0x3] =	stream.linear.gather [hbm4b:s1+s13], $0x80, $0x38;
	[tilespmem:$0x1E710] =	vst v63  }
0x10: {  	s28 =	sadd.s32 $0x800, s21;
	s24 =	sadd.s32 $0x2000, s21;
	[dreg:$0x9] =	wrdreg s25  }
0x11: {  	s16 =	sadd.s32 s17, s16;
	[dreg:$0xa] =	wrdreg s26;
	s15 =	sshrl.u32 s15, $0x2  }
0x12: {  	s12 =	sadd.s32 s0, s10;
	[dreg:$0xe] =	wrdreg s16;
	s16 =	sadd.s32 s15, s2  }
0x13: {  	s23 =	sadd.s32 $0x2800, s21;
	s17 =	sadd.s32 $0x64A00, s12;
	[dreg:$0xb] =	wrdreg s16  }
0x14: {  	s22 =	sadd.s32 $0x800, s3;
	s9 =	sadd.s32 $0x8BC00, s10;
	[dreg:$0xc] =	wrdreg s17  }
0x15: {  	s11 =	sadd.s32 s11, s10;
	s25 =	sadd.s32 $0x1000, s21;
	_ =	swait.ge [sflag:s19], $0x80  }
0x16: {  	s31 =	simm.s32 $0x1CC10;
	s30 =	sadd.s32 $0x96A00, s11;
	[sflag:s19] =	ssyncset.done $0x0  }
0x17: {  	s26 =	sadd.s32 $0x1800, s21;
	[dreg:$0x8] =	wrdreg s30;
	[sflag:s19] =	ssyncadd.s32 $0xFFFFFF80  }
0x18: {  	[tilespmem:s31], [sflag:$0x3] =	stream.linear.gather [hbm4b:s8+s13], $0x80, $0x38;
	[tilespmem:$0x1E710] =	vst v63  }
0x19: {  	s0 =	sadd.s32 $0x138800, s2;
	s14 =	sshrl.u32 s18, $0x3;
	_ =	swait.ge [sflag:s19], $0x80  }
0x1a: {  	s11 =	sadd.s32 $0x1800, s3;
	s10 =	sadd.s32 $0x2000, s3;
	[sflag:s19] =	ssyncset.done $0x0  }
0x1b: {  	v1 =	vimm.s32 $0x1;
	s20 =	sadd.s32 s6, s14;
	s14 =	smul.u32 $0x5620, s29;
	[sflag:s19] =	ssyncadd.s32 $0xFFFFFF80  }
0x1c: {  	s12 =	sadd.s32 $0x1000, s3;
	s8 =	sadd.s32 $0x2800, s3;
	s19 =	sadd.s32 $0x7D0, s18;
	v0 =	vld [tilespmem:$0x1CB90];
	[tilespmem:$0x17F90] =	vst v1;
	v1 =	vimm.s32 $0x0  }
.LBB2_2:
0x1d: {  	p0 =	sne.s32 s13, $0x2000  }
.Ltmp1:
0x1e: {  	_ = 	snop;
	(pc) =	sbr.rel @p0 .LBB2_2-.Ltmp1, $3  }
0x1f: {  	_ =	sdelay $0x1  }
0x20: {  	s1 =	sshra.s32 s13, $0x2  }
0x21: {  	s13 =	sadd.s32 $0x40, s13;
	[tilespmem:s1+$0x17710] =	vst v1  }
0x22: {  	v1 =	vimm.f32 $0.0e+00;
	s1 =	simm.s32 $0x40;
	s13 =	simm.s32 $0x0  }
.LBB2_4:
0x23: {  	p0 =	sne.s32 s1, $0x1FC0;
	[tilespmem:s13+$0x1CD90] =	vst v1;
	s13 =	smov.u32 s1;
	s1 =	sadd.s32 $0x40, s1  }
.Ltmp2:
0x24: {  	(pc) =	sbr.rel @p0 .LBB2_4-.Ltmp2, $2  }
0x25: {  	_ =	sdelay $0x2  }
0x26: {  	s13 =	sshra.s32 s13, $0x2  }
0x27: {  	[tilespmem:s13+$0x1CD90] =	vst v1;
	v1 =	vimm.f32 $0.0e+00;
	s1 =	simm.s32 $0x0;
	s13 =	simm.s32 $0x200  }
.LBB2_6:
0x28: {  	p0 =	sne.s32 s13, $0x1E00;
	[tilespmem:s1+$0x1C300] =	vst v1  }
0x29: {  	[tilespmem:s1+$0x1C290] =	vst v1  }
0x2a: {  	[tilespmem:s1+$0x1C2A0] =	vst v1  }
.Ltmp3:
0x2b: {  	[tilespmem:s1+$0x1C2B0] =	vst v1;
	(pc) =	sbr.rel @p0 .LBB2_6-.Ltmp3, $4  }
0x2c: {  	[tilespmem:s1+$0x1C2C0] =	vst v1  }
0x2d: {  	[tilespmem:s1+$0x1C2D0] =	vst v1  }
0x2e: {  	[tilespmem:s1+$0x1C2E0] =	vst v1  }
0x2f: {  	[tilespmem:s1+$0x1C2F0] =	vst v1;
	s1 =	sshra.s32 s13, $0x2;
	s13 =	sadd.s32 $0x200, s13  }
0x30: {  	[tilespmem:s1+$0x1C300] =	vst v1  }
0x31: {  	[tilespmem:s1+$0x1C290] =	vst v1  }
0x32: {  	[tilespmem:s1+$0x1C2A0] =	vst v1  }
0x33: {  	[tilespmem:s1+$0x1C2B0] =	vst v1  }
0x34: {  	[tilespmem:s1+$0x1C2C0] =	vst v1  }
0x35: {  	[tilespmem:s1+$0x1C2D0] =	vst v1  }
0x36: {  	[tilespmem:s1+$0x1C2E0] =	vst v1;
	p0 =	sne.s32 s29, $0x0  }
0x37: {  	[tilespmem:s1+$0x1C2F0] =	vst v1;
	s1 =	simm.s32 @!p0 $0x17710;
	s13 =	simm.s32 @!p0 $0x3  }
0x38: {  	[spmem:s21] =	stream.linear.scatter @!p0 [tilespmem:s1], [sflag:$0x3], $0x800, $0x38;
	[tilespmem:$0x1E710] =	vst v63  }
0x39: {  	_ =	swait.ge @!p0 [sflag:s13], $0x800  }
0x3a: {  	[sflag:s13] =	ssyncset.done @!p0 $0x0  }
0x3b: {  	[sflag:s13] =	ssyncadd.s32 @!p0 $0xFFFFF800  }
0x3c: {  	[spmem:s28] =	stream.linear.scatter @!p0 [tilespmem:s1], [sflag:$0x3], $0x800, $0x38;
	[tilespmem:$0x1E710] =	vst v63  }
0x3d: {  	_ =	swait.ge @!p0 [sflag:s13], $0x800  }
0x3e: {  	[sflag:s13] =	ssyncset.done @!p0 $0x0  }
0x3f: {  	[sflag:s13] =	ssyncadd.s32 @!p0 $0xFFFFF800  }
0x40: {  	[spmem:s25] =	stream.linear.scatter @!p0 [tilespmem:s1], [sflag:$0x3], $0x800, $0x38;
	[tilespmem:$0x1E710] =	vst v63  }
0x41: {  	_ =	swait.ge @!p0 [sflag:s13], $0x800  }
0x42: {  	[sflag:s13] =	ssyncset.done @!p0 $0x0  }
0x43: {  	[sflag:s13] =	ssyncadd.s32 @!p0 $0xFFFFF800  }
0x44: {  	[spmem:s26] =	stream.linear.scatter @!p0 [tilespmem:s1], [sflag:$0x3], $0x800, $0x38;
	[tilespmem:$0x1E710] =	vst v63  }
0x45: {  	_ =	swait.ge @!p0 [sflag:s13], $0x800  }
0x46: {  	[sflag:s13] =	ssyncset.done @!p0 $0x0  }
0x47: {  	[sflag:s13] =	ssyncadd.s32 @!p0 $0xFFFFF800  }
0x48: {  	[spmem:s24] =	stream.linear.scatter @!p0 [tilespmem:s1], [sflag:$0x3], $0x800, $0x38;
	[tilespmem:$0x1E710] =	vst v63  }
0x49: {  	_ =	swait.ge @!p0 [sflag:s13], $0x800  }
0x4a: {  	[sflag:s13] =	ssyncset.done @!p0 $0x0  }
0x4b: {  	[sflag:s13] =	ssyncadd.s32 @!p0 $0xFFFFF800  }
0x4c: {  	[spmem:s23] =	stream.linear.scatter @!p0 [tilespmem:s1], [sflag:$0x3], $0x800, $0x38;
	[tilespmem:$0x1E710] =	vst v63  }
0x4d: {  	_ =	swait.ge @!p0 [sflag:s13], $0x800  }
0x4e: {  	[sflag:s13] =	ssyncset.done @!p0 $0x0  }
0x4f: {  	s1 =	simm.s32 @!p0 $0x1CD90;
	[sflag:s13] =	ssyncadd.s32 @!p0 $0xFFFFF800  }
0x50: {  	[spmem:s3] =	stream.linear.scatter @!p0 [tilespmem:s1], [sflag:$0x3], $0x800, $0x38;
	[tilespmem:$0x1E710] =	vst v63  }
0x51: {  	_ =	swait.ge @!p0 [sflag:s13], $0x800  }
0x52: {  	[sflag:s13] =	ssyncset.done @!p0 $0x0  }
0x53: {  	[sflag:s13] =	ssyncadd.s32 @!p0 $0xFFFFF800  }
0x54: {  	[spmem:s22] =	stream.linear.scatter @!p0 [tilespmem:s1], [sflag:$0x3], $0x800, $0x38;
	[tilespmem:$0x1E710] =	vst v63  }
0x55: {  	_ =	swait.ge @!p0 [sflag:s13], $0x800  }
0x56: {  	[sflag:s13] =	ssyncset.done @!p0 $0x0  }
0x57: {  	[sflag:s13] =	ssyncadd.s32 @!p0 $0xFFFFF800  }
0x58: {  	[spmem:s12] =	stream.linear.scatter @!p0 [tilespmem:s1], [sflag:$0x3], $0x800, $0x38;
	[tilespmem:$0x1E710] =	vst v63  }
0x59: {  	_ =	swait.ge @!p0 [sflag:s13], $0x800  }
0x5a: {  	[sflag:s13] =	ssyncset.done @!p0 $0x0  }
0x5b: {  	[sflag:s13] =	ssyncadd.s32 @!p0 $0xFFFFF800  }
0x5c: {  	[spmem:s11] =	stream.linear.scatter @!p0 [tilespmem:s1], [sflag:$0x3], $0x800, $0x38;
	[tilespmem:$0x1E710] =	vst v63  }
0x5d: {  	_ =	swait.ge @!p0 [sflag:s13], $0x800  }
0x5e: {  	[sflag:s13] =	ssyncset.done @!p0 $0x0  }
0x5f: {  	[sflag:s13] =	ssyncadd.s32 @!p0 $0xFFFFF800  }
0x60: {  	[spmem:s10] =	stream.linear.scatter @!p0 [tilespmem:s1], [sflag:$0x3], $0x800, $0x38;
	[tilespmem:$0x1E710] =	vst v63  }
0x61: {  	_ =	swait.ge @!p0 [sflag:s13], $0x800  }
0x62: {  	[sflag:s13] =	ssyncset.done @!p0 $0x0  }
0x63: {  	[sflag:s13] =	ssyncadd.s32 @!p0 $0xFFFFF800  }
0x64: {  	[spmem:s8] =	stream.linear.scatter @!p0 [tilespmem:s1], [sflag:$0x3], $0x800, $0x38;
	[tilespmem:$0x1E710] =	vst v63  }
0x65: {  	_ =	swait.ge @!p0 [sflag:s13], $0x800  }
0x66: {  	[sflag:s13] =	ssyncset.done @!p0 $0x0  }
0x67: {  	s28 =	simm.s32 $0x0;
	s1 =	simm.s32 @!p0 $0x1C290;
	[sflag:s13] =	ssyncadd.s32 @!p0 $0xFFFFF800  }
0x68: {  	[spmem:s0] =	stream.linear.scatter @!p0 [tilespmem:s1], [sflag:$0x3], $0x800, $0x38;
	[tilespmem:$0x1E710] =	vst v63  }
.Ltmp4:
0x69: {  	s25 =	simm.s32 $0x3;
	_ =	swait.ge @!p0 [sflag:s13], $0x800;
	(pc) =	sbr.rel .LBB2_8-.Ltmp4, $4  }
0x6a: {  	s26 =	simm.s32 $0x2;
	s24 =	simm.s32 $0x14710;
	[sflag:s13] =	ssyncset.done @!p0 $0x0  }
0x6b: {  	s23 =	simm.s32 $0x1DF10;
	s22 =	simm.s32 $0x1;
	[sflag:s13] =	ssyncadd.s32 @!p0 $0xFFFFF800  }
0x6c: {  	s8 =	simm.s32 $0x13F10;
	s0 =	simm.s32 $0x0;
	[bflag:$0x0] =	sbarrier.arrive $0xFFFF  }
0x6d: {  	vm0 =	vmxor vm0, vm0;
	[tilespmem:s8], [sflag:$0x1] =	stream.linear.gather [hbm4b:s20+s0], $0x7D0, $0x38;
	[tilespmem:$0x1E710] =	vst v63  }
.LBB2_19:
0x6e: {  	s11 =	sshra.s32 s10, $0x2;
	[sflag:s1] =	ssyncadd.s32 @!p2 $0xFFFFFFF0  }
0x6f: {  	v1 =	vld [tilespmem:s11+$0x1DF10];
	_ =	sdelay $0x4  }
0x70: {  	vm1 =	veq.s32 v1, v0  }
0x71: {  	v2 =	vmpcnt.ones.xlane vm1;
	_ =	sdelay $0x1  }
0x72: {  	(v2sf) =	vpush v2, $0x0;
	_ =	sdelay $0xe  }
0x73: {  	s31 =	spop (v2sf)  }
0x74: {  	p1 =	slt.s32 s31, $0x1  }
0x75: {  	s1 =	sshra.s32 @!p1 s10, $0x2  }
0x76: {  	v2 =	vld @!p1 [tilespmem:s1+$0x14710];
	_ =	sdelay $0x3  }
0x77: {  	vm1 =	veq.s32 @!p1 v1, v0  }
0x78: {  	v1 =	vnsel @!p1 vm1, $0x2710, v2;
	_ =	sdelay $0x3  }
0x79: {  	s10 =	simm.s32 @!p1 $0x3;
	s1 =	simm.s32 @!p1 $0x17F90;
	vm1 =	vmmov @!p1 $0xffff  }
0x7a: {  	[spmem:s21] =	stream.indirect_vreg.scatter @!p1 [tilespmem:s1], [sflag:$0x3], $0x1, v1, vm1, $0xb8;
	[tilespmem:$0x1E710] =	vst v63  }
0x7b: {  	_ =	swait.ge @!p1 [sflag:s10], $0x10  }
0x7c: {  	[sflag:s10] =	ssyncset.done @!p1 $0x0  }
0x7d: {  	[sflag:s10] =	ssyncadd.s32 @!p1 $0xFFFFFFF0  }
.LBB2_20:
0x7e: {  	s28 =	sadd.s32 $0x1, s28  }
0x7f: {  	p1 =	sne.s32 s28, $0x5  }
.Ltmp5:
0x80: {  	_ = 	snop;
	(pc) =	sbr.rel @!p1 .LBB2_21-.Ltmp5, $1  }
0x81: {  	_ =	sdelay $0x3  }
.LBB2_8:
0x82: {  	s1 =	smul.u32 $0xFA0, s28;
	_ =	sdelay $0x1  }
0x83: {  	_ =	swait.ge [sflag:s22], $0x7D0;
	s10 =	sadd.s32 s19, s1  }
0x84: {  	[sflag:s22] =	ssyncset.done $0x0;
	s10 =	sshrl.u32 s10, $0x3  }
0x85: {  	s13 =	simm.s32 $0x0;
	[sflag:s22] =	ssyncadd.s32 $0xFFFFF830;
	s11 =	sadd.s32 s6, s10  }
0x86: {  	[tilespmem:s23], [sflag:$0x2] =	stream.linear.gather [hbm4b:s11+s0], $0x7D0, $0x38;
	[tilespmem:$0x1E710] =	vst v63  }
0x87: {  	s12 =	simm.s32 $0x40;
	vm1 =	vmmov vm0;
	s11 =	sshll.u32 s28, $0x1;
	v1 =	vld [tilespmem:s13+$0x13F10]  }
.LBB2_9:
0x88: {  	p1 =	sne.s32 s12, $0x1F00  }
.Ltmp6:
0x89: {  	_ = 	snop;
	(pc) =	sbr.rel @p1 .LBB2_9-.Ltmp6, $3  }
0x8a: {  	_ =	sdelay $0x1  }
0x8b: {  	s13 =	sshra.s32 s12, $0x2;
	s12 =	sadd.s32 $0x40, s12;
	vm2 =	veq.s32 v1, v0  }
0x8c: {  	v1 =	vld [tilespmem:s13+$0x13F10];
	vm1 =	vmor vm1, vm2  }
0x8d: {  	_ =	sdelay $0x3  }
0x8e: {  	vm2 =	veq.s32 v1, v0  }
0x8f: {  	vm1 =	vmor vm1, vm2  }
0x90: {  	v1 =	vmpcnt.ones.xlane vm1;
	_ =	sdelay $0x1  }
0x91: {  	(v2sf) =	vpush v1, $0x0;
	_ =	sdelay $0xe  }
0x92: {  	s12 =	spop (v2sf)  }
0x93: {  	p1 =	slt.s32 s12, $0x1  }
.Ltmp7:
0x94: {  	_ = 	snop;
	(pc) =	sbr.rel @p1 .LBB2_14-.Ltmp7, $1  }
0x95: {  	_ =	sdelay $0x3  }
0x96: {  	s1 =	sadd.s32 s18, s1  }
0x97: {  	s1 =	sshrl.u32 s1, $0x3  }
0x98: {  	s12 =	simm.s32 $0x0;
	s1 =	sadd.s32 s5, s1  }
0x99: {  	[tilespmem:s24], [sflag:$0x3] =	stream.linear.gather [hbm4b:s1+s12], $0x7D0, $0x38;
	[tilespmem:$0x1E710] =	vst v63  }
0x9a: {  	_ =	swait.ge [sflag:s25], $0x7D0  }
0x9b: {  	[sflag:s25] =	ssyncset.done $0x0  }
0x9c: {  	s30 =	simm.s32 $0x0;
	[sflag:s25] =	ssyncadd.s32 $0xFFFFF830  }
0x9d: {  	v1 =	vld [tilespmem:s30+$0x13F10];
	_ =	sdelay $0x4  }
0x9e: {  	vm1 =	veq.s32 v1, v0  }
0x9f: {  	v2 =	vmpcnt.ones.xlane vm1;
	_ =	sdelay $0x1  }
0xa0: {  	(v2sf) =	vpush v2, $0x0;
	_ =	sdelay $0xe  }
0xa1: {  	s31 =	spop (v2sf)  }
0xa2: {  	p2 =	slt.s32 s31, $0x1  }
0xa3: {  	s1 =	simm.s32 @!p2 $0x0  }
0xa4: {  	v2 =	vld @!p2 [tilespmem:s1+$0x14710];
	_ =	sdelay $0x3  }
0xa5: {  	vm1 =	veq.s32 @!p2 v1, v0  }
0xa6: {  	v1 =	vnsel @!p2 vm1, $0x2710, v2;
	_ =	sdelay $0x3  }
0xa7: {  	s12 =	simm.s32 @!p2 $0x17F90;
	s1 =	simm.s32 @!p2 $0x3;
	vm1 =	vmmov @!p2 $0xffff  }
0xa8: {  	[spmem:s21] =	stream.indirect_vreg.scatter @!p2 [tilespmem:s12], [sflag:$0x3], $0x1, v1, vm1, $0xb8;
	[tilespmem:$0x1E710] =	vst v63  }
0xa9: {  	_ =	swait.ge @!p2 [sflag:s1], $0x10  }
0xaa: {  	s13 =	simm.s32 $0x80;
	s12 =	simm.s32 $0x40;
	[sflag:s1] =	ssyncset.done @!p2 $0x0  }
.LBB2_12:
0xab: {  	s15 =	sshra.s32 s12, $0x2  }
0xac: {  	[sflag:s1] =	ssyncadd.s32 @!p2 $0xFFFFFFF0;
	s1 =	smov.u32 s13;
	s13 =	sadd.s32 $0x40, s13  }
0xad: {  	p1 =	sne.s32 s13, $0x1F40;
	v1 =	vld [tilespmem:s15+$0x13F10];
	_ =	sdelay $0x4  }
0xae: {  	vm1 =	veq.s32 v1, v0  }
0xaf: {  	v2 =	vmpcnt.ones.xlane vm1;
	_ =	sdelay $0x1  }
0xb0: {  	(v2sf) =	vpush v2, $0x0;
	_ =	sdelay $0xe  }
0xb1: {  	s15 =	spop (v2sf)  }
0xb2: {  	p2 =	slt.s32 s15, $0x1  }
0xb3: {  	vm1 =	veq.s32 @!p2 v1, v0;
	s15 =	sshra.s32 @!p2 s12, $0x2;
	s12 =	smov.u32 s1  }
0xb4: {  	v1 =	vld @!p2 [tilespmem:s15+$0x14710];
	_ =	sdelay $0x4  }
0xb5: {  	v1 =	vnsel @!p2 vm1, $0x2710, v1;
	_ =	sdelay $0x2  }
.Ltmp8:
0xb6: {  	(pc) =	sbr.rel @p1 .LBB2_12-.Ltmp8, $4  }
0xb7: {  	s1 =	simm.s32 @!p2 $0x3;
	s15 =	simm.s32 @!p2 $0x17F90;
	vm1 =	vmmov @!p2 $0xffff  }
0xb8: {  	[spmem:s21] =	stream.indirect_vreg.scatter @!p2 [tilespmem:s15], [sflag:$0x3], $0x1, v1, vm1, $0xb8;
	[tilespmem:$0x1E710] =	vst v63  }
0xb9: {  	_ =	swait.ge @!p2 [sflag:s1], $0x10  }
0xba: {  	[sflag:s1] =	ssyncset.done @!p2 $0x0  }
0xbb: {  	s13 =	sshra.s32 s12, $0x2;
	[sflag:s1] =	ssyncadd.s32 @!p2 $0xFFFFFFF0  }
0xbc: {  	v1 =	vld [tilespmem:s13+$0x13F10];
	_ =	sdelay $0x4  }
0xbd: {  	vm1 =	veq.s32 v1, v0  }
0xbe: {  	v2 =	vmpcnt.ones.xlane vm1;
	_ =	sdelay $0x1  }
0xbf: {  	(v2sf) =	vpush v2, $0x0;
	_ =	sdelay $0xe  }
0xc0: {  	s31 =	spop (v2sf)  }
0xc1: {  	p1 =	slt.s32 s31, $0x1  }
0xc2: {  	s1 =	sshra.s32 @!p1 s12, $0x2  }
0xc3: {  	v2 =	vld @!p1 [tilespmem:s1+$0x14710];
	_ =	sdelay $0x3  }
0xc4: {  	vm1 =	veq.s32 @!p1 v1, v0  }
0xc5: {  	v1 =	vnsel @!p1 vm1, $0x2710, v2;
	_ =	sdelay $0x3  }
0xc6: {  	s12 =	simm.s32 @!p1 $0x3;
	s1 =	simm.s32 @!p1 $0x17F90;
	vm1 =	vmmov @!p1 $0xffff  }
0xc7: {  	[spmem:s21] =	stream.indirect_vreg.scatter @!p1 [tilespmem:s1], [sflag:$0x3], $0x1, v1, vm1, $0xb8;
	[tilespmem:$0x1E710] =	vst v63  }
0xc8: {  	_ =	swait.ge @!p1 [sflag:s12], $0x10  }
0xc9: {  	[sflag:s12] =	ssyncset.done @!p1 $0x0  }
0xca: {  	[sflag:s12] =	ssyncadd.s32 @!p1 $0xFFFFFFF0  }
.LBB2_14:
0xcb: {  	s1 =	sadd.s32 $0x2, s11  }
0xcc: {  	s11 =	smul.u32 $0x7D0, s1  }
0xcd: {  	p1 =	seq.s32 s1, $0xA  }
0xce: {  	s11 =	simm.s32 @p1 $0x0  }
0xcf: {  	_ =	swait.ge [sflag:s26], $0x7D0;
	s17 =	sadd.s32 s18, s11  }
0xd0: {  	s30 =	simm.s32 $0x0;
	[sflag:s26] =	ssyncset.done $0x0;
	s1 =	sshrl.u32 s17, $0x3  }
0xd1: {  	s31 =	simm.s32 $0x0;
	[sflag:s26] =	ssyncadd.s32 $0xFFFFF830;
	s1 =	sadd.s32 s6, s1  }
0xd2: {  	[tilespmem:s8], [sflag:$0x1] =	stream.linear.gather [hbm4b:s1+s30], $0x7D0, $0x38;
	[tilespmem:$0x1E710] =	vst v63  }
0xd3: {  	vm1 =	vmmov vm0;
	s1 =	simm.s32 $0x40;
	v1 =	vld [tilespmem:s31+$0x1DF10]  }
.LBB2_15:
0xd4: {  	p1 =	sne.s32 s1, $0x1F00  }
.Ltmp9:
0xd5: {  	_ = 	snop;
	(pc) =	sbr.rel @p1 .LBB2_15-.Ltmp9, $3  }
0xd6: {  	_ =	sdelay $0x1  }
0xd7: {  	s11 =	sshra.s32 s1, $0x2;
	s1 =	sadd.s32 $0x40, s1;
	vm2 =	veq.s32 v1, v0  }
0xd8: {  	v1 =	vld [tilespmem:s11+$0x1DF10];
	vm1 =	vmor vm1, vm2  }
0xd9: {  	_ =	sdelay $0x3  }
0xda: {  	vm2 =	veq.s32 v1, v0  }
0xdb: {  	vm1 =	vmor vm1, vm2  }
0xdc: {  	v1 =	vmpcnt.ones.xlane vm1;
	_ =	sdelay $0x1  }
0xdd: {  	(v2sf) =	vpush v1, $0x0;
	_ =	sdelay $0xe  }
0xde: {  	s1 =	spop (v2sf)  }
0xdf: {  	p1 =	slt.s32 s1, $0x1  }
.Ltmp10:
0xe0: {  	_ = 	snop;
	(pc) =	sbr.rel @p1 .LBB2_20-.Ltmp10, $1  }
0xe1: {  	_ =	sdelay $0x3  }
0xe2: {  	s1 =	sadd.s32 s5, s10;
	s17 =	simm.s32 $0x0  }
0xe3: {  	[tilespmem:s24], [sflag:$0x3] =	stream.linear.gather [hbm4b:s1+s17], $0x7D0, $0x38;
	[tilespmem:$0x1E710] =	vst v63  }
0xe4: {  	_ =	swait.ge [sflag:s25], $0x7D0  }
0xe5: {  	[sflag:s25] =	ssyncset.done $0x0  }
0xe6: {  	s30 =	simm.s32 $0x0;
	[sflag:s25] =	ssyncadd.s32 $0xFFFFF830  }
0xe7: {  	v1 =	vld [tilespmem:s30+$0x1DF10];
	_ =	sdelay $0x4  }
0xe8: {  	vm1 =	veq.s32 v1, v0  }
0xe9: {  	v2 =	vmpcnt.ones.xlane vm1;
	_ =	sdelay $0x1  }
0xea: {  	(v2sf) =	vpush v2, $0x0;
	_ =	sdelay $0xe  }
0xeb: {  	s31 =	spop (v2sf)  }
0xec: {  	p2 =	slt.s32 s31, $0x1  }
0xed: {  	s1 =	simm.s32 @!p2 $0x0  }
0xee: {  	v2 =	vld @!p2 [tilespmem:s1+$0x14710];
	_ =	sdelay $0x3  }
0xef: {  	vm1 =	veq.s32 @!p2 v1, v0  }
0xf0: {  	v1 =	vnsel @!p2 vm1, $0x2710, v2;
	_ =	sdelay $0x3  }
0xf1: {  	s10 =	simm.s32 @!p2 $0x17F90;
	s1 =	simm.s32 @!p2 $0x3;
	vm1 =	vmmov @!p2 $0xffff  }
0xf2: {  	[spmem:s21] =	stream.indirect_vreg.scatter @!p2 [tilespmem:s10], [sflag:$0x3], $0x1, v1, vm1, $0xb8;
	[tilespmem:$0x1E710] =	vst v63  }
0xf3: {  	_ =	swait.ge @!p2 [sflag:s1], $0x10  }
0xf4: {  	s11 =	simm.s32 $0x80;
	s10 =	simm.s32 $0x40;
	[sflag:s1] =	ssyncset.done @!p2 $0x0  }
.LBB2_18:
0xf5: {  	s12 =	sshra.s32 s10, $0x2  }
0xf6: {  	[sflag:s1] =	ssyncadd.s32 @!p2 $0xFFFFFFF0;
	s1 =	smov.u32 s11;
	s11 =	sadd.s32 $0x40, s11  }
0xf7: {  	p1 =	sne.s32 s11, $0x1F40;
	v1 =	vld [tilespmem:s12+$0x1DF10];
	_ =	sdelay $0x4  }
0xf8: {  	vm1 =	veq.s32 v1, v0  }
0xf9: {  	v2 =	vmpcnt.ones.xlane vm1;
	_ =	sdelay $0x1  }
0xfa: {  	(v2sf) =	vpush v2, $0x0;
	_ =	sdelay $0xe  }
0xfb: {  	s12 =	spop (v2sf)  }
0xfc: {  	p2 =	slt.s32 s12, $0x1  }
0xfd: {  	vm1 =	veq.s32 @!p2 v1, v0;
	s12 =	sshra.s32 @!p2 s10, $0x2;
	s10 =	smov.u32 s1  }
0xfe: {  	v1 =	vld @!p2 [tilespmem:s12+$0x14710];
	_ =	sdelay $0x4  }
0xff: {  	v1 =	vnsel @!p2 vm1, $0x2710, v1;
	_ =	sdelay $0x2  }
.Ltmp11:
0x100: {  	(pc) =	sbr.rel @p1 .LBB2_18-.Ltmp11, $4  }
0x101: {  	s1 =	simm.s32 @!p2 $0x3;
	s12 =	simm.s32 @!p2 $0x17F90;
	vm1 =	vmmov @!p2 $0xffff  }
0x102: {  	[spmem:s21] =	stream.indirect_vreg.scatter @!p2 [tilespmem:s12], [sflag:$0x3], $0x1, v1, vm1, $0xb8;
	[tilespmem:$0x1E710] =	vst v63  }
0x103: {  	_ =	swait.ge @!p2 [sflag:s1], $0x10  }
0x104: {  	[sflag:s1] =	ssyncset.done @!p2 $0x0  }
.Ltmp12:
0x105: {  	_ = 	snop;
	(pc) =	sbr.rel .LBB2_19-.Ltmp12, $1  }
0x106: {  	_ =	sdelay $0x3  }
.LBB2_21:
0x107: {  	s0 =	simm.s32 $0x1  }
0x108: {  	s1 =	smul.u32 $0xA00, s29;
	_ =	swait.ge [sflag:s0], $0x7D0  }
0x109: {  	[sflag:s0] =	ssyncset.done $0x0  }
0x10a: {  	s28 =	simm.s32 $0x14F10;
	s1 =	sshrl.u32 s1, $0x2;
	[sflag:s0] =	ssyncadd.s32 $0xFFFFF830  }
0x10b: {  	s8 =	simm.s32 $0x3;
	s1 =	sadd.s32 $0x14F10, s1;
	[bflag:$0x0] =	sbarrier.arrive $0xFFFF  }
0x10c: {  	v1 =	vmov s1;
	[tilespmem:s28], [sflag:$0x3] =	stream.linear.gather [spmem:s21], $0x2800, $0x38;
	[tilespmem:$0x1E710] =	vst v63  }
0x10d: {  	_ =	swait.ge [sflag:s8], $0x2800  }
0x10e: {  	[sflag:s8] =	ssyncset.done $0x0  }
0x10f: {  	v2 =	vimm.s32 $0x1;
	[sflag:s8] =	ssyncadd.s32 $0xFFFFD800  }
0x110: {  	s30 =	simm.s32 $0x0;
	[tilespmem:v0+s28+$0x0] =	vst.idx.msk $0xffff, v2  }
0x111: {  	v0 =	vld.idx.msk [tilespmem:v1+s30+$0x0 ss:$0x1], $0xffff;
	_ =	sdelay $0x4  }
0x112: {  	vm0 =	vgt.s32 v0, $0x0  }
0x113: {  	v2 =	vmpcnt.ones.xlane vm0;
	_ =	sdelay $0x1  }
0x114: {  	(v2sf) =	vpush v2, $0x0;
	_ =	sdelay $0xe  }
0x115: {  	s31 =	spop (v2sf)  }
0x116: {  	s11 =	smul.u32 $0x280, s29;
	p2 =	slt.s32 s31, $0x1  }
0x117: {  	v2 =	vlaneseq.u32 @!p2  }
0x118: {  	vm0 =	vgt.s32 @!p2 v0, $0x0;
	v0 =	vor.u32 @!p2 s11, v2  }
0x119: {  	v0 =	vnsel @!p2 vm0, $0x2710, v0;
	_ =	sdelay $0x3  }
0x11a: {  	s0 =	simm.s32 @!p2 $0x1C290;
	s1 =	simm.s32 @!p2 $0x3;
	vm0 =	vmmov @!p2 $0xffff  }
0x11b: {  	[spmem:s2] =	stream.indirect_vreg.scatter @!p2 [tilespmem:s0], [sflag:$0x3], $0x80, v0, vm0, $0xb8;
	[tilespmem:$0x1E710] =	vst v63  }
0x11c: {  	s10 =	simm.s32 $0x80;
	_ =	swait.ge @!p2 [sflag:s1], $0x800  }
0x11d: {  	s8 =	simm.s32 $0x40;
	s0 =	sadd.s32 $0x10, s11;
	[sflag:s1] =	ssyncset.done @!p2 $0x0  }
.LBB2_22:
0x11e: {  	s11 =	sshra.s32 s8, $0x2  }
0x11f: {  	[sflag:s1] =	ssyncadd.s32 @!p2 $0xFFFFF800;
	s8 =	smov.u32 s10;
	s10 =	sadd.s32 $0x40, s10  }
0x120: {  	p1 =	sne.s32 s10, $0xA00;
	v0 =	vld.idx.msk [tilespmem:v1+s11+$0x0 ss:$0x1], $0xffff;
	_ =	sdelay $0x5  }
0x121: {  	vm0 =	vgt.s32 v0, $0x0  }
0x122: {  	v2 =	vmpcnt.ones.xlane vm0;
	_ =	sdelay $0x1  }
0x123: {  	(v2sf) =	vpush v2, $0x0;
	_ =	sdelay $0xe  }
0x124: {  	s1 =	spop (v2sf)  }
0x125: {  	p2 =	slt.s32 s1, $0x1  }
0x126: {  	vm0 =	vgt.s32 @!p2 v0, $0x0;
	v0 =	vlaneseq.u32 @!p2  }
0x127: {  	v0 =	vor.u32 @!p2 s0, v0  }
0x128: {  	v0 =	vnsel @!p2 vm0, $0x2710, v0;
	_ =	sdelay $0x2  }
.Ltmp13:
0x129: {  	(pc) =	sbr.rel @p1 .LBB2_22-.Ltmp13, $4  }
0x12a: {  	s11 =	simm.s32 @!p2 $0x1C290;
	s1 =	simm.s32 @!p2 $0x3;
	vm0 =	vmmov @!p2 $0xffff  }
0x12b: {  	[spmem:s2] =	stream.indirect_vreg.scatter @!p2 [tilespmem:s11], [sflag:$0x3], $0x80, v0, vm0, $0xb8;
	[tilespmem:$0x1E710] =	vst v63  }
0x12c: {  	_ =	swait.ge @!p2 [sflag:s1], $0x800  }
0x12d: {  	s0 =	sadd.s32 $0x10, s0;
	[sflag:s1] =	ssyncset.done @!p2 $0x0  }
0x12e: {  	_ =	sdelay $0x2  }
0x12f: {  	s8 =	sshra.s32 s8, $0x2;
	[sflag:s1] =	ssyncadd.s32 @!p2 $0xFFFFF800  }
0x130: {  	v0 =	vld.idx.msk [tilespmem:v1+s8+$0x0 ss:$0x1], $0xffff;
	_ =	sdelay $0x4  }
0x131: {  	vm0 =	vgt.s32 v0, $0x0  }
0x132: {  	v1 =	vmpcnt.ones.xlane vm0;
	_ =	sdelay $0x1  }
0x133: {  	(v2sf) =	vpush v1, $0x0;
	_ =	sdelay $0xe  }
0x134: {  	s31 =	spop (v2sf)  }
0x135: {  	p1 =	slt.s32 s31, $0x1  }
0x136: {  	v1 =	vlaneseq.u32 @!p1  }
0x137: {  	vm0 =	vgt.s32 @!p1 v0, $0x0;
	v0 =	vor.u32 @!p1 s0, v1  }
0x138: {  	v0 =	vnsel @!p1 vm0, $0x2710, v0;
	_ =	sdelay $0x2  }
0x139: {  	s21 =	simm.s32 $0x0  }
0x13a: {  	s22 =	simm.s32 $0x13F10;
	s1 =	simm.s32 @!p1 $0x3;
	s0 =	simm.s32 @!p1 $0x1C290;
	vm0 =	vmmov @!p1 $0xffff  }
0x13b: {  	[spmem:s2] =	stream.indirect_vreg.scatter @!p1 [tilespmem:s0], [sflag:$0x3], $0x80, v0, vm0, $0xb8;
	[tilespmem:$0x1E710] =	vst v63  }
0x13c: {  	s23 =	simm.s32 $0x1;
	s24 =	simm.s32 $0x1DF10;
	_ =	swait.ge @!p1 [sflag:s1], $0x800  }
0x13d: {  	s25 =	simm.s32 $0x14F10;
	s26 =	simm.s32 $0x1DE90;
	[sflag:s1] =	ssyncset.done @!p1 $0x0  }
0x13e: {  	s28 =	simm.s32 $0x2;
	s29 =	smov.u32 s18;
	[sflag:s1] =	ssyncadd.s32 @!p1 $0xFFFFF800  }
0x13f: {  	s12 =	simm.s32 $0x0;
	s30 =	simm.s32 $0x0;
	[bflag:$0x0] =	sbarrier.arrive $0xFFFF  }
0x140: {  	[tilespmem:s22], [sflag:$0x1] =	stream.linear.gather [hbm4b:s20+s21], $0x7D0, $0x38;
	[tilespmem:$0x1E710] =	vst v63  }
0x141: {  	s8 =	smov.u32 s19;
	s0 =	simm.s32 $0x0;
	v0 =	vlaneseq.u32;
	s20 =	simm.s32 $0x0  }
.LBB2_24:
0x142: {  	s1 =	smul.u32 $0xFA0, s30;
	_ =	sdelay $0x1  }
0x143: {  	_ =	swait.ge [sflag:s23], $0x7D0;
	s10 =	sshll.u32 s30, $0x1;
	s1 =	sadd.s32 s19, s1  }
0x144: {  	s11 =	simm.s32 $0x1D690;
	[sflag:s23] =	ssyncset.done $0x0;
	s1 =	sshrl.u32 s1, $0x3  }
0x145: {  	s13 =	simm.s32 $0x1D690;
	[sflag:s23] =	ssyncadd.s32 $0xFFFFF830;
	s1 =	sadd.s32 s6, s1  }
0x146: {  	[tilespmem:s24], [sflag:$0x2] =	stream.linear.gather [hbm4b:s1+s21], $0x7D0, $0x38;
	[tilespmem:$0x1E710] =	vst v63  }
0x147: {  	s15 =	simm.s32 $0x13F10;
	s17 =	simm.s32 $0x0;
	s1 =	smov.u32 s29  }
.LBB2_25:
0x148: {  	v1 =	vld [tilespmem:s15+$0x0];
	_ =	sdelay $0x7  }
0x149: {  	v1 =	vld.idx.msk [tilespmem:v1+s25+$0x0], $0xffff;
	_ =	sdelay $0x2  }
0x14a: {  	v2 =	vmov s17;
	p1 =	sne.s32 s17, $0x7C  }
.Ltmp14:
0x14b: {  	_ = 	snop;
	(pc) =	sbr.rel @p1 .LBB2_25-.Ltmp14, $4  }
0x14c: {  	vm0 =	vgt.s32 v1, $0x0  }
0x14d: {  	v1 =	vor.u32 s1, v0;
	v3 =	vmpcnt.ones.xlane vm0  }
0x14e: {  	s15 =	sadd.s32 $0x10, s15;
	[tilespmem:s13+$0x0] =	vst.msk vm0, v1  }
0x14f: {  	s17 =	sadd.s32 $0x1, s17;
	s1 =	sadd.s32 $0x10, s1;
	s13 =	sadd.s32 $0x10, s13;
	[tilespmem:v2+s26+$0x0] =	vst.idx.msk $0x1, v3  }
0x150: {  	s1 =	simm.s32 $0x0  }
0x151: {  	v1 =	vmov s1;
	_ =	sdelay $0x4  }
0x152: {  	v1 =	vld.idx.msk [tilespmem:v1+s26+$0x0], $0xffff;
	_ =	sdelay $0x4  }
0x153: {  	(v2sf) =	vpush v1, $0x0;
	_ =	sdelay $0xe  }
0x154: {  	v1 =	vld [tilespmem:s11+$0x0];
	s1 =	spop (v2sf)  }
0x155: {  	s31 =	sadd.s32 s12, s1  }
0x156: {  	p2 =	slt.s32 s31, $0x800  }
0x157: {  	s13 =	sadd.s32 @!p2 s14, s0  }
0x158: {  	s15 =	simm.s32 @!p2 $0x3;
	s13 =	sshrl.u32 @!p2 s13, $0x3  }
0x159: {  	[tilespmem:s12+$0x17710] =	vst v1;
	s17 =	simm.s32 @!p2 $0x17710;
	s12 =	sadd.s32 @!p2 s9, s13;
	s13 =	simm.s32 @!p2 $0x0  }
0x15a: {  	[hbm4b:s12+s13] =	stream.linear.scatter @!p2 [tilespmem:s17], [sflag:$0x3], $0x800, $0x38;
	[tilespmem:$0x1E710] =	vst v63  }
0x15b: {  	_ =	swait.ge @!p2 [sflag:s15], $0x800  }
0x15c: {  	s16 =	sadd.s32 $0x800, s0;
	[sflag:s15] =	ssyncset.done @!p2 $0x0  }
0x15d: {  	p1 =	sgt.s32 s31, $0x7FF;
	s12 =	sadd.s32 $0xFFFFF800, s31;
	[sflag:s15] =	ssyncadd.s32 @!p2 $0xFFFFF800  }
0x15e: {  	s0 =	smov.u32 @p1 s16;
	s17 =	simm.s32 $0x1;
	s31 =	smov.u32 @p1 s12;
	v2 =	vld @!p2 [tilespmem:$0x17F10]  }
0x15f: {  	s13 =	simm.s32 $0x2;
	s12 =	sadd.s32 s20, s1;
	v1 =	vmov s17;
	s20 =	smov.u32 s31  }
.LBB2_27:
0x160: {  	_ =	sdelay $0x2  }
0x161: {  	s11 =	sadd.s32 $0x10, s11;
	s1 =	smov.u32 s13;
	s13 =	sadd.s32 $0x1, s13;
	[tilespmem:$0x17710] =	vst @!p2 v2  }
0x162: {  	p1 =	sne.s32 s13, $0x7D;
	v1 =	vld.idx.msk [tilespmem:v1+s26+$0x0], $0xffff;
	_ =	sdelay $0x5  }
0x163: {  	(v2sf) =	vpush v1, $0x0;
	_ =	sdelay $0xe  }
0x164: {  	v1 =	vld [tilespmem:s11+$0x0];
	s15 =	spop (v2sf)  }
0x165: {  	s16 =	sadd.s32 $0x800, s0;
	s31 =	sadd.s32 s31, s15;
	s12 =	sadd.s32 s12, s15  }
0x166: {  	p2 =	slt.s32 s31, $0x800;
	p3 =	sgt.s32 s31, $0x7FF;
	s15 =	sadd.s32 $0xFFFFF800, s31  }
0x167: {  	s17 =	sadd.s32 @!p2 s14, s0;
	s31 =	smov.u32 @p3 s15;
	s0 =	smov.u32 @p3 s16  }
0x168: {  	s16 =	simm.s32 @!p2 $0x3;
	s15 =	sshrl.u32 @!p2 s17, $0x3  }
0x169: {  	s17 =	simm.s32 @!p2 $0x0;
	[tilespmem:s20+$0x17710] =	vst v1;
	s15 =	sadd.s32 @!p2 s9, s15;
	s20 =	simm.s32 @!p2 $0x17710  }
0x16a: {  	[hbm4b:s15+s17] =	stream.linear.scatter @!p2 [tilespmem:s20], [sflag:$0x3], $0x800, $0x38;
	[tilespmem:$0x1E710] =	vst v63  }
.Ltmp15:
0x16b: {  	s20 =	smov.u32 s31;
	_ =	swait.ge @!p2 [sflag:s16], $0x800;
	(pc) =	sbr.rel @p1 .LBB2_27-.Ltmp15, $4  }
0x16c: {  	[sflag:s16] =	ssyncset.done @!p2 $0x0  }
0x16d: {  	[sflag:s16] =	ssyncadd.s32 @!p2 $0xFFFFF800  }
0x16e: {  	v2 =	vld @!p2 [tilespmem:$0x17F10]  }
0x16f: {  	v1 =	vmov s1  }
0x170: {  	_ =	sdelay $0x2  }
0x171: {  	[tilespmem:$0x17710] =	vst @!p2 v2  }
0x172: {  	v1 =	vld.idx.msk [tilespmem:v1+s26+$0x0], $0xffff;
	_ =	sdelay $0x4  }
0x173: {  	(v2sf) =	vpush v1, $0x0;
	_ =	sdelay $0xd  }
0x174: {  	s1 =	sadd.s32 $0x10, s11  }
0x175: {  	v1 =	vld [tilespmem:s1+$0x0];
	s1 =	spop (v2sf)  }
0x176: {  	s11 =	sadd.s32 s31, s1  }
0x177: {  	p1 =	slt.s32 s11, $0x800  }
0x178: {  	s13 =	sadd.s32 @!p1 s14, s0  }
0x179: {  	s15 =	simm.s32 @!p1 $0x3;
	s13 =	sshrl.u32 @!p1 s13, $0x3  }
0x17a: {  	[tilespmem:s20+$0x17710] =	vst v1;
	s16 =	simm.s32 @!p1 $0x0;
	s17 =	simm.s32 @!p1 $0x17710;
	s13 =	sadd.s32 @!p1 s9, s13  }
0x17b: {  	[hbm4b:s13+s16] =	stream.linear.scatter @!p1 [tilespmem:s17], [sflag:$0x3], $0x800, $0x38;
	[tilespmem:$0x1E710] =	vst v63  }
0x17c: {  	_ =	swait.ge @!p1 [sflag:s15], $0x800  }
0x17d: {  	[sflag:s15] =	ssyncset.done @!p1 $0x0  }
0x17e: {  	[sflag:s15] =	ssyncadd.s32 @!p1 $0xFFFFF800  }
0x17f: {  	v1 =	vld @!p1 [tilespmem:$0x17F10];
	_ =	sdelay $0x1  }
0x180: {  	s10 =	sadd.s32 $0x2, s10  }
0x181: {  	s13 =	smul.u32 $0x7D0, s10  }
0x182: {  	p2 =	seq.s32 s10, $0xA  }
0x183: {  	s13 =	simm.s32 @p2 $0x0;
	[tilespmem:$0x17710] =	vst @!p1 v1  }
0x184: {  	s16 =	sadd.s32 s18, s13;
	_ =	swait.ge [sflag:s28], $0x7D0  }
0x185: {  	s20 =	simm.s32 $0x1DF10;
	s10 =	sshrl.u32 s16, $0x3;
	[sflag:s28] =	ssyncset.done $0x0  }
0x186: {  	s17 =	simm.s32 $0x0;
	s10 =	sadd.s32 s6, s10;
	[sflag:s28] =	ssyncadd.s32 $0xFFFFF830  }
0x187: {  	[tilespmem:s22], [sflag:$0x1] =	stream.linear.gather [hbm4b:s10+s17], $0x7D0, $0x38;
	[tilespmem:$0x1E710] =	vst v63  }
0x188: {  	v1 =	vld [tilespmem:s20+$0x0];
	_ =	sdelay $0x7  }
0x189: {  	v2 =	vld.idx.msk [tilespmem:v1+s25+$0x0], $0xffff;
	_ =	sdelay $0x2  }
0x18a: {  	v1 =	vmov s17;
	_ =	sdelay $0x1  }
0x18b: {  	s13 =	sadd.s32 $0xFFFFF800, s11;
	vm0 =	vgt.s32 v2, $0x0  }
0x18c: {  	s15 =	sadd.s32 $0x800, s0;
	p1 =	sgt.s32 s11, $0x7FF;
	s10 =	simm.s32 $0x1D690;
	v2 =	vor.u32 s8, v0;
	v3 =	vmpcnt.ones.xlane vm0  }
0x18d: {  	s31 =	simm.s32 $0x1;
	s11 =	smov.u32 @p1 s13;
	s0 =	smov.u32 @p1 s15;
	[tilespmem:s10+$0x0] =	vst.msk vm0, v2  }
0x18e: {  	s15 =	simm.s32 $0x1DF20;
	s13 =	smov.u32 s8;
	s20 =	sadd.s32 s12, s1;
	[tilespmem:v1+s26+$0x0] =	vst.idx.msk $0x1, v3  }
0x18f: {  	s1 =	simm.s32 $0x2;
	s12 =	simm.s32 $0x1D690;
	s17 =	simm.s32 $0x1;
	v2 =	vld [tilespmem:s15+$0x0]  }
.LBB2_29:
0x190: {  	p1 =	sne.s32 s1, $0x7C;
	_ =	sdelay $0x6  }
0x191: {  	v2 =	vld.idx.msk [tilespmem:v2+s25+$0x0], $0xffff;
	_ =	sdelay $0x3  }
0x192: {  	v3 =	vmov s17;
	s17 =	smov.u32 s1;
	_ =	sdelay $0x1  }
.Ltmp16:
0x193: {  	s13 =	sadd.s32 $0x10, s13;
	vm0 =	vgt.s32 v2, $0x0;
	(pc) =	sbr.rel @p1 .LBB2_29-.Ltmp16, $4  }
0x194: {  	s12 =	sadd.s32 $0x10, s12;
	v2 =	vor.u32 s13, v0;
	v4 =	vmpcnt.ones.xlane vm0  }
0x195: {  	[tilespmem:s12+$0x0] =	vst.msk vm0, v2  }
0x196: {  	s15 =	sadd.s32 $0x10, s15;
	[tilespmem:v3+s26+$0x0] =	vst.idx.msk $0x1, v4  }
0x197: {  	s1 =	sadd.s32 $0x1, s1;
	v2 =	vld [tilespmem:s15+$0x0]  }
0x198: {  	_ =	sdelay $0x7  }
0x199: {  	v2 =	vld.idx.msk [tilespmem:v2+s25+$0x0], $0xffff;
	_ =	sdelay $0x2  }
0x19a: {  	v3 =	vmov s17;
	_ =	sdelay $0x1  }
0x19b: {  	s1 =	sadd.s32 $0x10, s13;
	vm0 =	vgt.s32 v2, $0x0  }
0x19c: {  	s16 =	sadd.s32 $0x10, s12;
	v2 =	vor.u32 s1, v0;
	v4 =	vmpcnt.ones.xlane vm0  }
0x19d: {  	[tilespmem:s16+$0x0] =	vst.msk vm0, v2  }
0x19e: {  	[tilespmem:v3+s26+$0x0] =	vst.idx.msk $0x1, v4  }
0x19f: {  	v1 =	vld.idx.msk [tilespmem:v1+s26+$0x0], $0xffff;
	_ =	sdelay $0x4  }
0x1a0: {  	(v2sf) =	vpush v1, $0x0;
	_ =	sdelay $0xe  }
0x1a1: {  	v1 =	vld [tilespmem:s10+$0x0];
	s17 =	spop (v2sf)  }
0x1a2: {  	s12 =	sadd.s32 s11, s17  }
0x1a3: {  	p2 =	slt.s32 s12, $0x800  }
0x1a4: {  	s13 =	sadd.s32 @!p2 s14, s0  }
0x1a5: {  	s15 =	simm.s32 @!p2 $0x3;
	s13 =	sshrl.u32 @!p2 s13, $0x3  }
0x1a6: {  	[tilespmem:s11+$0x17710] =	vst v1;
	s16 =	simm.s32 @!p2 $0x17710;
	s11 =	sadd.s32 @!p2 s9, s13;
	s13 =	simm.s32 @!p2 $0x0  }
0x1a7: {  	[hbm4b:s11+s13] =	stream.linear.scatter @!p2 [tilespmem:s16], [sflag:$0x3], $0x800, $0x38;
	[tilespmem:$0x1E710] =	vst v63  }
0x1a8: {  	_ =	swait.ge @!p2 [sflag:s15], $0x800  }
0x1a9: {  	[sflag:s15] =	ssyncset.done @!p2 $0x0  }
0x1aa: {  	p1 =	sgt.s32 s12, $0x7FF;
	s11 =	sadd.s32 $0xFFFFF800, s12;
	[sflag:s15] =	ssyncadd.s32 @!p2 $0xFFFFF800  }
0x1ab: {  	s16 =	sadd.s32 $0x800, s0;
	s13 =	simm.s32 $0x2;
	s12 =	smov.u32 @p1 s11;
	v2 =	vld @!p2 [tilespmem:$0x17F10]  }
0x1ac: {  	v1 =	vmov s31;
	s11 =	sadd.s32 s20, s17;
	s0 =	smov.u32 @p1 s16;
	s20 =	smov.u32 s12  }
.LBB2_31:
0x1ad: {  	_ =	sdelay $0x2  }
0x1ae: {  	s10 =	sadd.s32 $0x10, s10;
	s1 =	smov.u32 s13;
	s13 =	sadd.s32 $0x1, s13;
	[tilespmem:$0x17710] =	vst @!p2 v2  }
0x1af: {  	p1 =	sne.s32 s13, $0x7D;
	v1 =	vld.idx.msk [tilespmem:v1+s26+$0x0], $0xffff;
	_ =	sdelay $0x5  }
0x1b0: {  	(v2sf) =	vpush v1, $0x0;
	_ =	sdelay $0xe  }
0x1b1: {  	v1 =	vld [tilespmem:s10+$0x0];
	s15 =	spop (v2sf)  }
0x1b2: {  	s16 =	sadd.s32 $0x800, s0;
	s12 =	sadd.s32 s12, s15;
	s11 =	sadd.s32 s11, s15  }
0x1b3: {  	p2 =	slt.s32 s12, $0x800;
	p3 =	sgt.s32 s12, $0x7FF;
	s15 =	sadd.s32 $0xFFFFF800, s12  }
0x1b4: {  	s17 =	sadd.s32 @!p2 s14, s0;
	s12 =	smov.u32 @p3 s15;
	s0 =	smov.u32 @p3 s16  }
0x1b5: {  	s16 =	simm.s32 @!p2 $0x3;
	s15 =	sshrl.u32 @!p2 s17, $0x3  }
0x1b6: {  	s17 =	simm.s32 @!p2 $0x0;
	[tilespmem:s20+$0x17710] =	vst v1;
	s15 =	sadd.s32 @!p2 s9, s15;
	s20 =	simm.s32 @!p2 $0x17710  }
0x1b7: {  	[hbm4b:s15+s17] =	stream.linear.scatter @!p2 [tilespmem:s20], [sflag:$0x3], $0x800, $0x38;
	[tilespmem:$0x1E710] =	vst v63  }
.Ltmp17:
0x1b8: {  	s20 =	smov.u32 s12;
	_ =	swait.ge @!p2 [sflag:s16], $0x800;
	(pc) =	sbr.rel @p1 .LBB2_31-.Ltmp17, $4  }
0x1b9: {  	[sflag:s16] =	ssyncset.done @!p2 $0x0  }
0x1ba: {  	[sflag:s16] =	ssyncadd.s32 @!p2 $0xFFFFF800  }
0x1bb: {  	v2 =	vld @!p2 [tilespmem:$0x17F10]  }
0x1bc: {  	v1 =	vmov s1  }
0x1bd: {  	_ =	sdelay $0x2  }
0x1be: {  	[tilespmem:$0x17710] =	vst @!p2 v2  }
0x1bf: {  	v1 =	vld.idx.msk [tilespmem:v1+s26+$0x0], $0xffff;
	_ =	sdelay $0x4  }
0x1c0: {  	(v2sf) =	vpush v1, $0x0;
	_ =	sdelay $0xd  }
0x1c1: {  	s1 =	sadd.s32 $0x10, s10  }
0x1c2: {  	v1 =	vld [tilespmem:s1+$0x0];
	s31 =	spop (v2sf)  }
0x1c3: {  	s12 =	sadd.s32 s12, s31  }
0x1c4: {  	p1 =	slt.s32 s12, $0x800  }
0x1c5: {  	s10 =	sadd.s32 @!p1 s14, s0  }
0x1c6: {  	s10 =	sshrl.u32 @!p1 s10, $0x3  }
0x1c7: {  	[tilespmem:s20+$0x17710] =	vst v1;
	s13 =	simm.s32 @!p1 $0x0;
	s15 =	simm.s32 @!p1 $0x17710;
	s10 =	sadd.s32 @!p1 s9, s10  }
0x1c8: {  	[hbm4b:s10+s13] =	stream.linear.scatter @!p1 [tilespmem:s15], [sflag:$0x3], $0x800, $0x38;
	[tilespmem:$0x1E710] =	vst v63  }
0x1c9: {  	s10 =	simm.s32 @!p1 $0x3  }
0x1ca: {  	_ =	swait.ge @!p1 [sflag:s10], $0x800  }
0x1cb: {  	s30 =	sadd.s32 $0x1, s30;
	p2 =	sgt.s32 s12, $0x7FF;
	[sflag:s10] =	ssyncset.done @!p1 $0x0  }
0x1cc: {  	s13 =	sadd.s32 $0xFFFFF800, s12;
	[sflag:s10] =	ssyncadd.s32 @!p1 $0xFFFFF800;
	s10 =	sadd.s32 $0x800, s0  }
0x1cd: {  	s12 =	smov.u32 @p2 s13;
	v1 =	vld @!p1 [tilespmem:$0x17F10];
	s0 =	smov.u32 @p2 s10;
	p2 =	sne.s32 s30, $0x5  }
.Ltmp18:
0x1ce: {  	_ = 	snop;
	(pc) =	sbr.rel @p2 .LBB2_24-.Ltmp18, $2  }
0x1cf: {  	_ =	sdelay $0x2  }
0x1d0: {  	s29 =	sadd.s32 $0xFA0, s29;
	s8 =	sadd.s32 $0xFA0, s8;
	s20 =	sadd.s32 s11, s31;
	[tilespmem:$0x17710] =	vst @!p1 v1  }
0x1d1: {  	s1 =	simm.s32 $0x1  }
0x1d2: {  	s0 =	sadd.s32 s14, s0;
	s21 =	simm.s32 $0x0;
	s8 =	simm.s32 $0x17710  }
0x1d3: {  	s29 =	sadd.s32 $0x3F, s20;
	_ =	swait.ge [sflag:s1], $0x7D0;
	s0 =	sshrl.u32 s0, $0x3  }
0x1d4: {  	s30 =	sand.u32 $0x3F, s29;
	s10 =	sshra.s32 s29, $0x1F;
	p1 =	slt.s32 s29, $0x1  }
0x1d5: {  	[sflag:s1] =	ssyncset.done $0x0;
	s0 =	sadd.s32 s9, s0;
	p2 =	sne.s32 s30, $0x0  }
0x1d6: {  	s31 =	sshrl.u32 s10, $0x1A;
	[sflag:s1] =	ssyncadd.s32 $0xFFFFF830;
	p1 =	por !p1, !p2  }
0x1d7: {  	[hbm4b:s0+s21] =	stream.linear.scatter [tilespmem:s8], [sflag:$0x3], $0x800, $0x38;
	[tilespmem:$0x1E710] =	vst v63  }
0x1d8: {  	s0 =	sadd.s32 s31, s29;
	p1 =	por !p1, !p1  }
0x1d9: {  	s0 =	sshra.s32 s0, $0x6;
	s1 =	simm.s32 @!p1 $0x0  }
0x1da: {  	s18 =	ssub.s32 s0, s1  }
0x1db: {  	p1 =	slt.s32 s18, $0x1  }
.Ltmp19:
0x1dc: {  	s19 =	simm.s32 $0x3;
	(pc) =	sbr.rel @p1 .LBB2_34-.Ltmp19, $4  }
0x1dd: {  	_ =	swait.ge [sflag:s19], $0x800  }
0x1de: {  	[sflag:s19] =	ssyncset.done $0x0  }
0x1df: {  	v0 =	vmov s20;
	[sflag:s19] =	ssyncadd.s32 $0xFFFFF800  }
0x1e0: {  	[tilespmem:$0x1CC90] =	vst v0  }
0x1e1: {  	s22 =	simm.s32 $0x18010;
	s23 =	simm.s32 $0x40  }
0x1e2: {  	s24 =	simm.s32 $0x18090;
	s25 =	simm.s32 $0x18110;
	s26 =	simm.s32 $0x18290  }
0x1e3: {  	s28 =	simm.s32 $0x1A290;
	s29 =	simm.s32 $0x1CA90;
	s15 =	rddreg [dreg:$0x6]  }
0x1e4: {  	v1 =	vimm.f32 $-1.000000020e+30;
	s30 =	simm.s32 $0x0;
	s31 =	simm.s32 $0x0;
	s16 =	rddreg [dreg:$0xd]  }
.LBB2_36:
0x1e5: {  	s0 =	sshll.u32 s31, $0x6  }
0x1e6: {  	s0 =	sadd.s32 s14, s0  }
0x1e7: {  	s0 =	sshrl.u32 s0, $0x3  }
0x1e8: {  	s8 =	simm.s32 $0x0;
	s1 =	sadd.s32 s9, s0  }
0x1e9: {  	[tilespmem:s22], [sflag:$0x3] =	stream.linear.gather [hbm4b:s1+s8], $0x40, $0x38;
	[tilespmem:$0x1E710] =	vst v63  }
0x1ea: {  	_ =	swait.ge [sflag:s19], $0x40  }
0x1eb: {  	[sflag:s19] =	ssyncset.done $0x0  }
0x1ec: {  	[sflag:s19] =	ssyncadd.s32 $0xFFFFFFC0  }
0x1ed: {  	v2 =	vld [tilespmem:$0x18010]  }
0x1ee: {  	v3 =	vld [tilespmem:$0x18020]  }
0x1ef: {  	v4 =	vld [tilespmem:$0x18030]  }
0x1f0: {  	v5 =	vld [tilespmem:$0x18040];
	_ =	sdelay $0x1  }
0x1f1: {  	vm0 =	vgt.s32 v2, $0x0  }
0x1f2: {  	vm13 =	vgt.s32 v3, $0x0;
	v2 =	vnsel vm0, $0x0, v2  }
0x1f3: {  	vm14 =	vgt.s32 v4, $0x0;
	v3 =	vnsel vm13, $0x0, v3;
	v2 =	vmin.u32 v2, $0x4E1FF  }
0x1f4: {  	vm15 =	vgt.s32 v5, $0x0;
	[tilespmem:$0x18010] =	vst v2;
	v2 =	vmin.u32 v3, $0x4E1FF;
	v3 =	vnsel vm14, $0x0, v4  }
0x1f5: {  	[tilespmem:$0x18020] =	vst v2;
	v2 =	vmin.u32 v3, $0x4E1FF;
	v3 =	vnsel vm15, $0x0, v5  }
0x1f6: {  	[tilespmem:$0x18030] =	vst v2;
	v2 =	vmin.u32 v3, $0x4E1FF  }
0x1f7: {  	[tilespmem:$0x18040] =	vst v2  }
0x1f8: {  	[tilespmem:s24], [sflag:$0x3] =	stream.indirect.gather [hbm4b:s5+s23], $0x1, s22, s23, $0xb8;
	[tilespmem:$0x1E710] =	vst v63  }
0x1f9: {  	_ =	swait.ge [sflag:s19], $0x40  }
0x1fa: {  	[sflag:s19] =	ssyncset.done $0x0  }
0x1fb: {  	[sflag:s19] =	ssyncadd.s32 $0xFFFFFFC0  }
0x1fc: {  	[tilespmem:s25], [sflag:$0x3] =	stream.indirect.gather [hbm4b:s6+s23], $0x1, s22, s23, $0xb8;
	[tilespmem:$0x1E710] =	vst v63  }
0x1fd: {  	_ =	swait.ge [sflag:s19], $0x40  }
0x1fe: {  	[sflag:s19] =	ssyncset.done $0x0  }
0x1ff: {  	[sflag:s19] =	ssyncadd.s32 $0xFFFFFFC0  }
0x200: {  	[tilespmem:s26], [sflag:$0x3] =	stream.indirect.gather [hbm4b:s7+s23], $0x80, s24, s23, $0xb8;
	[tilespmem:$0x1E710] =	vst v63  }
0x201: {  	_ =	swait.ge [sflag:s19], $0x2000  }
0x202: {  	[sflag:s19] =	ssyncset.done $0x0  }
0x203: {  	[sflag:s19] =	ssyncadd.s32 $0xFFFFE000  }
0x204: {  	[tilespmem:s28], [sflag:$0x3] =	stream.indirect.gather [hbm4b:s16+s23], $0x80, s25, s23, $0xb8;
	[tilespmem:$0x1E710] =	vst v63  }
0x205: {  	_ =	swait.ge [sflag:s19], $0x2000  }
0x206: {  	[sflag:s19] =	ssyncset.done $0x0  }
0x207: {  	s11 =	simm.s32 $0x1A2D0;
	[sflag:s19] =	ssyncadd.s32 $0xFFFFE000  }
0x208: {  	v2 =	vld [tilespmem:s11+$0x30]  }
0x209: {  	v3 =	vld [tilespmem:s11+$0x20]  }
0x20a: {  	v4 =	vld [tilespmem:s11+$0x10]  }
0x20b: {  	v5 =	vld [tilespmem:s11+$0x0]  }
0x20c: {  	v6 =	vld [tilespmem:s11+$0xFFFFFFF0]  }
0x20d: {  	s10 =	simm.s32 $0x182D0;
	v8 =	vld [tilespmem:s11+$0xFFFFFFC0]  }
0x20e: {  	v9 =	vld [tilespmem:s10+$0xFFFFFFC0]  }
0x20f: {  	s12 =	simm.s32 $0x1;
	v7 =	vld [tilespmem:s11+$0xFFFFFFD0]  }
.LBB2_37:
0x210: {  	p2 =	sne.s32 s12, $0x3F;
	v10 =	vld [tilespmem:s10+$0xFFFFFFD0]  }
0x211: {  	v11 =	vld [tilespmem:s11+$0xFFFFFFE0]  }
0x212: {  	v12 =	vld [tilespmem:s10+$0xFFFFFFE0]  }
0x213: {  	v8 =	vadd.f32 v8, v9;
	v9 =	vld [tilespmem:$0x1CC10]  }
0x214: {  	v13 =	vld [tilespmem:s10+$0xFFFFFFF0]  }
0x215: {  	v14 =	vmul.f32 $2.000000030e-01, v8;
	v7 =	vadd.f32 v7, v10;
	v10 =	vld [tilespmem:$0x1CC20]  }
0x216: {  	v15 =	vld [tilespmem:s10+$0x0]  }
0x217: {  	v8 =	vmax.f32 v8, v14;
	v14 =	vmul.f32 $2.000000030e-01, v7;
	v11 =	vadd.f32 v11, v12;
	v12 =	vld [tilespmem:$0x1CC30]  }
0x218: {  	v8 =	vmul.f32 v8, v9;
	v9 =	vld [tilespmem:s10+$0x10]  }
0x219: {  	v7 =	vmax.f32 v7, v14;
	v14 =	vmul.f32 $2.000000030e-01, v11;
	v6 =	vadd.f32 v6, v13;
	v13 =	vld [tilespmem:$0x1CC40]  }
0x21a: {  	v8 =	vadd.f32 $0.0e+00, v8;
	v7 =	vmul.f32 v7, v10;
	v10 =	vld [tilespmem:s10+$0x20]  }
0x21b: {  	v11 =	vmax.f32 v11, v14;
	v14 =	vmul.f32 $2.000000030e-01, v6;
	v5 =	vadd.f32 v5, v15;
	v15 =	vld [tilespmem:$0x1CC50]  }
0x21c: {  	v7 =	vadd.f32 v7, v8;
	v8 =	vmul.f32 v11, v12;
	v11 =	vld [tilespmem:s10+$0x30]  }
0x21d: {  	v6 =	vmax.f32 v6, v14;
	v12 =	vmul.f32 $2.000000030e-01, v5;
	v4 =	vadd.f32 v4, v9;
	v9 =	vld [tilespmem:$0x1CC60]  }
0x21e: {  	v7 =	vadd.f32 v8, v7;
	v6 =	vmul.f32 v6, v13  }
0x21f: {  	v5 =	vmax.f32 v5, v12;
	v8 =	vmul.f32 $2.000000030e-01, v4;
	v3 =	vadd.f32 v3, v10;
	v10 =	vld [tilespmem:$0x1CC70]  }
0x220: {  	v6 =	vadd.f32 v6, v7;
	v5 =	vmul.f32 v5, v15  }
0x221: {  	v4 =	vmax.f32 v4, v8;
	v7 =	vmul.f32 $2.000000030e-01, v3;
	v2 =	vadd.f32 v2, v11;
	v8 =	vld [tilespmem:$0x1CC80]  }
0x222: {  	v5 =	vadd.f32 v5, v6;
	v4 =	vmul.f32 v4, v9  }
0x223: {  	v3 =	vmax.f32 v3, v7;
	v6 =	vmul.f32 $2.000000030e-01, v2  }
0x224: {  	v4 =	vadd.f32 v4, v5;
	v3 =	vmul.f32 v3, v10  }
0x225: {  	v2 =	vmax.f32 v2, v6  }
0x226: {  	v3 =	vadd.f32 v3, v4;
	v2 =	vmul.f32 v2, v8;
	_ =	sdelay $0x1  }
0x227: {  	v2 =	vadd.f32 v2, v3;
	_ =	sdelay $0x1  }
0x228: {  	(v2sf) =	vpush v2, $0x0  }
0x229: {  	(v2sf) =	vpush v2, $0x1;
	_ =	sdelay $0x1  }
0x22a: {  	(v2sf) =	vpush v2, $0x2;
	_ =	sdelay $0x1  }
0x22b: {  	(v2sf) =	vpush v2, $0x3;
	_ =	sdelay $0x1  }
0x22c: {  	(v2sf) =	vpush v2, $0x4;
	_ =	sdelay $0x1  }
0x22d: {  	(v2sf) =	vpush v2, $0x5;
	_ =	sdelay $0x1  }
0x22e: {  	(v2sf) =	vpush v2, $0x6;
	_ =	sdelay $0x1  }
0x22f: {  	(v2sf) =	vpush v2, $0x7;
	_ =	sdelay $0x1  }
0x230: {  	s1 =	spop (v2sf);
	(v2sf) =	vpush v2, $0x8  }
0x231: {  	s13 =	spop (v2sf)  }
0x232: {  	s1 =	sadd.f32 s13, s1;
	(v2sf) =	vpush v2, $0x9  }
0x233: {  	s13 =	spop (v2sf)  }
0x234: {  	s1 =	sadd.f32 s1, s13;
	(v2sf) =	vpush v2, $0xA  }
0x235: {  	s13 =	spop (v2sf)  }
0x236: {  	s1 =	sadd.f32 s1, s13;
	(v2sf) =	vpush v2, $0xB  }
0x237: {  	s13 =	spop (v2sf)  }
0x238: {  	s1 =	sadd.f32 s1, s13;
	(v2sf) =	vpush v2, $0xC  }
0x239: {  	s13 =	spop (v2sf)  }
0x23a: {  	s1 =	sadd.f32 s1, s13;
	(v2sf) =	vpush v2, $0xD  }
0x23b: {  	s13 =	spop (v2sf)  }
0x23c: {  	s1 =	sadd.f32 s1, s13;
	(v2sf) =	vpush v2, $0xE  }
0x23d: {  	s13 =	spop (v2sf)  }
0x23e: {  	s1 =	sadd.f32 s1, s13;
	(v2sf) =	vpush v2, $0xF  }
0x23f: {  	s13 =	spop (v2sf)  }
0x240: {  	s1 =	sadd.f32 s1, s13  }
0x241: {  	s13 =	spop (v2sf)  }
0x242: {  	s1 =	sadd.f32 s1, s13  }
0x243: {  	s13 =	spop (v2sf)  }
0x244: {  	s1 =	sadd.f32 s1, s13  }
0x245: {  	s13 =	spop (v2sf)  }
0x246: {  	s1 =	sadd.f32 s1, s13  }
0x247: {  	s13 =	spop (v2sf)  }
0x248: {  	s1 =	sadd.f32 s1, s13  }
0x249: {  	s13 =	spop (v2sf)  }
0x24a: {  	s1 =	sadd.f32 s1, s13  }
0x24b: {  	s13 =	spop (v2sf)  }
0x24c: {  	v2 =	vmov s8;
	s1 =	sadd.f32 s1, s13  }
0x24d: {  	s13 =	spop (v2sf)  }
0x24e: {  	s1 =	sadd.f32 s1, s13;
	s13 =	sadd.s32 s8, s30;
	s8 =	smov.u32 s12  }
0x24f: {  	p3 =	slt.s32 s13, s20  }
0x250: {  	v3 =	vmov s1;
	s1 =	simm.s32 @!p3 $0xF149F2CA  }
0x251: {  	s11 =	sadd.s32 $0x80, s11;
	[tilespmem:v2+s29+$0x0] =	vst.idx.msk $0x1, v3;
	v1 =	vmax.f32 v1, s1  }
0x252: {  	v2 =	vld [tilespmem:s11+$0x30]  }
0x253: {  	v3 =	vld [tilespmem:s11+$0x20]  }
0x254: {  	v4 =	vld [tilespmem:s11+$0x10]  }
.Ltmp20:
0x255: {  	v5 =	vld [tilespmem:s11+$0x0];
	(pc) =	sbr.rel @p2 .LBB2_37-.Ltmp20, $4  }
0x256: {  	v6 =	vld [tilespmem:s11+$0xFFFFFFF0]  }
0x257: {  	s10 =	sadd.s32 $0x80, s10;
	v8 =	vld [tilespmem:s11+$0xFFFFFFC0]  }
0x258: {  	v9 =	vld [tilespmem:s10+$0xFFFFFFC0]  }
0x259: {  	s12 =	sadd.s32 $0x1, s12;
	v7 =	vld [tilespmem:s11+$0xFFFFFFD0]  }
0x25a: {  	v10 =	vld [tilespmem:s10+$0xFFFFFFD0]  }
0x25b: {  	v11 =	vld [tilespmem:s11+$0xFFFFFFE0]  }
0x25c: {  	v12 =	vld [tilespmem:s10+$0xFFFFFFE0]  }
0x25d: {  	v45 =	vld [tilespmem:$0x1CC10];
	v8 =	vadd.f32 v8, v9  }
0x25e: {  	v13 =	vld [tilespmem:s10+$0xFFFFFFF0]  }
0x25f: {  	v46 =	vld [tilespmem:$0x1CC20];
	v14 =	vmul.f32 $2.000000030e-01, v8;
	v7 =	vadd.f32 v7, v10  }
0x260: {  	v15 =	vld [tilespmem:s10+$0x0]  }
0x261: {  	v48 =	vld [tilespmem:$0x1CC30];
	v11 =	vadd.f32 v11, v12;
	v8 =	vmax.f32 v8, v14;
	v47 =	vmul.f32 $2.000000030e-01, v7  }
0x262: {  	v49 =	vld [tilespmem:s10+$0x10];
	v8 =	vmul.f32 v8, v45  }
0x263: {  	v51 =	vld [tilespmem:$0x1CC40];
	v6 =	vadd.f32 v6, v13;
	v50 =	vmul.f32 $2.000000030e-01, v11;
	v7 =	vmax.f32 v7, v47  }
0x264: {  	v52 =	vld [tilespmem:s10+$0x20];
	v8 =	vadd.f32 $0.0e+00, v8;
	v7 =	vmul.f32 v7, v46  }
0x265: {  	v54 =	vld [tilespmem:$0x1CC50];
	v5 =	vadd.f32 v5, v15;
	v53 =	vmul.f32 $2.000000030e-01, v6;
	v11 =	vmax.f32 v11, v50  }
0x266: {  	v56 =	vld [tilespmem:s10+$0x30];
	v55 =	vmul.f32 v11, v48;
	v7 =	vadd.f32 v7, v8  }
0x267: {  	v58 =	vld [tilespmem:$0x1CC60];
	v4 =	vadd.f32 v4, v49;
	v57 =	vmul.f32 $2.000000030e-01, v5;
	v6 =	vmax.f32 v6, v53  }
0x268: {  	v6 =	vmul.f32 v6, v51;
	v7 =	vadd.f32 v55, v7  }
0x269: {  	v60 =	vld [tilespmem:$0x1CC70];
	v3 =	vadd.f32 v3, v52;
	v59 =	vmul.f32 $2.000000030e-01, v4;
	v5 =	vmax.f32 v5, v57  }
0x26a: {  	v5 =	vmul.f32 v5, v54;
	v6 =	vadd.f32 v6, v7  }
0x26b: {  	v62 =	vld [tilespmem:$0x1CC80];
	v2 =	vadd.f32 v2, v56;
	v61 =	vmul.f32 $2.000000030e-01, v3;
	v4 =	vmax.f32 v4, v59  }
0x26c: {  	v4 =	vmul.f32 v4, v58;
	v5 =	vadd.f32 v5, v6  }
0x26d: {  	v63 =	vmul.f32 $2.000000030e-01, v2;
	v3 =	vmax.f32 v3, v61  }
0x26e: {  	v3 =	vmul.f32 v3, v60;
	v4 =	vadd.f32 v4, v5  }
0x26f: {  	v2 =	vmax.f32 v2, v63  }
0x270: {  	v2 =	vmul.f32 v2, v62;
	v3 =	vadd.f32 v3, v4;
	_ =	sdelay $0x1  }
0x271: {  	v2 =	vadd.f32 v2, v3;
	_ =	sdelay $0x1  }
0x272: {  	(v2sf) =	vpush v2, $0x0  }
0x273: {  	(v2sf) =	vpush v2, $0x1;
	_ =	sdelay $0x1  }
0x274: {  	(v2sf) =	vpush v2, $0x2;
	_ =	sdelay $0x1  }
0x275: {  	(v2sf) =	vpush v2, $0x3;
	_ =	sdelay $0x1  }
0x276: {  	(v2sf) =	vpush v2, $0x4;
	_ =	sdelay $0x1  }
0x277: {  	(v2sf) =	vpush v2, $0x5;
	_ =	sdelay $0x1  }
0x278: {  	(v2sf) =	vpush v2, $0x6;
	_ =	sdelay $0x1  }
0x279: {  	(v2sf) =	vpush v2, $0x7;
	_ =	sdelay $0x1  }
0x27a: {  	s1 =	spop (v2sf);
	(v2sf) =	vpush v2, $0x8  }
0x27b: {  	s11 =	spop (v2sf)  }
0x27c: {  	(v2sf) =	vpush v2, $0x9;
	s1 =	sadd.f32 s11, s1  }
0x27d: {  	s12 =	spop (v2sf)  }
0x27e: {  	(v2sf) =	vpush v2, $0xA;
	s1 =	sadd.f32 s1, s12  }
0x27f: {  	s13 =	spop (v2sf)  }
0x280: {  	(v2sf) =	vpush v2, $0xB;
	s1 =	sadd.f32 s1, s13  }
0x281: {  	s17 =	spop (v2sf)  }
0x282: {  	(v2sf) =	vpush v2, $0xC;
	s1 =	sadd.f32 s1, s17  }
0x283: {  	s11 =	spop (v2sf)  }
0x284: {  	(v2sf) =	vpush v2, $0xD;
	s1 =	sadd.f32 s1, s11  }
0x285: {  	s12 =	spop (v2sf)  }
0x286: {  	(v2sf) =	vpush v2, $0xE;
	s1 =	sadd.f32 s1, s12  }
0x287: {  	s13 =	spop (v2sf)  }
0x288: {  	(v2sf) =	vpush v2, $0xF;
	s1 =	sadd.f32 s1, s13  }
0x289: {  	s17 =	spop (v2sf)  }
0x28a: {  	s1 =	sadd.f32 s1, s17  }
0x28b: {  	s11 =	spop (v2sf)  }
0x28c: {  	s1 =	sadd.f32 s1, s11  }
0x28d: {  	s12 =	spop (v2sf)  }
0x28e: {  	s1 =	sadd.f32 s1, s12  }
0x28f: {  	s13 =	spop (v2sf)  }
0x290: {  	s1 =	sadd.f32 s1, s13  }
0x291: {  	s17 =	spop (v2sf)  }
0x292: {  	s1 =	sadd.f32 s1, s17  }
0x293: {  	s11 =	spop (v2sf)  }
0x294: {  	s1 =	sadd.f32 s1, s11  }
0x295: {  	s12 =	spop (v2sf)  }
0x296: {  	v2 =	vmov s8;
	s1 =	sadd.f32 s1, s12  }
0x297: {  	s13 =	spop (v2sf)  }
0x298: {  	s1 =	sadd.f32 s1, s13  }
0x299: {  	s17 =	sadd.s32 s8, s30  }
0x29a: {  	s31 =	sadd.s32 $0x1, s31;
	p2 =	slt.s32 s17, s20;
	v3 =	vmov s1  }
0x29b: {  	s0 =	sadd.s32 s0, s4;
	s1 =	simm.s32 @!p2 $0xF149F2CA;
	p2 =	sne.s32 s31, s18;
	[tilespmem:v2+s29+$0x0] =	vst.idx.msk $0x1, v3  }
0x29c: {  	[hbm4b:s0+s21] =	stream.linear.scatter [tilespmem:s29], [sflag:$0x3], $0x40, $0x38;
	[tilespmem:$0x1E710] =	vst v63  }
.Ltmp21:
0x29d: {  	_ = 	snop;
	(pc) =	sbr.rel @p2 .LBB2_36-.Ltmp21, $4  }
.Ltmp22:
0x29e: {  	_ = 	snop;
	(pc) =	sbr.rel @!p2 .LBB2_39-.Ltmp22, $4  }
0x29f: {  	_ =	swait.ge [sflag:s19], $0x40  }
0x2a0: {  	[sflag:s19] =	ssyncset.done $0x0  }
0x2a1: {  	s30 =	sadd.s32 $0x40, s30;
	v1 =	vmax.f32 v1, s1;
	[sflag:s19] =	ssyncadd.s32 $0xFFFFFFC0  }
0x2a2: {  	_ = 	snop  }
.LBB2_34:
0x2a3: {  	v1 =	vimm.f32 $-1.000000020e+30;
	s15 =	rddreg [dreg:$0x6]  }
.LBB2_39:
0x2a4: {  	[tilespmem:$0x1CD10] =	vst v1;
	s0 =	simm.s32 $0x1CD10;
	s1 =	rddreg [dreg:$0xe]  }
0x2a5: {  	[spmem:s1] =	stream.linear.scatter [tilespmem:s0], [sflag:$0x3], $0x10, $0x38;
	[tilespmem:$0x1E710] =	vst v63  }
0x2a6: {  	_ =	swait.ge [sflag:s19], $0x10  }
0x2a7: {  	[sflag:s19] =	ssyncset.done $0x0  }
0x2a8: {  	[sflag:s19] =	ssyncadd.s32 $0xFFFFFFF0  }
.Ltmp23:
0x2a9: {  	s31 =	simm.s32 $0x1D590;
	[bflag:$0x0] =	sbarrier.arrive $0xFFFF;
	(pc) =	sbr.rel @p1 .LBB2_48-.Ltmp23, $4  }
0x2aa: {  	[tilespmem:s31], [sflag:$0x3] =	stream.linear.gather [spmem:s15], $0x100, $0x38;
	[tilespmem:$0x1E710] =	vst v63  }
0x2ab: {  	_ =	swait.ge [sflag:s19], $0x100  }
0x2ac: {  	[sflag:s19] =	ssyncset.done $0x0  }
0x2ad: {  	[sflag:s19] =	ssyncadd.s32 $0xFFFFFF00  }
0x2ae: {  	v1 =	vld [tilespmem:$0x1D590]  }
0x2af: {  	v2 =	vld [tilespmem:$0x1D5A0]  }
0x2b0: {  	v3 =	vld [tilespmem:$0x1D5B0]  }
0x2b1: {  	v4 =	vld [tilespmem:$0x1D5C0]  }
0x2b2: {  	v5 =	vld [tilespmem:$0x1D5D0]  }
0x2b3: {  	v6 =	vld [tilespmem:$0x1D5E0]  }
0x2b4: {  	v7 =	vld [tilespmem:$0x1D5F0]  }
0x2b5: {  	v8 =	vld [tilespmem:$0x1D600]  }
0x2b6: {  	v9 =	vld [tilespmem:$0x1D610]  }
0x2b7: {  	v10 =	vld [tilespmem:$0x1D620]  }
0x2b8: {  	v11 =	vld [tilespmem:$0x1D630]  }
0x2b9: {  	v12 =	vld [tilespmem:$0x1D640];
	s29 =	stileid.u32  }
0x2ba: {  	v13 =	vld [tilespmem:$0x1D650];
	s15 =	smul.u32 $0xAC4, s29  }
0x2bb: {  	v14 =	vld [tilespmem:$0x1D660];
	s8 =	simm.s32 $0x0  }
0x2bc: {  	v15 =	vld [tilespmem:$0x1D670];
	s16 =	simm.s32 $0x18010;
	s0 =	simm.s32 $0x3;
	s1 =	sadd.s32 s15, s9  }
0x2bd: {  	v16 =	vld [tilespmem:$0x1D680];
	[tilespmem:s16], [sflag:$0x3] =	stream.linear.gather [hbm4b:s1+s8], $0x40, $0x38  }
0x2be: {  	_ =	swait.ge [sflag:s0], $0x40  }
0x2bf: {  	[sflag:s0] =	ssyncset.done $0x0  }
0x2c0: {  	[sflag:s0] =	ssyncadd.s32 $0xFFFFFFC0  }
0x2c1: {  	v17 =	vld [tilespmem:$0x18010]  }
0x2c2: {  	v18 =	vld [tilespmem:$0x18030]  }
0x2c3: {  	v19 =	vld [tilespmem:$0x18040]  }
0x2c4: {  	v20 =	vld [tilespmem:$0x18020];
	_ =	sdelay $0x1  }
0x2c5: {  	vm0 =	vgt.s32 v17, $0x0  }
0x2c6: {  	v17 =	vnsel vm0, $0x0, v17;
	vm0 =	vgt.s32 v18, $0x0  }
0x2c7: {  	v17 =	vmin.u32 v17, $0x4E1FF;
	v18 =	vnsel vm0, $0x0, v18;
	vm0 =	vgt.s32 v19, $0x0  }
0x2c8: {  	[tilespmem:$0x18010] =	vst v17;
	v51 =	vnsel vm0, $0x0, v19;
	vm0 =	vgt.s32 v20, $0x0;
	v18 =	vmin.u32 v18, $0x4E1FF  }
0x2c9: {  	v1 =	vmax.f32 v1, $-1.000000020e+30;
	[tilespmem:$0x18030] =	vst v18;
	v52 =	vnsel vm0, $0x0, v20;
	v17 =	vmin.u32 v51, $0x4E1FF  }
0x2ca: {  	v1 =	vmax.f32 v1, v2;
	[tilespmem:$0x18040] =	vst v17;
	v2 =	vmin.u32 v52, $0x4E1FF  }
0x2cb: {  	s17 =	simm.s32 $0x40;
	s19 =	simm.s32 $0x18110;
	v1 =	vmax.f32 v1, v3;
	[tilespmem:$0x18020] =	vst v2  }
0x2cc: {  	v1 =	vmax.f32 v1, v4;
	[tilespmem:s19], [sflag:$0x3] =	stream.indirect.gather [hbm4b:s6+s17], $0x1, s16, s17, $0xb8;
	[tilespmem:$0x1E710] =	vst v63  }
0x2cd: {  	v1 =	vmax.f32 v1, v5;
	_ =	swait.ge [sflag:s0], $0x40  }
0x2ce: {  	v1 =	vmax.f32 v1, v6;
	[sflag:s0] =	ssyncset.done $0x0  }
0x2cf: {  	s10 =	simm.s32 $0x1CA90;
	s11 =	sadd.s32 s15, s4;
	v1 =	vmax.f32 v1, v7;
	[sflag:s0] =	ssyncadd.s32 $0xFFFFFFC0  }
0x2d0: {  	v1 =	vmax.f32 v1, v8;
	[tilespmem:s10], [sflag:$0x3] =	stream.linear.gather [hbm4b:s11+s8], $0x40, $0x38;
	[tilespmem:$0x1E710] =	vst v63  }
0x2d1: {  	v1 =	vmax.f32 v1, v9;
	_ =	swait.ge [sflag:s0], $0x40  }
0x2d2: {  	v1 =	vmax.f32 v1, v10;
	[sflag:s0] =	ssyncset.done $0x0  }
0x2d3: {  	v1 =	vmax.f32 v1, v11;
	[sflag:s0] =	ssyncadd.s32 $0xFFFFFFC0  }
0x2d4: {  	v1 =	vmax.f32 v1, v12;
	v2 =	vld [tilespmem:$0x1CA90]  }
0x2d5: {  	v1 =	vmax.f32 v1, v13;
	v3 =	vld [tilespmem:$0x1CAA0]  }
0x2d6: {  	v1 =	vmax.f32 v1, v14;
	v53 =	vld [tilespmem:$0x1CAB0]  }
0x2d7: {  	v1 =	vmax.f32 v1, v15;
	v54 =	vld [tilespmem:$0x1CAC0]  }
0x2d8: {  	v1 =	vmax.f32 v1, v16  }
0x2d9: {  	v55 =	vsub.f32 v2, v1  }
0x2da: {  	v3 =	vsub.f32 v3, v1  }
0x2db: {  	v4 =	vsub.f32 v53, v1;
	v6 =	vmul.f32 $1.442695020e+00, v55  }
0x2dc: {  	v56 =	vld [tilespmem:$0x18140];
	v5 =	vsub.f32 v54, v1;
	v3 =	vmul.f32 $1.442695020e+00, v3  }
0x2dd: {  	v58 =	vld [tilespmem:$0x18120];
	v4 =	vmul.f32 $1.442695020e+00, v4;
	(erf) = vpow2.f32 v6  }
0x2de: {  	s31 =	simm.s32 $0x30;
	v59 =	vld [tilespmem:$0x18110];
	v2 =	vlaneseq.u32;
	v5 =	vmul.f32 $1.442695020e+00, v5;
	(erf) = vpow2.f32 v3  }
0x2df: {  	s12 =	simm.s32 $0x10;
	v62 =	vld [tilespmem:$0x18130];
	v61 =	vor.u32 s31, v2;
	(erf) = vpow2.f32 v4  }
0x2e0: {  	p1 =	seq.s32 s18, $0x1;
	v63 =	vor.u32 s12, v2;
	vm1 =	vlt.s32 v61, v0;
	(erf) = vpow2.f32 v5  }
.Ltmp24:
0x2e1: {  	s30 =	simm.s32 $0x20;
	v57 =	vor.u32 s8, v2;
	vm2 =	vlt.s32 v63, v0;
	v7 =	vnsel vm1, $0x2710, v56;
	(pc) =	sbr.rel @p1 .LBB2_42-.Ltmp24, $4  }
0x2e2: {  	v60 =	vor.u32 s30, v2;
	vm0 =	vlt.s32 v57, v0;
	v9 =	vnsel vm2, $0x2710, v58;
	[tilespmem:$0x181C0] =	vst v7  }
0x2e3: {  	vm3 =	vlt.s32 v60, v0;
	[tilespmem:$0x181A0] =	vst v9;
	v3 =	vnsel vm0, $0x2710, v59  }
0x2e4: {  	[tilespmem:$0x18190] =	vst v3;
	v3 =	vnsel vm3, $0x2710, v62  }
0x2e5: {  	s20 =	sadd.s32 $0xFFFFFFFF, s18;
	s21 =	simm.s32 $0x40;
	s12 =	simm.s32 $0x18190;
	[tilespmem:$0x181B0] =	vst v3  }
.LBB2_41:
0x2e6: {  	p1 =	seq.s32 s20, $0x1;
	s20 =	sadd.s32 $0xFFFFFFFF, s20;
	s15 =	sadd.s32 $0x8, s15;
	v3 =	vpop (erf)  }
0x2e7: {  	v3 =	vnsel vm0, $0x0, v3;
	v4 =	vpop (erf)  }
0x2e8: {  	[tilespmem:$0x1CA90] =	vst v3;
	v3 =	vnsel vm2, $0x0, v4;
	v4 =	vpop (erf)  }
0x2e9: {  	[tilespmem:$0x1CAA0] =	vst v3;
	v3 =	vnsel vm3, $0x0, v4;
	v4 =	vpop (erf)  }
0x2ea: {  	[tilespmem:$0x1CAB0] =	vst v3;
	v3 =	vnsel vm1, $0x0, v4  }
0x2eb: {  	[tilespmem:$0x1CAC0] =	vst v3  }
0x2ec: {  	[hbm4b:s11+s8] =	stream.linear.scatter [tilespmem:s10], [sflag:$0x3], $0x40, $0x38;
	[tilespmem:$0x1E710] =	vst v63  }
0x2ed: {  	_ =	swait.ge [sflag:s0], $0x40  }
0x2ee: {  	[sflag:s0] =	ssyncset.done $0x0  }
0x2ef: {  	[sflag:s0] =	ssyncadd.s32 $0xFFFFFFC0  }
0x2f0: {  	[spmem:s3] =	stream.indirect.scatter.add.f32 [tilespmem:s10], [sflag:$0x3], $0x1, s12, s17, $0xb8;
	[tilespmem:$0x1E710] =	vst v63  }
0x2f1: {  	_ =	swait.ge [sflag:s0], $0x40  }
0x2f2: {  	[sflag:s0] =	ssyncset.done $0x0  }
0x2f3: {  	s1 =	sadd.s32 s15, s9;
	[sflag:s0] =	ssyncadd.s32 $0xFFFFFFC0  }
0x2f4: {  	[tilespmem:s16], [sflag:$0x3] =	stream.linear.gather [hbm4b:s1+s8], $0x40, $0x38;
	[tilespmem:$0x1E710] =	vst v63  }
0x2f5: {  	_ =	swait.ge [sflag:s0], $0x40  }
0x2f6: {  	[sflag:s0] =	ssyncset.done $0x0  }
0x2f7: {  	[sflag:s0] =	ssyncadd.s32 $0xFFFFFFC0  }
0x2f8: {  	v3 =	vld [tilespmem:$0x18010]  }
0x2f9: {  	v4 =	vld [tilespmem:$0x18030]  }
0x2fa: {  	v5 =	vld [tilespmem:$0x18040]  }
0x2fb: {  	v6 =	vld [tilespmem:$0x18020];
	_ =	sdelay $0x1  }
0x2fc: {  	vm0 =	vgt.s32 v3, $0x0  }
0x2fd: {  	v3 =	vnsel vm0, $0x0, v3;
	vm0 =	vgt.s32 v4, $0x0  }
0x2fe: {  	v3 =	vmin.u32 v3, $0x4E1FF;
	v4 =	vnsel vm0, $0x0, v4;
	vm0 =	vgt.s32 v5, $0x0  }
0x2ff: {  	s11 =	sadd.s32 s15, s4;
	[tilespmem:$0x18010] =	vst v3;
	vm1 =	vgt.s32 v6, $0x0;
	v3 =	vmin.u32 v4, $0x4E1FF;
	v4 =	vnsel vm0, $0x0, v5  }
0x300: {  	v5 =	vnsel vm1, $0x0, v6;
	[tilespmem:$0x18030] =	vst v3;
	v3 =	vmin.u32 v4, $0x4E1FF  }
0x301: {  	v4 =	vmin.u32 v5, $0x4E1FF;
	[tilespmem:$0x18040] =	vst v3  }
0x302: {  	[tilespmem:$0x18020] =	vst v4  }
0x303: {  	[tilespmem:s19], [sflag:$0x3] =	stream.indirect.gather [hbm4b:s6+s17], $0x1, s16, s17, $0xb8;
	[tilespmem:$0x1E710] =	vst v63  }
0x304: {  	_ =	swait.ge [sflag:s0], $0x40  }
0x305: {  	[sflag:s0] =	ssyncset.done $0x0  }
0x306: {  	[sflag:s0] =	ssyncadd.s32 $0xFFFFFFC0  }
0x307: {  	[tilespmem:s10], [sflag:$0x3] =	stream.linear.gather [hbm4b:s11+s8], $0x40, $0x38;
	[tilespmem:$0x1E710] =	vst v63  }
0x308: {  	_ =	swait.ge [sflag:s0], $0x40  }
0x309: {  	[sflag:s0] =	ssyncset.done $0x0  }
0x30a: {  	[sflag:s0] =	ssyncadd.s32 $0xFFFFFFC0  }
0x30b: {  	v4 =	vor.u32 s21, v2;
	v3 =	vld [tilespmem:$0x1CA90]  }
0x30c: {  	s1 =	sadd.s32 $0x20, s21;
	vm0 =	vlt.s32 v4, v0;
	v4 =	vld [tilespmem:$0x1CAA0]  }
0x30d: {  	v5 =	vld [tilespmem:$0x1CAB0]  }
0x30e: {  	v6 =	vld [tilespmem:$0x1CAC0]  }
0x30f: {  	v8 =	vor.u32 s1, v2;
	v7 =	vld [tilespmem:$0x18110]  }
0x310: {  	v3 =	vsub.f32 v3, v1;
	v9 =	vld [tilespmem:$0x18120]  }
0x311: {  	v4 =	vsub.f32 v4, v1;
	v10 =	vld [tilespmem:$0x18140]  }
0x312: {  	s1 =	sadd.s32 $0x10, s21;
	v3 =	vmul.f32 $1.442695020e+00, v3;
	v5 =	vsub.f32 v5, v1  }
0x313: {  	v11 =	vor.u32 s1, v2;
	s1 =	sadd.s32 $0x30, s21;
	v4 =	vmul.f32 $1.442695020e+00, v4;
	v6 =	vsub.f32 v6, v1  }
0x314: {  	v12 =	vor.u32 s1, v2;
	v5 =	vmul.f32 $1.442695020e+00, v5;
	(erf) = vpow2.f32 v3  }
0x315: {  	vm1 =	vlt.s32 v12, v0;
	v3 =	vld [tilespmem:$0x18130];
	v6 =	vmul.f32 $1.442695020e+00, v6;
	(erf) = vpow2.f32 v4  }
0x316: {  	vm2 =	vlt.s32 v11, v0;
	v4 =	vnsel vm1, $0x2710, v10;
	(erf) = vpow2.f32 v5  }
0x317: {  	v5 =	vnsel vm0, $0x2710, v7;
	v7 =	vnsel vm2, $0x2710, v9;
	[tilespmem:$0x181C0] =	vst v4;
	(erf) = vpow2.f32 v6  }
.Ltmp25:
0x318: {  	[tilespmem:$0x181A0] =	vst v7;
	(pc) =	sbr.rel @!p1 .LBB2_41-.Ltmp25, $4  }
0x319: {  	vm3 =	vlt.s32 v8, v0;
	[tilespmem:$0x18190] =	vst v5  }
0x31a: {  	v3 =	vnsel vm3, $0x2710, v3  }
0x31b: {  	[tilespmem:$0x181B0] =	vst v3  }
0x31c: {  	s21 =	sadd.s32 $0x40, s21  }
.LBB2_42:
0x31d: {  	v1 =	vpop (erf)  }
0x31e: {  	v1 =	vnsel vm0, $0x0, v1;
	v2 =	vpop (erf)  }
0x31f: {  	[tilespmem:$0x1CA90] =	vst v1;
	v1 =	vnsel vm2, $0x0, v2;
	v2 =	vpop (erf)  }
0x320: {  	[tilespmem:$0x1CAA0] =	vst v1;
	v1 =	vnsel vm3, $0x0, v2;
	v2 =	vpop (erf)  }
0x321: {  	[tilespmem:$0x1CAB0] =	vst v1;
	v1 =	vnsel vm1, $0x0, v2  }
0x322: {  	[tilespmem:$0x1CAC0] =	vst v1  }
0x323: {  	[hbm4b:s11+s8] =	stream.linear.scatter [tilespmem:s10], [sflag:$0x3], $0x40, $0x38;
	[tilespmem:$0x1E710] =	vst v63  }
0x324: {  	s15 =	simm.s32 $0x3;
	_ =	swait.ge [sflag:s0], $0x40  }
0x325: {  	s16 =	simm.s32 $0x40;
	s19 =	simm.s32 $0x18110;
	[sflag:s0] =	ssyncset.done $0x0  }
0x326: {  	s20 =	simm.s32 $0x1CA90;
	s21 =	simm.s32 $0x18290;
	[sflag:s0] =	ssyncadd.s32 $0xFFFFFFC0  }
0x327: {  	[spmem:s3] =	stream.indirect.scatter.add.f32 [tilespmem:s10], [sflag:$0x3], $0x1, s12, s17, $0xb8;
	[tilespmem:$0x1E710] =	vst v63  }
0x328: {  	s22 =	simm.s32 $0x18190;
	s23 =	simm.s32 $0x18210;
	_ =	swait.ge [sflag:s0], $0x40  }
0x329: {  	s24 =	simm.s32 $0x1CB10;
	s25 =	simm.s32 $0x1A290;
	[sflag:s0] =	ssyncset.done $0x0  }
0x32a: {  	s26 =	simm.s32 $0x0;
	s8 =	simm.s32 $0x18010;
	[sflag:s0] =	ssyncadd.s32 $0xFFFFFFC0  }
0x32b: {  	v1 =	vlaneseq.u32;
	s17 =	simm.s32 $0x18090;
	s0 =	simm.s32 $0x0;
	[bflag:$0x0] =	sbarrier.arrive $0xFFFF  }
.LBB2_43:
0x32c: {  	s1 =	sshll.u32 s26, $0x6  }
0x32d: {  	s10 =	sadd.s32 s14, s1  }
0x32e: {  	s10 =	sshrl.u32 s10, $0x3  }
0x32f: {  	s11 =	sadd.s32 s9, s10  }
0x330: {  	[tilespmem:s8], [sflag:$0x3] =	stream.linear.gather [hbm4b:s11+s0], $0x40, $0x38;
	[tilespmem:$0x1E710] =	vst v63  }
0x331: {  	_ =	swait.ge [sflag:s15], $0x40  }
0x332: {  	[sflag:s15] =	ssyncset.done $0x0  }
0x333: {  	[sflag:s15] =	ssyncadd.s32 $0xFFFFFFC0  }
0x334: {  	v2 =	vld [tilespmem:$0x18010]  }
0x335: {  	v3 =	vld [tilespmem:$0x18020]  }
0x336: {  	v4 =	vld [tilespmem:$0x18030]  }
0x337: {  	v5 =	vld [tilespmem:$0x18040];
	_ =	sdelay $0x1  }
0x338: {  	vm0 =	vgt.s32 v2, $0x0  }
0x339: {  	vm12 =	vgt.s32 v3, $0x0;
	v2 =	vnsel vm0, $0x0, v2  }
0x33a: {  	vm13 =	vgt.s32 v4, $0x0;
	v3 =	vnsel vm12, $0x0, v3;
	v2 =	vmin.u32 v2, $0x4E1FF  }
0x33b: {  	vm14 =	vgt.s32 v5, $0x0;
	[tilespmem:$0x18010] =	vst v2;
	v2 =	vmin.u32 v3, $0x4E1FF;
	v3 =	vnsel vm13, $0x0, v4  }
0x33c: {  	[tilespmem:$0x18020] =	vst v2;
	v2 =	vmin.u32 v3, $0x4E1FF;
	v3 =	vnsel vm14, $0x0, v5  }
0x33d: {  	[tilespmem:$0x18030] =	vst v2;
	v2 =	vmin.u32 v3, $0x4E1FF  }
0x33e: {  	[tilespmem:$0x18040] =	vst v2  }
0x33f: {  	[tilespmem:s17], [sflag:$0x3] =	stream.indirect.gather [hbm4b:s5+s16], $0x1, s8, s16, $0xb8;
	[tilespmem:$0x1E710] =	vst v63  }
0x340: {  	_ =	swait.ge [sflag:s15], $0x40  }
0x341: {  	[sflag:s15] =	ssyncset.done $0x0  }
0x342: {  	[sflag:s15] =	ssyncadd.s32 $0xFFFFFFC0  }
0x343: {  	[tilespmem:s19], [sflag:$0x3] =	stream.indirect.gather [hbm4b:s6+s16], $0x1, s8, s16, $0xb8;
	[tilespmem:$0x1E710] =	vst v63  }
0x344: {  	_ =	swait.ge [sflag:s15], $0x40  }
0x345: {  	[sflag:s15] =	ssyncset.done $0x0  }
0x346: {  	s10 =	sadd.s32 s10, s4;
	[sflag:s15] =	ssyncadd.s32 $0xFFFFFFC0  }
0x347: {  	[tilespmem:s20], [sflag:$0x3] =	stream.linear.gather [hbm4b:s10+s0], $0x40, $0x38;
	[tilespmem:$0x1E710] =	vst v63  }
0x348: {  	_ =	swait.ge [sflag:s15], $0x40  }
0x349: {  	[sflag:s15] =	ssyncset.done $0x0  }
0x34a: {  	[sflag:s15] =	ssyncadd.s32 $0xFFFFFFC0  }
0x34b: {  	[tilespmem:s21], [sflag:$0x3] =	stream.indirect.gather [hbm4b:s7+s16], $0x80, s17, s16, $0xb8;
	[tilespmem:$0x1E710] =	vst v63  }
0x34c: {  	_ =	swait.ge [sflag:s15], $0x2000  }
0x34d: {  	[sflag:s15] =	ssyncset.done $0x0  }
0x34e: {  	[sflag:s15] =	ssyncadd.s32 $0xFFFFE000  }
0x34f: {  	v2 =	vld [tilespmem:$0x18110]  }
0x350: {  	v3 =	vld [tilespmem:$0x18120]  }
0x351: {  	v4 =	vld [tilespmem:$0x18130]  }
0x352: {  	s28 =	sor.u32 $0x10, s1;
	v5 =	vor.u32 s1, v1;
	v6 =	vld [tilespmem:$0x18140]  }
0x353: {  	s30 =	sor.u32 $0x20, s1;
	vm1 =	vlt.s32 v5, v0;
	v5 =	vor.u32 s28, v1  }
0x354: {  	s1 =	sor.u32 $0x30, s1;
	vm15 =	vlt.s32 v5, v0;
	v5 =	vor.u32 s30, v1;
	v2 =	vnsel vm1, $0x2710, v2  }
0x355: {  	vm2 =	vlt.s32 v5, v0;
	[tilespmem:$0x18190] =	vst v2;
	v2 =	vnsel vm15, $0x2710, v3;
	v3 =	vor.u32 s1, v1  }
0x356: {  	[tilespmem:$0x181A0] =	vst v2;
	v2 =	vnsel vm2, $0x2710, v4;
	vm3 =	vlt.s32 v3, v0  }
0x357: {  	[tilespmem:$0x181B0] =	vst v2;
	v2 =	vnsel vm3, $0x2710, v6  }
0x358: {  	[tilespmem:$0x181C0] =	vst v2  }
0x359: {  	[tilespmem:s23], [sflag:$0x3] =	stream.indirect.gather [spmem:s3], $0x1, s22, s16, $0xb8;
	[tilespmem:$0x1E710] =	vst v63  }
0x35a: {  	_ =	swait.ge [sflag:s15], $0x40  }
0x35b: {  	[sflag:s15] =	ssyncset.done $0x0  }
0x35c: {  	[sflag:s15] =	ssyncadd.s32 $0xFFFFFFC0  }
0x35d: {  	v2 =	vld [tilespmem:$0x18210]  }
0x35e: {  	v3 =	vld [tilespmem:$0x18220]  }
0x35f: {  	v4 =	vld [tilespmem:$0x18230]  }
0x360: {  	v5 =	vld [tilespmem:$0x18240];
	_ =	sdelay $0x1  }
0x361: {  	v2 =	vadd.f32 $9.999999710e-10, v2  }
0x362: {  	v3 =	vadd.f32 $9.999999710e-10, v3  }
0x363: {  	(erf) = vrcp.f32 v2;
	v2 =	vadd.f32 $9.999999710e-10, v4  }
0x364: {  	(erf) = vrcp.f32 v3;
	v3 =	vadd.f32 $9.999999710e-10, v5  }
0x365: {  	(erf) = vrcp.f32 v2  }
0x366: {  	(erf) = vrcp.f32 v3;
	_ =	sdelay $0x1  }
0x367: {  	v2 =	vld [tilespmem:$0x1CA90]  }
0x368: {  	v3 =	vld [tilespmem:$0x1CAA0]  }
0x369: {  	v4 =	vld [tilespmem:$0x1CAB0]  }
0x36a: {  	v5 =	vld [tilespmem:$0x1CAC0]  }
0x36b: {  	v6 =	vpop (erf)  }
0x36c: {  	v7 =	vpop (erf);
	v2 =	vmul.f32 v6, v2  }
0x36d: {  	v6 =	vpop (erf);
	v3 =	vmul.f32 v7, v3  }
0x36e: {  	v7 =	vmov s0;
	v2 =	vnsel vm1, $0x0, v2;
	v4 =	vmul.f32 v6, v4;
	v6 =	vpop (erf)  }
0x36f: {  	[tilespmem:$0x1CB10] =	vst v2;
	v2 =	vmul.f32 v6, v5;
	v3 =	vnsel vm15, $0x0, v3  }
0x370: {  	[tilespmem:$0x1CB20] =	vst v3;
	v3 =	vnsel vm2, $0x0, v4  }
0x371: {  	[tilespmem:$0x1CB30] =	vst v3;
	v2 =	vnsel vm3, $0x0, v2  }
0x372: {  	[tilespmem:$0x1CB40] =	vst v2  }
0x373: {  	s10 =	simm.s32 $0x182D0;
	v2 =	vld.idx.msk [tilespmem:v7+s24+$0x0], $0xffff  }
0x374: {  	v3 =	vld [tilespmem:s10+$0xFFFFFFC0];
	_ =	sdelay $0x4  }
0x375: {  	v3 =	vmul.f32 v3, v2  }
0x376: {  	s11 =	simm.s32 $0x1A2D0  }
0x377: {  	[tilespmem:s11+$0xFFFFFFC0] =	vst v3  }
0x378: {  	v3 =	vld [tilespmem:s10+$0xFFFFFFD0];
	_ =	sdelay $0x4  }
0x379: {  	v3 =	vmul.f32 v3, v2;
	_ =	sdelay $0x1  }
0x37a: {  	[tilespmem:s11+$0xFFFFFFD0] =	vst v3  }
0x37b: {  	v3 =	vld [tilespmem:s10+$0xFFFFFFE0];
	_ =	sdelay $0x4  }
0x37c: {  	v3 =	vmul.f32 v3, v2;
	_ =	sdelay $0x1  }
0x37d: {  	[tilespmem:s11+$0xFFFFFFE0] =	vst v3  }
0x37e: {  	v3 =	vld [tilespmem:s10+$0xFFFFFFF0];
	_ =	sdelay $0x4  }
0x37f: {  	v3 =	vmul.f32 v3, v2;
	_ =	sdelay $0x1  }
0x380: {  	[tilespmem:s11+$0xFFFFFFF0] =	vst v3  }
0x381: {  	v3 =	vld [tilespmem:s10+$0x0];
	_ =	sdelay $0x4  }
0x382: {  	v3 =	vmul.f32 v3, v2;
	_ =	sdelay $0x1  }
0x383: {  	[tilespmem:s11+$0x0] =	vst v3  }
0x384: {  	v3 =	vld [tilespmem:s10+$0x10];
	_ =	sdelay $0x4  }
0x385: {  	v3 =	vmul.f32 v3, v2;
	_ =	sdelay $0x1  }
0x386: {  	[tilespmem:s11+$0x10] =	vst v3  }
0x387: {  	v3 =	vld [tilespmem:s10+$0x20];
	_ =	sdelay $0x4  }
0x388: {  	v3 =	vmul.f32 v3, v2;
	_ =	sdelay $0x1  }
0x389: {  	[tilespmem:s11+$0x20] =	vst v3  }
0x38a: {  	v4 =	vld [tilespmem:s10+$0x30];
	_ =	sdelay $0x1  }
0x38b: {  	s31 =	simm.s32 $0x1  }
0x38c: {  	s12 =	simm.s32 $0x2;
	v3 =	vmov s31  }
.LBB2_44:
0x38d: {  	p1 =	sne.s32 s12, $0x3F  }
0x38e: {  	v2 =	vmul.f32 v4, v2;
	_ =	sdelay $0x1  }
0x38f: {  	[tilespmem:s11+$0x30] =	vst v2  }
0x390: {  	s10 =	sadd.s32 $0x80, s10;
	v2 =	vld.idx.msk [tilespmem:v3+s24+$0x0], $0xffff  }
0x391: {  	v3 =	vld [tilespmem:s10+$0xFFFFFFC0];
	_ =	sdelay $0x4  }
0x392: {  	v3 =	vmul.f32 v3, v2  }
0x393: {  	s11 =	sadd.s32 $0x80, s11  }
0x394: {  	[tilespmem:s11+$0xFFFFFFC0] =	vst v3  }
0x395: {  	v3 =	vld [tilespmem:s10+$0xFFFFFFD0];
	_ =	sdelay $0x4  }
0x396: {  	v3 =	vmul.f32 v3, v2;
	_ =	sdelay $0x1  }
0x397: {  	[tilespmem:s11+$0xFFFFFFD0] =	vst v3  }
0x398: {  	v3 =	vld [tilespmem:s10+$0xFFFFFFE0];
	_ =	sdelay $0x4  }
0x399: {  	v3 =	vmul.f32 v3, v2;
	_ =	sdelay $0x1  }
0x39a: {  	[tilespmem:s11+$0xFFFFFFE0] =	vst v3  }
0x39b: {  	v3 =	vld [tilespmem:s10+$0xFFFFFFF0];
	_ =	sdelay $0x4  }
0x39c: {  	v3 =	vmul.f32 v3, v2;
	_ =	sdelay $0x1  }
0x39d: {  	[tilespmem:s11+$0xFFFFFFF0] =	vst v3  }
0x39e: {  	v3 =	vld [tilespmem:s10+$0x0];
	_ =	sdelay $0x4  }
0x39f: {  	v3 =	vmul.f32 v3, v2;
	_ =	sdelay $0x1  }
0x3a0: {  	[tilespmem:s11+$0x0] =	vst v3  }
0x3a1: {  	v3 =	vld [tilespmem:s10+$0x10];
	_ =	sdelay $0x4  }
0x3a2: {  	v3 =	vmul.f32 v3, v2;
	_ =	sdelay $0x1  }
0x3a3: {  	[tilespmem:s11+$0x10] =	vst v3  }
0x3a4: {  	v3 =	vld [tilespmem:s10+$0x20];
	_ =	sdelay $0x4  }
0x3a5: {  	v3 =	vmul.f32 v3, v2;
	_ =	sdelay $0x1  }
.Ltmp26:
0x3a6: {  	[tilespmem:s11+$0x20] =	vst v3;
	(pc) =	sbr.rel @p1 .LBB2_44-.Ltmp26, $2  }
0x3a7: {  	v4 =	vld [tilespmem:s10+$0x30];
	_ =	sdelay $0x2  }
0x3a8: {  	v3 =	vmov s12;
	s12 =	sadd.s32 $0x1, s12  }
0x3a9: {  	_ = 	snop  }
0x3aa: {  	v2 =	vmul.f32 v4, v2;
	_ =	sdelay $0x1  }
0x3ab: {  	[tilespmem:s11+$0x30] =	vst v2  }
0x3ac: {  	s1 =	sadd.s32 $0x80, s10;
	v2 =	vld.idx.msk [tilespmem:v3+s24+$0x0], $0xffff  }
0x3ad: {  	v3 =	vld [tilespmem:s1+$0xFFFFFFC0];
	_ =	sdelay $0x4  }
0x3ae: {  	v3 =	vmul.f32 v3, v2  }
0x3af: {  	s31 =	sadd.s32 $0x80, s11  }
0x3b0: {  	[tilespmem:s31+$0xFFFFFFC0] =	vst v3  }
0x3b1: {  	v3 =	vld [tilespmem:s1+$0xFFFFFFD0];
	_ =	sdelay $0x4  }
0x3b2: {  	v3 =	vmul.f32 v3, v2;
	_ =	sdelay $0x1  }
0x3b3: {  	[tilespmem:s31+$0xFFFFFFD0] =	vst v3  }
0x3b4: {  	v3 =	vld [tilespmem:s1+$0xFFFFFFE0];
	_ =	sdelay $0x4  }
0x3b5: {  	v3 =	vmul.f32 v3, v2;
	_ =	sdelay $0x1  }
0x3b6: {  	[tilespmem:s31+$0xFFFFFFE0] =	vst v3  }
0x3b7: {  	v3 =	vld [tilespmem:s1+$0xFFFFFFF0];
	_ =	sdelay $0x4  }
0x3b8: {  	v3 =	vmul.f32 v3, v2;
	_ =	sdelay $0x1  }
0x3b9: {  	[tilespmem:s31+$0xFFFFFFF0] =	vst v3  }
0x3ba: {  	v3 =	vld [tilespmem:s1+$0x0];
	_ =	sdelay $0x4  }
0x3bb: {  	v3 =	vmul.f32 v3, v2;
	_ =	sdelay $0x1  }
0x3bc: {  	[tilespmem:s31+$0x0] =	vst v3  }
0x3bd: {  	v3 =	vld [tilespmem:s1+$0x10];
	_ =	sdelay $0x4  }
0x3be: {  	v3 =	vmul.f32 v3, v2;
	_ =	sdelay $0x1  }
0x3bf: {  	[tilespmem:s31+$0x10] =	vst v3  }
0x3c0: {  	v3 =	vld [tilespmem:s1+$0x20];
	_ =	sdelay $0x4  }
0x3c1: {  	v3 =	vmul.f32 v3, v2;
	_ =	sdelay $0x1  }
0x3c2: {  	[tilespmem:s31+$0x20] =	vst v3  }
0x3c3: {  	v3 =	vld [tilespmem:s1+$0x30];
	_ =	sdelay $0x4  }
0x3c4: {  	v2 =	vmul.f32 v3, v2  }
0x3c5: {  	s26 =	sadd.s32 $0x1, s26  }
0x3c6: {  	p1 =	sne.s32 s26, s18;
	[tilespmem:s31+$0x30] =	vst v2  }
0x3c7: {  	[spmem:s2] =	stream.indirect.scatter.add.f32 [tilespmem:s25], [sflag:$0x3], $0x80, s22, s16, $0xb8;
	[tilespmem:$0x1E710] =	vst v63  }
.Ltmp27:
0x3c8: {  	_ = 	snop;
	(pc) =	sbr.rel @p1 .LBB2_43-.Ltmp27, $4  }
.Ltmp28:
0x3c9: {  	_ = 	snop;
	(pc) =	sbr.rel @!p1 .LBB2_46-.Ltmp28, $4  }
0x3ca: {  	_ =	swait.ge [sflag:s15], $0x2000  }
0x3cb: {  	[sflag:s15] =	ssyncset.done $0x0  }
0x3cc: {  	[sflag:s15] =	ssyncadd.s32 $0xFFFFE000  }
0x3cd: {  	_ = 	snop  }
.LBB2_48:
0x3ce: {  	[bflag:$0x0] =	sbarrier.arrive $0xFFFF;
	s29 =	stileid.u32  }
.LBB2_46:
0x3cf: {  	[bflag:$0x0] =	sbarrier.arrive $0xFFFF  }
0x3d0: {  	s0 =	sshll.u32 s29, $0x6;
	s26 =	simm.s32 $0x3;
	s1 =	rddreg [dreg:$0xb]  }
0x3d1: {  	s0 =	sor.u32 $0x1C03, s0;
	s2 =	rddreg [dreg:$0xc];
	s1 =	sshrl.u32 s1, $0x3  }
0x3d2: {  	[hbm:s2], [sflag:s0] =	dma.local [spmem:s1], $0x2700  }
0x3d3: {  	_ =	swait.ge [sflag:s26], $0x2700  }
0x3d4: {  	[sflag:s26] =	ssyncset.done $0x0;
	s2 =	rddreg [dreg:$0x9]  }
0x3d5: {  	s3 =	rddreg [dreg:$0xa];
	[sflag:s26] =	ssyncadd.s32 $0xFFFFD900;
	s2 =	sshrl.u32 @!p0 s2, $0x3  }
0x3d6: {  	[hbm:s3], [sflag:s0] =	dma.local @!p0 [spmem:s2], $0x100  }
0x3d7: {  	s0 =	simm.s32 @!p0 $0x3  }
0x3d8: {  	_ =	swait.ge @!p0 [sflag:s0], $0x100  }
0x3d9: {  	s28 =	simm.s32 $0x0;
	[sflag:s0] =	ssyncset.done @!p0 $0x0  }
0x3da: {  	s30 =	simm.s32 $0x1CC90;
	s31 =	rddreg [dreg:$0x8];
	[sflag:s0] =	ssyncadd.s32 @!p0 $0xFFFFFF00  }
0x3db: {  	[hbm4b:s31+s28] =	stream.linear.scatter [tilespmem:s30], [sflag:$0x3], $0x10, $0x38;
	[tilespmem:$0x1E710] =	vst v63  }
0x3dc: {  	_ =	swait.ge [sflag:s26], $0x10  }
0x3dd: {  	[sflag:s26] =	ssyncset.done $0x0  }
0x3de: {  	[sflag:s26] =	ssyncadd.s32 $0xFFFFFFF0  }
0x3df: {  	s1 =	rddreg [dreg:$0x7]  }
.LBB2_47:
0x3e0: {  	_ =	sfence.sel $0x180000  }
0x3e1: {  	[bflag:$0x0] =	sbarrier.arrive $0xFFFF  }
0x3e2: {  	p0 =	sne.s32 s29, $0x0;
	_ =	strace $0x90000047  }
0x3e3: {  	s0 =	sadd.s32 @!p0 $0x100000, s1;
	[bflag:$0x2] =	sbarrier.arrive $0xFFFF  }
0x3e4: {  	[sflag:s0] =	ssyncadd.tile.s32 @!p0 $0x1;
	_ =	shalt  }
.Lfunc_end2:
_tile_overlayer_lowered:
.L_overlay_start_2:
0x3e5: {  	(tag) =	ssettag $0x2  }
0x3e6: {  	s0 =	rddreg [dreg:$0x0];
	s2 =	stileid.u32  }
0x3e7: {  	s1 =	rddreg [dreg:$0x1];
	p0 =	sne.s32 s2, $0x0  }
0x3e8: {  	s3 =	rddreg [dreg:$0x2];
	[bflag:$0x3] =	sbarrier.arrive $0xFFFF;
	s2 =	simm.s32 @!p0 $0x1C03  }
0x3e9: {  	[timem:s3], [sflag:s2] =	dma.local @!p0 [hbm:s0], s1  }
0x3ea: {  	s0 =	simm.s32 @!p0 $0x3  }
0x3eb: {  	_ =	swait.ge @!p0 [sflag:s0], s1  }
0x3ec: {  	s1 =	ssub.s32 @!p0 $0x0, s1;
	[sflag:s0] =	ssyncset.done @!p0 $0x0  }
0x3ed: {  	[sflag:s0] =	ssyncadd.s32 @!p0 s1  }
0x3ee: {  	[bflag:$0x3] =	sbarrier.arrive $0xFFFF  }
0x3ef: {  	_ =	shalt  }

// kernel: kernel.9.cloned.1.call-start
scs
__scs_entry_jumppad:
0x0: {  	(pc) =	sbr.rel $0x88, $3  }
0x1: {  	(tag) =	ssettag $0x0;
	lr =	simm.s32 $0x1  }
0x2: {  	[smem:$0x3F91] =	sst lr;
	_ =	strace $0xD0000000  }
0x3: {  	_ = 	snop  }
0x4: {  	_ = 	snop  }
0x5: {  	_ = 	snop  }
0x6: {  	_ = 	snop  }
0x7: {  	_ = 	snop  }
__scs_overlays_trampoline_lowered:
0x8: {  	[smem:$0x3FA0] =	sst s0  }
0x9: {  	[smem:$0x3FA1] =	sst s1  }
0xa: {  	[smem:$0x3FA2] =	sst s2  }
0xb: {  	[smem:$0x3FA3] =	sst s3  }
0xc: {  	[smem:$0x3FA4] =	sst s4  }
0xd: {  	[smem:$0x3FA5] =	sst s5  }
0xe: {  	[smem:$0x3FA6] =	sst s6  }
0xf: {  	[smem:$0x3FA7] =	sst s7  }
0x10: {  	[smem:$0x3FA8] =	sst s8  }
0x11: {  	[smem:$0x3FA9] =	sst s9;
	s0 =	simm.s32 @!p0 $0x0  }
0x12: {  	s1 =	sld [smem:$0x3F8F];
	s0 =	simm.s32 @p0 $0x1  }
0x13: {  	[smem:$0x3FAA] =	sst s0;
	s0 =	simm.s32 @!p1 $0x0  }
0x14: {  	s2 =	sld [smem:$0x3F8E];
	s0 =	simm.s32 @p1 $0x1  }
0x15: {  	[smem:$0x3FAB] =	sst s0;
	s0 =	simm.s32 @!p2 $0x0  }
0x16: {  	s3 =	sld [smem:$0x3FDB];
	s0 =	simm.s32 @p2 $0x1  }
0x17: {  	s4 =	simm.s32 $0x1BF5;
	[smem:$0x3FAD] =	sst s0  }
0x18: {  	s0 =	sld [smem:$0x3F90];
	_ =	swait.ge [sflag:s4], $0x0  }
0x19: {  	s7 =	sld [smem:$0x3F91]  }
0x1a: {  	s8 =	sadd.s32 $0xFFFFE003, lr  }
0x1b: {  	s9 =	sadd.s32 $0xFFFFFEF7, lr;
	s5 =	simm.s32 $0xFFFFFFFF;
	p2 =	slt.u32 s8, $0xFFFFF086  }
0x1c: {  	p1 =	slt.u32 s9, $0xF7A;
	s5 =	simm.s32 @!p2 $0x0  }
0x1d: {  	s5 =	simm.s32 @p1 $0x1;
	p0 =	seq.s32 s7, s2  }
0x1e: {  	s7 =	smul.u32 @!p0 $0xF7A, s2;
	p2 =	seq.s32 @!p0 s5, $0x0  }
0x1f: {  	s9 =	smul.u32 $0xF7A, s1;
	s8 =	simm.s32 @!p0 $0x1BF5;
	p2 =	por !p2, p0  }
0x20: {  	[sflag:s8] =	ssyncset.s32 @!p0 $0xFFFFF086;
	s6 =	sadd.s32 @!p0 s3, s7;
	s7 =	simm.s32 @!p0 $0x108  }
0x21: {  	s3 =	sadd.s32 s3, s9;
	s6 =	sadd.s32 @!p0 $0x88, s6;
	s7 =	simm.s32 @p2 $0x1082  }
0x22: {  	[simem:s7], [sflag:s8] =	dma.local @!p0 [hbm:s6], $0xF7A  }
0x23: {  	s9 =	sor.u32 $0xD0000000, s2;
	s6 =	simm.s32 $0x108;
	_ =	swait.ge @!p0 [sflag:s8], $0x0  }
0x24: {  	s3 =	sadd.s32 $0x88, s3;
	s6 =	simm.s32 @!p1 $0x1082;
	[sflag:s4] =	ssyncset.s32 $0xFFFFF086  }
0x25: {  	[simem:s6], [sflag:s4] =	dma.local [hbm:s3], $0xF7A  }
0x26: {  	[smem:$0x3F91] =	sst s1;
	(tag) =	ssettag s2;
	_ =	strace s9  }
0x27: {  	s1 =	sld [smem:$0x3FA1]  }
0x28: {  	s2 =	sld [smem:$0x3FA2]  }
0x29: {  	s4 =	sld [smem:$0x3FA4]  }
0x2a: {  	p0 =	seq.s32 s5, $0x0;
	s5 =	sld [smem:$0x3FA5]  }
0x2b: {  	s6 =	sld [smem:$0x3FA6]  }
0x2c: {  	s7 =	sld [smem:$0x3FA7]  }
0x2d: {  	s3 =	simm.s32 $0x108;
	s8 =	sld [smem:$0x3FA8]  }
0x2e: {  	s3 =	simm.s32 @!p0 $0x1082;
	s9 =	sld [smem:$0x3FA9]  }
0x2f: {  	lr =	sadd.s32 s0, s3;
	s0 =	sld [smem:$0x3FA0]  }
0x30: {  	s3 =	sld [smem:$0x3FA3]  }
0x31: {  	[smem:$0x3FAC] =	sst s10  }
0x32: {  	s10 =	sld [smem:$0x3FAA];
	_ =	sdelay $0x3  }
0x33: {  	p0 =	seq.s32 s10, $0x1;
	s10 =	sld [smem:$0x3FAC];
	_ =	sdelay $0x3  }
0x34: {  	[smem:$0x3FAC] =	sst s10  }
0x35: {  	s10 =	sld [smem:$0x3FAB];
	_ =	sdelay $0x3  }
0x36: {  	p1 =	seq.s32 s10, $0x1;
	s10 =	sld [smem:$0x3FAC];
	_ =	sdelay $0x3  }
0x37: {  	[smem:$0x3FAC] =	sst s10  }
0x38: {  	s10 =	sld [smem:$0x3FAD]  }
0x39: {  	_ = 	snop;
	(pc) =	sbr.ind lr, $3  }
0x3a: {  	_ = 	snop  }
0x3b: {  	_ = 	snop  }
0x3c: {  	p2 =	seq.s32 s10, $0x1;
	s10 =	sld [smem:$0x3FAC]  }
0x3d: {  	_ =	shalt  }
0x3e: {  	_ =	shalt  }
0x3f: {  	_ =	shalt  }
0x40: {  	_ =	shalt  }
0x41: {  	_ =	shalt  }
0x42: {  	_ =	shalt  }
0x43: {  	_ =	shalt  }
0x44: {  	_ =	shalt  }
0x45: {  	_ =	shalt  }
0x46: {  	_ =	shalt  }
0x47: {  	_ =	shalt  }
0x48: {  	_ =	shalt  }
0x49: {  	_ =	shalt  }
0x4a: {  	_ =	shalt  }
0x4b: {  	_ =	shalt  }
0x4c: {  	_ =	shalt  }
0x4d: {  	_ =	shalt  }
0x4e: {  	_ =	shalt  }
0x4f: {  	_ =	shalt  }
0x50: {  	_ =	shalt  }
0x51: {  	_ =	shalt  }
0x52: {  	_ =	shalt  }
0x53: {  	_ =	shalt  }
0x54: {  	_ =	shalt  }
0x55: {  	_ =	shalt  }
0x56: {  	_ =	shalt  }
0x57: {  	_ =	shalt  }
0x58: {  	_ =	shalt  }
0x59: {  	_ =	shalt  }
0x5a: {  	_ =	shalt  }
0x5b: {  	_ =	shalt  }
0x5c: {  	_ =	shalt  }
0x5d: {  	_ =	shalt  }
0x5e: {  	_ =	shalt  }
0x5f: {  	_ =	shalt  }
0x60: {  	_ =	shalt  }
0x61: {  	_ =	shalt  }
0x62: {  	_ =	shalt  }
0x63: {  	_ =	shalt  }
0x64: {  	_ =	shalt  }
0x65: {  	_ =	shalt  }
0x66: {  	_ =	shalt  }
0x67: {  	_ =	shalt  }
0x68: {  	_ =	shalt  }
0x69: {  	_ =	shalt  }
0x6a: {  	_ =	shalt  }
0x6b: {  	_ =	shalt  }
0x6c: {  	_ =	shalt  }
0x6d: {  	_ =	shalt  }
0x6e: {  	_ =	shalt  }
0x6f: {  	_ =	shalt  }
0x70: {  	_ =	shalt  }
0x71: {  	_ =	shalt  }
0x72: {  	_ =	shalt  }
0x73: {  	_ =	shalt  }
0x74: {  	_ =	shalt  }
0x75: {  	_ =	shalt  }
0x76: {  	_ =	shalt  }
0x77: {  	_ =	shalt  }
0x78: {  	_ =	shalt  }
0x79: {  	_ =	shalt  }
0x7a: {  	_ =	shalt  }
0x7b: {  	_ =	shalt  }
0x7c: {  	_ =	shalt  }
0x7d: {  	_ =	shalt  }
0x7e: {  	_ =	shalt  }
0x7f: {  	_ =	shalt  }
0x80: {  	_ =	shalt  }
0x81: {  	_ =	shalt  }
0x82: {  	_ =	shalt  }
0x83: {  	_ =	shalt  }
0x84: {  	_ =	shalt  }
0x85: {  	_ =	shalt  }
0x86: {  	_ =	shalt  }
0x87: {  	_ =	shalt  }
.Lfunc_end0:
.L_simem_size_0:
called_computation.1_lowered:
.L_overlay_start_0:
0x88: {  	s2 =	sld [smem:$0x3FD9]  }
0x89: {  	s3 =	sld [smem:$0x3FFE];
	_ =	sdelay $0x1  }
0x8a: {  	s1 =	srdreg.scid  }
0x8b: {  	s0 =	sand.u32 $0x1, s1  }
0x8c: {  	s18 =	sshll.u32 s0, $0xA;
	s2 =	sadd.s32 s3, s2  }
0x8d: {  	s3 =	sadd.s32 s2, s18  }
0x8e: {  	[smem:$0x3FB8] =	sst s3  }
0x8f: {  	_ = 	snop  }
0x90: {  	s3 =	sld [smem:$0x3FBB]  }
0x91: {  	s4 =	sld [smem:$0x3FBA]  }
0x92: {  	s5 =	sld [smem:$0x3FD0];
	(tm) =	ssettm $0x1  }
0x93: {  	s6 =	sld [smem:$0x3FFB];
	_ =	sdelay $0x3  }
0x94: {  	_ =	strace s6  }
0x95: {  	s6 =	sld [smem:$0x3FFC];
	_ =	sdelay $0x3  }
0x96: {  	_ =	strace s6  }
0x97: {  	s6 =	sld [smem:$0x3FFD];
	_ =	sdelay $0x3  }
0x98: {  	_ =	strace s6  }
0x99: {  	_ =	strace $0x8FFFFFFF  }
0x9a: {  	s19 =	sld [smem:$0x3FDB];
	_ =	sdelay $0x1  }
0x9b: {  	s7 =	simm.s32 $_scs_section_size  }
0x9c: {  	s8 =	simm.s32 $_size__tile_overlayer_lowered;
	s9 =	simm.s32 $_tile_overlayer_lowered  }
0x9d: {  	s22 =	simm.s32 $0x1BFF;
	s21 =	sshll.u32 s9, $0x1;
	s6 =	sadd.s32 s7, s19  }
0x9e: {  	s10 =	simm.s32 $0x0;
	s20 =	sshll.u32 s8, $0x1;
	s8 =	sadd.s32 s21, s6  }
0x9f: {  	[timem:s10], [sflag:s22] =	dma.local [hbm:s8], s20  }
0xa0: {  	_ =	swait.ge [sflag:s22], s20  }
0xa1: {  	s7 =	ssub.s32 $0x0, s20;
	[sflag:s22] =	ssyncset.done $0x0  }
0xa2: {  	[sflag:s22] =	ssyncadd.s32 s7;
	_ =	sdelay $0x1  }
0xa3: {  	s23 =	simm.s32 $0x1B8B  }
0xa4: {  	_ =	swait.ge [sflag:s23], $0x1  }
0xa5: {  	[sflag:s23] =	ssyncset.done $0x0  }
0xa6: {  	s25 =	simm.s32 $0x1B8E;
	s24 =	sld [smem:$0x3FFE];
	[sflag:s23] =	ssyncadd.s32 $0xFFFFFFFF  }
0xa7: {  	s26 =	simm.s32 $execute0_lowered;
	[smem:$0x3FD2] =	sst s25  }
0xa8: {  	s8 =	sshll.u32 s26, $0x1;
	_ =	strace $0x80000049;
	[dreg:$0x1] =	wrdreg $0xFFFFFFFF  }
0xa9: {  	s28 =	simm.s32 $_size_execute0_lowered;
	s6 =	sadd.s32 s6, s8;
	[dreg:$0x0] =	wrdreg $0x0  }
0xaa: {  	s8 =	sshll.u32 s28, $0x1;
	[dreg:$0x2] =	wrdreg s6  }
0xab: {  	[dreg:$0x3] =	wrdreg s8  }
0xac: {  	[dreg:$0x4] =	wrdreg $0xC0  }
0xad: {  	_ =	task [dreg:s10], $0x5FFFF  }
0xae: {  	[dreg:$0x1] =	wrdreg $0xFFFFFFFF  }
0xaf: {  	[dreg:$0x0] =	wrdreg $0x60  }
0xb0: {  	[dreg:$0x2] =	wrdreg s24  }
0xb1: {  	[dreg:$0x3] =	wrdreg s3  }
0xb2: {  	[dreg:$0x4] =	wrdreg s4  }
0xb3: {  	s2 =	sadd.s32 $0x800, s2;
	[dreg:$0x5] =	wrdreg s5  }
0xb4: {  	[dreg:$0x6] =	wrdreg s2  }
0xb5: {  	[dreg:$0x7] =	wrdreg $0x900  }
0xb6: {  	[dreg:$0x8] =	wrdreg $0x0  }
0xb7: {  	[dreg:$0x9] =	wrdreg $0x800  }
0xb8: {  	[dreg:$0xa] =	wrdreg $0x9  }
0xb9: {  	_ =	task.clear_ibuf [dreg:s10], $0xBFFFF;
	_ =	strace $0x90000049  }
0xba: {  	s29 =	simm.s32 $0x9;
	_ =	strace $0x8000004B  }
0xbb: {  	_ =	swait.ge [sflag:s29], $0x1  }
0xbc: {  	[sflag:s29] =	ssyncadd.s32 $0xFFFFFFFF  }
0xbd: {  	_ =	strace $0x9000004B  }
0xbe: {  	_ =	sfence  }
0xbf: {  	s30 =	sld [smem:$0x0];
	_ =	sdelay $0x2  }
0xc0: {  	s31 =	sshll.u32 s1, $0xD;
	s1 =	sshrl.u32 s1, $0x2  }
0xc1: {  	s3 =	sand.u32 $0x4000, s31;
	s1 =	sadd.s32 s1, s30  }
0xc2: {  	s0 =	sor.u32 s3, s0;
	s1 =	sshll.u32 s1, $0x11  }
0xc3: {  	s0 =	sor.u32 s1, s0  }
0xc4: {  	s0 =	sadd.s32 $0x8F2B, s0  }
0xc5: {  	[sflag:s0] =	ssyncadd.remote.s32 $0x1  }
0xc6: {  	_ =	sfence.sel $0xFFFF  }
0xc7: {  	[dreg:$0x0] =	wrdreg $0xFFFFFFFF;
	(pc) =	sbr.abs _section_cstart, $3  }
0xc8: {  	[dreg:$0x1] =	wrdreg $0xFFFFFFFF  }
0xc9: {  	_ =	task.clear_ibuf [dreg:s10], $0x2FFFF;
	_ =	strace $0x9FFFFFFF  }
0xca: {  	(tm) =	ssettm $0x7FFFFFFF  }
0xcb: {  	_ =	shalt  }
tec
execute0_lowered:
.L_overlay_start_1:
0x0: {  	(tag) =	ssettag $0x1  }
0x1: {  	s17 =	rddreg [dreg:$0x0];
	s2 =	srdreg.scid  }
0x2: {  	s8 =	rddreg [dreg:$0x1];
	s2 =	sand.u32 $0x1, s2  }
0x3: {  	s7 =	rddreg [dreg:$0x2];
	p0 =	seq.s32 s2, $0x1  }
.Ltmp0:
0x4: {  	s5 =	rddreg [dreg:$0x4];
	(pc) =	sbr.rel @p0 .LBB2_16-.Ltmp0, $4  }
0x5: {  	s11 =	rddreg [dreg:$0x5]  }
0x6: {  	s4 =	rddreg [dreg:$0x7];
	s6 =	simm.s32 $0x0  }
0x7: {  	[smem:$0x7FF] =	sst s6  }
0x8: {  	s9 =	rddreg [dreg:$0x8];
	_ =	strace $0x8000004A;
	s2 =	stileid.u32  }
0x9: {  	s9 =	sadd.s32 $0x64800, s17;
	s10 =	simm.s32 $0x22A0;
	s12 =	simm.s32 $0x1  }
0xa: {  	[tilespmem:s10], [sflag:$0x1] =	stream.linear.gather [hbm4b:s9+s6], $0x80, $0x38;
	[tilespmem:$0x3720] =	vst v63  }
0xb: {  	_ =	swait.ge [sflag:s12], $0x80  }
0xc: {  	s19 =	sadd.s32 $0x96A00, s17;
	s20 =	sshll.u32 s2, $0x1;
	[sflag:s12] =	ssyncset.done $0x0  }
0xd: {  	s21 =	simm.s32 $0x2320;
	s9 =	sadd.s32 s19, s20;
	[sflag:s12] =	ssyncadd.s32 $0xFFFFFF80  }
0xe: {  	[tilespmem:s21], [sflag:$0x1] =	stream.linear.gather [hbm4b:s9+s6], $0x10, $0x38;
	[tilespmem:$0x3720] =	vst v63  }
0xf: {  	_ =	swait.ge [sflag:s12], $0x10  }
0x10: {  	[sflag:s12] =	ssyncset.done $0x0  }
0x11: {  	s22 =	simm.s32 $0x2420;
	[sflag:s12] =	ssyncadd.s32 $0xFFFFFFF0  }
0x12: {  	[tilespmem:s22], [sflag:$0x1] =	stream.linear.gather [hbm4b:s8+s6], $0x80, $0x38;
	[tilespmem:$0x3720] =	vst v63  }
0x13: {  	_ =	swait.ge [sflag:s12], $0x80  }
0x14: {  	[sflag:s12] =	ssyncset.done $0x0  }
0x15: {  	s23 =	simm.s32 $0x24A0;
	[sflag:s12] =	ssyncadd.s32 $0xFFFFFF80  }
0x16: {  	[tilespmem:s23], [sflag:$0x1] =	stream.linear.gather [hbm4b:s7+s6], $0x80, $0x38;
	[tilespmem:$0x3720] =	vst v63  }
0x17: {  	_ =	swait.ge [sflag:s12], $0x80  }
0x18: {  	[sflag:s12] =	ssyncset.done $0x0  }
0x19: {  	[sflag:s12] =	ssyncadd.s32 $0xFFFFFF80  }
0x1a: {  	v0 =	vld [tilespmem:$0x22A0];
	_ =	sdelay $0x5  }
0x1b: {  	v1 =	vld [tilespmem:$0x2320]  }
0x1c: {  	s24 =	sadd.s32 $0x16400, s17;
	vm0 =	vmmov $0xffff;
	s25 =	simm.s32 $0x2620  }
0x1d: {  	[tilespmem:s25], [sflag:$0x1] =	stream.indirect_vreg.gather [hbm4b:s24+s6], $0x80, v0, vm0, $0xb8;
	[tilespmem:$0x3720] =	vst v63  }
0x1e: {  	_ =	swait.ge [sflag:s12], $0x800  }
0x1f: {  	(v2sf) =	vpush v0, $0x0  }
0x20: {  	(v2sf) =	vpush v1, $0x0;
	_ =	sdelay $0x5  }
0x21: {  	[sflag:s12] =	ssyncset.done $0x0  }
0x22: {  	[sflag:s12] =	ssyncadd.s32 $0xFFFFF800  }
0x23: {  	v0 =	vld [tilespmem:$0x2620]  }
0x24: {  	v1 =	vld [tilespmem:$0x2630]  }
0x25: {  	v2 =	vld [tilespmem:$0x2640]  }
0x26: {  	v3 =	vld [tilespmem:$0x2650]  }
0x27: {  	v4 =	vld [tilespmem:$0x2660]  }
0x28: {  	[tilespmem:$0x2520] =	vst v0;
	v0 =	vld [tilespmem:$0x2670]  }
0x29: {  	[tilespmem:$0x2530] =	vst v1;
	v1 =	vld [tilespmem:$0x2680];
	s18 =	spop (v2sf)  }
0x2a: {  	[tilespmem:$0x2540] =	vst v2;
	v2 =	vld [tilespmem:$0x2690];
	s13 =	spop (v2sf)  }
0x2b: {  	[tilespmem:$0x2550] =	vst v3;
	s26 =	sadd.s32 $0x3F, s13  }
0x2c: {  	[tilespmem:$0x2560] =	vst v4;
	s28 =	sand.u32 $0x3F, s26  }
0x2d: {  	[tilespmem:$0x2570] =	vst v0;
	s29 =	sshra.s32 s26, $0x1F;
	p0 =	slt.s32 s26, $0x1;
	p1 =	sne.s32 s28, $0x0  }
0x2e: {  	[tilespmem:$0x2580] =	vst v1;
	s30 =	sshrl.u32 s29, $0x1A;
	p0 =	por !p0, !p1  }
0x2f: {  	s9 =	simm.s32 $0x1;
	[tilespmem:$0x2590] =	vst v2;
	v0 =	vimm.f32 $0.0e+00;
	s7 =	sadd.s32 s30, s26;
	p0 =	por !p0, !p0  }
0x30: {  	[tilespmem:$0x25A0] =	vst v0;
	s31 =	sshra.s32 s7, $0x6;
	s9 =	simm.s32 @!p0 $0x0  }
0x31: {  	[tilespmem:$0x25B0] =	vst v0;
	s9 =	ssub.s32 s31, s9  }
0x32: {  	[tilespmem:$0x25C0] =	vst v0;
	p0 =	slt.s32 s9, $0x1  }
.Ltmp1:
0x33: {  	[tilespmem:$0x25D0] =	vst v0;
	(pc) =	sbr.rel @p0 .LBB2_2-.Ltmp1, $4  }
0x34: {  	[tilespmem:$0x25E0] =	vst v0  }
0x35: {  	s14 =	sshll.u32 s2, $0x4;
	s15 =	sshll.u32 s2, $0x7;
	[tilespmem:$0x25F0] =	vst v0  }
0x36: {  	s10 =	smul.u32 $0x5620, s2;
	s16 =	sadd.s32 s14, s11;
	s8 =	sadd.s32 $0x64A00, s17;
	[tilespmem:$0x2600] =	vst v0  }
0x37: {  	s6 =	sadd.s32 $0xC600, s17;
	[tilespmem:$0x2610] =	vst v0;
	[dreg:$0x9] =	wrdreg s18;
	s7 =	sadd.s32 $0x8BC00, s17  }
0x38: {  	s17 =	sadd.s32 $0x2800, s17  }
0x39: {  	s18 =	simm.s32 $0x0;
	s19 =	simm.s32 $0xA0;
	s20 =	simm.s32 $0x40  }
0x3a: {  	s21 =	simm.s32 $0x120;
	s22 =	simm.s32 $0x1A0;
	s23 =	simm.s32 $0x220  }
0x3b: {  	v1 =	vimm.f32 $-1.000000020e+30;
	s24 =	simm.s32 $0x2220;
	s25 =	simm.s32 $0x0;
	s26 =	simm.s32 $0x0  }
.LBB2_4:
0x3c: {  	s28 =	sshll.u32 s26, $0x6  }
0x3d: {  	s28 =	sadd.s32 s10, s28  }
0x3e: {  	s28 =	sshrl.u32 s28, $0x3  }
0x3f: {  	s29 =	sadd.s32 s7, s28  }
0x40: {  	[tilespmem:s19], [sflag:$0x1] =	stream.linear.gather [hbm4b:s29+s18], $0x40, $0x38;
	[tilespmem:$0x3720] =	vst v63  }
0x41: {  	_ =	swait.ge [sflag:s12], $0x40  }
0x42: {  	[sflag:s12] =	ssyncset.done $0x0  }
0x43: {  	[sflag:s12] =	ssyncadd.s32 $0xFFFFFFC0  }
0x44: {  	v2 =	vld [tilespmem:$0xA0]  }
0x45: {  	v3 =	vld [tilespmem:$0xB0]  }
0x46: {  	v4 =	vld [tilespmem:$0xC0]  }
0x47: {  	v5 =	vld [tilespmem:$0xD0];
	_ =	sdelay $0x1  }
0x48: {  	vm0 =	vgt.s32 v2, $0x0  }
0x49: {  	vm13 =	vgt.s32 v3, $0x0;
	v2 =	vnsel vm0, $0x0, v2  }
0x4a: {  	vm14 =	vgt.s32 v4, $0x0;
	v3 =	vnsel vm13, $0x0, v3;
	v2 =	vmin.u32 v2, $0x4E1FF  }
0x4b: {  	vm15 =	vgt.s32 v5, $0x0;
	[tilespmem:$0xA0] =	vst v2;
	v2 =	vmin.u32 v3, $0x4E1FF;
	v3 =	vnsel vm14, $0x0, v4  }
0x4c: {  	[tilespmem:$0xB0] =	vst v2;
	v2 =	vmin.u32 v3, $0x4E1FF;
	v3 =	vnsel vm15, $0x0, v5  }
0x4d: {  	[tilespmem:$0xC0] =	vst v2;
	v2 =	vmin.u32 v3, $0x4E1FF  }
0x4e: {  	[tilespmem:$0xD0] =	vst v2  }
0x4f: {  	[tilespmem:s21], [sflag:$0x1] =	stream.indirect.gather [hbm4b:s6+s20], $0x1, s19, s20, $0xb8;
	[tilespmem:$0x3720] =	vst v63  }
0x50: {  	_ =	swait.ge [sflag:s12], $0x40  }
0x51: {  	[sflag:s12] =	ssyncset.done $0x0  }
0x52: {  	[sflag:s12] =	ssyncadd.s32 $0xFFFFFFC0  }
0x53: {  	[tilespmem:s22], [sflag:$0x1] =	stream.indirect.gather [hbm4b:s17+s20], $0x1, s19, s20, $0xb8;
	[tilespmem:$0x3720] =	vst v63  }
0x54: {  	_ =	swait.ge [sflag:s12], $0x40  }
0x55: {  	[sflag:s12] =	ssyncset.done $0x0  }
0x56: {  	[sflag:s12] =	ssyncadd.s32 $0xFFFFFFC0  }
0x57: {  	[tilespmem:s23], [sflag:$0x1] =	stream.indirect.gather [hbm4b:s8+s20], $0x80, s21, s20, $0xb8;
	[tilespmem:$0x3720] =	vst v63  }
0x58: {  	_ =	swait.ge [sflag:s12], $0x2000  }
0x59: {  	[sflag:s12] =	ssyncset.done $0x0  }
0x5a: {  	[sflag:s12] =	ssyncadd.s32 $0xFFFFE000  }
0x5b: {  	v2 =	vld [tilespmem:$0x2590]  }
0x5c: {  	v3 =	vld [tilespmem:$0x2580]  }
0x5d: {  	v4 =	vld [tilespmem:$0x2570]  }
0x5e: {  	v5 =	vld [tilespmem:$0x2560]  }
0x5f: {  	v6 =	vld [tilespmem:$0x2550]  }
0x60: {  	s30 =	simm.s32 $0x260;
	v8 =	vld [tilespmem:$0x2520]  }
0x61: {  	v9 =	vld [tilespmem:s30+$0xFFFFFFC0]  }
0x62: {  	s31 =	simm.s32 $0x1;
	s29 =	simm.s32 $0x0;
	v7 =	vld [tilespmem:$0x2530]  }
.LBB2_5:
0x63: {  	v10 =	vld [tilespmem:s30+$0xFFFFFFD0]  }
0x64: {  	v11 =	vld [tilespmem:$0x2540]  }
0x65: {  	v12 =	vld [tilespmem:s30+$0xFFFFFFE0]  }
0x66: {  	v8 =	vadd.f32 v8, v9;
	v9 =	vld [tilespmem:$0x2420]  }
0x67: {  	v13 =	vld [tilespmem:s30+$0xFFFFFFF0]  }
0x68: {  	v7 =	vadd.f32 v7, v10;
	v10 =	vld [tilespmem:$0x2430];
	v14 =	vmul.f32 $2.000000030e-01, v8  }
0x69: {  	v15 =	vld [tilespmem:s30+$0x0]  }
0x6a: {  	v58 =	vld [tilespmem:$0x2440];
	v11 =	vadd.f32 v11, v12;
	v57 =	vmul.f32 $2.000000030e-01, v7;
	v8 =	vmax.f32 v8, v14  }
0x6b: {  	v8 =	vmul.f32 v8, v9;
	v9 =	vld [tilespmem:s30+$0x10]  }
0x6c: {  	v60 =	vld [tilespmem:$0x2450];
	v6 =	vadd.f32 v6, v13;
	v59 =	vmul.f32 $2.000000030e-01, v11;
	v7 =	vmax.f32 v7, v57  }
0x6d: {  	v7 =	vmul.f32 v7, v10;
	v10 =	vld [tilespmem:s30+$0x20];
	v8 =	vadd.f32 $0.0e+00, v8  }
0x6e: {  	v62 =	vld [tilespmem:$0x2460];
	v5 =	vadd.f32 v5, v15;
	v61 =	vmul.f32 $2.000000030e-01, v6;
	v11 =	vmax.f32 v11, v59  }
0x6f: {  	v7 =	vadd.f32 v7, v8;
	v8 =	vmul.f32 v11, v58;
	v11 =	vld [tilespmem:s30+$0x30]  }
0x70: {  	v63 =	vmul.f32 $2.000000030e-01, v5;
	v6 =	vmax.f32 v6, v61;
	v4 =	vadd.f32 v4, v9;
	v9 =	vld [tilespmem:$0x2470]  }
0x71: {  	v6 =	vmul.f32 v6, v60;
	v7 =	vadd.f32 v8, v7  }
0x72: {  	v5 =	vmax.f32 v5, v63;
	v3 =	vadd.f32 v3, v10;
	v10 =	vld [tilespmem:$0x2480];
	v8 =	vmul.f32 $2.000000030e-01, v4  }
0x73: {  	v5 =	vmul.f32 v5, v62;
	v6 =	vadd.f32 v6, v7  }
0x74: {  	v7 =	vmul.f32 $2.000000030e-01, v3;
	v4 =	vmax.f32 v4, v8;
	v2 =	vadd.f32 v2, v11;
	v8 =	vld [tilespmem:$0x2490]  }
0x75: {  	v5 =	vadd.f32 v5, v6;
	v4 =	vmul.f32 v4, v9  }
0x76: {  	v3 =	vmax.f32 v3, v7;
	v6 =	vmul.f32 $2.000000030e-01, v2  }
0x77: {  	v3 =	vmul.f32 v3, v10;
	v4 =	vadd.f32 v4, v5  }
0x78: {  	v2 =	vmax.f32 v2, v6  }
0x79: {  	v3 =	vadd.f32 v3, v4;
	v2 =	vmul.f32 v2, v8;
	_ =	sdelay $0x1  }
0x7a: {  	v2 =	vadd.f32 v2, v3;
	_ =	sdelay $0x1  }
0x7b: {  	(v2sf) =	vpush v2, $0x0  }
0x7c: {  	(v2sf) =	vpush v2, $0x1;
	_ =	sdelay $0x1  }
0x7d: {  	(v2sf) =	vpush v2, $0x2;
	_ =	sdelay $0x1  }
0x7e: {  	(v2sf) =	vpush v2, $0x3;
	_ =	sdelay $0x1  }
0x7f: {  	(v2sf) =	vpush v2, $0x4;
	_ =	sdelay $0x1  }
0x80: {  	(v2sf) =	vpush v2, $0x5;
	_ =	sdelay $0x1  }
0x81: {  	(v2sf) =	vpush v2, $0x6;
	_ =	sdelay $0x1  }
0x82: {  	(v2sf) =	vpush v2, $0x7;
	_ =	sdelay $0x1  }
0x83: {  	s1 =	spop (v2sf);
	(v2sf) =	vpush v2, $0x8  }
0x84: {  	s0 =	spop (v2sf)  }
0x85: {  	(v2sf) =	vpush v2, $0x9;
	s0 =	sadd.f32 s0, s1  }
0x86: {  	s3 =	spop (v2sf)  }
0x87: {  	(v2sf) =	vpush v2, $0xA;
	s0 =	sadd.f32 s0, s3  }
0x88: {  	v3 =	vmov s29;
	s3 =	spop (v2sf)  }
0x89: {  	(v2sf) =	vpush v2, $0xB;
	s0 =	sadd.f32 s0, s3  }
0x8a: {  	s3 =	spop (v2sf)  }
0x8b: {  	(v2sf) =	vpush v2, $0xC;
	s0 =	sadd.f32 s0, s3  }
0x8c: {  	s3 =	spop (v2sf)  }
0x8d: {  	v4 =	vld.idx.msk [tilespmem:v3+s22+$0x0], $0xffff;
	(v2sf) =	vpush v2, $0xD;
	s0 =	sadd.f32 s0, s3  }
0x8e: {  	s3 =	spop (v2sf)  }
0x8f: {  	(v2sf) =	vpush v2, $0xE;
	s0 =	sadd.f32 s0, s3  }
0x90: {  	s3 =	spop (v2sf)  }
0x91: {  	(v2sf) =	vpush v2, $0xF;
	s0 =	sadd.f32 s0, s3  }
0x92: {  	s3 =	spop (v2sf);
	(v2sf) =	vpush v4, $0x0  }
0x93: {  	s0 =	sadd.f32 s0, s3  }
0x94: {  	s3 =	spop (v2sf)  }
0x95: {  	s0 =	sadd.f32 s0, s3  }
0x96: {  	s3 =	spop (v2sf)  }
0x97: {  	s0 =	sadd.f32 s0, s3  }
0x98: {  	s3 =	spop (v2sf)  }
0x99: {  	s0 =	sadd.f32 s0, s3  }
0x9a: {  	s3 =	spop (v2sf)  }
0x9b: {  	s0 =	sadd.f32 s0, s3  }
0x9c: {  	s3 =	spop (v2sf)  }
0x9d: {  	s0 =	sadd.f32 s0, s3  }
0x9e: {  	s3 =	spop (v2sf)  }
0x9f: {  	s0 =	sadd.f32 s0, s3  }
0xa0: {  	s1 =	rddreg [dreg:$0x9];
	s3 =	spop (v2sf)  }
0xa1: {  	s0 =	sadd.f32 s0, s3;
	s3 =	spop (v2sf)  }
0xa2: {  	p2 =	seq.s32 s3, s1;
	s3 =	sadd.s32 s29, s25  }
0xa3: {  	p3 =	slt.s32 s3, s13;
	s0 =	simm.s32 @!p2 $0xF149F2CA  }
0xa4: {  	s0 =	simm.s32 @!p3 $0xF149F2CA  }
0xa5: {  	v2 =	vmov s0  }
0xa6: {  	[tilespmem:v3+s24+$0x0] =	vst.idx.msk $0x1, v2  }
0xa7: {  	v2 =	vld [tilespmem:$0x2590]  }
0xa8: {  	v3 =	vld [tilespmem:$0x2580]  }
0xa9: {  	p1 =	sne.s32 s31, $0x3F;
	v4 =	vld [tilespmem:$0x2570]  }
.Ltmp2:
0xaa: {  	v5 =	vld [tilespmem:$0x2560];
	(pc) =	sbr.rel @p1 .LBB2_5-.Ltmp2, $4  }
0xab: {  	v6 =	vld [tilespmem:$0x2550]  }
0xac: {  	s30 =	sadd.s32 $0x80, s30;
	v8 =	vld [tilespmem:$0x2520]  }
0xad: {  	v9 =	vld [tilespmem:s30+$0xFFFFFFC0]  }
0xae: {  	s29 =	smov.u32 s31;
	s31 =	sadd.s32 $0x1, s31;
	v1 =	vmax.f32 v1, s0;
	v7 =	vld [tilespmem:$0x2530]  }
0xaf: {  	v10 =	vld [tilespmem:s30+$0xFFFFFFD0]  }
0xb0: {  	v11 =	vld [tilespmem:$0x2540]  }
0xb1: {  	v12 =	vld [tilespmem:s30+$0xFFFFFFE0]  }
0xb2: {  	v44 =	vld [tilespmem:$0x2420];
	v8 =	vadd.f32 v8, v9  }
0xb3: {  	v13 =	vld [tilespmem:s30+$0xFFFFFFF0]  }
0xb4: {  	v45 =	vld [tilespmem:$0x2430];
	v14 =	vmul.f32 $2.000000030e-01, v8;
	v7 =	vadd.f32 v7, v10  }
0xb5: {  	v15 =	vld [tilespmem:s30+$0x0]  }
0xb6: {  	v47 =	vld [tilespmem:$0x2440];
	v11 =	vadd.f32 v11, v12;
	v8 =	vmax.f32 v8, v14;
	v46 =	vmul.f32 $2.000000030e-01, v7  }
0xb7: {  	v48 =	vld [tilespmem:s30+$0x10];
	v8 =	vmul.f32 v8, v44  }
0xb8: {  	v50 =	vld [tilespmem:$0x2450];
	v6 =	vadd.f32 v6, v13;
	v49 =	vmul.f32 $2.000000030e-01, v11;
	v7 =	vmax.f32 v7, v46  }
0xb9: {  	v51 =	vld [tilespmem:s30+$0x20];
	v8 =	vadd.f32 $0.0e+00, v8;
	v7 =	vmul.f32 v7, v45  }
0xba: {  	v53 =	vld [tilespmem:$0x2460];
	v5 =	vadd.f32 v5, v15;
	v52 =	vmul.f32 $2.000000030e-01, v6;
	v11 =	vmax.f32 v11, v49  }
0xbb: {  	v55 =	vld [tilespmem:s30+$0x30];
	v54 =	vmul.f32 v11, v47;
	v7 =	vadd.f32 v7, v8  }
0xbc: {  	v57 =	vld [tilespmem:$0x2470];
	v4 =	vadd.f32 v4, v48;
	v56 =	vmul.f32 $2.000000030e-01, v5;
	v6 =	vmax.f32 v6, v52  }
0xbd: {  	v6 =	vmul.f32 v6, v50;
	v7 =	vadd.f32 v54, v7  }
0xbe: {  	v59 =	vld [tilespmem:$0x2480];
	v3 =	vadd.f32 v3, v51;
	v58 =	vmul.f32 $2.000000030e-01, v4;
	v5 =	vmax.f32 v5, v56  }
0xbf: {  	v5 =	vmul.f32 v5, v53;
	v6 =	vadd.f32 v6, v7  }
0xc0: {  	v61 =	vld [tilespmem:$0x2490];
	v2 =	vadd.f32 v2, v55;
	v60 =	vmul.f32 $2.000000030e-01, v3;
	v4 =	vmax.f32 v4, v58  }
0xc1: {  	v4 =	vmul.f32 v4, v57;
	v5 =	vadd.f32 v5, v6  }
0xc2: {  	v62 =	vmul.f32 $2.000000030e-01, v2;
	v3 =	vmax.f32 v3, v60  }
0xc3: {  	v3 =	vmul.f32 v3, v59;
	v4 =	vadd.f32 v4, v5  }
0xc4: {  	v2 =	vmax.f32 v2, v62  }
0xc5: {  	v2 =	vmul.f32 v2, v61;
	v3 =	vadd.f32 v3, v4;
	_ =	sdelay $0x1  }
0xc6: {  	v2 =	vadd.f32 v2, v3;
	_ =	sdelay $0x1  }
0xc7: {  	(v2sf) =	vpush v2, $0x0  }
0xc8: {  	(v2sf) =	vpush v2, $0x1;
	_ =	sdelay $0x1  }
0xc9: {  	(v2sf) =	vpush v2, $0x2;
	_ =	sdelay $0x1  }
0xca: {  	(v2sf) =	vpush v2, $0x3;
	_ =	sdelay $0x1  }
0xcb: {  	(v2sf) =	vpush v2, $0x4;
	_ =	sdelay $0x1  }
0xcc: {  	(v2sf) =	vpush v2, $0x5;
	_ =	sdelay $0x1  }
0xcd: {  	(v2sf) =	vpush v2, $0x6;
	_ =	sdelay $0x1  }
0xce: {  	(v2sf) =	vpush v2, $0x7;
	_ =	sdelay $0x1  }
0xcf: {  	s0 =	spop (v2sf);
	(v2sf) =	vpush v2, $0x8  }
0xd0: {  	s1 =	spop (v2sf)  }
0xd1: {  	(v2sf) =	vpush v2, $0x9;
	s0 =	sadd.f32 s1, s0  }
0xd2: {  	s30 =	spop (v2sf)  }
0xd3: {  	(v2sf) =	vpush v2, $0xA;
	s0 =	sadd.f32 s0, s30  }
0xd4: {  	v3 =	vmov s29;
	s31 =	spop (v2sf)  }
0xd5: {  	(v2sf) =	vpush v2, $0xB;
	s0 =	sadd.f32 s0, s31  }
0xd6: {  	s3 =	spop (v2sf)  }
0xd7: {  	(v2sf) =	vpush v2, $0xC;
	s0 =	sadd.f32 s0, s3  }
0xd8: {  	s30 =	spop (v2sf)  }
0xd9: {  	v63 =	vld.idx.msk [tilespmem:v3+s22+$0x0], $0xffff;
	(v2sf) =	vpush v2, $0xD;
	s0 =	sadd.f32 s0, s30  }
0xda: {  	s31 =	spop (v2sf)  }
0xdb: {  	(v2sf) =	vpush v2, $0xE;
	s0 =	sadd.f32 s0, s31  }
0xdc: {  	s3 =	spop (v2sf)  }
0xdd: {  	(v2sf) =	vpush v2, $0xF;
	s0 =	sadd.f32 s0, s3  }
0xde: {  	s30 =	spop (v2sf);
	(v2sf) =	vpush v63, $0x0  }
0xdf: {  	s0 =	sadd.f32 s0, s30  }
0xe0: {  	s31 =	spop (v2sf)  }
0xe1: {  	s0 =	sadd.f32 s0, s31  }
0xe2: {  	s3 =	spop (v2sf)  }
0xe3: {  	s0 =	sadd.f32 s0, s3  }
0xe4: {  	s30 =	spop (v2sf)  }
0xe5: {  	s0 =	sadd.f32 s0, s30  }
0xe6: {  	s31 =	spop (v2sf)  }
0xe7: {  	s0 =	sadd.f32 s0, s31  }
0xe8: {  	s3 =	spop (v2sf)  }
0xe9: {  	s0 =	sadd.f32 s0, s3  }
0xea: {  	s3 =	spop (v2sf)  }
0xeb: {  	s0 =	sadd.f32 s0, s3  }
0xec: {  	s1 =	rddreg [dreg:$0x9];
	s30 =	spop (v2sf)  }
0xed: {  	s0 =	sadd.f32 s0, s30;
	s31 =	spop (v2sf)  }
0xee: {  	s30 =	sadd.s32 s29, s25;
	p1 =	seq.s32 s31, s1  }
0xef: {  	p2 =	slt.s32 s30, s13;
	s0 =	simm.s32 @!p1 $0xF149F2CA  }
0xf0: {  	s0 =	simm.s32 @!p2 $0xF149F2CA  }
0xf1: {  	s26 =	sadd.s32 $0x1, s26;
	v2 =	vmov s0  }
0xf2: {  	s31 =	sadd.s32 s28, s5;
	p1 =	sne.s32 s26, s9;
	[tilespmem:v3+s24+$0x0] =	vst.idx.msk $0x1, v2  }
0xf3: {  	[hbm4b:s31+s18] =	stream.linear.scatter [tilespmem:s24], [sflag:$0x1], $0x40, $0x38;
	[tilespmem:$0x3720] =	vst v63  }
.Ltmp3:
0xf4: {  	_ = 	snop;
	(pc) =	sbr.rel @p1 .LBB2_4-.Ltmp3, $4  }
.Ltmp4:
0xf5: {  	_ = 	snop;
	(pc) =	sbr.rel @!p1 .LBB2_7-.Ltmp4, $4  }
0xf6: {  	_ =	swait.ge [sflag:s12], $0x40  }
0xf7: {  	[sflag:s12] =	ssyncset.done $0x0  }
0xf8: {  	s25 =	sadd.s32 $0x40, s25;
	v1 =	vmax.f32 v1, s0;
	[sflag:s12] =	ssyncadd.s32 $0xFFFFFFC0  }
0xf9: {  	_ = 	snop  }
.LBB2_2:
0xfa: {  	v1 =	vimm.f32 $-1.000000020e+30  }
.LBB2_7:
0xfb: {  	[tilespmem:$0x23A0] =	vst v1;
	s13 =	simm.s32 $0x23A0  }
0xfc: {  	[spmem:s16] =	stream.linear.scatter [tilespmem:s13], [sflag:$0x1], $0x10, $0x38;
	[tilespmem:$0x3720] =	vst v63  }
0xfd: {  	_ =	swait.ge [sflag:s12], $0x10  }
0xfe: {  	[sflag:s12] =	ssyncset.done $0x0  }
0xff: {  	[sflag:s12] =	ssyncadd.s32 $0xFFFFFFF0  }
0x100: {  	s0 =	simm.s32 $0x2E20;
	[bflag:$0x0] =	sbarrier.arrive $0xFFFF  }
0x101: {  	[tilespmem:s0], [sflag:$0x1] =	stream.linear.gather [spmem:s11], $0x100, $0x38;
	[tilespmem:$0x3720] =	vst v63  }
.Ltmp5:
0x102: {  	_ = 	snop;
	(pc) =	sbr.rel @p0 .LBB2_12-.Ltmp5, $4  }
0x103: {  	_ =	swait.ge [sflag:s12], $0x100  }
0x104: {  	[sflag:s12] =	ssyncset.done $0x0  }
0x105: {  	s3 =	rddreg [dreg:$0x6]  }
0x106: {  	s11 =	sadd.s32 s14, s4;
	[sflag:s12] =	ssyncadd.s32 $0xFFFFFF00;
	s15 =	sadd.s32 s15, s3  }
0x107: {  	v0 =	vld [tilespmem:$0x2E20]  }
0x108: {  	v1 =	vld [tilespmem:$0x2E30]  }
0x109: {  	v2 =	vld [tilespmem:$0x2E40]  }
0x10a: {  	v3 =	vld [tilespmem:$0x2E50]  }
0x10b: {  	v4 =	vld [tilespmem:$0x2E60]  }
0x10c: {  	v5 =	vld [tilespmem:$0x2E70];
	v0 =	vmax.f32 v0, $-1.000000020e+30  }
0x10d: {  	v0 =	vmax.f32 v0, v1;
	v1 =	vld [tilespmem:$0x2E80]  }
0x10e: {  	v0 =	vmax.f32 v0, v2;
	v2 =	vld [tilespmem:$0x2E90]  }
0x10f: {  	v0 =	vmax.f32 v0, v3;
	v3 =	vld [tilespmem:$0x2EA0]  }
0x110: {  	v60 =	vld [tilespmem:$0x2EB0];
	v0 =	vmax.f32 v0, v4  }
0x111: {  	v61 =	vld [tilespmem:$0x2EC0];
	v0 =	vmax.f32 v0, v5  }
0x112: {  	v0 =	vmax.f32 v0, v1;
	v1 =	vld [tilespmem:$0x2ED0]  }
0x113: {  	v0 =	vmax.f32 v0, v2;
	v2 =	vld [tilespmem:$0x2EE0]  }
0x114: {  	v0 =	vmax.f32 v0, v3;
	v3 =	vld [tilespmem:$0x2EF0]  }
0x115: {  	v62 =	vld [tilespmem:$0x2F00];
	v0 =	vmax.f32 v0, v60  }
0x116: {  	v63 =	vld [tilespmem:$0x2F10];
	v0 =	vmax.f32 v0, v61  }
0x117: {  	v0 =	vmax.f32 v0, v1  }
0x118: {  	v0 =	vmax.f32 v0, v2  }
0x119: {  	s12 =	simm.s32 $0x0;
	s14 =	simm.s32 $0xA0;
	v0 =	vmax.f32 v0, v3  }
0x11a: {  	s16 =	simm.s32 $0x1;
	s17 =	simm.s32 $0x40;
	s18 =	simm.s32 $0x120;
	v0 =	vmax.f32 v0, v62  }
0x11b: {  	s19 =	simm.s32 $0x2220;
	s20 =	simm.s32 $0x220;
	s21 =	simm.s32 $0x0;
	v1 =	vmax.f32 v0, v63;
	v0 =	vimm.f32 $0.0e+00  }
.LBB2_9:
0x11c: {  	s0 =	sshll.u32 s21, $0x6  }
0x11d: {  	s0 =	sadd.s32 s10, s0  }
0x11e: {  	s0 =	sshrl.u32 s0, $0x3  }
0x11f: {  	s1 =	sadd.s32 s7, s0  }
0x120: {  	[tilespmem:s14], [sflag:$0x1] =	stream.linear.gather [hbm4b:s1+s12], $0x40, $0x38;
	[tilespmem:$0x3720] =	vst v63  }
0x121: {  	_ =	swait.ge [sflag:s16], $0x40  }
0x122: {  	[sflag:s16] =	ssyncset.done $0x0  }
0x123: {  	[sflag:s16] =	ssyncadd.s32 $0xFFFFFFC0  }
0x124: {  	v2 =	vld [tilespmem:$0xA0]  }
0x125: {  	v3 =	vld [tilespmem:$0xB0]  }
0x126: {  	v4 =	vld [tilespmem:$0xC0]  }
0x127: {  	v5 =	vld [tilespmem:$0xD0];
	_ =	sdelay $0x1  }
0x128: {  	vm0 =	vgt.s32 v2, $0x0  }
0x129: {  	vm13 =	vgt.s32 v3, $0x0;
	v2 =	vnsel vm0, $0x0, v2  }
0x12a: {  	vm14 =	vgt.s32 v4, $0x0;
	v3 =	vnsel vm13, $0x0, v3;
	v2 =	vmin.u32 v2, $0x4E1FF  }
0x12b: {  	vm15 =	vgt.s32 v5, $0x0;
	[tilespmem:$0xA0] =	vst v2;
	v2 =	vmin.u32 v3, $0x4E1FF;
	v3 =	vnsel vm14, $0x0, v4  }
0x12c: {  	[tilespmem:$0xB0] =	vst v2;
	v2 =	vmin.u32 v3, $0x4E1FF;
	v3 =	vnsel vm15, $0x0, v5  }
0x12d: {  	[tilespmem:$0xC0] =	vst v2;
	v2 =	vmin.u32 v3, $0x4E1FF  }
0x12e: {  	[tilespmem:$0xD0] =	vst v2  }
0x12f: {  	[tilespmem:s18], [sflag:$0x1] =	stream.indirect.gather [hbm4b:s6+s17], $0x1, s14, s17, $0xb8;
	[tilespmem:$0x3720] =	vst v63  }
0x130: {  	_ =	swait.ge [sflag:s16], $0x40  }
0x131: {  	[sflag:s16] =	ssyncset.done $0x0  }
0x132: {  	s0 =	sadd.s32 s0, s5;
	[sflag:s16] =	ssyncadd.s32 $0xFFFFFFC0  }
0x133: {  	[tilespmem:s19], [sflag:$0x1] =	stream.linear.gather [hbm4b:s0+s12], $0x40, $0x38;
	[tilespmem:$0x3720] =	vst v63  }
0x134: {  	_ =	swait.ge [sflag:s16], $0x40  }
0x135: {  	[sflag:s16] =	ssyncset.done $0x0  }
0x136: {  	v2 =	vmov s12;
	[sflag:s16] =	ssyncadd.s32 $0xFFFFFFC0  }
0x137: {  	[tilespmem:s20], [sflag:$0x1] =	stream.indirect.gather [hbm4b:s8+s17], $0x80, s18, s17, $0xb8;
	[tilespmem:$0x3720] =	vst v63  }
0x138: {  	_ =	swait.ge [sflag:s16], $0x2000  }
0x139: {  	[sflag:s16] =	ssyncset.done $0x0  }
0x13a: {  	[sflag:s16] =	ssyncadd.s32 $0xFFFFE000  }
0x13b: {  	v2 =	vld.idx.msk [tilespmem:v2+s19+$0x0], $0xffff;
	_ =	sdelay $0x4  }
0x13c: {  	(v2sf) =	vpush v2, $0x0;
	_ =	sdelay $0xe  }
0x13d: {  	s31 =	spop (v2sf)  }
0x13e: {  	p0 =	sgt.f32 s31, $-5.000000080e+29;
	_ =	sdelay $0x1  }
0x13f: {  	v2 =	vsub.f32 @p0 v2, v1;
	_ =	sdelay $0x1  }
0x140: {  	v2 =	vmul.f32 @p0 $1.442695020e+00, v2;
	_ =	sdelay $0x1  }
0x141: {  	(erf) = vpow2.f32 @p0 v2;
	_ =	sdelay $0x3  }
0x142: {  	s22 =	simm.s32 $0x260  }
0x143: {  	v3 =	vld @p0 [tilespmem:s22+$0xFFFFFFC0];
	_ =	sdelay $0x1  }
0x144: {  	v4 =	vld @p0 [tilespmem:$0x25A0];
	_ =	sdelay $0x1  }
0x145: {  	v2 =	vpop @p0 (erf)  }
0x146: {  	v3 =	vmul.f32 @p0 v3, v2;
	_ =	sdelay $0x1  }
0x147: {  	v3 =	vadd.f32 @p0 v3, v4;
	_ =	sdelay $0x1  }
0x148: {  	[tilespmem:$0x25A0] =	vst @p0 v3  }
0x149: {  	v3 =	vld @p0 [tilespmem:s22+$0xFFFFFFD0];
	_ =	sdelay $0x1  }
0x14a: {  	v4 =	vld @p0 [tilespmem:$0x25B0];
	_ =	sdelay $0x2  }
0x14b: {  	v3 =	vmul.f32 @p0 v3, v2;
	_ =	sdelay $0x1  }
0x14c: {  	v3 =	vadd.f32 @p0 v3, v4;
	_ =	sdelay $0x1  }
0x14d: {  	[tilespmem:$0x25B0] =	vst @p0 v3  }
0x14e: {  	v3 =	vld @p0 [tilespmem:s22+$0xFFFFFFE0];
	_ =	sdelay $0x1  }
0x14f: {  	v4 =	vld @p0 [tilespmem:$0x25C0];
	_ =	sdelay $0x2  }
0x150: {  	v3 =	vmul.f32 @p0 v3, v2;
	_ =	sdelay $0x1  }
0x151: {  	v3 =	vadd.f32 @p0 v3, v4;
	_ =	sdelay $0x1  }
0x152: {  	[tilespmem:$0x25C0] =	vst @p0 v3  }
0x153: {  	v3 =	vld @p0 [tilespmem:s22+$0xFFFFFFF0];
	_ =	sdelay $0x1  }
0x154: {  	v4 =	vld @p0 [tilespmem:$0x25D0];
	_ =	sdelay $0x2  }
0x155: {  	v3 =	vmul.f32 @p0 v3, v2;
	_ =	sdelay $0x1  }
0x156: {  	v3 =	vadd.f32 @p0 v3, v4;
	_ =	sdelay $0x1  }
0x157: {  	[tilespmem:$0x25D0] =	vst @p0 v3  }
0x158: {  	v3 =	vld @p0 [tilespmem:s22+$0x0];
	_ =	sdelay $0x1  }
0x159: {  	v4 =	vld @p0 [tilespmem:$0x25E0];
	_ =	sdelay $0x2  }
0x15a: {  	v3 =	vmul.f32 @p0 v3, v2;
	_ =	sdelay $0x1  }
0x15b: {  	v3 =	vadd.f32 @p0 v3, v4;
	_ =	sdelay $0x1  }
0x15c: {  	[tilespmem:$0x25E0] =	vst @p0 v3  }
0x15d: {  	v3 =	vld @p0 [tilespmem:s22+$0x10];
	_ =	sdelay $0x1  }
0x15e: {  	v4 =	vld @p0 [tilespmem:$0x25F0];
	_ =	sdelay $0x2  }
0x15f: {  	v3 =	vmul.f32 @p0 v3, v2;
	_ =	sdelay $0x1  }
0x160: {  	v3 =	vadd.f32 @p0 v3, v4;
	_ =	sdelay $0x1  }
0x161: {  	[tilespmem:$0x25F0] =	vst @p0 v3  }
0x162: {  	v3 =	vld @p0 [tilespmem:s22+$0x20];
	_ =	sdelay $0x1  }
0x163: {  	v4 =	vld @p0 [tilespmem:$0x2600];
	_ =	sdelay $0x2  }
0x164: {  	v3 =	vmul.f32 @p0 v3, v2;
	_ =	sdelay $0x1  }
0x165: {  	v4 =	vadd.f32 @p0 v3, v4  }
0x166: {  	v5 =	vadd.f32 @p0 v2, v0  }
0x167: {  	v3 =	vld @p0 [tilespmem:$0x2610];
	[tilespmem:$0x2600] =	vst @p0 v4  }
0x168: {  	s23 =	simm.s32 $0x1;
	v0 =	vpsel p0, v5, v0;
	v4 =	vld @p0 [tilespmem:s22+$0x30]  }
.LBB2_10:
0x169: {  	_ =	sdelay $0x3  }
0x16a: {  	v5 =	vmov s23;
	s23 =	sadd.s32 $0x1, s23;
	v2 =	vmul.f32 @p0 v4, v2  }
0x16b: {  	p1 =	sne.s32 s23, $0x40  }
0x16c: {  	v2 =	vadd.f32 @p0 v2, v3;
	_ =	sdelay $0x1  }
0x16d: {  	[tilespmem:$0x2610] =	vst @p0 v2  }
0x16e: {  	v2 =	vld.idx.msk [tilespmem:v5+s19+$0x0], $0xffff;
	_ =	sdelay $0x5  }
0x16f: {  	(v2sf) =	vpush v2, $0x0;
	_ =	sdelay $0xe  }
0x170: {  	s0 =	spop (v2sf)  }
0x171: {  	p0 =	sgt.f32 s0, $-5.000000080e+29;
	_ =	sdelay $0x1  }
0x172: {  	v2 =	vsub.f32 @p0 v2, v1;
	v4 =	vld @p0 [tilespmem:$0x25B0]  }
0x173: {  	v5 =	vld @p0 [tilespmem:$0x25D0]  }
0x174: {  	v2 =	vmul.f32 @p0 $1.442695020e+00, v2;
	v6 =	vld @p0 [tilespmem:$0x25F0]  }
0x175: {  	v3 =	vld @p0 [tilespmem:$0x2610]  }
0x176: {  	(erf) = vpow2.f32 @p0 v2;
	_ =	sdelay $0x3  }
0x177: {  	s22 =	sadd.s32 $0x80, s22  }
0x178: {  	v7 =	vld @p0 [tilespmem:s22+$0xFFFFFFC0];
	_ =	sdelay $0x1  }
0x179: {  	v8 =	vld @p0 [tilespmem:$0x25A0];
	_ =	sdelay $0x1  }
0x17a: {  	v2 =	vpop @p0 (erf)  }
0x17b: {  	v7 =	vmul.f32 @p0 v7, v2;
	v9 =	vadd.f32 @p0 v2, v0;
	_ =	sdelay $0x1  }
0x17c: {  	v7 =	vadd.f32 @p0 v7, v8;
	v0 =	vpsel p0, v9, v0;
	_ =	sdelay $0x1  }
0x17d: {  	[tilespmem:$0x25A0] =	vst @p0 v7  }
0x17e: {  	v7 =	vld @p0 [tilespmem:s22+$0xFFFFFFD0];
	_ =	sdelay $0x4  }
0x17f: {  	v7 =	vmul.f32 @p0 v7, v2;
	_ =	sdelay $0x1  }
0x180: {  	v4 =	vadd.f32 @p0 v7, v4;
	_ =	sdelay $0x1  }
0x181: {  	[tilespmem:$0x25B0] =	vst @p0 v4  }
0x182: {  	v4 =	vld @p0 [tilespmem:s22+$0xFFFFFFE0];
	_ =	sdelay $0x1  }
0x183: {  	v7 =	vld @p0 [tilespmem:$0x25C0];
	_ =	sdelay $0x2  }
0x184: {  	v4 =	vmul.f32 @p0 v4, v2;
	_ =	sdelay $0x1  }
0x185: {  	v4 =	vadd.f32 @p0 v4, v7;
	_ =	sdelay $0x1  }
0x186: {  	[tilespmem:$0x25C0] =	vst @p0 v4  }
0x187: {  	v4 =	vld @p0 [tilespmem:s22+$0xFFFFFFF0];
	_ =	sdelay $0x4  }
0x188: {  	v4 =	vmul.f32 @p0 v4, v2;
	_ =	sdelay $0x1  }
0x189: {  	v4 =	vadd.f32 @p0 v4, v5;
	_ =	sdelay $0x1  }
0x18a: {  	[tilespmem:$0x25D0] =	vst @p0 v4  }
0x18b: {  	v4 =	vld @p0 [tilespmem:s22+$0x0];
	_ =	sdelay $0x1  }
0x18c: {  	v5 =	vld @p0 [tilespmem:$0x25E0];
	_ =	sdelay $0x2  }
0x18d: {  	v4 =	vmul.f32 @p0 v4, v2;
	_ =	sdelay $0x1  }
0x18e: {  	v4 =	vadd.f32 @p0 v4, v5;
	_ =	sdelay $0x1  }
0x18f: {  	[tilespmem:$0x25E0] =	vst @p0 v4  }
0x190: {  	v4 =	vld @p0 [tilespmem:s22+$0x10];
	_ =	sdelay $0x4  }
0x191: {  	v4 =	vmul.f32 @p0 v4, v2;
	_ =	sdelay $0x1  }
0x192: {  	v4 =	vadd.f32 @p0 v4, v6;
	_ =	sdelay $0x1  }
0x193: {  	[tilespmem:$0x25F0] =	vst @p0 v4  }
0x194: {  	v4 =	vld @p0 [tilespmem:s22+$0x20];
	_ =	sdelay $0x1  }
0x195: {  	v5 =	vld @p0 [tilespmem:$0x2600];
	_ =	sdelay $0x2  }
0x196: {  	v4 =	vmul.f32 @p0 v4, v2  }
.Ltmp6:
0x197: {  	(pc) =	sbr.rel @p1 .LBB2_10-.Ltmp6, $3  }
0x198: {  	v4 =	vadd.f32 @p0 v4, v5;
	_ =	sdelay $0x1  }
0x199: {  	[tilespmem:$0x2600] =	vst @p0 v4  }
0x19a: {  	v4 =	vld @p0 [tilespmem:s22+$0x30]  }
0x19b: {  	_ =	sdelay $0x1  }
0x19c: {  	s21 =	sadd.s32 $0x1, s21  }
0x19d: {  	p1 =	sne.s32 s21, s9  }
.Ltmp7:
0x19e: {  	v2 =	vmul.f32 @p0 v4, v2;
	(pc) =	sbr.rel @p1 .LBB2_9-.Ltmp7, $3  }
0x19f: {  	_ = 	snop  }
0x1a0: {  	v2 =	vadd.f32 @p0 v2, v3;
	_ =	sdelay $0x1  }
0x1a1: {  	[tilespmem:$0x2610] =	vst @p0 v2  }
.LBB2_12:
0x1a2: {  	s0 =	simm.s32 $0x25A0;
	s5 =	simm.s32 $0x1  }
0x1a3: {  	[spmem:s15] =	stream.linear.scatter [tilespmem:s0], [sflag:$0x1], $0x80, $0x38;
	[tilespmem:$0x3720] =	vst v63  }
0x1a4: {  	_ =	swait.ge [sflag:s5], $0x80  }
0x1a5: {  	[sflag:s5] =	ssyncset.done $0x0  }
0x1a6: {  	[sflag:s5] =	ssyncadd.s32 $0xFFFFFF80  }
0x1a7: {  	[tilespmem:$0x23A0] =	vst v0  }
0x1a8: {  	[spmem:s11] =	stream.linear.scatter [tilespmem:s13], [sflag:$0x1], $0x10, $0x38;
	[tilespmem:$0x3720] =	vst v63  }
0x1a9: {  	p0 =	sne.s32 s2, $0x0;
	_ =	swait.ge [sflag:s5], $0x10  }
.Ltmp8:
0x1aa: {  	[sflag:s5] =	ssyncset.done $0x0;
	(pc) =	sbr.rel @p0 .LBB2_16-.Ltmp8, $4  }
0x1ab: {  	[sflag:s5] =	ssyncadd.s32 $0xFFFFFFF0  }
0x1ac: {  	[bflag:$0x0] =	sbarrier.arrive $0xFFFF  }
0x1ad: {  	s9 =	rddreg [dreg:$0x8]  }
0x1ae: {  	s7 =	rddreg [dreg:$0x3]  }
0x1af: {  	s0 =	simm.s32 $0x2E20  }
0x1b0: {  	[tilespmem:s0], [sflag:$0x1] =	stream.linear.gather [spmem:s4], $0x100, $0x38;
	[tilespmem:$0x3720] =	vst v63  }
0x1b1: {  	_ =	swait.ge [sflag:s5], $0x100  }
0x1b2: {  	[sflag:s5] =	ssyncset.done $0x0  }
0x1b3: {  	s31 =	simm.s32 $0x2F20;
	[sflag:s5] =	ssyncadd.s32 $0xFFFFFF00  }
0x1b4: {  	[tilespmem:s31], [sflag:$0x1] =	stream.linear.gather [spmem:s3], $0x800, $0x38;
	[tilespmem:$0x3720] =	vst v63  }
0x1b5: {  	_ =	swait.ge [sflag:s5], $0x800  }
0x1b6: {  	[sflag:s5] =	ssyncset.done $0x0  }
0x1b7: {  	[sflag:s5] =	ssyncadd.s32 $0xFFFFF800  }
0x1b8: {  	v0 =	vld [tilespmem:$0x2E20];
	_ =	sdelay $0x1  }
0x1b9: {  	v1 =	vld [tilespmem:$0x2E30];
	_ =	sdelay $0x1  }
0x1ba: {  	v2 =	vld [tilespmem:$0x2E40]  }
0x1bb: {  	v0 =	vadd.f32 $0.0e+00, v0  }
0x1bc: {  	v3 =	vld [tilespmem:$0x2E50]  }
0x1bd: {  	v0 =	vadd.f32 v1, v0  }
0x1be: {  	v1 =	vld [tilespmem:$0x2E60]  }
0x1bf: {  	v0 =	vadd.f32 v2, v0  }
0x1c0: {  	v2 =	vld [tilespmem:$0x2E70]  }
0x1c1: {  	v0 =	vadd.f32 v3, v0  }
0x1c2: {  	v3 =	vld [tilespmem:$0x2E80]  }
0x1c3: {  	v0 =	vadd.f32 v1, v0  }
0x1c4: {  	s3 =	simm.s32 $0x0;
	v1 =	vld [tilespmem:$0x2E90]  }
0x1c5: {  	v0 =	vadd.f32 v2, v0;
	v2 =	vld [tilespmem:s3+$0x2F20]  }
0x1c6: {  	v4 =	vld [tilespmem:$0x2EA0]  }
0x1c7: {  	v0 =	vadd.f32 v3, v0;
	v3 =	vld [tilespmem:s3+$0x2FA0]  }
0x1c8: {  	v5 =	vld [tilespmem:$0x2EB0]  }
0x1c9: {  	v0 =	vadd.f32 v1, v0;
	v1 =	vld [tilespmem:s3+$0x3020]  }
0x1ca: {  	v6 =	vld [tilespmem:$0x2EC0];
	v2 =	vadd.f32 $0.0e+00, v2  }
0x1cb: {  	v0 =	vadd.f32 v4, v0;
	v4 =	vld [tilespmem:s3+$0x30A0]  }
0x1cc: {  	v7 =	vld [tilespmem:$0x2ED0];
	v2 =	vadd.f32 v3, v2  }
0x1cd: {  	v3 =	vld [tilespmem:s3+$0x3120];
	v0 =	vadd.f32 v5, v0  }
0x1ce: {  	v5 =	vld [tilespmem:$0x2EE0];
	v1 =	vadd.f32 v1, v2  }
0x1cf: {  	v2 =	vld [tilespmem:s3+$0x31A0];
	v0 =	vadd.f32 v6, v0  }
0x1d0: {  	v6 =	vld [tilespmem:$0x2EF0];
	v1 =	vadd.f32 v4, v1  }
0x1d1: {  	v4 =	vld [tilespmem:s3+$0x3220];
	v0 =	vadd.f32 v7, v0  }
0x1d2: {  	v7 =	vld [tilespmem:$0x2F00];
	v1 =	vadd.f32 v3, v1  }
0x1d3: {  	v3 =	vld [tilespmem:s3+$0x32A0];
	v0 =	vadd.f32 v5, v0  }
0x1d4: {  	v5 =	vld [tilespmem:$0x2F10];
	v1 =	vadd.f32 v2, v1  }
0x1d5: {  	s4 =	simm.s32 $0x10;
	v2 =	vld [tilespmem:s3+$0x3320];
	v0 =	vadd.f32 v6, v0  }
0x1d6: {  	v6 =	vld [tilespmem:s4+$0x2F20];
	v1 =	vadd.f32 v4, v1  }
0x1d7: {  	v4 =	vld [tilespmem:s3+$0x33A0];
	v0 =	vadd.f32 v7, v0  }
0x1d8: {  	v7 =	vld [tilespmem:s4+$0x2FA0];
	v1 =	vadd.f32 v3, v1  }
0x1d9: {  	v3 =	vld [tilespmem:s3+$0x3420];
	v0 =	vadd.f32 v5, v0  }
0x1da: {  	v5 =	vld [tilespmem:s4+$0x3020];
	v1 =	vadd.f32 v2, v1  }
0x1db: {  	v2 =	vld [tilespmem:s3+$0x34A0];
	v6 =	vadd.f32 $0.0e+00, v6;
	v0 =	vadd.f32 $9.999999710e-10, v0  }
0x1dc: {  	v8 =	vld [tilespmem:s4+$0x30A0];
	v1 =	vadd.f32 v4, v1  }
0x1dd: {  	v4 =	vadd.f32 v7, v6;
	(erf) = vrcp.f32 v0;
	v0 =	vld [tilespmem:s3+$0x3520]  }
0x1de: {  	v6 =	vld [tilespmem:s4+$0x3120];
	v1 =	vadd.f32 v3, v1  }
0x1df: {  	v7 =	vld [tilespmem:s3+$0x35A0];
	v3 =	vadd.f32 v5, v4  }
0x1e0: {  	v5 =	vld [tilespmem:s4+$0x31A0];
	v1 =	vadd.f32 v2, v1  }
0x1e1: {  	v9 =	vld [tilespmem:s3+$0x3620];
	v3 =	vadd.f32 v8, v3  }
0x1e2: {  	v2 =	vld [tilespmem:s4+$0x3220];
	v0 =	vadd.f32 v0, v1  }
0x1e3: {  	v4 =	vld [tilespmem:s3+$0x36A0];
	v6 =	vadd.f32 v6, v3  }
0x1e4: {  	v3 =	vld [tilespmem:s4+$0x32A0];
	v7 =	vadd.f32 v7, v0  }
0x1e5: {  	v1 =	vld [tilespmem:s3+$0x24A0];
	v6 =	vadd.f32 v5, v6  }
0x1e6: {  	s6 =	simm.s32 $0xC0;
	s5 =	simm.s32 $0x20;
	v5 =	vld [tilespmem:s4+$0x3320];
	v0 =	vpop (erf);
	v7 =	vadd.f32 v9, v7  }
.LBB2_14:
0x1e7: {  	p0 =	sne.s32 s6, $0x1C0;
	v8 =	vld [tilespmem:s5+$0x2F20];
	v2 =	vadd.f32 v2, v6  }
0x1e8: {  	v6 =	vld [tilespmem:s4+$0x33A0];
	v4 =	vadd.f32 v4, v7  }
0x1e9: {  	v7 =	vld [tilespmem:s5+$0x2FA0];
	v2 =	vadd.f32 v3, v2  }
0x1ea: {  	v3 =	vld [tilespmem:s4+$0x3420];
	v4 =	vmul.f32 v4, v0  }
0x1eb: {  	v9 =	vld [tilespmem:s5+$0x3020];
	v2 =	vadd.f32 v5, v2  }
0x1ec: {  	v5 =	vadd.f32 $0.0e+00, v8;
	v8 =	vld [tilespmem:s4+$0x34A0];
	v1 =	vadd.f32 v4, v1  }
0x1ed: {  	v4 =	vld [tilespmem:s5+$0x30A0];
	v2 =	vadd.f32 v6, v2  }
0x1ee: {  	v5 =	vadd.f32 v7, v5;
	v6 =	vld [tilespmem:s4+$0x3520];
	[tilespmem:s3+$0x25A0] =	vst v1;
	s3 =	smov.u32 s4;
	s4 =	smov.u32 s5  }
0x1ef: {  	v1 =	vld [tilespmem:s4+$0x3120];
	v2 =	vadd.f32 v3, v2  }
0x1f0: {  	v3 =	vadd.f32 v9, v5;
	v5 =	vld [tilespmem:s3+$0x35A0]  }
0x1f1: {  	v7 =	vld [tilespmem:s4+$0x31A0];
	v8 =	vadd.f32 v8, v2  }
0x1f2: {  	v3 =	vadd.f32 v4, v3;
	v9 =	vld [tilespmem:s3+$0x3620]  }
.Ltmp9:
0x1f3: {  	v2 =	vld [tilespmem:s4+$0x3220];
	v6 =	vadd.f32 v6, v8;
	(pc) =	sbr.rel @p0 .LBB2_14-.Ltmp9, $4  }
0x1f4: {  	v1 =	vadd.f32 v1, v3;
	v4 =	vld [tilespmem:s3+$0x36A0]  }
0x1f5: {  	v3 =	vld [tilespmem:s4+$0x32A0];
	v8 =	vadd.f32 v5, v6  }
0x1f6: {  	v6 =	vadd.f32 v7, v1;
	v1 =	vld [tilespmem:s3+$0x24A0]  }
0x1f7: {  	s5 =	sshra.s32 s6, $0x2;
	s6 =	sadd.s32 $0x40, s6;
	v5 =	vld [tilespmem:s4+$0x3320];
	v7 =	vadd.f32 v9, v8  }
0x1f8: {  	v8 =	vld [tilespmem:s5+$0x2F20];
	v2 =	vadd.f32 v2, v6  }
0x1f9: {  	v41 =	vld [tilespmem:s4+$0x33A0];
	v4 =	vadd.f32 v4, v7  }
0x1fa: {  	v42 =	vld [tilespmem:s5+$0x2FA0];
	v2 =	vadd.f32 v3, v2  }
0x1fb: {  	v43 =	vld [tilespmem:s4+$0x3420];
	v4 =	vmul.f32 v4, v0  }
0x1fc: {  	v9 =	vld [tilespmem:s5+$0x3020];
	v2 =	vadd.f32 v5, v2  }
0x1fd: {  	v44 =	vld [tilespmem:s4+$0x34A0];
	v8 =	vadd.f32 $0.0e+00, v8;
	v1 =	vadd.f32 v4, v1  }
0x1fe: {  	v45 =	vld [tilespmem:s5+$0x30A0]  }
0x1ff: {  	v10 =	vld [tilespmem:s4+$0x3520];
	v2 =	vadd.f32 v41, v2;
	v46 =	vadd.f32 v42, v8;
	[tilespmem:s3+$0x25A0] =	vst v1  }
0x200: {  	v1 =	vld [tilespmem:s5+$0x3120]  }
0x201: {  	v2 =	vadd.f32 v43, v2;
	v48 =	vld [tilespmem:s4+$0x35A0];
	v47 =	vadd.f32 v9, v46  }
0x202: {  	v49 =	vld [tilespmem:s5+$0x31A0]  }
0x203: {  	v50 =	vld [tilespmem:s4+$0x3620];
	v2 =	vadd.f32 v44, v2;
	v3 =	vadd.f32 v45, v47  }
0x204: {  	v51 =	vld [tilespmem:s5+$0x3220]  }
0x205: {  	v52 =	vld [tilespmem:s4+$0x36A0];
	v2 =	vadd.f32 v10, v2;
	v1 =	vadd.f32 v1, v3  }
0x206: {  	v53 =	vld [tilespmem:s5+$0x32A0]  }
0x207: {  	v2 =	vadd.f32 v48, v2;
	v1 =	vadd.f32 v49, v1  }
0x208: {  	v54 =	vld [tilespmem:s5+$0x3320]  }
0x209: {  	v55 =	vld [tilespmem:s4+$0x24A0];
	v2 =	vadd.f32 v50, v2;
	v1 =	vadd.f32 v51, v1  }
0x20a: {  	v56 =	vld [tilespmem:s5+$0x33A0]  }
0x20b: {  	v2 =	vadd.f32 v52, v2;
	v1 =	vadd.f32 v53, v1  }
0x20c: {  	v57 =	vld [tilespmem:s5+$0x3420]  }
0x20d: {  	v2 =	vmul.f32 v2, v0;
	v1 =	vadd.f32 v54, v1  }
0x20e: {  	v58 =	vld [tilespmem:s5+$0x34A0]  }
0x20f: {  	v2 =	vadd.f32 v2, v55;
	v1 =	vadd.f32 v56, v1  }
0x210: {  	v59 =	vld [tilespmem:s5+$0x3520]  }
0x211: {  	[tilespmem:s4+$0x25A0] =	vst v2;
	v1 =	vadd.f32 v57, v1  }
0x212: {  	v2 =	vld [tilespmem:s5+$0x35A0]  }
0x213: {  	v1 =	vadd.f32 v58, v1  }
0x214: {  	v60 =	vld [tilespmem:s5+$0x3620]  }
0x215: {  	v1 =	vadd.f32 v59, v1  }
0x216: {  	v61 =	vld [tilespmem:s5+$0x36A0]  }
0x217: {  	v1 =	vadd.f32 v2, v1;
	_ =	sdelay $0x1  }
0x218: {  	v1 =	vadd.f32 v60, v1  }
0x219: {  	v62 =	vld [tilespmem:s5+$0x24A0]  }
0x21a: {  	v1 =	vadd.f32 v61, v1;
	_ =	sdelay $0x1  }
0x21b: {  	v63 =	vmul.f32 v1, v0;
	_ =	sdelay $0x1  }
0x21c: {  	v0 =	vadd.f32 v63, v62;
	_ =	sdelay $0x1  }
0x21d: {  	s0 =	simm.s32 $0x0;
	s1 =	simm.s32 $0x25A0;
	s31 =	simm.s32 $0x1;
	[tilespmem:s5+$0x25A0] =	vst v0  }
0x21e: {  	[hbm4b:s7+s0] =	stream.linear.scatter [tilespmem:s1], [sflag:$0x1], $0x80, $0x38;
	[tilespmem:$0x3720] =	vst v63  }
0x21f: {  	_ =	swait.ge [sflag:s31], $0x80  }
0x220: {  	[sflag:s31] =	ssyncset.done $0x0  }
0x221: {  	[sflag:s31] =	ssyncadd.s32 $0xFFFFFF80  }
.LBB2_16:
0x222: {  	_ =	sfence.sel $0x180000  }
0x223: {  	[bflag:$0x0] =	sbarrier.arrive $0xFFFF  }
0x224: {  	p0 =	sne.s32 s2, $0x0;
	_ =	strace $0x9000004A  }
0x225: {  	s0 =	sadd.s32 @!p0 $0x100000, s9;
	[bflag:$0x2] =	sbarrier.arrive $0xFFFF  }
0x226: {  	[sflag:s0] =	ssyncadd.tile.s32 @!p0 $0x1;
	_ =	shalt  }
.Lfunc_end2:
_tile_overlayer_lowered:
.L_overlay_start_2:
0x227: {  	(tag) =	ssettag $0x2  }
0x228: {  	s0 =	rddreg [dreg:$0x0];
	s2 =	stileid.u32  }
0x229: {  	s1 =	rddreg [dreg:$0x1];
	p0 =	sne.s32 s2, $0x0  }
0x22a: {  	s3 =	rddreg [dreg:$0x2];
	[bflag:$0x3] =	sbarrier.arrive $0xFFFF;
	s2 =	simm.s32 @!p0 $0x1C01  }
0x22b: {  	[timem:s3], [sflag:s2] =	dma.local @!p0 [hbm:s0], s1  }
0x22c: {  	s0 =	simm.s32 @!p0 $0x1  }
0x22d: {  	_ =	swait.ge @!p0 [sflag:s0], s1  }
0x22e: {  	s1 =	ssub.s32 @!p0 $0x0, s1;
	[sflag:s0] =	ssyncset.done @!p0 $0x0  }
0x22f: {  	[sflag:s0] =	ssyncadd.s32 @!p0 s1  }
0x230: {  	[bflag:$0x3] =	sbarrier.arrive $0xFFFF  }
0x231: {  	_ =	shalt  }

</sc_bundles>
